<compile_context>
chip_gen: v7x
topology: tpu7x:2x2x1
jax: 0.10.2.dev20260603
libtpu: 0.0.44.dev20260713+nightly
codegen_flags: <defaults>
</compile_context>

<pallas_src>
import functools

import jax
import jax.numpy as jnp
from jax import lax
from jax.experimental import pallas as pl
from jax.experimental.pallas import tpu as pltpu
from jax.experimental.pallas import tpu_sc as plsc

N = 10000
D = 128
E = 320000

NC = 2
NS = 16
NW = NC * NS
CHUNK = 128
NCHUNKS = 80
E_PER_TILE = CHUNK * NCHUNKS
E_PAD = E_PER_TILE * NW
N_SLICE = 632
N_PAD = N_SLICE * NS
ROWS_TC = 400
GRID_TC = N // ROWS_TC


C_CORE0 = 144
C_CORE1 = 2 * NCHUNKS - C_CORE0
IDXW = 8


def _sc_agg_body(x_hbm, src_hbm, dst_hbm, z128_hbm, out_hbm,
                 idxs, idxd, rows, acc, sem):
    cid = lax.axis_index("c")
    sid = lax.axis_index("s")

    sl = pl.ds(sid * N_SLICE, N_SLICE)
    pltpu.sync_copy(z128_hbm.at[sl], acc.at[sl])
    plsc.subcore_barrier()

    def run(nchunks, chunk0):
        def window(w, carry):
            base = chunk0 + w * IDXW
            pltpu.sync_copy(src_hbm.at[pl.ds(base, IDXW)], idxs)
            pltpu.sync_copy(dst_hbm.at[pl.ds(base, IDXW)], idxd)
            cp = pltpu.async_copy(x_hbm.at[idxs.at[0]], rows.at[0], sem)
            for j in range(IDXW):
                cp.wait()
                if j + 1 < IDXW:
                    cp = pltpu.async_copy(
                        x_hbm.at[idxs.at[j + 1]], rows.at[(j + 1) % 2], sem)
                pltpu.sync_copy(rows.at[j % 2], acc.at[idxd.at[j]], add=True)
            return carry

        lax.fori_loop(0, nchunks // IDXW, window, 0)

    @pl.when(cid == 0)
    def _():
        run(C_CORE0, sid * C_CORE0)

    @pl.when(cid == 1)
    def _():
        run(C_CORE1, NS * C_CORE0 + sid * C_CORE1)

    plsc.subcore_barrier()
    pltpu.sync_copy(acc.at[sl], out_hbm.at[cid, sl])


@functools.lru_cache(maxsize=None)
def _get_sc_agg():
    return pl.kernel(
        _sc_agg_body,
        out_type=[jax.ShapeDtypeStruct((NC, N_PAD, D), jnp.float32)],
        mesh=plsc.VectorSubcoreMesh(core_axis_name="c", subcore_axis_name="s"),
        scratch_types=[
            pltpu.VMEM((IDXW, CHUNK), jnp.int32),
            pltpu.VMEM((IDXW, CHUNK), jnp.int32),
            pltpu.VMEM((2, CHUNK, D), jnp.float32),
            pltpu.VMEM_SHARED((N_PAD, D), jnp.float32),
            pltpu.SemaphoreType.DMA,
        ],
    )


def _sc_deg_body(dst_hbm, z128_hbm, ones_hbm, deg_hbm, idxd, ones_v, dacc):
    cid = lax.axis_index("c")
    sid = lax.axis_index("s")
    wid = cid * NS + sid

    pltpu.sync_copy(dst_hbm.at[pl.ds(wid * NCHUNKS, NCHUNKS)], idxd)
    sl = pl.ds(sid * N_SLICE, N_SLICE)
    pltpu.sync_copy(z128_hbm.at[sl], dacc.at[sl])
    pltpu.sync_copy(ones_hbm, ones_v)
    plsc.subcore_barrier()

    def step(c, carry):
        pltpu.sync_copy(ones_v, dacc.at[idxd.at[c]], add=True)
        return carry

    lax.fori_loop(0, NCHUNKS, step, 0)

    plsc.subcore_barrier()
    pltpu.sync_copy(dacc.at[sl], deg_hbm.at[cid, sl])


@functools.lru_cache(maxsize=None)
def _get_sc_deg():
    return pl.kernel(
        _sc_deg_body,
        out_type=[jax.ShapeDtypeStruct((NC, N_PAD, D), jnp.float32)],
        mesh=plsc.VectorSubcoreMesh(core_axis_name="c", subcore_axis_name="s"),
        scratch_types=[
            pltpu.VMEM((NCHUNKS, CHUNK), jnp.int32),
            pltpu.VMEM((CHUNK, D), jnp.float32),
            pltpu.VMEM_SHARED((N_PAD, D), jnp.float32),
        ],
    )


def _tc_layer_body(final, p_ref, dg_ref, x_ref, wl_ref, bl_ref, wr_ref,
                   g_ref, be_ref, *rest):
    if final:
        wm1_ref, bm1_ref, wm2_ref, bm2_ref, o_ref = rest
    else:
        (o_ref,) = rest
    deg = dg_ref[0, :, 0:1] + dg_ref[1, :, 0:1]
    inv = 1.0 / jnp.maximum(deg, 1.0)
    agg = (p_ref[0] + p_ref[1]) * inv
    x = x_ref[...]
    y = (jnp.dot(agg, wl_ref[...], preferred_element_type=jnp.float32)
         + jnp.dot(x, wr_ref[...], preferred_element_type=jnp.float32)
         + bl_ref[...])
    mu = jnp.mean(y, axis=-1, keepdims=True)
    var = jnp.mean((y - mu) * (y - mu), axis=-1, keepdims=True)
    yn = (y - mu) * lax.rsqrt(var + 1e-5) * g_ref[...] + be_ref[...]
    z = jnp.maximum(yn + x, 0.0)
    if final:
        h = jnp.maximum(
            jnp.dot(z, wm1_ref[...], preferred_element_type=jnp.float32)
            + bm1_ref[...], 0.0)
        o_ref[...] = (jnp.dot(h, wm2_ref[...], preferred_element_type=jnp.float32)
                      + bm2_ref[...])
    else:
        o_ref[...] = z


def _tc_layer(part, deg, x, Wl, bl, Wr, g, be, head=None):
    final = head is not None
    full = lambda s: pl.BlockSpec(s, lambda i: (0,) * len(s))
    in_specs = [
        pl.BlockSpec((NC, ROWS_TC, D), lambda i: (0, i, 0)),
        pl.BlockSpec((NC, ROWS_TC, D), lambda i: (0, i, 0)),
        pl.BlockSpec((ROWS_TC, D), lambda i: (i, 0)),
        full((D, D)), full((1, D)), full((D, D)), full((1, D)), full((1, D)),
    ]
    args = [part, deg, x, Wl, bl.reshape(1, D), Wr, g.reshape(1, D),
            be.reshape(1, D)]
    if final:
        Wm1, bm1, Wm2p, bm2p = head
        in_specs += [full((D, D // 2)), full((1, D // 2)),
                     full((D // 2, D)), full((1, D))]
        args += [Wm1, bm1.reshape(1, D // 2), Wm2p, bm2p.reshape(1, D)]
    return pl.pallas_call(
        functools.partial(_tc_layer_body, final),
        grid=(GRID_TC,),
        in_specs=in_specs,
        out_specs=pl.BlockSpec((ROWS_TC, D), lambda i: (i, 0)),
        out_shape=jax.ShapeDtypeStruct((N, D), jnp.float32),
    )(*args)


def kernel(x, edge_index, Wl0, bl0, Wr0, g0, be0, Wl1, bl1, Wr1, g1, be1,
           Wl2, bl2, Wr2, g2, be2, Wm1, bm1, Wm2, bm2):
    pad = E_PAD - E
    src = jnp.concatenate([edge_index[0], jnp.zeros((pad,), jnp.int32)])
    dst = jnp.concatenate([edge_index[1], jnp.full((pad,), N, jnp.int32)])
    src2 = src.reshape(E_PAD // CHUNK, CHUNK)
    dst2 = dst.reshape(E_PAD // CHUNK, CHUNK)
    z128 = jnp.zeros((N_PAD, D), jnp.float32)
    ones = jnp.ones((CHUNK, D), jnp.float32)
    Wm2p = jnp.pad(Wm2, ((0, 0), (0, D - Wm2.shape[1])))
    bm2p = jnp.pad(bm2, (0, D - bm2.shape[0]))

    sc_deg, sc_agg = _get_sc_deg(), _get_sc_agg()
    (deg,) = sc_deg(dst2, z128, ones)
    (part,) = sc_agg(x, src2, dst2, z128)
    x1 = _tc_layer(part, deg, x, Wl0, bl0, Wr0, g0, be0)
    (part,) = sc_agg(x1, src2, dst2, z128)
    x2 = _tc_layer(part, deg, x1, Wl1, bl1, Wr1, g1, be1)
    (part,) = sc_agg(x2, src2, dst2, z128)
    out = _tc_layer(part, deg, x2, Wl2, bl2, Wr2, g2, be2,
                    head=(Wm1, bm1, Wm2p, bm2p))
    return out[:, :Wm2.shape[1]]

# --- scband reference (transcript-rebuilt; emitter-appended) ---
"""Pipeline reference for scband-gnn-28217935135024 (READ-ONLY COPY).

The authoritative reference and input builder live on the scoring server;
editing this copy changes nothing except your own understanding.
"""

import jax, jax.numpy as jnp
import numpy as np

N = 10000
E = 320000
D = 128
H = 128
O = 10

def setup_inputs(seed: int = 0) -> dict:
    key = jax.random.key(seed)
    ks = jax.random.split(key, 24)
    s = 1.0 / np.sqrt(D)
    inp = {
        "x": jax.random.normal(ks[0], (N, D), dtype=jnp.float32),
        "edge_index": jax.random.randint(ks[1], (2, E), 0, N, dtype=jnp.int32),
    }
    k = 2
    for i in range(3):
        inp[f"Wl{i}"] = jax.random.normal(ks[k], (H, H), dtype=jnp.float32) * s; k += 1
        inp[f"bl{i}"] = jnp.zeros((H,), dtype=jnp.float32)
        inp[f"Wr{i}"] = jax.random.normal(ks[k], (H, H), dtype=jnp.float32) * s; k += 1
        inp[f"g{i}"] = jnp.ones((H,), dtype=jnp.float32)
        inp[f"be{i}"] = jnp.zeros((H,), dtype=jnp.float32)
    inp["Wm1"] = jax.random.normal(ks[k], (H, H // 2), dtype=jnp.float32) * s; k += 1
    inp["bm1"] = jnp.zeros((H // 2,), dtype=jnp.float32)
    inp["Wm2"] = jax.random.normal(ks[k], (H // 2, O), dtype=jnp.float32) * (1.0 / np.sqrt(H // 2)); k += 1
    inp["bm2"] = jnp.zeros((O,), dtype=jnp.float32)
    return inp

def _sage(x, src, dst, Wl, bl, Wr):
    # PyG SAGEConv (mean aggr): out = lin_l(mean_{j in N(i)} x_j) + lin_r(x_i)
    msgs = jnp.take(x, src, axis=0)
    agg = jax.ops.segment_sum(msgs, dst, num_segments=x.shape[0])
    deg = jax.ops.segment_sum(jnp.ones_like(dst, dtype=x.dtype), dst, num_segments=x.shape[0])
    agg = agg / jnp.clip(deg, 1.0)[:, None]
    return agg @ Wl + bl + x @ Wr

def _ln(x, g, b, eps=1e-5):
    mu = jnp.mean(x, axis=-1, keepdims=True)
    var = jnp.var(x, axis=-1, keepdims=True)
    return (x - mu) / jnp.sqrt(var + eps) * g + b

def reference(x, edge_index, Wl0, bl0, Wr0, g0, be0, Wl1, bl1, Wr1, g1, be1, Wl2, bl2, Wr2, g2, be2, Wm1, bm1, Wm2, bm2):
    src = edge_index[0]
    dst = edge_index[1]
    params = [(Wl0, bl0, Wr0, g0, be0), (Wl1, bl1, Wr1, g1, be1), (Wl2, bl2, Wr2, g2, be2)]
    for (Wl, bl, Wr, g, b) in params:
        x_res = x
        x = _sage(x, src, dst, Wl, bl, Wr)
        x = _ln(x, g, b)
        x = jax.nn.relu(x + x_res)
    h = jax.nn.relu(x @ Wm1 + bm1)
    return h @ Wm2 + bm2

if __name__ == "__main__":
    import jax
    _d = setup_inputs()
    print(jax.jit(kernel)(*tuple(_d.values())))

</pallas_src>

<mosaic_0001>
#map = affine_map<(d0, d1) -> (0, 0)>
#map1 = affine_map<(d0, d1) -> (0, 0, 0)>
module attributes {stable_mosaic.version = 14 : i64} {
  func.func @_sc_agg_body(%arg0: i32, %arg1: i32, %arg2: memref<10000x128xf32, #tpu.memory_space<hbm>>, %arg3: memref<2560x128xi32, #tpu.memory_space<hbm>>, %arg4: memref<2560x128xi32, #tpu.memory_space<hbm>>, %arg5: memref<10112x128xf32, #tpu.memory_space<hbm>>, %arg6: memref<2x10112x128xf32, #tpu.memory_space<hbm>>, %arg7: memref<8x128xi32, #tpu.memory_space<vmem>>, %arg8: memref<8x128xi32, #tpu.memory_space<vmem>>, %arg9: memref<2x128x128xf32, #tpu.memory_space<vmem>>, %arg10: memref<10112x128xf32, #tpu.memory_space<vmem_shared>>, %arg11: memref<!tpu.dma_semaphore, #tpu.memory_space<semaphore_mem>>) attributes {dimension_semantics = [#tpu.dimension_semantics<core_parallel>, #tpu.dimension_semantics<subcore_parallel>], iteration_bounds = array<i64: 2, 16>, scalar_prefetch = 0 : i64, scratch_operands = 5 : i64, tpu.core_type = #tpu.core_type<sc_vector_subcore>, window_params = [{transform_indices = #map}, {transform_indices = #map}, {transform_indices = #map}, {transform_indices = #map}, {transform_indices = #map1}]} {
    %mul3A = arith.constant 632 : i32
    %mul3A_0 = arith.muli %arg1, %mul3A : i32
    "tpu.region"() ({
      %run_scoped3A = tpu.sem_alloc : memref<!tpu.dma_semaphore, #tpu.memory_space<semaphore_mem>>
      %dma_start3A = arith.constant 0 : i32
      %dma_start3A_9 = tpu.memref_slice %arg10[%mul3A_0, %dma_start3A] : memref<10112x128xf32, #tpu.memory_space<vmem_shared>> -> memref<632x128xf32, #tpu.memory_space<vmem_shared>>
      %dma_start3A_10 = arith.constant 0 : i32
      %dma_start3A_11 = tpu.memref_slice %arg5[%mul3A_0, %dma_start3A_10] : memref<10112x128xf32, #tpu.memory_space<hbm>> -> memref<632x128xf32, #tpu.memory_space<hbm>>
      tpu.enqueue_dma source(%dma_start3A_11 : memref<632x128xf32, #tpu.memory_space<hbm>>) target(%dma_start3A_9 : memref<632x128xf32, #tpu.memory_space<vmem_shared>>) target_semaphore(%run_scoped3A : memref<!tpu.dma_semaphore, #tpu.memory_space<semaphore_mem>>)
      %dma_wait3A = arith.constant 0 : i32
      %dma_wait3A_12 = tpu.memref_slice %arg10[%mul3A_0, %dma_wait3A] : memref<10112x128xf32, #tpu.memory_space<vmem_shared>> -> memref<632x128xf32, #tpu.memory_space<vmem_shared>>
      %dma_wait3A_13 = arith.constant 0 : i32
      %dma_wait3A_14 = tpu.memref_slice %arg5[%mul3A_0, %dma_wait3A_13] : memref<10112x128xf32, #tpu.memory_space<hbm>> -> memref<632x128xf32, #tpu.memory_space<hbm>>
      tpu.wait_dma2 semaphore(%run_scoped3A : memref<!tpu.dma_semaphore, #tpu.memory_space<semaphore_mem>>) src(%dma_wait3A_14 : memref<632x128xf32, #tpu.memory_space<hbm>>) dst(%dma_wait3A_12 : memref<632x128xf32, #tpu.memory_space<vmem_shared>>)
      tpu.yield
    }) : () -> ()
    %barrier3A = arith.constant 0 : index
    tpu.barrier barrier_id(%barrier3A)
    %eq3A = arith.constant 0 : i32
    %eq3A_1 = arith.cmpi eq, %arg0, %eq3A : i32
    %convert_element_type3A = arith.extui %eq3A_1 : i1 to i32
    %cond3A = arith.constant 0 : i32
    %cond3A_2 = arith.cmpi ne, %convert_element_type3A, %cond3A : i32
    scf.if %cond3A_2 {
      %mul3A_9 = arith.constant 144 : i32
      %mul3A_10 = arith.muli %arg1, %mul3A_9 : i32
      %scan3A = arith.constant 0 : i32
      %scan3A_11 = arith.constant 0 : i32
      %scan3A_12 = arith.constant 18 : i32
      %scan3A_13 = arith.addi %scan3A_11, %scan3A_12 : i32
      %scan3A_14 = arith.constant 1 : i32
      scf.for %scan3A_16 = %scan3A_11 to %scan3A_13 step %scan3A_14  : i32 {
        %mul3A_17 = arith.constant 8 : i32
        %mul3A_18 = arith.muli %scan3A_16, %mul3A_17 : i32
        %add3A = arith.addi %mul3A_10, %mul3A_18 : i32
        "tpu.region"() ({
          %run_scoped3A_224 = tpu.sem_alloc : memref<!tpu.dma_semaphore, #tpu.memory_space<semaphore_mem>>
          %dma_start3A_225 = arith.constant 0 : i32
          %dma_start3A_226 = tpu.memref_slice %arg3[%add3A, %dma_start3A_225] : memref<2560x128xi32, #tpu.memory_space<hbm>> -> memref<8x128xi32, #tpu.memory_space<hbm>>
          %dma_start3A_227 = arith.constant 0 : i32
          %dma_start3A_228 = tpu.memref_slice %arg3[%add3A, %dma_start3A_227] : memref<2560x128xi32, #tpu.memory_space<hbm>> -> memref<8x128xi32, #tpu.memory_space<hbm>>
          tpu.enqueue_dma source(%dma_start3A_228 : memref<8x128xi32, #tpu.memory_space<hbm>>) target(%arg7 : memref<8x128xi32, #tpu.memory_space<vmem>>) target_semaphore(%run_scoped3A_224 : memref<!tpu.dma_semaphore, #tpu.memory_space<semaphore_mem>>)
          %dma_wait3A_229 = arith.constant 0 : i32
          %dma_wait3A_230 = tpu.memref_slice %arg3[%add3A, %dma_wait3A_229] : memref<2560x128xi32, #tpu.memory_space<hbm>> -> memref<8x128xi32, #tpu.memory_space<hbm>>
          %dma_wait3A_231 = arith.constant 0 : i32
          %dma_wait3A_232 = tpu.memref_slice %arg3[%add3A, %dma_wait3A_231] : memref<2560x128xi32, #tpu.memory_space<hbm>> -> memref<8x128xi32, #tpu.memory_space<hbm>>
          tpu.wait_dma2 semaphore(%run_scoped3A_224 : memref<!tpu.dma_semaphore, #tpu.memory_space<semaphore_mem>>) src(%dma_wait3A_232 : memref<8x128xi32, #tpu.memory_space<hbm>>) dst(%arg7 : memref<8x128xi32, #tpu.memory_space<vmem>>)
          tpu.yield
        }) : () -> ()
        "tpu.region"() ({
          %run_scoped3A_224 = tpu.sem_alloc : memref<!tpu.dma_semaphore, #tpu.memory_space<semaphore_mem>>
          %dma_start3A_225 = arith.constant 0 : i32
          %dma_start3A_226 = tpu.memref_slice %arg4[%add3A, %dma_start3A_225] : memref<2560x128xi32, #tpu.memory_space<hbm>> -> memref<8x128xi32, #tpu.memory_space<hbm>>
          %dma_start3A_227 = arith.constant 0 : i32
          %dma_start3A_228 = tpu.memref_slice %arg4[%add3A, %dma_start3A_227] : memref<2560x128xi32, #tpu.memory_space<hbm>> -> memref<8x128xi32, #tpu.memory_space<hbm>>
          tpu.enqueue_dma source(%dma_start3A_228 : memref<8x128xi32, #tpu.memory_space<hbm>>) target(%arg8 : memref<8x128xi32, #tpu.memory_space<vmem>>) target_semaphore(%run_scoped3A_224 : memref<!tpu.dma_semaphore, #tpu.memory_space<semaphore_mem>>)
          %dma_wait3A_229 = arith.constant 0 : i32
          %dma_wait3A_230 = tpu.memref_slice %arg4[%add3A, %dma_wait3A_229] : memref<2560x128xi32, #tpu.memory_space<hbm>> -> memref<8x128xi32, #tpu.memory_space<hbm>>
          %dma_wait3A_231 = arith.constant 0 : i32
          %dma_wait3A_232 = tpu.memref_slice %arg4[%add3A, %dma_wait3A_231] : memref<2560x128xi32, #tpu.memory_space<hbm>> -> memref<8x128xi32, #tpu.memory_space<hbm>>
          tpu.wait_dma2 semaphore(%run_scoped3A_224 : memref<!tpu.dma_semaphore, #tpu.memory_space<semaphore_mem>>) src(%dma_wait3A_232 : memref<8x128xi32, #tpu.memory_space<hbm>>) dst(%arg8 : memref<8x128xi32, #tpu.memory_space<vmem>>)
          tpu.yield
        }) : () -> ()
        %dma_start3A = arith.constant 0 : i32
        %dma_start3A_19 = arith.constant 0 : i32
        %dma_start3A_20 = arith.constant 0 : i32
        %dma_start3A_21 = arith.constant 0 : i32
        %dma_start3A_22 = tpu.memref_slice %arg9[%dma_start3A_19, %dma_start3A_20, %dma_start3A_21] : memref<2x128x128xf32, #tpu.memory_space<vmem>> -> memref<1x128x128xf32, #tpu.memory_space<vmem>>
        %dma_start3A_23 = tpu.memref_squeeze %dma_start3A_22 : memref<1x128x128xf32, #tpu.memory_space<vmem>> -> memref<128x128xf32, #tpu.memory_space<vmem>>
        %dma_start3A_24 = arith.constant 0 : i32
        %dma_start3A_25 = tpu.memref_slice %arg7[%dma_start3A, %dma_start3A_24] : memref<8x128xi32, #tpu.memory_space<vmem>> -> memref<1x128xi32, #tpu.memory_space<vmem>>
        %dma_start3A_26 = tpu.memref_squeeze %dma_start3A_25 : memref<1x128xi32, #tpu.memory_space<vmem>> -> memref<128xi32, #tpu.memory_space<vmem>>
        %dma_start3A_27 = arith.constant 0 : i32
        %dma_start3A_28 = arith.constant 0 : i32
        %dma_start3A_29 = tpu.memref_slice %arg2[%dma_start3A_27, %dma_start3A_28] : memref<10000x128xf32, #tpu.memory_space<hbm>> -> memref<10000x128xf32, #tpu.memory_space<hbm>>
        tpu.enqueue_indirect_dma source(%dma_start3A_29 : memref<10000x128xf32, #tpu.memory_space<hbm>>) target(%dma_start3A_23 : memref<128x128xf32, #tpu.memory_space<vmem>>) offsets(%dma_start3A_26 : memref<128xi32, #tpu.memory_space<vmem>>) semaphore(%arg11 : memref<!tpu.dma_semaphore, #tpu.memory_space<semaphore_mem>>)
        %dma_wait3A = arith.constant 0 : i32
        %dma_wait3A_30 = arith.constant 0 : i32
        %dma_wait3A_31 = arith.constant 0 : i32
        %dma_wait3A_32 = arith.constant 0 : i32
        %dma_wait3A_33 = tpu.memref_slice %arg9[%dma_wait3A_30, %dma_wait3A_31, %dma_wait3A_32] : memref<2x128x128xf32, #tpu.memory_space<vmem>> -> memref<1x128x128xf32, #tpu.memory_space<vmem>>
        %dma_wait3A_34 = tpu.memref_squeeze %dma_wait3A_33 : memref<1x128x128xf32, #tpu.memory_space<vmem>> -> memref<128x128xf32, #tpu.memory_space<vmem>>
        %dma_wait3A_35 = arith.constant 0 : i32
        %dma_wait3A_36 = tpu.memref_slice %arg7[%dma_wait3A, %dma_wait3A_35] : memref<8x128xi32, #tpu.memory_space<vmem>> -> memref<1x128xi32, #tpu.memory_space<vmem>>
        %dma_wait3A_37 = tpu.memref_squeeze %dma_wait3A_36 : memref<1x128xi32, #tpu.memory_space<vmem>> -> memref<128xi32, #tpu.memory_space<vmem>>
        %dma_wait3A_38 = arith.constant 0 : i32
        %dma_wait3A_39 = arith.constant 0 : i32
        %dma_wait3A_40 = tpu.memref_slice %arg2[%dma_wait3A_38, %dma_wait3A_39] : memref<10000x128xf32, #tpu.memory_space<hbm>> -> memref<10000x128xf32, #tpu.memory_space<hbm>>
        tpu.wait_indirect_dma semaphore(%arg11 : memref<!tpu.dma_semaphore, #tpu.memory_space<semaphore_mem>>) src(%dma_wait3A_40 : memref<10000x128xf32, #tpu.memory_space<hbm>>) dst(%dma_wait3A_34 : memref<128x128xf32, #tpu.memory_space<vmem>>)
        %dma_start3A_41 = arith.constant 1 : i32
        %dma_start3A_42 = arith.constant 1 : i32
        %dma_start3A_43 = arith.constant 0 : i32
        %dma_start3A_44 = arith.constant 0 : i32
        %dma_start3A_45 = tpu.memref_slice %arg9[%dma_start3A_42, %dma_start3A_43, %dma_start3A_44] : memref<2x128x128xf32, #tpu.memory_space<vmem>> -> memref<1x128x128xf32, #tpu.memory_space<vmem>>
        %dma_start3A_46 = tpu.memref_squeeze %dma_start3A_45 : memref<1x128x128xf32, #tpu.memory_space<vmem>> -> memref<128x128xf32, #tpu.memory_space<vmem>>
        %dma_start3A_47 = arith.constant 0 : i32
        %dma_start3A_48 = tpu.memref_slice %arg7[%dma_start3A_41, %dma_start3A_47] : memref<8x128xi32, #tpu.memory_space<vmem>> -> memref<1x128xi32, #tpu.memory_space<vmem>>
        %dma_start3A_49 = tpu.memref_squeeze %dma_start3A_48 : memref<1x128xi32, #tpu.memory_space<vmem>> -> memref<128xi32, #tpu.memory_space<vmem>>
        %dma_start3A_50 = arith.constant 0 : i32
        %dma_start3A_51 = arith.constant 0 : i32
        %dma_start3A_52 = tpu.memref_slice %arg2[%dma_start3A_50, %dma_start3A_51] : memref<10000x128xf32, #tpu.memory_space<hbm>> -> memref<10000x128xf32, #tpu.memory_space<hbm>>
        tpu.enqueue_indirect_dma source(%dma_start3A_52 : memref<10000x128xf32, #tpu.memory_space<hbm>>) target(%dma_start3A_46 : memref<128x128xf32, #tpu.memory_space<vmem>>) offsets(%dma_start3A_49 : memref<128xi32, #tpu.memory_space<vmem>>) semaphore(%arg11 : memref<!tpu.dma_semaphore, #tpu.memory_space<semaphore_mem>>)
        %run_scoped3A = arith.constant 0 : i32
        %run_scoped3A_53 = arith.constant 0 : i32
        "tpu.region"() ({
          %run_scoped3A_224 = tpu.sem_alloc : memref<!tpu.dma_semaphore, #tpu.memory_space<semaphore_mem>>
          %dma_start3A_225 = arith.constant 0 : i32
          %dma_start3A_226 = arith.constant 0 : i32
          %dma_start3A_227 = tpu.memref_slice %arg9[%run_scoped3A, %dma_start3A_225, %dma_start3A_226] : memref<2x128x128xf32, #tpu.memory_space<vmem>> -> memref<1x128x128xf32, #tpu.memory_space<vmem>>
          %dma_start3A_228 = tpu.memref_squeeze %dma_start3A_227 : memref<1x128x128xf32, #tpu.memory_space<vmem>> -> memref<128x128xf32, #tpu.memory_space<vmem>>
          %dma_start3A_229 = arith.constant 0 : i32
          %dma_start3A_230 = tpu.memref_slice %arg8[%run_scoped3A_53, %dma_start3A_229] : memref<8x128xi32, #tpu.memory_space<vmem>> -> memref<1x128xi32, #tpu.memory_space<vmem>>
          %dma_start3A_231 = tpu.memref_squeeze %dma_start3A_230 : memref<1x128xi32, #tpu.memory_space<vmem>> -> memref<128xi32, #tpu.memory_space<vmem>>
          %dma_start3A_232 = arith.constant 0 : i32
          %dma_start3A_233 = arith.constant 0 : i32
          %dma_start3A_234 = tpu.memref_slice %arg10[%dma_start3A_232, %dma_start3A_233] : memref<10112x128xf32, #tpu.memory_space<vmem_shared>> -> memref<10112x128xf32, #tpu.memory_space<vmem_shared>>
          tpu.enqueue_indirect_dma source(%dma_start3A_228 : memref<128x128xf32, #tpu.memory_space<vmem>>) target(%dma_start3A_234 : memref<10112x128xf32, #tpu.memory_space<vmem_shared>>) offsets(%dma_start3A_231 : memref<128xi32, #tpu.memory_space<vmem>>) semaphore(%run_scoped3A_224 : memref<!tpu.dma_semaphore, #tpu.memory_space<semaphore_mem>>) {add = true}
          %dma_wait3A_235 = arith.constant 0 : i32
          %dma_wait3A_236 = arith.constant 0 : i32
          %dma_wait3A_237 = tpu.memref_slice %arg9[%run_scoped3A, %dma_wait3A_235, %dma_wait3A_236] : memref<2x128x128xf32, #tpu.memory_space<vmem>> -> memref<1x128x128xf32, #tpu.memory_space<vmem>>
          %dma_wait3A_238 = tpu.memref_squeeze %dma_wait3A_237 : memref<1x128x128xf32, #tpu.memory_space<vmem>> -> memref<128x128xf32, #tpu.memory_space<vmem>>
          %dma_wait3A_239 = arith.constant 0 : i32
          %dma_wait3A_240 = tpu.memref_slice %arg8[%run_scoped3A_53, %dma_wait3A_239] : memref<8x128xi32, #tpu.memory_space<vmem>> -> memref<1x128xi32, #tpu.memory_space<vmem>>
          %dma_wait3A_241 = tpu.memref_squeeze %dma_wait3A_240 : memref<1x128xi32, #tpu.memory_space<vmem>> -> memref<128xi32, #tpu.memory_space<vmem>>
          %dma_wait3A_242 = arith.constant 0 : i32
          %dma_wait3A_243 = arith.constant 0 : i32
          %dma_wait3A_244 = tpu.memref_slice %arg10[%dma_wait3A_242, %dma_wait3A_243] : memref<10112x128xf32, #tpu.memory_space<vmem_shared>> -> memref<10112x128xf32, #tpu.memory_space<vmem_shared>>
          tpu.wait_indirect_dma semaphore(%run_scoped3A_224 : memref<!tpu.dma_semaphore, #tpu.memory_space<semaphore_mem>>) src(%dma_wait3A_238 : memref<128x128xf32, #tpu.memory_space<vmem>>) dst(%dma_wait3A_244 : memref<10112x128xf32, #tpu.memory_space<vmem_shared>>)
          tpu.yield
        }) : () -> ()
        %dma_wait3A_54 = arith.constant 1 : i32
        %dma_wait3A_55 = arith.constant 1 : i32
        %dma_wait3A_56 = arith.constant 0 : i32
        %dma_wait3A_57 = arith.constant 0 : i32
        %dma_wait3A_58 = tpu.memref_slice %arg9[%dma_wait3A_55, %dma_wait3A_56, %dma_wait3A_57] : memref<2x128x128xf32, #tpu.memory_space<vmem>> -> memref<1x128x128xf32, #tpu.memory_space<vmem>>
        %dma_wait3A_59 = tpu.memref_squeeze %dma_wait3A_58 : memref<1x128x128xf32, #tpu.memory_space<vmem>> -> memref<128x128xf32, #tpu.memory_space<vmem>>
        %dma_wait3A_60 = arith.constant 0 : i32
        %dma_wait3A_61 = tpu.memref_slice %arg7[%dma_wait3A_54, %dma_wait3A_60] : memref<8x128xi32, #tpu.memory_space<vmem>> -> memref<1x128xi32, #tpu.memory_space<vmem>>
        %dma_wait3A_62 = tpu.memref_squeeze %dma_wait3A_61 : memref<1x128xi32, #tpu.memory_space<vmem>> -> memref<128xi32, #tpu.memory_space<vmem>>
        %dma_wait3A_63 = arith.constant 0 : i32
        %dma_wait3A_64 = arith.constant 0 : i32
        %dma_wait3A_65 = tpu.memref_slice %arg2[%dma_wait3A_63, %dma_wait3A_64] : memref<10000x128xf32, #tpu.memory_space<hbm>> -> memref<10000x128xf32, #tpu.memory_space<hbm>>
        tpu.wait_indirect_dma semaphore(%arg11 : memref<!tpu.dma_semaphore, #tpu.memory_space<semaphore_mem>>) src(%dma_wait3A_65 : memref<10000x128xf32, #tpu.memory_space<hbm>>) dst(%dma_wait3A_59 : memref<128x128xf32, #tpu.memory_space<vmem>>)
        %dma_start3A_66 = arith.constant 2 : i32
        %dma_start3A_67 = arith.constant 0 : i32
        %dma_start3A_68 = arith.constant 0 : i32
        %dma_start3A_69 = arith.constant 0 : i32
        %dma_start3A_70 = tpu.memref_slice %arg9[%dma_start3A_67, %dma_start3A_68, %dma_start3A_69] : memref<2x128x128xf32, #tpu.memory_space<vmem>> -> memref<1x128x128xf32, #tpu.memory_space<vmem>>
        %dma_start3A_71 = tpu.memref_squeeze %dma_start3A_70 : memref<1x128x128xf32, #tpu.memory_space<vmem>> -> memref<128x128xf32, #tpu.memory_space<vmem>>
        %dma_start3A_72 = arith.constant 0 : i32
        %dma_start3A_73 = tpu.memref_slice %arg7[%dma_start3A_66, %dma_start3A_72] : memref<8x128xi32, #tpu.memory_space<vmem>> -> memref<1x128xi32, #tpu.memory_space<vmem>>
        %dma_start3A_74 = tpu.memref_squeeze %dma_start3A_73 : memref<1x128xi32, #tpu.memory_space<vmem>> -> memref<128xi32, #tpu.memory_space<vmem>>
        %dma_start3A_75 = arith.constant 0 : i32
        %dma_start3A_76 = arith.constant 0 : i32
        %dma_start3A_77 = tpu.memref_slice %arg2[%dma_start3A_75, %dma_start3A_76] : memref<10000x128xf32, #tpu.memory_space<hbm>> -> memref<10000x128xf32, #tpu.memory_space<hbm>>
        tpu.enqueue_indirect_dma source(%dma_start3A_77 : memref<10000x128xf32, #tpu.memory_space<hbm>>) target(%dma_start3A_71 : memref<128x128xf32, #tpu.memory_space<vmem>>) offsets(%dma_start3A_74 : memref<128xi32, #tpu.memory_space<vmem>>) semaphore(%arg11 : memref<!tpu.dma_semaphore, #tpu.memory_space<semaphore_mem>>)
        %run_scoped3A_78 = arith.constant 1 : i32
        %run_scoped3A_79 = arith.constant 1 : i32
        "tpu.region"() ({
          %run_scoped3A_224 = tpu.sem_alloc : memref<!tpu.dma_semaphore, #tpu.memory_space<semaphore_mem>>
          %dma_start3A_225 = arith.constant 0 : i32
          %dma_start3A_226 = arith.constant 0 : i32
          %dma_start3A_227 = tpu.memref_slice %arg9[%run_scoped3A_78, %dma_start3A_225, %dma_start3A_226] : memref<2x128x128xf32, #tpu.memory_space<vmem>> -> memref<1x128x128xf32, #tpu.memory_space<vmem>>
          %dma_start3A_228 = tpu.memref_squeeze %dma_start3A_227 : memref<1x128x128xf32, #tpu.memory_space<vmem>> -> memref<128x128xf32, #tpu.memory_space<vmem>>
          %dma_start3A_229 = arith.constant 0 : i32
          %dma_start3A_230 = tpu.memref_slice %arg8[%run_scoped3A_79, %dma_start3A_229] : memref<8x128xi32, #tpu.memory_space<vmem>> -> memref<1x128xi32, #tpu.memory_space<vmem>>
          %dma_start3A_231 = tpu.memref_squeeze %dma_start3A_230 : memref<1x128xi32, #tpu.memory_space<vmem>> -> memref<128xi32, #tpu.memory_space<vmem>>
          %dma_start3A_232 = arith.constant 0 : i32
          %dma_start3A_233 = arith.constant 0 : i32
          %dma_start3A_234 = tpu.memref_slice %arg10[%dma_start3A_232, %dma_start3A_233] : memref<10112x128xf32, #tpu.memory_space<vmem_shared>> -> memref<10112x128xf32, #tpu.memory_space<vmem_shared>>
          tpu.enqueue_indirect_dma source(%dma_start3A_228 : memref<128x128xf32, #tpu.memory_space<vmem>>) target(%dma_start3A_234 : memref<10112x128xf32, #tpu.memory_space<vmem_shared>>) offsets(%dma_start3A_231 : memref<128xi32, #tpu.memory_space<vmem>>) semaphore(%run_scoped3A_224 : memref<!tpu.dma_semaphore, #tpu.memory_space<semaphore_mem>>) {add = true}
          %dma_wait3A_235 = arith.constant 0 : i32
          %dma_wait3A_236 = arith.constant 0 : i32
          %dma_wait3A_237 = tpu.memref_slice %arg9[%run_scoped3A_78, %dma_wait3A_235, %dma_wait3A_236] : memref<2x128x128xf32, #tpu.memory_space<vmem>> -> memref<1x128x128xf32, #tpu.memory_space<vmem>>
          %dma_wait3A_238 = tpu.memref_squeeze %dma_wait3A_237 : memref<1x128x128xf32, #tpu.memory_space<vmem>> -> memref<128x128xf32, #tpu.memory_space<vmem>>
          %dma_wait3A_239 = arith.constant 0 : i32
          %dma_wait3A_240 = tpu.memref_slice %arg8[%run_scoped3A_79, %dma_wait3A_239] : memref<8x128xi32, #tpu.memory_space<vmem>> -> memref<1x128xi32, #tpu.memory_space<vmem>>
          %dma_wait3A_241 = tpu.memref_squeeze %dma_wait3A_240 : memref<1x128xi32, #tpu.memory_space<vmem>> -> memref<128xi32, #tpu.memory_space<vmem>>
          %dma_wait3A_242 = arith.constant 0 : i32
          %dma_wait3A_243 = arith.constant 0 : i32
          %dma_wait3A_244 = tpu.memref_slice %arg10[%dma_wait3A_242, %dma_wait3A_243] : memref<10112x128xf32, #tpu.memory_space<vmem_shared>> -> memref<10112x128xf32, #tpu.memory_space<vmem_shared>>
          tpu.wait_indirect_dma semaphore(%run_scoped3A_224 : memref<!tpu.dma_semaphore, #tpu.memory_space<semaphore_mem>>) src(%dma_wait3A_238 : memref<128x128xf32, #tpu.memory_space<vmem>>) dst(%dma_wait3A_244 : memref<10112x128xf32, #tpu.memory_space<vmem_shared>>)
          tpu.yield
        }) : () -> ()
        %dma_wait3A_80 = arith.constant 2 : i32
        %dma_wait3A_81 = arith.constant 0 : i32
        %dma_wait3A_82 = arith.constant 0 : i32
        %dma_wait3A_83 = arith.constant 0 : i32
        %dma_wait3A_84 = tpu.memref_slice %arg9[%dma_wait3A_81, %dma_wait3A_82, %dma_wait3A_83] : memref<2x128x128xf32, #tpu.memory_space<vmem>> -> memref<1x128x128xf32, #tpu.memory_space<vmem>>
        %dma_wait3A_85 = tpu.memref_squeeze %dma_wait3A_84 : memref<1x128x128xf32, #tpu.memory_space<vmem>> -> memref<128x128xf32, #tpu.memory_space<vmem>>
        %dma_wait3A_86 = arith.constant 0 : i32
        %dma_wait3A_87 = tpu.memref_slice %arg7[%dma_wait3A_80, %dma_wait3A_86] : memref<8x128xi32, #tpu.memory_space<vmem>> -> memref<1x128xi32, #tpu.memory_space<vmem>>
        %dma_wait3A_88 = tpu.memref_squeeze %dma_wait3A_87 : memref<1x128xi32, #tpu.memory_space<vmem>> -> memref<128xi32, #tpu.memory_space<vmem>>
        %dma_wait3A_89 = arith.constant 0 : i32
        %dma_wait3A_90 = arith.constant 0 : i32
        %dma_wait3A_91 = tpu.memref_slice %arg2[%dma_wait3A_89, %dma_wait3A_90] : memref<10000x128xf32, #tpu.memory_space<hbm>> -> memref<10000x128xf32, #tpu.memory_space<hbm>>
        tpu.wait_indirect_dma semaphore(%arg11 : memref<!tpu.dma_semaphore, #tpu.memory_space<semaphore_mem>>) src(%dma_wait3A_91 : memref<10000x128xf32, #tpu.memory_space<hbm>>) dst(%dma_wait3A_85 : memref<128x128xf32, #tpu.memory_space<vmem>>)
        %dma_start3A_92 = arith.constant 3 : i32
        %dma_start3A_93 = arith.constant 1 : i32
        %dma_start3A_94 = arith.constant 0 : i32
        %dma_start3A_95 = arith.constant 0 : i32
        %dma_start3A_96 = tpu.memref_slice %arg9[%dma_start3A_93, %dma_start3A_94, %dma_start3A_95] : memref<2x128x128xf32, #tpu.memory_space<vmem>> -> memref<1x128x128xf32, #tpu.memory_space<vmem>>
        %dma_start3A_97 = tpu.memref_squeeze %dma_start3A_96 : memref<1x128x128xf32, #tpu.memory_space<vmem>> -> memref<128x128xf32, #tpu.memory_space<vmem>>
        %dma_start3A_98 = arith.constant 0 : i32
        %dma_start3A_99 = tpu.memref_slice %arg7[%dma_start3A_92, %dma_start3A_98] : memref<8x128xi32, #tpu.memory_space<vmem>> -> memref<1x128xi32, #tpu.memory_space<vmem>>
        %dma_start3A_100 = tpu.memref_squeeze %dma_start3A_99 : memref<1x128xi32, #tpu.memory_space<vmem>> -> memref<128xi32, #tpu.memory_space<vmem>>
        %dma_start3A_101 = arith.constant 0 : i32
        %dma_start3A_102 = arith.constant 0 : i32
        %dma_start3A_103 = tpu.memref_slice %arg2[%dma_start3A_101, %dma_start3A_102] : memref<10000x128xf32, #tpu.memory_space<hbm>> -> memref<10000x128xf32, #tpu.memory_space<hbm>>
        tpu.enqueue_indirect_dma source(%dma_start3A_103 : memref<10000x128xf32, #tpu.memory_space<hbm>>) target(%dma_start3A_97 : memref<128x128xf32, #tpu.memory_space<vmem>>) offsets(%dma_start3A_100 : memref<128xi32, #tpu.memory_space<vmem>>) semaphore(%arg11 : memref<!tpu.dma_semaphore, #tpu.memory_space<semaphore_mem>>)
        %run_scoped3A_104 = arith.constant 0 : i32
        %run_scoped3A_105 = arith.constant 2 : i32
        "tpu.region"() ({
          %run_scoped3A_224 = tpu.sem_alloc : memref<!tpu.dma_semaphore, #tpu.memory_space<semaphore_mem>>
          %dma_start3A_225 = arith.constant 0 : i32
          %dma_start3A_226 = arith.constant 0 : i32
          %dma_start3A_227 = tpu.memref_slice %arg9[%run_scoped3A_104, %dma_start3A_225, %dma_start3A_226] : memref<2x128x128xf32, #tpu.memory_space<vmem>> -> memref<1x128x128xf32, #tpu.memory_space<vmem>>
          %dma_start3A_228 = tpu.memref_squeeze %dma_start3A_227 : memref<1x128x128xf32, #tpu.memory_space<vmem>> -> memref<128x128xf32, #tpu.memory_space<vmem>>
          %dma_start3A_229 = arith.constant 0 : i32
          %dma_start3A_230 = tpu.memref_slice %arg8[%run_scoped3A_105, %dma_start3A_229] : memref<8x128xi32, #tpu.memory_space<vmem>> -> memref<1x128xi32, #tpu.memory_space<vmem>>
          %dma_start3A_231 = tpu.memref_squeeze %dma_start3A_230 : memref<1x128xi32, #tpu.memory_space<vmem>> -> memref<128xi32, #tpu.memory_space<vmem>>
          %dma_start3A_232 = arith.constant 0 : i32
          %dma_start3A_233 = arith.constant 0 : i32
          %dma_start3A_234 = tpu.memref_slice %arg10[%dma_start3A_232, %dma_start3A_233] : memref<10112x128xf32, #tpu.memory_space<vmem_shared>> -> memref<10112x128xf32, #tpu.memory_space<vmem_shared>>
          tpu.enqueue_indirect_dma source(%dma_start3A_228 : memref<128x128xf32, #tpu.memory_space<vmem>>) target(%dma_start3A_234 : memref<10112x128xf32, #tpu.memory_space<vmem_shared>>) offsets(%dma_start3A_231 : memref<128xi32, #tpu.memory_space<vmem>>) semaphore(%run_scoped3A_224 : memref<!tpu.dma_semaphore, #tpu.memory_space<semaphore_mem>>) {add = true}
          %dma_wait3A_235 = arith.constant 0 : i32
          %dma_wait3A_236 = arith.constant 0 : i32
          %dma_wait3A_237 = tpu.memref_slice %arg9[%run_scoped3A_104, %dma_wait3A_235, %dma_wait3A_236] : memref<2x128x128xf32, #tpu.memory_space<vmem>> -> memref<1x128x128xf32, #tpu.memory_space<vmem>>
          %dma_wait3A_238 = tpu.memref_squeeze %dma_wait3A_237 : memref<1x128x128xf32, #tpu.memory_space<vmem>> -> memref<128x128xf32, #tpu.memory_space<vmem>>
          %dma_wait3A_239 = arith.constant 0 : i32
          %dma_wait3A_240 = tpu.memref_slice %arg8[%run_scoped3A_105, %dma_wait3A_239] : memref<8x128xi32, #tpu.memory_space<vmem>> -> memref<1x128xi32, #tpu.memory_space<vmem>>
          %dma_wait3A_241 = tpu.memref_squeeze %dma_wait3A_240 : memref<1x128xi32, #tpu.memory_space<vmem>> -> memref<128xi32, #tpu.memory_space<vmem>>
          %dma_wait3A_242 = arith.constant 0 : i32
          %dma_wait3A_243 = arith.constant 0 : i32
          %dma_wait3A_244 = tpu.memref_slice %arg10[%dma_wait3A_242, %dma_wait3A_243] : memref<10112x128xf32, #tpu.memory_space<vmem_shared>> -> memref<10112x128xf32, #tpu.memory_space<vmem_shared>>
          tpu.wait_indirect_dma semaphore(%run_scoped3A_224 : memref<!tpu.dma_semaphore, #tpu.memory_space<semaphore_mem>>) src(%dma_wait3A_238 : memref<128x128xf32, #tpu.memory_space<vmem>>) dst(%dma_wait3A_244 : memref<10112x128xf32, #tpu.memory_space<vmem_shared>>)
          tpu.yield
        }) : () -> ()
        %dma_wait3A_106 = arith.constant 3 : i32
        %dma_wait3A_107 = arith.constant 1 : i32
        %dma_wait3A_108 = arith.constant 0 : i32
        %dma_wait3A_109 = arith.constant 0 : i32
        %dma_wait3A_110 = tpu.memref_slice %arg9[%dma_wait3A_107, %dma_wait3A_108, %dma_wait3A_109] : memref<2x128x128xf32, #tpu.memory_space<vmem>> -> memref<1x128x128xf32, #tpu.memory_space<vmem>>
        %dma_wait3A_111 = tpu.memref_squeeze %dma_wait3A_110 : memref<1x128x128xf32, #tpu.memory_space<vmem>> -> memref<128x128xf32, #tpu.memory_space<vmem>>
        %dma_wait3A_112 = arith.constant 0 : i32
        %dma_wait3A_113 = tpu.memref_slice %arg7[%dma_wait3A_106, %dma_wait3A_112] : memref<8x128xi32, #tpu.memory_space<vmem>> -> memref<1x128xi32, #tpu.memory_space<vmem>>
        %dma_wait3A_114 = tpu.memref_squeeze %dma_wait3A_113 : memref<1x128xi32, #tpu.memory_space<vmem>> -> memref<128xi32, #tpu.memory_space<vmem>>
        %dma_wait3A_115 = arith.constant 0 : i32
        %dma_wait3A_116 = arith.constant 0 : i32
        %dma_wait3A_117 = tpu.memref_slice %arg2[%dma_wait3A_115, %dma_wait3A_116] : memref<10000x128xf32, #tpu.memory_space<hbm>> -> memref<10000x128xf32, #tpu.memory_space<hbm>>
        tpu.wait_indirect_dma semaphore(%arg11 : memref<!tpu.dma_semaphore, #tpu.memory_space<semaphore_mem>>) src(%dma_wait3A_117 : memref<10000x128xf32, #tpu.memory_space<hbm>>) dst(%dma_wait3A_111 : memref<128x128xf32, #tpu.memory_space<vmem>>)
        %dma_start3A_118 = arith.constant 4 : i32
        %dma_start3A_119 = arith.constant 0 : i32
        %dma_start3A_120 = arith.constant 0 : i32
        %dma_start3A_121 = arith.constant 0 : i32
        %dma_start3A_122 = tpu.memref_slice %arg9[%dma_start3A_119, %dma_start3A_120, %dma_start3A_121] : memref<2x128x128xf32, #tpu.memory_space<vmem>> -> memref<1x128x128xf32, #tpu.memory_space<vmem>>
        %dma_start3A_123 = tpu.memref_squeeze %dma_start3A_122 : memref<1x128x128xf32, #tpu.memory_space<vmem>> -> memref<128x128xf32, #tpu.memory_space<vmem>>
        %dma_start3A_124 = arith.constant 0 : i32
        %dma_start3A_125 = tpu.memref_slice %arg7[%dma_start3A_118, %dma_start3A_124] : memref<8x128xi32, #tpu.memory_space<vmem>> -> memref<1x128xi32, #tpu.memory_space<vmem>>
        %dma_start3A_126 = tpu.memref_squeeze %dma_start3A_125 : memref<1x128xi32, #tpu.memory_space<vmem>> -> memref<128xi32, #tpu.memory_space<vmem>>
        %dma_start3A_127 = arith.constant 0 : i32
        %dma_start3A_128 = arith.constant 0 : i32
        %dma_start3A_129 = tpu.memref_slice %arg2[%dma_start3A_127, %dma_start3A_128] : memref<10000x128xf32, #tpu.memory_space<hbm>> -> memref<10000x128xf32, #tpu.memory_space<hbm>>
        tpu.enqueue_indirect_dma source(%dma_start3A_129 : memref<10000x128xf32, #tpu.memory_space<hbm>>) target(%dma_start3A_123 : memref<128x128xf32, #tpu.memory_space<vmem>>) offsets(%dma_start3A_126 : memref<128xi32, #tpu.memory_space<vmem>>) semaphore(%arg11 : memref<!tpu.dma_semaphore, #tpu.memory_space<semaphore_mem>>)
        %run_scoped3A_130 = arith.constant 1 : i32
        %run_scoped3A_131 = arith.constant 3 : i32
        "tpu.region"() ({
          %run_scoped3A_224 = tpu.sem_alloc : memref<!tpu.dma_semaphore, #tpu.memory_space<semaphore_mem>>
          %dma_start3A_225 = arith.constant 0 : i32
          %dma_start3A_226 = arith.constant 0 : i32
          %dma_start3A_227 = tpu.memref_slice %arg9[%run_scoped3A_130, %dma_start3A_225, %dma_start3A_226] : memref<2x128x128xf32, #tpu.memory_space<vmem>> -> memref<1x128x128xf32, #tpu.memory_space<vmem>>
          %dma_start3A_228 = tpu.memref_squeeze %dma_start3A_227 : memref<1x128x128xf32, #tpu.memory_space<vmem>> -> memref<128x128xf32, #tpu.memory_space<vmem>>
          %dma_start3A_229 = arith.constant 0 : i32
          %dma_start3A_230 = tpu.memref_slice %arg8[%run_scoped3A_131, %dma_start3A_229] : memref<8x128xi32, #tpu.memory_space<vmem>> -> memref<1x128xi32, #tpu.memory_space<vmem>>
          %dma_start3A_231 = tpu.memref_squeeze %dma_start3A_230 : memref<1x128xi32, #tpu.memory_space<vmem>> -> memref<128xi32, #tpu.memory_space<vmem>>
          %dma_start3A_232 = arith.constant 0 : i32
          %dma_start3A_233 = arith.constant 0 : i32
          %dma_start3A_234 = tpu.memref_slice %arg10[%dma_start3A_232, %dma_start3A_233] : memref<10112x128xf32, #tpu.memory_space<vmem_shared>> -> memref<10112x128xf32, #tpu.memory_space<vmem_shared>>
          tpu.enqueue_indirect_dma source(%dma_start3A_228 : memref<128x128xf32, #tpu.memory_space<vmem>>) target(%dma_start3A_234 : memref<10112x128xf32, #tpu.memory_space<vmem_shared>>) offsets(%dma_start3A_231 : memref<128xi32, #tpu.memory_space<vmem>>) semaphore(%run_scoped3A_224 : memref<!tpu.dma_semaphore, #tpu.memory_space<semaphore_mem>>) {add = true}
          %dma_wait3A_235 = arith.constant 0 : i32
          %dma_wait3A_236 = arith.constant 0 : i32
          %dma_wait3A_237 = tpu.memref_slice %arg9[%run_scoped3A_130, %dma_wait3A_235, %dma_wait3A_236] : memref<2x128x128xf32, #tpu.memory_space<vmem>> -> memref<1x128x128xf32, #tpu.memory_space<vmem>>
          %dma_wait3A_238 = tpu.memref_squeeze %dma_wait3A_237 : memref<1x128x128xf32, #tpu.memory_space<vmem>> -> memref<128x128xf32, #tpu.memory_space<vmem>>
          %dma_wait3A_239 = arith.constant 0 : i32
          %dma_wait3A_240 = tpu.memref_slice %arg8[%run_scoped3A_131, %dma_wait3A_239] : memref<8x128xi32, #tpu.memory_space<vmem>> -> memref<1x128xi32, #tpu.memory_space<vmem>>
          %dma_wait3A_241 = tpu.memref_squeeze %dma_wait3A_240 : memref<1x128xi32, #tpu.memory_space<vmem>> -> memref<128xi32, #tpu.memory_space<vmem>>
          %dma_wait3A_242 = arith.constant 0 : i32
          %dma_wait3A_243 = arith.constant 0 : i32
          %dma_wait3A_244 = tpu.memref_slice %arg10[%dma_wait3A_242, %dma_wait3A_243] : memref<10112x128xf32, #tpu.memory_space<vmem_shared>> -> memref<10112x128xf32, #tpu.memory_space<vmem_shared>>
          tpu.wait_indirect_dma semaphore(%run_scoped3A_224 : memref<!tpu.dma_semaphore, #tpu.memory_space<semaphore_mem>>) src(%dma_wait3A_238 : memref<128x128xf32, #tpu.memory_space<vmem>>) dst(%dma_wait3A_244 : memref<10112x128xf32, #tpu.memory_space<vmem_shared>>)
          tpu.yield
        }) : () -> ()
        %dma_wait3A_132 = arith.constant 4 : i32
        %dma_wait3A_133 = arith.constant 0 : i32
        %dma_wait3A_134 = arith.constant 0 : i32
        %dma_wait3A_135 = arith.constant 0 : i32
        %dma_wait3A_136 = tpu.memref_slice %arg9[%dma_wait3A_133, %dma_wait3A_134, %dma_wait3A_135] : memref<2x128x128xf32, #tpu.memory_space<vmem>> -> memref<1x128x128xf32, #tpu.memory_space<vmem>>
        %dma_wait3A_137 = tpu.memref_squeeze %dma_wait3A_136 : memref<1x128x128xf32, #tpu.memory_space<vmem>> -> memref<128x128xf32, #tpu.memory_space<vmem>>
        %dma_wait3A_138 = arith.constant 0 : i32
        %dma_wait3A_139 = tpu.memref_slice %arg7[%dma_wait3A_132, %dma_wait3A_138] : memref<8x128xi32, #tpu.memory_space<vmem>> -> memref<1x128xi32, #tpu.memory_space<vmem>>
        %dma_wait3A_140 = tpu.memref_squeeze %dma_wait3A_139 : memref<1x128xi32, #tpu.memory_space<vmem>> -> memref<128xi32, #tpu.memory_space<vmem>>
        %dma_wait3A_141 = arith.constant 0 : i32
        %dma_wait3A_142 = arith.constant 0 : i32
        %dma_wait3A_143 = tpu.memref_slice %arg2[%dma_wait3A_141, %dma_wait3A_142] : memref<10000x128xf32, #tpu.memory_space<hbm>> -> memref<10000x128xf32, #tpu.memory_space<hbm>>
        tpu.wait_indirect_dma semaphore(%arg11 : memref<!tpu.dma_semaphore, #tpu.memory_space<semaphore_mem>>) src(%dma_wait3A_143 : memref<10000x128xf32, #tpu.memory_space<hbm>>) dst(%dma_wait3A_137 : memref<128x128xf32, #tpu.memory_space<vmem>>)
        %dma_start3A_144 = arith.constant 5 : i32
        %dma_start3A_145 = arith.constant 1 : i32
        %dma_start3A_146 = arith.constant 0 : i32
        %dma_start3A_147 = arith.constant 0 : i32
        %dma_start3A_148 = tpu.memref_slice %arg9[%dma_start3A_145, %dma_start3A_146, %dma_start3A_147] : memref<2x128x128xf32, #tpu.memory_space<vmem>> -> memref<1x128x128xf32, #tpu.memory_space<vmem>>
        %dma_start3A_149 = tpu.memref_squeeze %dma_start3A_148 : memref<1x128x128xf32, #tpu.memory_space<vmem>> -> memref<128x128xf32, #tpu.memory_space<vmem>>
        %dma_start3A_150 = arith.constant 0 : i32
        %dma_start3A_151 = tpu.memref_slice %arg7[%dma_start3A_144, %dma_start3A_150] : memref<8x128xi32, #tpu.memory_space<vmem>> -> memref<1x128xi32, #tpu.memory_space<vmem>>
        %dma_start3A_152 = tpu.memref_squeeze %dma_start3A_151 : memref<1x128xi32, #tpu.memory_space<vmem>> -> memref<128xi32, #tpu.memory_space<vmem>>
        %dma_start3A_153 = arith.constant 0 : i32
        %dma_start3A_154 = arith.constant 0 : i32
        %dma_start3A_155 = tpu.memref_slice %arg2[%dma_start3A_153, %dma_start3A_154] : memref<10000x128xf32, #tpu.memory_space<hbm>> -> memref<10000x128xf32, #tpu.memory_space<hbm>>
        tpu.enqueue_indirect_dma source(%dma_start3A_155 : memref<10000x128xf32, #tpu.memory_space<hbm>>) target(%dma_start3A_149 : memref<128x128xf32, #tpu.memory_space<vmem>>) offsets(%dma_start3A_152 : memref<128xi32, #tpu.memory_space<vmem>>) semaphore(%arg11 : memref<!tpu.dma_semaphore, #tpu.memory_space<semaphore_mem>>)
        %run_scoped3A_156 = arith.constant 0 : i32
        %run_scoped3A_157 = arith.constant 4 : i32
        "tpu.region"() ({
          %run_scoped3A_224 = tpu.sem_alloc : memref<!tpu.dma_semaphore, #tpu.memory_space<semaphore_mem>>
          %dma_start3A_225 = arith.constant 0 : i32
          %dma_start3A_226 = arith.constant 0 : i32
          %dma_start3A_227 = tpu.memref_slice %arg9[%run_scoped3A_156, %dma_start3A_225, %dma_start3A_226] : memref<2x128x128xf32, #tpu.memory_space<vmem>> -> memref<1x128x128xf32, #tpu.memory_space<vmem>>
          %dma_start3A_228 = tpu.memref_squeeze %dma_start3A_227 : memref<1x128x128xf32, #tpu.memory_space<vmem>> -> memref<128x128xf32, #tpu.memory_space<vmem>>
          %dma_start3A_229 = arith.constant 0 : i32
          %dma_start3A_230 = tpu.memref_slice %arg8[%run_scoped3A_157, %dma_start3A_229] : memref<8x128xi32, #tpu.memory_space<vmem>> -> memref<1x128xi32, #tpu.memory_space<vmem>>
          %dma_start3A_231 = tpu.memref_squeeze %dma_start3A_230 : memref<1x128xi32, #tpu.memory_space<vmem>> -> memref<128xi32, #tpu.memory_space<vmem>>
          %dma_start3A_232 = arith.constant 0 : i32
          %dma_start3A_233 = arith.constant 0 : i32
          %dma_start3A_234 = tpu.memref_slice %arg10[%dma_start3A_232, %dma_start3A_233] : memref<10112x128xf32, #tpu.memory_space<vmem_shared>> -> memref<10112x128xf32, #tpu.memory_space<vmem_shared>>
          tpu.enqueue_indirect_dma source(%dma_start3A_228 : memref<128x128xf32, #tpu.memory_space<vmem>>) target(%dma_start3A_234 : memref<10112x128xf32, #tpu.memory_space<vmem_shared>>) offsets(%dma_start3A_231 : memref<128xi32, #tpu.memory_space<vmem>>) semaphore(%run_scoped3A_224 : memref<!tpu.dma_semaphore, #tpu.memory_space<semaphore_mem>>) {add = true}
          %dma_wait3A_235 = arith.constant 0 : i32
          %dma_wait3A_236 = arith.constant 0 : i32
          %dma_wait3A_237 = tpu.memref_slice %arg9[%run_scoped3A_156, %dma_wait3A_235, %dma_wait3A_236] : memref<2x128x128xf32, #tpu.memory_space<vmem>> -> memref<1x128x128xf32, #tpu.memory_space<vmem>>
          %dma_wait3A_238 = tpu.memref_squeeze %dma_wait3A_237 : memref<1x128x128xf32, #tpu.memory_space<vmem>> -> memref<128x128xf32, #tpu.memory_space<vmem>>
          %dma_wait3A_239 = arith.constant 0 : i32
          %dma_wait3A_240 = tpu.memref_slice %arg8[%run_scoped3A_157, %dma_wait3A_239] : memref<8x128xi32, #tpu.memory_space<vmem>> -> memref<1x128xi32, #tpu.memory_space<vmem>>
          %dma_wait3A_241 = tpu.memref_squeeze %dma_wait3A_240 : memref<1x128xi32, #tpu.memory_space<vmem>> -> memref<128xi32, #tpu.memory_space<vmem>>
          %dma_wait3A_242 = arith.constant 0 : i32
          %dma_wait3A_243 = arith.constant 0 : i32
          %dma_wait3A_244 = tpu.memref_slice %arg10[%dma_wait3A_242, %dma_wait3A_243] : memref<10112x128xf32, #tpu.memory_space<vmem_shared>> -> memref<10112x128xf32, #tpu.memory_space<vmem_shared>>
          tpu.wait_indirect_dma semaphore(%run_scoped3A_224 : memref<!tpu.dma_semaphore, #tpu.memory_space<semaphore_mem>>) src(%dma_wait3A_238 : memref<128x128xf32, #tpu.memory_space<vmem>>) dst(%dma_wait3A_244 : memref<10112x128xf32, #tpu.memory_space<vmem_shared>>)
          tpu.yield
        }) : () -> ()
        %dma_wait3A_158 = arith.constant 5 : i32
        %dma_wait3A_159 = arith.constant 1 : i32
        %dma_wait3A_160 = arith.constant 0 : i32
        %dma_wait3A_161 = arith.constant 0 : i32
        %dma_wait3A_162 = tpu.memref_slice %arg9[%dma_wait3A_159, %dma_wait3A_160, %dma_wait3A_161] : memref<2x128x128xf32, #tpu.memory_space<vmem>> -> memref<1x128x128xf32, #tpu.memory_space<vmem>>
        %dma_wait3A_163 = tpu.memref_squeeze %dma_wait3A_162 : memref<1x128x128xf32, #tpu.memory_space<vmem>> -> memref<128x128xf32, #tpu.memory_space<vmem>>
        %dma_wait3A_164 = arith.constant 0 : i32
        %dma_wait3A_165 = tpu.memref_slice %arg7[%dma_wait3A_158, %dma_wait3A_164] : memref<8x128xi32, #tpu.memory_space<vmem>> -> memref<1x128xi32, #tpu.memory_space<vmem>>
        %dma_wait3A_166 = tpu.memref_squeeze %dma_wait3A_165 : memref<1x128xi32, #tpu.memory_space<vmem>> -> memref<128xi32, #tpu.memory_space<vmem>>
        %dma_wait3A_167 = arith.constant 0 : i32
        %dma_wait3A_168 = arith.constant 0 : i32
        %dma_wait3A_169 = tpu.memref_slice %arg2[%dma_wait3A_167, %dma_wait3A_168] : memref<10000x128xf32, #tpu.memory_space<hbm>> -> memref<10000x128xf32, #tpu.memory_space<hbm>>
        tpu.wait_indirect_dma semaphore(%arg11 : memref<!tpu.dma_semaphore, #tpu.memory_space<semaphore_mem>>) src(%dma_wait3A_169 : memref<10000x128xf32, #tpu.memory_space<hbm>>) dst(%dma_wait3A_163 : memref<128x128xf32, #tpu.memory_space<vmem>>)
        %dma_start3A_170 = arith.constant 6 : i32
        %dma_start3A_171 = arith.constant 0 : i32
        %dma_start3A_172 = arith.constant 0 : i32
        %dma_start3A_173 = arith.constant 0 : i32
        %dma_start3A_174 = tpu.memref_slice %arg9[%dma_start3A_171, %dma_start3A_172, %dma_start3A_173] : memref<2x128x128xf32, #tpu.memory_space<vmem>> -> memref<1x128x128xf32, #tpu.memory_space<vmem>>
        %dma_start3A_175 = tpu.memref_squeeze %dma_start3A_174 : memref<1x128x128xf32, #tpu.memory_space<vmem>> -> memref<128x128xf32, #tpu.memory_space<vmem>>
        %dma_start3A_176 = arith.constant 0 : i32
        %dma_start3A_177 = tpu.memref_slice %arg7[%dma_start3A_170, %dma_start3A_176] : memref<8x128xi32, #tpu.memory_space<vmem>> -> memref<1x128xi32, #tpu.memory_space<vmem>>
        %dma_start3A_178 = tpu.memref_squeeze %dma_start3A_177 : memref<1x128xi32, #tpu.memory_space<vmem>> -> memref<128xi32, #tpu.memory_space<vmem>>
        %dma_start3A_179 = arith.constant 0 : i32
        %dma_start3A_180 = arith.constant 0 : i32
        %dma_start3A_181 = tpu.memref_slice %arg2[%dma_start3A_179, %dma_start3A_180] : memref<10000x128xf32, #tpu.memory_space<hbm>> -> memref<10000x128xf32, #tpu.memory_space<hbm>>
        tpu.enqueue_indirect_dma source(%dma_start3A_181 : memref<10000x128xf32, #tpu.memory_space<hbm>>) target(%dma_start3A_175 : memref<128x128xf32, #tpu.memory_space<vmem>>) offsets(%dma_start3A_178 : memref<128xi32, #tpu.memory_space<vmem>>) semaphore(%arg11 : memref<!tpu.dma_semaphore, #tpu.memory_space<semaphore_mem>>)
        %run_scoped3A_182 = arith.constant 1 : i32
        %run_scoped3A_183 = arith.constant 5 : i32
        "tpu.region"() ({
          %run_scoped3A_224 = tpu.sem_alloc : memref<!tpu.dma_semaphore, #tpu.memory_space<semaphore_mem>>
          %dma_start3A_225 = arith.constant 0 : i32
          %dma_start3A_226 = arith.constant 0 : i32
          %dma_start3A_227 = tpu.memref_slice %arg9[%run_scoped3A_182, %dma_start3A_225, %dma_start3A_226] : memref<2x128x128xf32, #tpu.memory_space<vmem>> -> memref<1x128x128xf32, #tpu.memory_space<vmem>>
          %dma_start3A_228 = tpu.memref_squeeze %dma_start3A_227 : memref<1x128x128xf32, #tpu.memory_space<vmem>> -> memref<128x128xf32, #tpu.memory_space<vmem>>
          %dma_start3A_229 = arith.constant 0 : i32
          %dma_start3A_230 = tpu.memref_slice %arg8[%run_scoped3A_183, %dma_start3A_229] : memref<8x128xi32, #tpu.memory_space<vmem>> -> memref<1x128xi32, #tpu.memory_space<vmem>>
          %dma_start3A_231 = tpu.memref_squeeze %dma_start3A_230 : memref<1x128xi32, #tpu.memory_space<vmem>> -> memref<128xi32, #tpu.memory_space<vmem>>
          %dma_start3A_232 = arith.constant 0 : i32
          %dma_start3A_233 = arith.constant 0 : i32
          %dma_start3A_234 = tpu.memref_slice %arg10[%dma_start3A_232, %dma_start3A_233] : memref<10112x128xf32, #tpu.memory_space<vmem_shared>> -> memref<10112x128xf32, #tpu.memory_space<vmem_shared>>
          tpu.enqueue_indirect_dma source(%dma_start3A_228 : memref<128x128xf32, #tpu.memory_space<vmem>>) target(%dma_start3A_234 : memref<10112x128xf32, #tpu.memory_space<vmem_shared>>) offsets(%dma_start3A_231 : memref<128xi32, #tpu.memory_space<vmem>>) semaphore(%run_scoped3A_224 : memref<!tpu.dma_semaphore, #tpu.memory_space<semaphore_mem>>) {add = true}
          %dma_wait3A_235 = arith.constant 0 : i32
          %dma_wait3A_236 = arith.constant 0 : i32
          %dma_wait3A_237 = tpu.memref_slice %arg9[%run_scoped3A_182, %dma_wait3A_235, %dma_wait3A_236] : memref<2x128x128xf32, #tpu.memory_space<vmem>> -> memref<1x128x128xf32, #tpu.memory_space<vmem>>
          %dma_wait3A_238 = tpu.memref_squeeze %dma_wait3A_237 : memref<1x128x128xf32, #tpu.memory_space<vmem>> -> memref<128x128xf32, #tpu.memory_space<vmem>>
          %dma_wait3A_239 = arith.constant 0 : i32
          %dma_wait3A_240 = tpu.memref_slice %arg8[%run_scoped3A_183, %dma_wait3A_239] : memref<8x128xi32, #tpu.memory_space<vmem>> -> memref<1x128xi32, #tpu.memory_space<vmem>>
          %dma_wait3A_241 = tpu.memref_squeeze %dma_wait3A_240 : memref<1x128xi32, #tpu.memory_space<vmem>> -> memref<128xi32, #tpu.memory_space<vmem>>
          %dma_wait3A_242 = arith.constant 0 : i32
          %dma_wait3A_243 = arith.constant 0 : i32
          %dma_wait3A_244 = tpu.memref_slice %arg10[%dma_wait3A_242, %dma_wait3A_243] : memref<10112x128xf32, #tpu.memory_space<vmem_shared>> -> memref<10112x128xf32, #tpu.memory_space<vmem_shared>>
          tpu.wait_indirect_dma semaphore(%run_scoped3A_224 : memref<!tpu.dma_semaphore, #tpu.memory_space<semaphore_mem>>) src(%dma_wait3A_238 : memref<128x128xf32, #tpu.memory_space<vmem>>) dst(%dma_wait3A_244 : memref<10112x128xf32, #tpu.memory_space<vmem_shared>>)
          tpu.yield
        }) : () -> ()
        %dma_wait3A_184 = arith.constant 6 : i32
        %dma_wait3A_185 = arith.constant 0 : i32
        %dma_wait3A_186 = arith.constant 0 : i32
        %dma_wait3A_187 = arith.constant 0 : i32
        %dma_wait3A_188 = tpu.memref_slice %arg9[%dma_wait3A_185, %dma_wait3A_186, %dma_wait3A_187] : memref<2x128x128xf32, #tpu.memory_space<vmem>> -> memref<1x128x128xf32, #tpu.memory_space<vmem>>
        %dma_wait3A_189 = tpu.memref_squeeze %dma_wait3A_188 : memref<1x128x128xf32, #tpu.memory_space<vmem>> -> memref<128x128xf32, #tpu.memory_space<vmem>>
        %dma_wait3A_190 = arith.constant 0 : i32
        %dma_wait3A_191 = tpu.memref_slice %arg7[%dma_wait3A_184, %dma_wait3A_190] : memref<8x128xi32, #tpu.memory_space<vmem>> -> memref<1x128xi32, #tpu.memory_space<vmem>>
        %dma_wait3A_192 = tpu.memref_squeeze %dma_wait3A_191 : memref<1x128xi32, #tpu.memory_space<vmem>> -> memref<128xi32, #tpu.memory_space<vmem>>
        %dma_wait3A_193 = arith.constant 0 : i32
        %dma_wait3A_194 = arith.constant 0 : i32
        %dma_wait3A_195 = tpu.memref_slice %arg2[%dma_wait3A_193, %dma_wait3A_194] : memref<10000x128xf32, #tpu.memory_space<hbm>> -> memref<10000x128xf32, #tpu.memory_space<hbm>>
        tpu.wait_indirect_dma semaphore(%arg11 : memref<!tpu.dma_semaphore, #tpu.memory_space<semaphore_mem>>) src(%dma_wait3A_195 : memref<10000x128xf32, #tpu.memory_space<hbm>>) dst(%dma_wait3A_189 : memref<128x128xf32, #tpu.memory_space<vmem>>)
        %dma_start3A_196 = arith.constant 7 : i32
        %dma_start3A_197 = arith.constant 1 : i32
        %dma_start3A_198 = arith.constant 0 : i32
        %dma_start3A_199 = arith.constant 0 : i32
        %dma_start3A_200 = tpu.memref_slice %arg9[%dma_start3A_197, %dma_start3A_198, %dma_start3A_199] : memref<2x128x128xf32, #tpu.memory_space<vmem>> -> memref<1x128x128xf32, #tpu.memory_space<vmem>>
        %dma_start3A_201 = tpu.memref_squeeze %dma_start3A_200 : memref<1x128x128xf32, #tpu.memory_space<vmem>> -> memref<128x128xf32, #tpu.memory_space<vmem>>
        %dma_start3A_202 = arith.constant 0 : i32
        %dma_start3A_203 = tpu.memref_slice %arg7[%dma_start3A_196, %dma_start3A_202] : memref<8x128xi32, #tpu.memory_space<vmem>> -> memref<1x128xi32, #tpu.memory_space<vmem>>
        %dma_start3A_204 = tpu.memref_squeeze %dma_start3A_203 : memref<1x128xi32, #tpu.memory_space<vmem>> -> memref<128xi32, #tpu.memory_space<vmem>>
        %dma_start3A_205 = arith.constant 0 : i32
        %dma_start3A_206 = arith.constant 0 : i32
        %dma_start3A_207 = tpu.memref_slice %arg2[%dma_start3A_205, %dma_start3A_206] : memref<10000x128xf32, #tpu.memory_space<hbm>> -> memref<10000x128xf32, #tpu.memory_space<hbm>>
        tpu.enqueue_indirect_dma source(%dma_start3A_207 : memref<10000x128xf32, #tpu.memory_space<hbm>>) target(%dma_start3A_201 : memref<128x128xf32, #tpu.memory_space<vmem>>) offsets(%dma_start3A_204 : memref<128xi32, #tpu.memory_space<vmem>>) semaphore(%arg11 : memref<!tpu.dma_semaphore, #tpu.memory_space<semaphore_mem>>)
        %run_scoped3A_208 = arith.constant 0 : i32
        %run_scoped3A_209 = arith.constant 6 : i32
        "tpu.region"() ({
          %run_scoped3A_224 = tpu.sem_alloc : memref<!tpu.dma_semaphore, #tpu.memory_space<semaphore_mem>>
          %dma_start3A_225 = arith.constant 0 : i32
          %dma_start3A_226 = arith.constant 0 : i32
          %dma_start3A_227 = tpu.memref_slice %arg9[%run_scoped3A_208, %dma_start3A_225, %dma_start3A_226] : memref<2x128x128xf32, #tpu.memory_space<vmem>> -> memref<1x128x128xf32, #tpu.memory_space<vmem>>
          %dma_start3A_228 = tpu.memref_squeeze %dma_start3A_227 : memref<1x128x128xf32, #tpu.memory_space<vmem>> -> memref<128x128xf32, #tpu.memory_space<vmem>>
          %dma_start3A_229 = arith.constant 0 : i32
          %dma_start3A_230 = tpu.memref_slice %arg8[%run_scoped3A_209, %dma_start3A_229] : memref<8x128xi32, #tpu.memory_space<vmem>> -> memref<1x128xi32, #tpu.memory_space<vmem>>
          %dma_start3A_231 = tpu.memref_squeeze %dma_start3A_230 : memref<1x128xi32, #tpu.memory_space<vmem>> -> memref<128xi32, #tpu.memory_space<vmem>>
          %dma_start3A_232 = arith.constant 0 : i32
          %dma_start3A_233 = arith.constant 0 : i32
          %dma_start3A_234 = tpu.memref_slice %arg10[%dma_start3A_232, %dma_start3A_233] : memref<10112x128xf32, #tpu.memory_space<vmem_shared>> -> memref<10112x128xf32, #tpu.memory_space<vmem_shared>>
          tpu.enqueue_indirect_dma source(%dma_start3A_228 : memref<128x128xf32, #tpu.memory_space<vmem>>) target(%dma_start3A_234 : memref<10112x128xf32, #tpu.memory_space<vmem_shared>>) offsets(%dma_start3A_231 : memref<128xi32, #tpu.memory_space<vmem>>) semaphore(%run_scoped3A_224 : memref<!tpu.dma_semaphore, #tpu.memory_space<semaphore_mem>>) {add = true}
          %dma_wait3A_235 = arith.constant 0 : i32
          %dma_wait3A_236 = arith.constant 0 : i32
          %dma_wait3A_237 = tpu.memref_slice %arg9[%run_scoped3A_208, %dma_wait3A_235, %dma_wait3A_236] : memref<2x128x128xf32, #tpu.memory_space<vmem>> -> memref<1x128x128xf32, #tpu.memory_space<vmem>>
          %dma_wait3A_238 = tpu.memref_squeeze %dma_wait3A_237 : memref<1x128x128xf32, #tpu.memory_space<vmem>> -> memref<128x128xf32, #tpu.memory_space<vmem>>
          %dma_wait3A_239 = arith.constant 0 : i32
          %dma_wait3A_240 = tpu.memref_slice %arg8[%run_scoped3A_209, %dma_wait3A_239] : memref<8x128xi32, #tpu.memory_space<vmem>> -> memref<1x128xi32, #tpu.memory_space<vmem>>
          %dma_wait3A_241 = tpu.memref_squeeze %dma_wait3A_240 : memref<1x128xi32, #tpu.memory_space<vmem>> -> memref<128xi32, #tpu.memory_space<vmem>>
          %dma_wait3A_242 = arith.constant 0 : i32
          %dma_wait3A_243 = arith.constant 0 : i32
          %dma_wait3A_244 = tpu.memref_slice %arg10[%dma_wait3A_242, %dma_wait3A_243] : memref<10112x128xf32, #tpu.memory_space<vmem_shared>> -> memref<10112x128xf32, #tpu.memory_space<vmem_shared>>
          tpu.wait_indirect_dma semaphore(%run_scoped3A_224 : memref<!tpu.dma_semaphore, #tpu.memory_space<semaphore_mem>>) src(%dma_wait3A_238 : memref<128x128xf32, #tpu.memory_space<vmem>>) dst(%dma_wait3A_244 : memref<10112x128xf32, #tpu.memory_space<vmem_shared>>)
          tpu.yield
        }) : () -> ()
        %dma_wait3A_210 = arith.constant 7 : i32
        %dma_wait3A_211 = arith.constant 1 : i32
        %dma_wait3A_212 = arith.constant 0 : i32
        %dma_wait3A_213 = arith.constant 0 : i32
        %dma_wait3A_214 = tpu.memref_slice %arg9[%dma_wait3A_211, %dma_wait3A_212, %dma_wait3A_213] : memref<2x128x128xf32, #tpu.memory_space<vmem>> -> memref<1x128x128xf32, #tpu.memory_space<vmem>>
        %dma_wait3A_215 = tpu.memref_squeeze %dma_wait3A_214 : memref<1x128x128xf32, #tpu.memory_space<vmem>> -> memref<128x128xf32, #tpu.memory_space<vmem>>
        %dma_wait3A_216 = arith.constant 0 : i32
        %dma_wait3A_217 = tpu.memref_slice %arg7[%dma_wait3A_210, %dma_wait3A_216] : memref<8x128xi32, #tpu.memory_space<vmem>> -> memref<1x128xi32, #tpu.memory_space<vmem>>
        %dma_wait3A_218 = tpu.memref_squeeze %dma_wait3A_217 : memref<1x128xi32, #tpu.memory_space<vmem>> -> memref<128xi32, #tpu.memory_space<vmem>>
        %dma_wait3A_219 = arith.constant 0 : i32
        %dma_wait3A_220 = arith.constant 0 : i32
        %dma_wait3A_221 = tpu.memref_slice %arg2[%dma_wait3A_219, %dma_wait3A_220] : memref<10000x128xf32, #tpu.memory_space<hbm>> -> memref<10000x128xf32, #tpu.memory_space<hbm>>
        tpu.wait_indirect_dma semaphore(%arg11 : memref<!tpu.dma_semaphore, #tpu.memory_space<semaphore_mem>>) src(%dma_wait3A_221 : memref<10000x128xf32, #tpu.memory_space<hbm>>) dst(%dma_wait3A_215 : memref<128x128xf32, #tpu.memory_space<vmem>>)
        %run_scoped3A_222 = arith.constant 1 : i32
        %run_scoped3A_223 = arith.constant 7 : i32
        "tpu.region"() ({
          %run_scoped3A_224 = tpu.sem_alloc : memref<!tpu.dma_semaphore, #tpu.memory_space<semaphore_mem>>
          %dma_start3A_225 = arith.constant 0 : i32
          %dma_start3A_226 = arith.constant 0 : i32
          %dma_start3A_227 = tpu.memref_slice %arg9[%run_scoped3A_222, %dma_start3A_225, %dma_start3A_226] : memref<2x128x128xf32, #tpu.memory_space<vmem>> -> memref<1x128x128xf32, #tpu.memory_space<vmem>>
          %dma_start3A_228 = tpu.memref_squeeze %dma_start3A_227 : memref<1x128x128xf32, #tpu.memory_space<vmem>> -> memref<128x128xf32, #tpu.memory_space<vmem>>
          %dma_start3A_229 = arith.constant 0 : i32
          %dma_start3A_230 = tpu.memref_slice %arg8[%run_scoped3A_223, %dma_start3A_229] : memref<8x128xi32, #tpu.memory_space<vmem>> -> memref<1x128xi32, #tpu.memory_space<vmem>>
          %dma_start3A_231 = tpu.memref_squeeze %dma_start3A_230 : memref<1x128xi32, #tpu.memory_space<vmem>> -> memref<128xi32, #tpu.memory_space<vmem>>
          %dma_start3A_232 = arith.constant 0 : i32
          %dma_start3A_233 = arith.constant 0 : i32
          %dma_start3A_234 = tpu.memref_slice %arg10[%dma_start3A_232, %dma_start3A_233] : memref<10112x128xf32, #tpu.memory_space<vmem_shared>> -> memref<10112x128xf32, #tpu.memory_space<vmem_shared>>
          tpu.enqueue_indirect_dma source(%dma_start3A_228 : memref<128x128xf32, #tpu.memory_space<vmem>>) target(%dma_start3A_234 : memref<10112x128xf32, #tpu.memory_space<vmem_shared>>) offsets(%dma_start3A_231 : memref<128xi32, #tpu.memory_space<vmem>>) semaphore(%run_scoped3A_224 : memref<!tpu.dma_semaphore, #tpu.memory_space<semaphore_mem>>) {add = true}
          %dma_wait3A_235 = arith.constant 0 : i32
          %dma_wait3A_236 = arith.constant 0 : i32
          %dma_wait3A_237 = tpu.memref_slice %arg9[%run_scoped3A_222, %dma_wait3A_235, %dma_wait3A_236] : memref<2x128x128xf32, #tpu.memory_space<vmem>> -> memref<1x128x128xf32, #tpu.memory_space<vmem>>
          %dma_wait3A_238 = tpu.memref_squeeze %dma_wait3A_237 : memref<1x128x128xf32, #tpu.memory_space<vmem>> -> memref<128x128xf32, #tpu.memory_space<vmem>>
          %dma_wait3A_239 = arith.constant 0 : i32
          %dma_wait3A_240 = tpu.memref_slice %arg8[%run_scoped3A_223, %dma_wait3A_239] : memref<8x128xi32, #tpu.memory_space<vmem>> -> memref<1x128xi32, #tpu.memory_space<vmem>>
          %dma_wait3A_241 = tpu.memref_squeeze %dma_wait3A_240 : memref<1x128xi32, #tpu.memory_space<vmem>> -> memref<128xi32, #tpu.memory_space<vmem>>
          %dma_wait3A_242 = arith.constant 0 : i32
          %dma_wait3A_243 = arith.constant 0 : i32
          %dma_wait3A_244 = tpu.memref_slice %arg10[%dma_wait3A_242, %dma_wait3A_243] : memref<10112x128xf32, #tpu.memory_space<vmem_shared>> -> memref<10112x128xf32, #tpu.memory_space<vmem_shared>>
          tpu.wait_indirect_dma semaphore(%run_scoped3A_224 : memref<!tpu.dma_semaphore, #tpu.memory_space<semaphore_mem>>) src(%dma_wait3A_238 : memref<128x128xf32, #tpu.memory_space<vmem>>) dst(%dma_wait3A_244 : memref<10112x128xf32, #tpu.memory_space<vmem_shared>>)
          tpu.yield
        }) : () -> ()
      }
      %scan3A_15 = arith.constant 18 : i32
    } else {
    }
    %eq3A_3 = arith.constant 1 : i32
    %eq3A_4 = arith.cmpi eq, %arg0, %eq3A_3 : i32
    %convert_element_type3A_5 = arith.extui %eq3A_4 : i1 to i32
    %cond3A_6 = arith.constant 0 : i32
    %cond3A_7 = arith.cmpi ne, %convert_element_type3A_5, %cond3A_6 : i32
    scf.if %cond3A_7 {
      %mul3A_9 = arith.constant 16 : i32
      %mul3A_10 = arith.muli %arg1, %mul3A_9 : i32
      %add3A = arith.constant 2304 : i32
      %add3A_11 = arith.addi %add3A, %mul3A_10 : i32
      %scan3A = arith.constant 0 : i32
      %scan3A_12 = arith.constant 0 : i32
      %scan3A_13 = arith.constant 2 : i32
      %scan3A_14 = arith.addi %scan3A_12, %scan3A_13 : i32
      %scan3A_15 = arith.constant 1 : i32
      scf.for %scan3A_17 = %scan3A_12 to %scan3A_14 step %scan3A_15  : i32 {
        %mul3A_18 = arith.constant 8 : i32
        %mul3A_19 = arith.muli %scan3A_17, %mul3A_18 : i32
        %add3A_20 = arith.addi %add3A_11, %mul3A_19 : i32
        "tpu.region"() ({
          %run_scoped3A_226 = tpu.sem_alloc : memref<!tpu.dma_semaphore, #tpu.memory_space<semaphore_mem>>
          %dma_start3A_227 = arith.constant 0 : i32
          %dma_start3A_228 = tpu.memref_slice %arg3[%add3A_20, %dma_start3A_227] : memref<2560x128xi32, #tpu.memory_space<hbm>> -> memref<8x128xi32, #tpu.memory_space<hbm>>
          %dma_start3A_229 = arith.constant 0 : i32
          %dma_start3A_230 = tpu.memref_slice %arg3[%add3A_20, %dma_start3A_229] : memref<2560x128xi32, #tpu.memory_space<hbm>> -> memref<8x128xi32, #tpu.memory_space<hbm>>
          tpu.enqueue_dma source(%dma_start3A_230 : memref<8x128xi32, #tpu.memory_space<hbm>>) target(%arg7 : memref<8x128xi32, #tpu.memory_space<vmem>>) target_semaphore(%run_scoped3A_226 : memref<!tpu.dma_semaphore, #tpu.memory_space<semaphore_mem>>)
          %dma_wait3A_231 = arith.constant 0 : i32
          %dma_wait3A_232 = tpu.memref_slice %arg3[%add3A_20, %dma_wait3A_231] : memref<2560x128xi32, #tpu.memory_space<hbm>> -> memref<8x128xi32, #tpu.memory_space<hbm>>
          %dma_wait3A_233 = arith.constant 0 : i32
          %dma_wait3A_234 = tpu.memref_slice %arg3[%add3A_20, %dma_wait3A_233] : memref<2560x128xi32, #tpu.memory_space<hbm>> -> memref<8x128xi32, #tpu.memory_space<hbm>>
          tpu.wait_dma2 semaphore(%run_scoped3A_226 : memref<!tpu.dma_semaphore, #tpu.memory_space<semaphore_mem>>) src(%dma_wait3A_234 : memref<8x128xi32, #tpu.memory_space<hbm>>) dst(%arg7 : memref<8x128xi32, #tpu.memory_space<vmem>>)
          tpu.yield
        }) : () -> ()
        "tpu.region"() ({
          %run_scoped3A_226 = tpu.sem_alloc : memref<!tpu.dma_semaphore, #tpu.memory_space<semaphore_mem>>
          %dma_start3A_227 = arith.constant 0 : i32
          %dma_start3A_228 = tpu.memref_slice %arg4[%add3A_20, %dma_start3A_227] : memref<2560x128xi32, #tpu.memory_space<hbm>> -> memref<8x128xi32, #tpu.memory_space<hbm>>
          %dma_start3A_229 = arith.constant 0 : i32
          %dma_start3A_230 = tpu.memref_slice %arg4[%add3A_20, %dma_start3A_229] : memref<2560x128xi32, #tpu.memory_space<hbm>> -> memref<8x128xi32, #tpu.memory_space<hbm>>
          tpu.enqueue_dma source(%dma_start3A_230 : memref<8x128xi32, #tpu.memory_space<hbm>>) target(%arg8 : memref<8x128xi32, #tpu.memory_space<vmem>>) target_semaphore(%run_scoped3A_226 : memref<!tpu.dma_semaphore, #tpu.memory_space<semaphore_mem>>)
          %dma_wait3A_231 = arith.constant 0 : i32
          %dma_wait3A_232 = tpu.memref_slice %arg4[%add3A_20, %dma_wait3A_231] : memref<2560x128xi32, #tpu.memory_space<hbm>> -> memref<8x128xi32, #tpu.memory_space<hbm>>
          %dma_wait3A_233 = arith.constant 0 : i32
          %dma_wait3A_234 = tpu.memref_slice %arg4[%add3A_20, %dma_wait3A_233] : memref<2560x128xi32, #tpu.memory_space<hbm>> -> memref<8x128xi32, #tpu.memory_space<hbm>>
          tpu.wait_dma2 semaphore(%run_scoped3A_226 : memref<!tpu.dma_semaphore, #tpu.memory_space<semaphore_mem>>) src(%dma_wait3A_234 : memref<8x128xi32, #tpu.memory_space<hbm>>) dst(%arg8 : memref<8x128xi32, #tpu.memory_space<vmem>>)
          tpu.yield
        }) : () -> ()
        %dma_start3A = arith.constant 0 : i32
        %dma_start3A_21 = arith.constant 0 : i32
        %dma_start3A_22 = arith.constant 0 : i32
        %dma_start3A_23 = arith.constant 0 : i32
        %dma_start3A_24 = tpu.memref_slice %arg9[%dma_start3A_21, %dma_start3A_22, %dma_start3A_23] : memref<2x128x128xf32, #tpu.memory_space<vmem>> -> memref<1x128x128xf32, #tpu.memory_space<vmem>>
        %dma_start3A_25 = tpu.memref_squeeze %dma_start3A_24 : memref<1x128x128xf32, #tpu.memory_space<vmem>> -> memref<128x128xf32, #tpu.memory_space<vmem>>
        %dma_start3A_26 = arith.constant 0 : i32
        %dma_start3A_27 = tpu.memref_slice %arg7[%dma_start3A, %dma_start3A_26] : memref<8x128xi32, #tpu.memory_space<vmem>> -> memref<1x128xi32, #tpu.memory_space<vmem>>
        %dma_start3A_28 = tpu.memref_squeeze %dma_start3A_27 : memref<1x128xi32, #tpu.memory_space<vmem>> -> memref<128xi32, #tpu.memory_space<vmem>>
        %dma_start3A_29 = arith.constant 0 : i32
        %dma_start3A_30 = arith.constant 0 : i32
        %dma_start3A_31 = tpu.memref_slice %arg2[%dma_start3A_29, %dma_start3A_30] : memref<10000x128xf32, #tpu.memory_space<hbm>> -> memref<10000x128xf32, #tpu.memory_space<hbm>>
        tpu.enqueue_indirect_dma source(%dma_start3A_31 : memref<10000x128xf32, #tpu.memory_space<hbm>>) target(%dma_start3A_25 : memref<128x128xf32, #tpu.memory_space<vmem>>) offsets(%dma_start3A_28 : memref<128xi32, #tpu.memory_space<vmem>>) semaphore(%arg11 : memref<!tpu.dma_semaphore, #tpu.memory_space<semaphore_mem>>)
        %dma_wait3A = arith.constant 0 : i32
        %dma_wait3A_32 = arith.constant 0 : i32
        %dma_wait3A_33 = arith.constant 0 : i32
        %dma_wait3A_34 = arith.constant 0 : i32
        %dma_wait3A_35 = tpu.memref_slice %arg9[%dma_wait3A_32, %dma_wait3A_33, %dma_wait3A_34] : memref<2x128x128xf32, #tpu.memory_space<vmem>> -> memref<1x128x128xf32, #tpu.memory_space<vmem>>
        %dma_wait3A_36 = tpu.memref_squeeze %dma_wait3A_35 : memref<1x128x128xf32, #tpu.memory_space<vmem>> -> memref<128x128xf32, #tpu.memory_space<vmem>>
        %dma_wait3A_37 = arith.constant 0 : i32
        %dma_wait3A_38 = tpu.memref_slice %arg7[%dma_wait3A, %dma_wait3A_37] : memref<8x128xi32, #tpu.memory_space<vmem>> -> memref<1x128xi32, #tpu.memory_space<vmem>>
        %dma_wait3A_39 = tpu.memref_squeeze %dma_wait3A_38 : memref<1x128xi32, #tpu.memory_space<vmem>> -> memref<128xi32, #tpu.memory_space<vmem>>
        %dma_wait3A_40 = arith.constant 0 : i32
        %dma_wait3A_41 = arith.constant 0 : i32
        %dma_wait3A_42 = tpu.memref_slice %arg2[%dma_wait3A_40, %dma_wait3A_41] : memref<10000x128xf32, #tpu.memory_space<hbm>> -> memref<10000x128xf32, #tpu.memory_space<hbm>>
        tpu.wait_indirect_dma semaphore(%arg11 : memref<!tpu.dma_semaphore, #tpu.memory_space<semaphore_mem>>) src(%dma_wait3A_42 : memref<10000x128xf32, #tpu.memory_space<hbm>>) dst(%dma_wait3A_36 : memref<128x128xf32, #tpu.memory_space<vmem>>)
        %dma_start3A_43 = arith.constant 1 : i32
        %dma_start3A_44 = arith.constant 1 : i32
        %dma_start3A_45 = arith.constant 0 : i32
        %dma_start3A_46 = arith.constant 0 : i32
        %dma_start3A_47 = tpu.memref_slice %arg9[%dma_start3A_44, %dma_start3A_45, %dma_start3A_46] : memref<2x128x128xf32, #tpu.memory_space<vmem>> -> memref<1x128x128xf32, #tpu.memory_space<vmem>>
        %dma_start3A_48 = tpu.memref_squeeze %dma_start3A_47 : memref<1x128x128xf32, #tpu.memory_space<vmem>> -> memref<128x128xf32, #tpu.memory_space<vmem>>
        %dma_start3A_49 = arith.constant 0 : i32
        %dma_start3A_50 = tpu.memref_slice %arg7[%dma_start3A_43, %dma_start3A_49] : memref<8x128xi32, #tpu.memory_space<vmem>> -> memref<1x128xi32, #tpu.memory_space<vmem>>
        %dma_start3A_51 = tpu.memref_squeeze %dma_start3A_50 : memref<1x128xi32, #tpu.memory_space<vmem>> -> memref<128xi32, #tpu.memory_space<vmem>>
        %dma_start3A_52 = arith.constant 0 : i32
        %dma_start3A_53 = arith.constant 0 : i32
        %dma_start3A_54 = tpu.memref_slice %arg2[%dma_start3A_52, %dma_start3A_53] : memref<10000x128xf32, #tpu.memory_space<hbm>> -> memref<10000x128xf32, #tpu.memory_space<hbm>>
        tpu.enqueue_indirect_dma source(%dma_start3A_54 : memref<10000x128xf32, #tpu.memory_space<hbm>>) target(%dma_start3A_48 : memref<128x128xf32, #tpu.memory_space<vmem>>) offsets(%dma_start3A_51 : memref<128xi32, #tpu.memory_space<vmem>>) semaphore(%arg11 : memref<!tpu.dma_semaphore, #tpu.memory_space<semaphore_mem>>)
        %run_scoped3A = arith.constant 0 : i32
        %run_scoped3A_55 = arith.constant 0 : i32
        "tpu.region"() ({
          %run_scoped3A_226 = tpu.sem_alloc : memref<!tpu.dma_semaphore, #tpu.memory_space<semaphore_mem>>
          %dma_start3A_227 = arith.constant 0 : i32
          %dma_start3A_228 = arith.constant 0 : i32
          %dma_start3A_229 = tpu.memref_slice %arg9[%run_scoped3A, %dma_start3A_227, %dma_start3A_228] : memref<2x128x128xf32, #tpu.memory_space<vmem>> -> memref<1x128x128xf32, #tpu.memory_space<vmem>>
          %dma_start3A_230 = tpu.memref_squeeze %dma_start3A_229 : memref<1x128x128xf32, #tpu.memory_space<vmem>> -> memref<128x128xf32, #tpu.memory_space<vmem>>
          %dma_start3A_231 = arith.constant 0 : i32
          %dma_start3A_232 = tpu.memref_slice %arg8[%run_scoped3A_55, %dma_start3A_231] : memref<8x128xi32, #tpu.memory_space<vmem>> -> memref<1x128xi32, #tpu.memory_space<vmem>>
          %dma_start3A_233 = tpu.memref_squeeze %dma_start3A_232 : memref<1x128xi32, #tpu.memory_space<vmem>> -> memref<128xi32, #tpu.memory_space<vmem>>
          %dma_start3A_234 = arith.constant 0 : i32
          %dma_start3A_235 = arith.constant 0 : i32
          %dma_start3A_236 = tpu.memref_slice %arg10[%dma_start3A_234, %dma_start3A_235] : memref<10112x128xf32, #tpu.memory_space<vmem_shared>> -> memref<10112x128xf32, #tpu.memory_space<vmem_shared>>
          tpu.enqueue_indirect_dma source(%dma_start3A_230 : memref<128x128xf32, #tpu.memory_space<vmem>>) target(%dma_start3A_236 : memref<10112x128xf32, #tpu.memory_space<vmem_shared>>) offsets(%dma_start3A_233 : memref<128xi32, #tpu.memory_space<vmem>>) semaphore(%run_scoped3A_226 : memref<!tpu.dma_semaphore, #tpu.memory_space<semaphore_mem>>) {add = true}
          %dma_wait3A_237 = arith.constant 0 : i32
          %dma_wait3A_238 = arith.constant 0 : i32
          %dma_wait3A_239 = tpu.memref_slice %arg9[%run_scoped3A, %dma_wait3A_237, %dma_wait3A_238] : memref<2x128x128xf32, #tpu.memory_space<vmem>> -> memref<1x128x128xf32, #tpu.memory_space<vmem>>
          %dma_wait3A_240 = tpu.memref_squeeze %dma_wait3A_239 : memref<1x128x128xf32, #tpu.memory_space<vmem>> -> memref<128x128xf32, #tpu.memory_space<vmem>>
          %dma_wait3A_241 = arith.constant 0 : i32
          %dma_wait3A_242 = tpu.memref_slice %arg8[%run_scoped3A_55, %dma_wait3A_241] : memref<8x128xi32, #tpu.memory_space<vmem>> -> memref<1x128xi32, #tpu.memory_space<vmem>>
          %dma_wait3A_243 = tpu.memref_squeeze %dma_wait3A_242 : memref<1x128xi32, #tpu.memory_space<vmem>> -> memref<128xi32, #tpu.memory_space<vmem>>
          %dma_wait3A_244 = arith.constant 0 : i32
          %dma_wait3A_245 = arith.constant 0 : i32
          %dma_wait3A_246 = tpu.memref_slice %arg10[%dma_wait3A_244, %dma_wait3A_245] : memref<10112x128xf32, #tpu.memory_space<vmem_shared>> -> memref<10112x128xf32, #tpu.memory_space<vmem_shared>>
          tpu.wait_indirect_dma semaphore(%run_scoped3A_226 : memref<!tpu.dma_semaphore, #tpu.memory_space<semaphore_mem>>) src(%dma_wait3A_240 : memref<128x128xf32, #tpu.memory_space<vmem>>) dst(%dma_wait3A_246 : memref<10112x128xf32, #tpu.memory_space<vmem_shared>>)
          tpu.yield
        }) : () -> ()
        %dma_wait3A_56 = arith.constant 1 : i32
        %dma_wait3A_57 = arith.constant 1 : i32
        %dma_wait3A_58 = arith.constant 0 : i32
        %dma_wait3A_59 = arith.constant 0 : i32
        %dma_wait3A_60 = tpu.memref_slice %arg9[%dma_wait3A_57, %dma_wait3A_58, %dma_wait3A_59] : memref<2x128x128xf32, #tpu.memory_space<vmem>> -> memref<1x128x128xf32, #tpu.memory_space<vmem>>
        %dma_wait3A_61 = tpu.memref_squeeze %dma_wait3A_60 : memref<1x128x128xf32, #tpu.memory_space<vmem>> -> memref<128x128xf32, #tpu.memory_space<vmem>>
        %dma_wait3A_62 = arith.constant 0 : i32
        %dma_wait3A_63 = tpu.memref_slice %arg7[%dma_wait3A_56, %dma_wait3A_62] : memref<8x128xi32, #tpu.memory_space<vmem>> -> memref<1x128xi32, #tpu.memory_space<vmem>>
        %dma_wait3A_64 = tpu.memref_squeeze %dma_wait3A_63 : memref<1x128xi32, #tpu.memory_space<vmem>> -> memref<128xi32, #tpu.memory_space<vmem>>
        %dma_wait3A_65 = arith.constant 0 : i32
        %dma_wait3A_66 = arith.constant 0 : i32
        %dma_wait3A_67 = tpu.memref_slice %arg2[%dma_wait3A_65, %dma_wait3A_66] : memref<10000x128xf32, #tpu.memory_space<hbm>> -> memref<10000x128xf32, #tpu.memory_space<hbm>>
        tpu.wait_indirect_dma semaphore(%arg11 : memref<!tpu.dma_semaphore, #tpu.memory_space<semaphore_mem>>) src(%dma_wait3A_67 : memref<10000x128xf32, #tpu.memory_space<hbm>>) dst(%dma_wait3A_61 : memref<128x128xf32, #tpu.memory_space<vmem>>)
        %dma_start3A_68 = arith.constant 2 : i32
        %dma_start3A_69 = arith.constant 0 : i32
        %dma_start3A_70 = arith.constant 0 : i32
        %dma_start3A_71 = arith.constant 0 : i32
        %dma_start3A_72 = tpu.memref_slice %arg9[%dma_start3A_69, %dma_start3A_70, %dma_start3A_71] : memref<2x128x128xf32, #tpu.memory_space<vmem>> -> memref<1x128x128xf32, #tpu.memory_space<vmem>>
        %dma_start3A_73 = tpu.memref_squeeze %dma_start3A_72 : memref<1x128x128xf32, #tpu.memory_space<vmem>> -> memref<128x128xf32, #tpu.memory_space<vmem>>
        %dma_start3A_74 = arith.constant 0 : i32
        %dma_start3A_75 = tpu.memref_slice %arg7[%dma_start3A_68, %dma_start3A_74] : memref<8x128xi32, #tpu.memory_space<vmem>> -> memref<1x128xi32, #tpu.memory_space<vmem>>
        %dma_start3A_76 = tpu.memref_squeeze %dma_start3A_75 : memref<1x128xi32, #tpu.memory_space<vmem>> -> memref<128xi32, #tpu.memory_space<vmem>>
        %dma_start3A_77 = arith.constant 0 : i32
        %dma_start3A_78 = arith.constant 0 : i32
        %dma_start3A_79 = tpu.memref_slice %arg2[%dma_start3A_77, %dma_start3A_78] : memref<10000x128xf32, #tpu.memory_space<hbm>> -> memref<10000x128xf32, #tpu.memory_space<hbm>>
        tpu.enqueue_indirect_dma source(%dma_start3A_79 : memref<10000x128xf32, #tpu.memory_space<hbm>>) target(%dma_start3A_73 : memref<128x128xf32, #tpu.memory_space<vmem>>) offsets(%dma_start3A_76 : memref<128xi32, #tpu.memory_space<vmem>>) semaphore(%arg11 : memref<!tpu.dma_semaphore, #tpu.memory_space<semaphore_mem>>)
        %run_scoped3A_80 = arith.constant 1 : i32
        %run_scoped3A_81 = arith.constant 1 : i32
        "tpu.region"() ({
          %run_scoped3A_226 = tpu.sem_alloc : memref<!tpu.dma_semaphore, #tpu.memory_space<semaphore_mem>>
          %dma_start3A_227 = arith.constant 0 : i32
          %dma_start3A_228 = arith.constant 0 : i32
          %dma_start3A_229 = tpu.memref_slice %arg9[%run_scoped3A_80, %dma_start3A_227, %dma_start3A_228] : memref<2x128x128xf32, #tpu.memory_space<vmem>> -> memref<1x128x128xf32, #tpu.memory_space<vmem>>
          %dma_start3A_230 = tpu.memref_squeeze %dma_start3A_229 : memref<1x128x128xf32, #tpu.memory_space<vmem>> -> memref<128x128xf32, #tpu.memory_space<vmem>>
          %dma_start3A_231 = arith.constant 0 : i32
          %dma_start3A_232 = tpu.memref_slice %arg8[%run_scoped3A_81, %dma_start3A_231] : memref<8x128xi32, #tpu.memory_space<vmem>> -> memref<1x128xi32, #tpu.memory_space<vmem>>
          %dma_start3A_233 = tpu.memref_squeeze %dma_start3A_232 : memref<1x128xi32, #tpu.memory_space<vmem>> -> memref<128xi32, #tpu.memory_space<vmem>>
          %dma_start3A_234 = arith.constant 0 : i32
          %dma_start3A_235 = arith.constant 0 : i32
          %dma_start3A_236 = tpu.memref_slice %arg10[%dma_start3A_234, %dma_start3A_235] : memref<10112x128xf32, #tpu.memory_space<vmem_shared>> -> memref<10112x128xf32, #tpu.memory_space<vmem_shared>>
          tpu.enqueue_indirect_dma source(%dma_start3A_230 : memref<128x128xf32, #tpu.memory_space<vmem>>) target(%dma_start3A_236 : memref<10112x128xf32, #tpu.memory_space<vmem_shared>>) offsets(%dma_start3A_233 : memref<128xi32, #tpu.memory_space<vmem>>) semaphore(%run_scoped3A_226 : memref<!tpu.dma_semaphore, #tpu.memory_space<semaphore_mem>>) {add = true}
          %dma_wait3A_237 = arith.constant 0 : i32
          %dma_wait3A_238 = arith.constant 0 : i32
          %dma_wait3A_239 = tpu.memref_slice %arg9[%run_scoped3A_80, %dma_wait3A_237, %dma_wait3A_238] : memref<2x128x128xf32, #tpu.memory_space<vmem>> -> memref<1x128x128xf32, #tpu.memory_space<vmem>>
          %dma_wait3A_240 = tpu.memref_squeeze %dma_wait3A_239 : memref<1x128x128xf32, #tpu.memory_space<vmem>> -> memref<128x128xf32, #tpu.memory_space<vmem>>
          %dma_wait3A_241 = arith.constant 0 : i32
          %dma_wait3A_242 = tpu.memref_slice %arg8[%run_scoped3A_81, %dma_wait3A_241] : memref<8x128xi32, #tpu.memory_space<vmem>> -> memref<1x128xi32, #tpu.memory_space<vmem>>
          %dma_wait3A_243 = tpu.memref_squeeze %dma_wait3A_242 : memref<1x128xi32, #tpu.memory_space<vmem>> -> memref<128xi32, #tpu.memory_space<vmem>>
          %dma_wait3A_244 = arith.constant 0 : i32
          %dma_wait3A_245 = arith.constant 0 : i32
          %dma_wait3A_246 = tpu.memref_slice %arg10[%dma_wait3A_244, %dma_wait3A_245] : memref<10112x128xf32, #tpu.memory_space<vmem_shared>> -> memref<10112x128xf32, #tpu.memory_space<vmem_shared>>
          tpu.wait_indirect_dma semaphore(%run_scoped3A_226 : memref<!tpu.dma_semaphore, #tpu.memory_space<semaphore_mem>>) src(%dma_wait3A_240 : memref<128x128xf32, #tpu.memory_space<vmem>>) dst(%dma_wait3A_246 : memref<10112x128xf32, #tpu.memory_space<vmem_shared>>)
          tpu.yield
        }) : () -> ()
        %dma_wait3A_82 = arith.constant 2 : i32
        %dma_wait3A_83 = arith.constant 0 : i32
        %dma_wait3A_84 = arith.constant 0 : i32
        %dma_wait3A_85 = arith.constant 0 : i32
        %dma_wait3A_86 = tpu.memref_slice %arg9[%dma_wait3A_83, %dma_wait3A_84, %dma_wait3A_85] : memref<2x128x128xf32, #tpu.memory_space<vmem>> -> memref<1x128x128xf32, #tpu.memory_space<vmem>>
        %dma_wait3A_87 = tpu.memref_squeeze %dma_wait3A_86 : memref<1x128x128xf32, #tpu.memory_space<vmem>> -> memref<128x128xf32, #tpu.memory_space<vmem>>
        %dma_wait3A_88 = arith.constant 0 : i32
        %dma_wait3A_89 = tpu.memref_slice %arg7[%dma_wait3A_82, %dma_wait3A_88] : memref<8x128xi32, #tpu.memory_space<vmem>> -> memref<1x128xi32, #tpu.memory_space<vmem>>
        %dma_wait3A_90 = tpu.memref_squeeze %dma_wait3A_89 : memref<1x128xi32, #tpu.memory_space<vmem>> -> memref<128xi32, #tpu.memory_space<vmem>>
        %dma_wait3A_91 = arith.constant 0 : i32
        %dma_wait3A_92 = arith.constant 0 : i32
        %dma_wait3A_93 = tpu.memref_slice %arg2[%dma_wait3A_91, %dma_wait3A_92] : memref<10000x128xf32, #tpu.memory_space<hbm>> -> memref<10000x128xf32, #tpu.memory_space<hbm>>
        tpu.wait_indirect_dma semaphore(%arg11 : memref<!tpu.dma_semaphore, #tpu.memory_space<semaphore_mem>>) src(%dma_wait3A_93 : memref<10000x128xf32, #tpu.memory_space<hbm>>) dst(%dma_wait3A_87 : memref<128x128xf32, #tpu.memory_space<vmem>>)
        %dma_start3A_94 = arith.constant 3 : i32
        %dma_start3A_95 = arith.constant 1 : i32
        %dma_start3A_96 = arith.constant 0 : i32
        %dma_start3A_97 = arith.constant 0 : i32
        %dma_start3A_98 = tpu.memref_slice %arg9[%dma_start3A_95, %dma_start3A_96, %dma_start3A_97] : memref<2x128x128xf32, #tpu.memory_space<vmem>> -> memref<1x128x128xf32, #tpu.memory_space<vmem>>
        %dma_start3A_99 = tpu.memref_squeeze %dma_start3A_98 : memref<1x128x128xf32, #tpu.memory_space<vmem>> -> memref<128x128xf32, #tpu.memory_space<vmem>>
        %dma_start3A_100 = arith.constant 0 : i32
        %dma_start3A_101 = tpu.memref_slice %arg7[%dma_start3A_94, %dma_start3A_100] : memref<8x128xi32, #tpu.memory_space<vmem>> -> memref<1x128xi32, #tpu.memory_space<vmem>>
        %dma_start3A_102 = tpu.memref_squeeze %dma_start3A_101 : memref<1x128xi32, #tpu.memory_space<vmem>> -> memref<128xi32, #tpu.memory_space<vmem>>
        %dma_start3A_103 = arith.constant 0 : i32
        %dma_start3A_104 = arith.constant 0 : i32
        %dma_start3A_105 = tpu.memref_slice %arg2[%dma_start3A_103, %dma_start3A_104] : memref<10000x128xf32, #tpu.memory_space<hbm>> -> memref<10000x128xf32, #tpu.memory_space<hbm>>
        tpu.enqueue_indirect_dma source(%dma_start3A_105 : memref<10000x128xf32, #tpu.memory_space<hbm>>) target(%dma_start3A_99 : memref<128x128xf32, #tpu.memory_space<vmem>>) offsets(%dma_start3A_102 : memref<128xi32, #tpu.memory_space<vmem>>) semaphore(%arg11 : memref<!tpu.dma_semaphore, #tpu.memory_space<semaphore_mem>>)
        %run_scoped3A_106 = arith.constant 0 : i32
        %run_scoped3A_107 = arith.constant 2 : i32
        "tpu.region"() ({
          %run_scoped3A_226 = tpu.sem_alloc : memref<!tpu.dma_semaphore, #tpu.memory_space<semaphore_mem>>
          %dma_start3A_227 = arith.constant 0 : i32
          %dma_start3A_228 = arith.constant 0 : i32
          %dma_start3A_229 = tpu.memref_slice %arg9[%run_scoped3A_106, %dma_start3A_227, %dma_start3A_228] : memref<2x128x128xf32, #tpu.memory_space<vmem>> -> memref<1x128x128xf32, #tpu.memory_space<vmem>>
          %dma_start3A_230 = tpu.memref_squeeze %dma_start3A_229 : memref<1x128x128xf32, #tpu.memory_space<vmem>> -> memref<128x128xf32, #tpu.memory_space<vmem>>
          %dma_start3A_231 = arith.constant 0 : i32
          %dma_start3A_232 = tpu.memref_slice %arg8[%run_scoped3A_107, %dma_start3A_231] : memref<8x128xi32, #tpu.memory_space<vmem>> -> memref<1x128xi32, #tpu.memory_space<vmem>>
          %dma_start3A_233 = tpu.memref_squeeze %dma_start3A_232 : memref<1x128xi32, #tpu.memory_space<vmem>> -> memref<128xi32, #tpu.memory_space<vmem>>
          %dma_start3A_234 = arith.constant 0 : i32
          %dma_start3A_235 = arith.constant 0 : i32
          %dma_start3A_236 = tpu.memref_slice %arg10[%dma_start3A_234, %dma_start3A_235] : memref<10112x128xf32, #tpu.memory_space<vmem_shared>> -> memref<10112x128xf32, #tpu.memory_space<vmem_shared>>
          tpu.enqueue_indirect_dma source(%dma_start3A_230 : memref<128x128xf32, #tpu.memory_space<vmem>>) target(%dma_start3A_236 : memref<10112x128xf32, #tpu.memory_space<vmem_shared>>) offsets(%dma_start3A_233 : memref<128xi32, #tpu.memory_space<vmem>>) semaphore(%run_scoped3A_226 : memref<!tpu.dma_semaphore, #tpu.memory_space<semaphore_mem>>) {add = true}
          %dma_wait3A_237 = arith.constant 0 : i32
          %dma_wait3A_238 = arith.constant 0 : i32
          %dma_wait3A_239 = tpu.memref_slice %arg9[%run_scoped3A_106, %dma_wait3A_237, %dma_wait3A_238] : memref<2x128x128xf32, #tpu.memory_space<vmem>> -> memref<1x128x128xf32, #tpu.memory_space<vmem>>
          %dma_wait3A_240 = tpu.memref_squeeze %dma_wait3A_239 : memref<1x128x128xf32, #tpu.memory_space<vmem>> -> memref<128x128xf32, #tpu.memory_space<vmem>>
          %dma_wait3A_241 = arith.constant 0 : i32
          %dma_wait3A_242 = tpu.memref_slice %arg8[%run_scoped3A_107, %dma_wait3A_241] : memref<8x128xi32, #tpu.memory_space<vmem>> -> memref<1x128xi32, #tpu.memory_space<vmem>>
          %dma_wait3A_243 = tpu.memref_squeeze %dma_wait3A_242 : memref<1x128xi32, #tpu.memory_space<vmem>> -> memref<128xi32, #tpu.memory_space<vmem>>
          %dma_wait3A_244 = arith.constant 0 : i32
          %dma_wait3A_245 = arith.constant 0 : i32
          %dma_wait3A_246 = tpu.memref_slice %arg10[%dma_wait3A_244, %dma_wait3A_245] : memref<10112x128xf32, #tpu.memory_space<vmem_shared>> -> memref<10112x128xf32, #tpu.memory_space<vmem_shared>>
          tpu.wait_indirect_dma semaphore(%run_scoped3A_226 : memref<!tpu.dma_semaphore, #tpu.memory_space<semaphore_mem>>) src(%dma_wait3A_240 : memref<128x128xf32, #tpu.memory_space<vmem>>) dst(%dma_wait3A_246 : memref<10112x128xf32, #tpu.memory_space<vmem_shared>>)
          tpu.yield
        }) : () -> ()
        %dma_wait3A_108 = arith.constant 3 : i32
        %dma_wait3A_109 = arith.constant 1 : i32
        %dma_wait3A_110 = arith.constant 0 : i32
        %dma_wait3A_111 = arith.constant 0 : i32
        %dma_wait3A_112 = tpu.memref_slice %arg9[%dma_wait3A_109, %dma_wait3A_110, %dma_wait3A_111] : memref<2x128x128xf32, #tpu.memory_space<vmem>> -> memref<1x128x128xf32, #tpu.memory_space<vmem>>
        %dma_wait3A_113 = tpu.memref_squeeze %dma_wait3A_112 : memref<1x128x128xf32, #tpu.memory_space<vmem>> -> memref<128x128xf32, #tpu.memory_space<vmem>>
        %dma_wait3A_114 = arith.constant 0 : i32
        %dma_wait3A_115 = tpu.memref_slice %arg7[%dma_wait3A_108, %dma_wait3A_114] : memref<8x128xi32, #tpu.memory_space<vmem>> -> memref<1x128xi32, #tpu.memory_space<vmem>>
        %dma_wait3A_116 = tpu.memref_squeeze %dma_wait3A_115 : memref<1x128xi32, #tpu.memory_space<vmem>> -> memref<128xi32, #tpu.memory_space<vmem>>
        %dma_wait3A_117 = arith.constant 0 : i32
        %dma_wait3A_118 = arith.constant 0 : i32
        %dma_wait3A_119 = tpu.memref_slice %arg2[%dma_wait3A_117, %dma_wait3A_118] : memref<10000x128xf32, #tpu.memory_space<hbm>> -> memref<10000x128xf32, #tpu.memory_space<hbm>>
        tpu.wait_indirect_dma semaphore(%arg11 : memref<!tpu.dma_semaphore, #tpu.memory_space<semaphore_mem>>) src(%dma_wait3A_119 : memref<10000x128xf32, #tpu.memory_space<hbm>>) dst(%dma_wait3A_113 : memref<128x128xf32, #tpu.memory_space<vmem>>)
        %dma_start3A_120 = arith.constant 4 : i32
        %dma_start3A_121 = arith.constant 0 : i32
        %dma_start3A_122 = arith.constant 0 : i32
        %dma_start3A_123 = arith.constant 0 : i32
        %dma_start3A_124 = tpu.memref_slice %arg9[%dma_start3A_121, %dma_start3A_122, %dma_start3A_123] : memref<2x128x128xf32, #tpu.memory_space<vmem>> -> memref<1x128x128xf32, #tpu.memory_space<vmem>>
        %dma_start3A_125 = tpu.memref_squeeze %dma_start3A_124 : memref<1x128x128xf32, #tpu.memory_space<vmem>> -> memref<128x128xf32, #tpu.memory_space<vmem>>
        %dma_start3A_126 = arith.constant 0 : i32
        %dma_start3A_127 = tpu.memref_slice %arg7[%dma_start3A_120, %dma_start3A_126] : memref<8x128xi32, #tpu.memory_space<vmem>> -> memref<1x128xi32, #tpu.memory_space<vmem>>
        %dma_start3A_128 = tpu.memref_squeeze %dma_start3A_127 : memref<1x128xi32, #tpu.memory_space<vmem>> -> memref<128xi32, #tpu.memory_space<vmem>>
        %dma_start3A_129 = arith.constant 0 : i32
        %dma_start3A_130 = arith.constant 0 : i32
        %dma_start3A_131 = tpu.memref_slice %arg2[%dma_start3A_129, %dma_start3A_130] : memref<10000x128xf32, #tpu.memory_space<hbm>> -> memref<10000x128xf32, #tpu.memory_space<hbm>>
        tpu.enqueue_indirect_dma source(%dma_start3A_131 : memref<10000x128xf32, #tpu.memory_space<hbm>>) target(%dma_start3A_125 : memref<128x128xf32, #tpu.memory_space<vmem>>) offsets(%dma_start3A_128 : memref<128xi32, #tpu.memory_space<vmem>>) semaphore(%arg11 : memref<!tpu.dma_semaphore, #tpu.memory_space<semaphore_mem>>)
        %run_scoped3A_132 = arith.constant 1 : i32
        %run_scoped3A_133 = arith.constant 3 : i32
        "tpu.region"() ({
          %run_scoped3A_226 = tpu.sem_alloc : memref<!tpu.dma_semaphore, #tpu.memory_space<semaphore_mem>>
          %dma_start3A_227 = arith.constant 0 : i32
          %dma_start3A_228 = arith.constant 0 : i32
          %dma_start3A_229 = tpu.memref_slice %arg9[%run_scoped3A_132, %dma_start3A_227, %dma_start3A_228] : memref<2x128x128xf32, #tpu.memory_space<vmem>> -> memref<1x128x128xf32, #tpu.memory_space<vmem>>
          %dma_start3A_230 = tpu.memref_squeeze %dma_start3A_229 : memref<1x128x128xf32, #tpu.memory_space<vmem>> -> memref<128x128xf32, #tpu.memory_space<vmem>>
          %dma_start3A_231 = arith.constant 0 : i32
          %dma_start3A_232 = tpu.memref_slice %arg8[%run_scoped3A_133, %dma_start3A_231] : memref<8x128xi32, #tpu.memory_space<vmem>> -> memref<1x128xi32, #tpu.memory_space<vmem>>
          %dma_start3A_233 = tpu.memref_squeeze %dma_start3A_232 : memref<1x128xi32, #tpu.memory_space<vmem>> -> memref<128xi32, #tpu.memory_space<vmem>>
          %dma_start3A_234 = arith.constant 0 : i32
          %dma_start3A_235 = arith.constant 0 : i32
          %dma_start3A_236 = tpu.memref_slice %arg10[%dma_start3A_234, %dma_start3A_235] : memref<10112x128xf32, #tpu.memory_space<vmem_shared>> -> memref<10112x128xf32, #tpu.memory_space<vmem_shared>>
          tpu.enqueue_indirect_dma source(%dma_start3A_230 : memref<128x128xf32, #tpu.memory_space<vmem>>) target(%dma_start3A_236 : memref<10112x128xf32, #tpu.memory_space<vmem_shared>>) offsets(%dma_start3A_233 : memref<128xi32, #tpu.memory_space<vmem>>) semaphore(%run_scoped3A_226 : memref<!tpu.dma_semaphore, #tpu.memory_space<semaphore_mem>>) {add = true}
          %dma_wait3A_237 = arith.constant 0 : i32
          %dma_wait3A_238 = arith.constant 0 : i32
          %dma_wait3A_239 = tpu.memref_slice %arg9[%run_scoped3A_132, %dma_wait3A_237, %dma_wait3A_238] : memref<2x128x128xf32, #tpu.memory_space<vmem>> -> memref<1x128x128xf32, #tpu.memory_space<vmem>>
          %dma_wait3A_240 = tpu.memref_squeeze %dma_wait3A_239 : memref<1x128x128xf32, #tpu.memory_space<vmem>> -> memref<128x128xf32, #tpu.memory_space<vmem>>
          %dma_wait3A_241 = arith.constant 0 : i32
          %dma_wait3A_242 = tpu.memref_slice %arg8[%run_scoped3A_133, %dma_wait3A_241] : memref<8x128xi32, #tpu.memory_space<vmem>> -> memref<1x128xi32, #tpu.memory_space<vmem>>
          %dma_wait3A_243 = tpu.memref_squeeze %dma_wait3A_242 : memref<1x128xi32, #tpu.memory_space<vmem>> -> memref<128xi32, #tpu.memory_space<vmem>>
          %dma_wait3A_244 = arith.constant 0 : i32
          %dma_wait3A_245 = arith.constant 0 : i32
          %dma_wait3A_246 = tpu.memref_slice %arg10[%dma_wait3A_244, %dma_wait3A_245] : memref<10112x128xf32, #tpu.memory_space<vmem_shared>> -> memref<10112x128xf32, #tpu.memory_space<vmem_shared>>
          tpu.wait_indirect_dma semaphore(%run_scoped3A_226 : memref<!tpu.dma_semaphore, #tpu.memory_space<semaphore_mem>>) src(%dma_wait3A_240 : memref<128x128xf32, #tpu.memory_space<vmem>>) dst(%dma_wait3A_246 : memref<10112x128xf32, #tpu.memory_space<vmem_shared>>)
          tpu.yield
        }) : () -> ()
        %dma_wait3A_134 = arith.constant 4 : i32
        %dma_wait3A_135 = arith.constant 0 : i32
        %dma_wait3A_136 = arith.constant 0 : i32
        %dma_wait3A_137 = arith.constant 0 : i32
        %dma_wait3A_138 = tpu.memref_slice %arg9[%dma_wait3A_135, %dma_wait3A_136, %dma_wait3A_137] : memref<2x128x128xf32, #tpu.memory_space<vmem>> -> memref<1x128x128xf32, #tpu.memory_space<vmem>>
        %dma_wait3A_139 = tpu.memref_squeeze %dma_wait3A_138 : memref<1x128x128xf32, #tpu.memory_space<vmem>> -> memref<128x128xf32, #tpu.memory_space<vmem>>
        %dma_wait3A_140 = arith.constant 0 : i32
        %dma_wait3A_141 = tpu.memref_slice %arg7[%dma_wait3A_134, %dma_wait3A_140] : memref<8x128xi32, #tpu.memory_space<vmem>> -> memref<1x128xi32, #tpu.memory_space<vmem>>
        %dma_wait3A_142 = tpu.memref_squeeze %dma_wait3A_141 : memref<1x128xi32, #tpu.memory_space<vmem>> -> memref<128xi32, #tpu.memory_space<vmem>>
        %dma_wait3A_143 = arith.constant 0 : i32
        %dma_wait3A_144 = arith.constant 0 : i32
        %dma_wait3A_145 = tpu.memref_slice %arg2[%dma_wait3A_143, %dma_wait3A_144] : memref<10000x128xf32, #tpu.memory_space<hbm>> -> memref<10000x128xf32, #tpu.memory_space<hbm>>
        tpu.wait_indirect_dma semaphore(%arg11 : memref<!tpu.dma_semaphore, #tpu.memory_space<semaphore_mem>>) src(%dma_wait3A_145 : memref<10000x128xf32, #tpu.memory_space<hbm>>) dst(%dma_wait3A_139 : memref<128x128xf32, #tpu.memory_space<vmem>>)
        %dma_start3A_146 = arith.constant 5 : i32
        %dma_start3A_147 = arith.constant 1 : i32
        %dma_start3A_148 = arith.constant 0 : i32
        %dma_start3A_149 = arith.constant 0 : i32
        %dma_start3A_150 = tpu.memref_slice %arg9[%dma_start3A_147, %dma_start3A_148, %dma_start3A_149] : memref<2x128x128xf32, #tpu.memory_space<vmem>> -> memref<1x128x128xf32, #tpu.memory_space<vmem>>
        %dma_start3A_151 = tpu.memref_squeeze %dma_start3A_150 : memref<1x128x128xf32, #tpu.memory_space<vmem>> -> memref<128x128xf32, #tpu.memory_space<vmem>>
        %dma_start3A_152 = arith.constant 0 : i32
        %dma_start3A_153 = tpu.memref_slice %arg7[%dma_start3A_146, %dma_start3A_152] : memref<8x128xi32, #tpu.memory_space<vmem>> -> memref<1x128xi32, #tpu.memory_space<vmem>>
        %dma_start3A_154 = tpu.memref_squeeze %dma_start3A_153 : memref<1x128xi32, #tpu.memory_space<vmem>> -> memref<128xi32, #tpu.memory_space<vmem>>
        %dma_start3A_155 = arith.constant 0 : i32
        %dma_start3A_156 = arith.constant 0 : i32
        %dma_start3A_157 = tpu.memref_slice %arg2[%dma_start3A_155, %dma_start3A_156] : memref<10000x128xf32, #tpu.memory_space<hbm>> -> memref<10000x128xf32, #tpu.memory_space<hbm>>
        tpu.enqueue_indirect_dma source(%dma_start3A_157 : memref<10000x128xf32, #tpu.memory_space<hbm>>) target(%dma_start3A_151 : memref<128x128xf32, #tpu.memory_space<vmem>>) offsets(%dma_start3A_154 : memref<128xi32, #tpu.memory_space<vmem>>) semaphore(%arg11 : memref<!tpu.dma_semaphore, #tpu.memory_space<semaphore_mem>>)
        %run_scoped3A_158 = arith.constant 0 : i32
        %run_scoped3A_159 = arith.constant 4 : i32
        "tpu.region"() ({
          %run_scoped3A_226 = tpu.sem_alloc : memref<!tpu.dma_semaphore, #tpu.memory_space<semaphore_mem>>
          %dma_start3A_227 = arith.constant 0 : i32
          %dma_start3A_228 = arith.constant 0 : i32
          %dma_start3A_229 = tpu.memref_slice %arg9[%run_scoped3A_158, %dma_start3A_227, %dma_start3A_228] : memref<2x128x128xf32, #tpu.memory_space<vmem>> -> memref<1x128x128xf32, #tpu.memory_space<vmem>>
          %dma_start3A_230 = tpu.memref_squeeze %dma_start3A_229 : memref<1x128x128xf32, #tpu.memory_space<vmem>> -> memref<128x128xf32, #tpu.memory_space<vmem>>
          %dma_start3A_231 = arith.constant 0 : i32
          %dma_start3A_232 = tpu.memref_slice %arg8[%run_scoped3A_159, %dma_start3A_231] : memref<8x128xi32, #tpu.memory_space<vmem>> -> memref<1x128xi32, #tpu.memory_space<vmem>>
          %dma_start3A_233 = tpu.memref_squeeze %dma_start3A_232 : memref<1x128xi32, #tpu.memory_space<vmem>> -> memref<128xi32, #tpu.memory_space<vmem>>
          %dma_start3A_234 = arith.constant 0 : i32
          %dma_start3A_235 = arith.constant 0 : i32
          %dma_start3A_236 = tpu.memref_slice %arg10[%dma_start3A_234, %dma_start3A_235] : memref<10112x128xf32, #tpu.memory_space<vmem_shared>> -> memref<10112x128xf32, #tpu.memory_space<vmem_shared>>
          tpu.enqueue_indirect_dma source(%dma_start3A_230 : memref<128x128xf32, #tpu.memory_space<vmem>>) target(%dma_start3A_236 : memref<10112x128xf32, #tpu.memory_space<vmem_shared>>) offsets(%dma_start3A_233 : memref<128xi32, #tpu.memory_space<vmem>>) semaphore(%run_scoped3A_226 : memref<!tpu.dma_semaphore, #tpu.memory_space<semaphore_mem>>) {add = true}
          %dma_wait3A_237 = arith.constant 0 : i32
          %dma_wait3A_238 = arith.constant 0 : i32
          %dma_wait3A_239 = tpu.memref_slice %arg9[%run_scoped3A_158, %dma_wait3A_237, %dma_wait3A_238] : memref<2x128x128xf32, #tpu.memory_space<vmem>> -> memref<1x128x128xf32, #tpu.memory_space<vmem>>
          %dma_wait3A_240 = tpu.memref_squeeze %dma_wait3A_239 : memref<1x128x128xf32, #tpu.memory_space<vmem>> -> memref<128x128xf32, #tpu.memory_space<vmem>>
          %dma_wait3A_241 = arith.constant 0 : i32
          %dma_wait3A_242 = tpu.memref_slice %arg8[%run_scoped3A_159, %dma_wait3A_241] : memref<8x128xi32, #tpu.memory_space<vmem>> -> memref<1x128xi32, #tpu.memory_space<vmem>>
          %dma_wait3A_243 = tpu.memref_squeeze %dma_wait3A_242 : memref<1x128xi32, #tpu.memory_space<vmem>> -> memref<128xi32, #tpu.memory_space<vmem>>
          %dma_wait3A_244 = arith.constant 0 : i32
          %dma_wait3A_245 = arith.constant 0 : i32
          %dma_wait3A_246 = tpu.memref_slice %arg10[%dma_wait3A_244, %dma_wait3A_245] : memref<10112x128xf32, #tpu.memory_space<vmem_shared>> -> memref<10112x128xf32, #tpu.memory_space<vmem_shared>>
          tpu.wait_indirect_dma semaphore(%run_scoped3A_226 : memref<!tpu.dma_semaphore, #tpu.memory_space<semaphore_mem>>) src(%dma_wait3A_240 : memref<128x128xf32, #tpu.memory_space<vmem>>) dst(%dma_wait3A_246 : memref<10112x128xf32, #tpu.memory_space<vmem_shared>>)
          tpu.yield
        }) : () -> ()
        %dma_wait3A_160 = arith.constant 5 : i32
        %dma_wait3A_161 = arith.constant 1 : i32
        %dma_wait3A_162 = arith.constant 0 : i32
        %dma_wait3A_163 = arith.constant 0 : i32
        %dma_wait3A_164 = tpu.memref_slice %arg9[%dma_wait3A_161, %dma_wait3A_162, %dma_wait3A_163] : memref<2x128x128xf32, #tpu.memory_space<vmem>> -> memref<1x128x128xf32, #tpu.memory_space<vmem>>
        %dma_wait3A_165 = tpu.memref_squeeze %dma_wait3A_164 : memref<1x128x128xf32, #tpu.memory_space<vmem>> -> memref<128x128xf32, #tpu.memory_space<vmem>>
        %dma_wait3A_166 = arith.constant 0 : i32
        %dma_wait3A_167 = tpu.memref_slice %arg7[%dma_wait3A_160, %dma_wait3A_166] : memref<8x128xi32, #tpu.memory_space<vmem>> -> memref<1x128xi32, #tpu.memory_space<vmem>>
        %dma_wait3A_168 = tpu.memref_squeeze %dma_wait3A_167 : memref<1x128xi32, #tpu.memory_space<vmem>> -> memref<128xi32, #tpu.memory_space<vmem>>
        %dma_wait3A_169 = arith.constant 0 : i32
        %dma_wait3A_170 = arith.constant 0 : i32
        %dma_wait3A_171 = tpu.memref_slice %arg2[%dma_wait3A_169, %dma_wait3A_170] : memref<10000x128xf32, #tpu.memory_space<hbm>> -> memref<10000x128xf32, #tpu.memory_space<hbm>>
        tpu.wait_indirect_dma semaphore(%arg11 : memref<!tpu.dma_semaphore, #tpu.memory_space<semaphore_mem>>) src(%dma_wait3A_171 : memref<10000x128xf32, #tpu.memory_space<hbm>>) dst(%dma_wait3A_165 : memref<128x128xf32, #tpu.memory_space<vmem>>)
        %dma_start3A_172 = arith.constant 6 : i32
        %dma_start3A_173 = arith.constant 0 : i32
        %dma_start3A_174 = arith.constant 0 : i32
        %dma_start3A_175 = arith.constant 0 : i32
        %dma_start3A_176 = tpu.memref_slice %arg9[%dma_start3A_173, %dma_start3A_174, %dma_start3A_175] : memref<2x128x128xf32, #tpu.memory_space<vmem>> -> memref<1x128x128xf32, #tpu.memory_space<vmem>>
        %dma_start3A_177 = tpu.memref_squeeze %dma_start3A_176 : memref<1x128x128xf32, #tpu.memory_space<vmem>> -> memref<128x128xf32, #tpu.memory_space<vmem>>
        %dma_start3A_178 = arith.constant 0 : i32
        %dma_start3A_179 = tpu.memref_slice %arg7[%dma_start3A_172, %dma_start3A_178] : memref<8x128xi32, #tpu.memory_space<vmem>> -> memref<1x128xi32, #tpu.memory_space<vmem>>
        %dma_start3A_180 = tpu.memref_squeeze %dma_start3A_179 : memref<1x128xi32, #tpu.memory_space<vmem>> -> memref<128xi32, #tpu.memory_space<vmem>>
        %dma_start3A_181 = arith.constant 0 : i32
        %dma_start3A_182 = arith.constant 0 : i32
        %dma_start3A_183 = tpu.memref_slice %arg2[%dma_start3A_181, %dma_start3A_182] : memref<10000x128xf32, #tpu.memory_space<hbm>> -> memref<10000x128xf32, #tpu.memory_space<hbm>>
        tpu.enqueue_indirect_dma source(%dma_start3A_183 : memref<10000x128xf32, #tpu.memory_space<hbm>>) target(%dma_start3A_177 : memref<128x128xf32, #tpu.memory_space<vmem>>) offsets(%dma_start3A_180 : memref<128xi32, #tpu.memory_space<vmem>>) semaphore(%arg11 : memref<!tpu.dma_semaphore, #tpu.memory_space<semaphore_mem>>)
        %run_scoped3A_184 = arith.constant 1 : i32
        %run_scoped3A_185 = arith.constant 5 : i32
        "tpu.region"() ({
          %run_scoped3A_226 = tpu.sem_alloc : memref<!tpu.dma_semaphore, #tpu.memory_space<semaphore_mem>>
          %dma_start3A_227 = arith.constant 0 : i32
          %dma_start3A_228 = arith.constant 0 : i32
          %dma_start3A_229 = tpu.memref_slice %arg9[%run_scoped3A_184, %dma_start3A_227, %dma_start3A_228] : memref<2x128x128xf32, #tpu.memory_space<vmem>> -> memref<1x128x128xf32, #tpu.memory_space<vmem>>
          %dma_start3A_230 = tpu.memref_squeeze %dma_start3A_229 : memref<1x128x128xf32, #tpu.memory_space<vmem>> -> memref<128x128xf32, #tpu.memory_space<vmem>>
          %dma_start3A_231 = arith.constant 0 : i32
          %dma_start3A_232 = tpu.memref_slice %arg8[%run_scoped3A_185, %dma_start3A_231] : memref<8x128xi32, #tpu.memory_space<vmem>> -> memref<1x128xi32, #tpu.memory_space<vmem>>
          %dma_start3A_233 = tpu.memref_squeeze %dma_start3A_232 : memref<1x128xi32, #tpu.memory_space<vmem>> -> memref<128xi32, #tpu.memory_space<vmem>>
          %dma_start3A_234 = arith.constant 0 : i32
          %dma_start3A_235 = arith.constant 0 : i32
          %dma_start3A_236 = tpu.memref_slice %arg10[%dma_start3A_234, %dma_start3A_235] : memref<10112x128xf32, #tpu.memory_space<vmem_shared>> -> memref<10112x128xf32, #tpu.memory_space<vmem_shared>>
          tpu.enqueue_indirect_dma source(%dma_start3A_230 : memref<128x128xf32, #tpu.memory_space<vmem>>) target(%dma_start3A_236 : memref<10112x128xf32, #tpu.memory_space<vmem_shared>>) offsets(%dma_start3A_233 : memref<128xi32, #tpu.memory_space<vmem>>) semaphore(%run_scoped3A_226 : memref<!tpu.dma_semaphore, #tpu.memory_space<semaphore_mem>>) {add = true}
          %dma_wait3A_237 = arith.constant 0 : i32
          %dma_wait3A_238 = arith.constant 0 : i32
          %dma_wait3A_239 = tpu.memref_slice %arg9[%run_scoped3A_184, %dma_wait3A_237, %dma_wait3A_238] : memref<2x128x128xf32, #tpu.memory_space<vmem>> -> memref<1x128x128xf32, #tpu.memory_space<vmem>>
          %dma_wait3A_240 = tpu.memref_squeeze %dma_wait3A_239 : memref<1x128x128xf32, #tpu.memory_space<vmem>> -> memref<128x128xf32, #tpu.memory_space<vmem>>
          %dma_wait3A_241 = arith.constant 0 : i32
          %dma_wait3A_242 = tpu.memref_slice %arg8[%run_scoped3A_185, %dma_wait3A_241] : memref<8x128xi32, #tpu.memory_space<vmem>> -> memref<1x128xi32, #tpu.memory_space<vmem>>
          %dma_wait3A_243 = tpu.memref_squeeze %dma_wait3A_242 : memref<1x128xi32, #tpu.memory_space<vmem>> -> memref<128xi32, #tpu.memory_space<vmem>>
          %dma_wait3A_244 = arith.constant 0 : i32
          %dma_wait3A_245 = arith.constant 0 : i32
          %dma_wait3A_246 = tpu.memref_slice %arg10[%dma_wait3A_244, %dma_wait3A_245] : memref<10112x128xf32, #tpu.memory_space<vmem_shared>> -> memref<10112x128xf32, #tpu.memory_space<vmem_shared>>
          tpu.wait_indirect_dma semaphore(%run_scoped3A_226 : memref<!tpu.dma_semaphore, #tpu.memory_space<semaphore_mem>>) src(%dma_wait3A_240 : memref<128x128xf32, #tpu.memory_space<vmem>>) dst(%dma_wait3A_246 : memref<10112x128xf32, #tpu.memory_space<vmem_shared>>)
          tpu.yield
        }) : () -> ()
        %dma_wait3A_186 = arith.constant 6 : i32
        %dma_wait3A_187 = arith.constant 0 : i32
        %dma_wait3A_188 = arith.constant 0 : i32
        %dma_wait3A_189 = arith.constant 0 : i32
        %dma_wait3A_190 = tpu.memref_slice %arg9[%dma_wait3A_187, %dma_wait3A_188, %dma_wait3A_189] : memref<2x128x128xf32, #tpu.memory_space<vmem>> -> memref<1x128x128xf32, #tpu.memory_space<vmem>>
        %dma_wait3A_191 = tpu.memref_squeeze %dma_wait3A_190 : memref<1x128x128xf32, #tpu.memory_space<vmem>> -> memref<128x128xf32, #tpu.memory_space<vmem>>
        %dma_wait3A_192 = arith.constant 0 : i32
        %dma_wait3A_193 = tpu.memref_slice %arg7[%dma_wait3A_186, %dma_wait3A_192] : memref<8x128xi32, #tpu.memory_space<vmem>> -> memref<1x128xi32, #tpu.memory_space<vmem>>
        %dma_wait3A_194 = tpu.memref_squeeze %dma_wait3A_193 : memref<1x128xi32, #tpu.memory_space<vmem>> -> memref<128xi32, #tpu.memory_space<vmem>>
        %dma_wait3A_195 = arith.constant 0 : i32
        %dma_wait3A_196 = arith.constant 0 : i32
        %dma_wait3A_197 = tpu.memref_slice %arg2[%dma_wait3A_195, %dma_wait3A_196] : memref<10000x128xf32, #tpu.memory_space<hbm>> -> memref<10000x128xf32, #tpu.memory_space<hbm>>
        tpu.wait_indirect_dma semaphore(%arg11 : memref<!tpu.dma_semaphore, #tpu.memory_space<semaphore_mem>>) src(%dma_wait3A_197 : memref<10000x128xf32, #tpu.memory_space<hbm>>) dst(%dma_wait3A_191 : memref<128x128xf32, #tpu.memory_space<vmem>>)
        %dma_start3A_198 = arith.constant 7 : i32
        %dma_start3A_199 = arith.constant 1 : i32
        %dma_start3A_200 = arith.constant 0 : i32
        %dma_start3A_201 = arith.constant 0 : i32
        %dma_start3A_202 = tpu.memref_slice %arg9[%dma_start3A_199, %dma_start3A_200, %dma_start3A_201] : memref<2x128x128xf32, #tpu.memory_space<vmem>> -> memref<1x128x128xf32, #tpu.memory_space<vmem>>
        %dma_start3A_203 = tpu.memref_squeeze %dma_start3A_202 : memref<1x128x128xf32, #tpu.memory_space<vmem>> -> memref<128x128xf32, #tpu.memory_space<vmem>>
        %dma_start3A_204 = arith.constant 0 : i32
        %dma_start3A_205 = tpu.memref_slice %arg7[%dma_start3A_198, %dma_start3A_204] : memref<8x128xi32, #tpu.memory_space<vmem>> -> memref<1x128xi32, #tpu.memory_space<vmem>>
        %dma_start3A_206 = tpu.memref_squeeze %dma_start3A_205 : memref<1x128xi32, #tpu.memory_space<vmem>> -> memref<128xi32, #tpu.memory_space<vmem>>
        %dma_start3A_207 = arith.constant 0 : i32
        %dma_start3A_208 = arith.constant 0 : i32
        %dma_start3A_209 = tpu.memref_slice %arg2[%dma_start3A_207, %dma_start3A_208] : memref<10000x128xf32, #tpu.memory_space<hbm>> -> memref<10000x128xf32, #tpu.memory_space<hbm>>
        tpu.enqueue_indirect_dma source(%dma_start3A_209 : memref<10000x128xf32, #tpu.memory_space<hbm>>) target(%dma_start3A_203 : memref<128x128xf32, #tpu.memory_space<vmem>>) offsets(%dma_start3A_206 : memref<128xi32, #tpu.memory_space<vmem>>) semaphore(%arg11 : memref<!tpu.dma_semaphore, #tpu.memory_space<semaphore_mem>>)
        %run_scoped3A_210 = arith.constant 0 : i32
        %run_scoped3A_211 = arith.constant 6 : i32
        "tpu.region"() ({
          %run_scoped3A_226 = tpu.sem_alloc : memref<!tpu.dma_semaphore, #tpu.memory_space<semaphore_mem>>
          %dma_start3A_227 = arith.constant 0 : i32
          %dma_start3A_228 = arith.constant 0 : i32
          %dma_start3A_229 = tpu.memref_slice %arg9[%run_scoped3A_210, %dma_start3A_227, %dma_start3A_228] : memref<2x128x128xf32, #tpu.memory_space<vmem>> -> memref<1x128x128xf32, #tpu.memory_space<vmem>>
          %dma_start3A_230 = tpu.memref_squeeze %dma_start3A_229 : memref<1x128x128xf32, #tpu.memory_space<vmem>> -> memref<128x128xf32, #tpu.memory_space<vmem>>
          %dma_start3A_231 = arith.constant 0 : i32
          %dma_start3A_232 = tpu.memref_slice %arg8[%run_scoped3A_211, %dma_start3A_231] : memref<8x128xi32, #tpu.memory_space<vmem>> -> memref<1x128xi32, #tpu.memory_space<vmem>>
          %dma_start3A_233 = tpu.memref_squeeze %dma_start3A_232 : memref<1x128xi32, #tpu.memory_space<vmem>> -> memref<128xi32, #tpu.memory_space<vmem>>
          %dma_start3A_234 = arith.constant 0 : i32
          %dma_start3A_235 = arith.constant 0 : i32
          %dma_start3A_236 = tpu.memref_slice %arg10[%dma_start3A_234, %dma_start3A_235] : memref<10112x128xf32, #tpu.memory_space<vmem_shared>> -> memref<10112x128xf32, #tpu.memory_space<vmem_shared>>
          tpu.enqueue_indirect_dma source(%dma_start3A_230 : memref<128x128xf32, #tpu.memory_space<vmem>>) target(%dma_start3A_236 : memref<10112x128xf32, #tpu.memory_space<vmem_shared>>) offsets(%dma_start3A_233 : memref<128xi32, #tpu.memory_space<vmem>>) semaphore(%run_scoped3A_226 : memref<!tpu.dma_semaphore, #tpu.memory_space<semaphore_mem>>) {add = true}
          %dma_wait3A_237 = arith.constant 0 : i32
          %dma_wait3A_238 = arith.constant 0 : i32
          %dma_wait3A_239 = tpu.memref_slice %arg9[%run_scoped3A_210, %dma_wait3A_237, %dma_wait3A_238] : memref<2x128x128xf32, #tpu.memory_space<vmem>> -> memref<1x128x128xf32, #tpu.memory_space<vmem>>
          %dma_wait3A_240 = tpu.memref_squeeze %dma_wait3A_239 : memref<1x128x128xf32, #tpu.memory_space<vmem>> -> memref<128x128xf32, #tpu.memory_space<vmem>>
          %dma_wait3A_241 = arith.constant 0 : i32
          %dma_wait3A_242 = tpu.memref_slice %arg8[%run_scoped3A_211, %dma_wait3A_241] : memref<8x128xi32, #tpu.memory_space<vmem>> -> memref<1x128xi32, #tpu.memory_space<vmem>>
          %dma_wait3A_243 = tpu.memref_squeeze %dma_wait3A_242 : memref<1x128xi32, #tpu.memory_space<vmem>> -> memref<128xi32, #tpu.memory_space<vmem>>
          %dma_wait3A_244 = arith.constant 0 : i32
          %dma_wait3A_245 = arith.constant 0 : i32
          %dma_wait3A_246 = tpu.memref_slice %arg10[%dma_wait3A_244, %dma_wait3A_245] : memref<10112x128xf32, #tpu.memory_space<vmem_shared>> -> memref<10112x128xf32, #tpu.memory_space<vmem_shared>>
          tpu.wait_indirect_dma semaphore(%run_scoped3A_226 : memref<!tpu.dma_semaphore, #tpu.memory_space<semaphore_mem>>) src(%dma_wait3A_240 : memref<128x128xf32, #tpu.memory_space<vmem>>) dst(%dma_wait3A_246 : memref<10112x128xf32, #tpu.memory_space<vmem_shared>>)
          tpu.yield
        }) : () -> ()
        %dma_wait3A_212 = arith.constant 7 : i32
        %dma_wait3A_213 = arith.constant 1 : i32
        %dma_wait3A_214 = arith.constant 0 : i32
        %dma_wait3A_215 = arith.constant 0 : i32
        %dma_wait3A_216 = tpu.memref_slice %arg9[%dma_wait3A_213, %dma_wait3A_214, %dma_wait3A_215] : memref<2x128x128xf32, #tpu.memory_space<vmem>> -> memref<1x128x128xf32, #tpu.memory_space<vmem>>
        %dma_wait3A_217 = tpu.memref_squeeze %dma_wait3A_216 : memref<1x128x128xf32, #tpu.memory_space<vmem>> -> memref<128x128xf32, #tpu.memory_space<vmem>>
        %dma_wait3A_218 = arith.constant 0 : i32
        %dma_wait3A_219 = tpu.memref_slice %arg7[%dma_wait3A_212, %dma_wait3A_218] : memref<8x128xi32, #tpu.memory_space<vmem>> -> memref<1x128xi32, #tpu.memory_space<vmem>>
        %dma_wait3A_220 = tpu.memref_squeeze %dma_wait3A_219 : memref<1x128xi32, #tpu.memory_space<vmem>> -> memref<128xi32, #tpu.memory_space<vmem>>
        %dma_wait3A_221 = arith.constant 0 : i32
        %dma_wait3A_222 = arith.constant 0 : i32
        %dma_wait3A_223 = tpu.memref_slice %arg2[%dma_wait3A_221, %dma_wait3A_222] : memref<10000x128xf32, #tpu.memory_space<hbm>> -> memref<10000x128xf32, #tpu.memory_space<hbm>>
        tpu.wait_indirect_dma semaphore(%arg11 : memref<!tpu.dma_semaphore, #tpu.memory_space<semaphore_mem>>) src(%dma_wait3A_223 : memref<10000x128xf32, #tpu.memory_space<hbm>>) dst(%dma_wait3A_217 : memref<128x128xf32, #tpu.memory_space<vmem>>)
        %run_scoped3A_224 = arith.constant 1 : i32
        %run_scoped3A_225 = arith.constant 7 : i32
        "tpu.region"() ({
          %run_scoped3A_226 = tpu.sem_alloc : memref<!tpu.dma_semaphore, #tpu.memory_space<semaphore_mem>>
          %dma_start3A_227 = arith.constant 0 : i32
          %dma_start3A_228 = arith.constant 0 : i32
          %dma_start3A_229 = tpu.memref_slice %arg9[%run_scoped3A_224, %dma_start3A_227, %dma_start3A_228] : memref<2x128x128xf32, #tpu.memory_space<vmem>> -> memref<1x128x128xf32, #tpu.memory_space<vmem>>
          %dma_start3A_230 = tpu.memref_squeeze %dma_start3A_229 : memref<1x128x128xf32, #tpu.memory_space<vmem>> -> memref<128x128xf32, #tpu.memory_space<vmem>>
          %dma_start3A_231 = arith.constant 0 : i32
          %dma_start3A_232 = tpu.memref_slice %arg8[%run_scoped3A_225, %dma_start3A_231] : memref<8x128xi32, #tpu.memory_space<vmem>> -> memref<1x128xi32, #tpu.memory_space<vmem>>
          %dma_start3A_233 = tpu.memref_squeeze %dma_start3A_232 : memref<1x128xi32, #tpu.memory_space<vmem>> -> memref<128xi32, #tpu.memory_space<vmem>>
          %dma_start3A_234 = arith.constant 0 : i32
          %dma_start3A_235 = arith.constant 0 : i32
          %dma_start3A_236 = tpu.memref_slice %arg10[%dma_start3A_234, %dma_start3A_235] : memref<10112x128xf32, #tpu.memory_space<vmem_shared>> -> memref<10112x128xf32, #tpu.memory_space<vmem_shared>>
          tpu.enqueue_indirect_dma source(%dma_start3A_230 : memref<128x128xf32, #tpu.memory_space<vmem>>) target(%dma_start3A_236 : memref<10112x128xf32, #tpu.memory_space<vmem_shared>>) offsets(%dma_start3A_233 : memref<128xi32, #tpu.memory_space<vmem>>) semaphore(%run_scoped3A_226 : memref<!tpu.dma_semaphore, #tpu.memory_space<semaphore_mem>>) {add = true}
          %dma_wait3A_237 = arith.constant 0 : i32
          %dma_wait3A_238 = arith.constant 0 : i32
          %dma_wait3A_239 = tpu.memref_slice %arg9[%run_scoped3A_224, %dma_wait3A_237, %dma_wait3A_238] : memref<2x128x128xf32, #tpu.memory_space<vmem>> -> memref<1x128x128xf32, #tpu.memory_space<vmem>>
          %dma_wait3A_240 = tpu.memref_squeeze %dma_wait3A_239 : memref<1x128x128xf32, #tpu.memory_space<vmem>> -> memref<128x128xf32, #tpu.memory_space<vmem>>
          %dma_wait3A_241 = arith.constant 0 : i32
          %dma_wait3A_242 = tpu.memref_slice %arg8[%run_scoped3A_225, %dma_wait3A_241] : memref<8x128xi32, #tpu.memory_space<vmem>> -> memref<1x128xi32, #tpu.memory_space<vmem>>
          %dma_wait3A_243 = tpu.memref_squeeze %dma_wait3A_242 : memref<1x128xi32, #tpu.memory_space<vmem>> -> memref<128xi32, #tpu.memory_space<vmem>>
          %dma_wait3A_244 = arith.constant 0 : i32
          %dma_wait3A_245 = arith.constant 0 : i32
          %dma_wait3A_246 = tpu.memref_slice %arg10[%dma_wait3A_244, %dma_wait3A_245] : memref<10112x128xf32, #tpu.memory_space<vmem_shared>> -> memref<10112x128xf32, #tpu.memory_space<vmem_shared>>
          tpu.wait_indirect_dma semaphore(%run_scoped3A_226 : memref<!tpu.dma_semaphore, #tpu.memory_space<semaphore_mem>>) src(%dma_wait3A_240 : memref<128x128xf32, #tpu.memory_space<vmem>>) dst(%dma_wait3A_246 : memref<10112x128xf32, #tpu.memory_space<vmem_shared>>)
          tpu.yield
        }) : () -> ()
      }
      %scan3A_16 = arith.constant 2 : i32
    } else {
    }
    %barrier3A_8 = arith.constant 0 : index
    tpu.barrier barrier_id(%barrier3A_8)
    "tpu.region"() ({
      %run_scoped3A = tpu.sem_alloc : memref<!tpu.dma_semaphore, #tpu.memory_space<semaphore_mem>>
      %dma_start3A = arith.constant 0 : i32
      %dma_start3A_9 = tpu.memref_slice %arg6[%arg0, %mul3A_0, %dma_start3A] : memref<2x10112x128xf32, #tpu.memory_space<hbm>> -> memref<1x632x128xf32, #tpu.memory_space<hbm>>
      %dma_start3A_10 = tpu.memref_squeeze %dma_start3A_9 : memref<1x632x128xf32, #tpu.memory_space<hbm>> -> memref<632x128xf32, #tpu.memory_space<hbm>>
      %dma_start3A_11 = arith.constant 0 : i32
      %dma_start3A_12 = tpu.memref_slice %arg10[%mul3A_0, %dma_start3A_11] : memref<10112x128xf32, #tpu.memory_space<vmem_shared>> -> memref<632x128xf32, #tpu.memory_space<vmem_shared>>
      tpu.enqueue_dma source(%dma_start3A_12 : memref<632x128xf32, #tpu.memory_space<vmem_shared>>) target(%dma_start3A_10 : memref<632x128xf32, #tpu.memory_space<hbm>>) target_semaphore(%run_scoped3A : memref<!tpu.dma_semaphore, #tpu.memory_space<semaphore_mem>>)
      %dma_wait3A = arith.constant 0 : i32
      %dma_wait3A_13 = tpu.memref_slice %arg6[%arg0, %mul3A_0, %dma_wait3A] : memref<2x10112x128xf32, #tpu.memory_space<hbm>> -> memref<1x632x128xf32, #tpu.memory_space<hbm>>
      %dma_wait3A_14 = tpu.memref_squeeze %dma_wait3A_13 : memref<1x632x128xf32, #tpu.memory_space<hbm>> -> memref<632x128xf32, #tpu.memory_space<hbm>>
      %dma_wait3A_15 = arith.constant 0 : i32
      %dma_wait3A_16 = tpu.memref_slice %arg10[%mul3A_0, %dma_wait3A_15] : memref<10112x128xf32, #tpu.memory_space<vmem_shared>> -> memref<632x128xf32, #tpu.memory_space<vmem_shared>>
      tpu.wait_dma2 semaphore(%run_scoped3A : memref<!tpu.dma_semaphore, #tpu.memory_space<semaphore_mem>>) src(%dma_wait3A_16 : memref<632x128xf32, #tpu.memory_space<vmem_shared>>) dst(%dma_wait3A_14 : memref<632x128xf32, #tpu.memory_space<hbm>>)
      tpu.yield
    }) : () -> ()
    return
  }
}

#map = affine_map<(d0, d1) -> (0, 0)>
#map1 = affine_map<(d0, d1) -> (0, 0, 0)>
module attributes {stable_mosaic.version = 14 : i64} {
  func.func @_sc_deg_body(%arg0: i32, %arg1: i32, %arg2: memref<2560x128xi32, #tpu.memory_space<hbm>>, %arg3: memref<10112x128xf32, #tpu.memory_space<hbm>>, %arg4: memref<128x128xf32, #tpu.memory_space<hbm>>, %arg5: memref<2x10112x128xf32, #tpu.memory_space<hbm>>, %arg6: memref<80x128xi32, #tpu.memory_space<vmem>>, %arg7: memref<128x128xf32, #tpu.memory_space<vmem>>, %arg8: memref<10112x128xf32, #tpu.memory_space<vmem_shared>>) attributes {dimension_semantics = [#tpu.dimension_semantics<core_parallel>, #tpu.dimension_semantics<subcore_parallel>], iteration_bounds = array<i64: 2, 16>, scalar_prefetch = 0 : i64, scratch_operands = 3 : i64, tpu.core_type = #tpu.core_type<sc_vector_subcore>, window_params = [{transform_indices = #map}, {transform_indices = #map}, {transform_indices = #map}, {transform_indices = #map1}]} {
    %mul3A = arith.constant 16 : i32
    %mul3A_0 = arith.muli %arg0, %mul3A : i32
    %add3A = arith.addi %mul3A_0, %arg1 : i32
    %mul3A_1 = arith.constant 80 : i32
    %mul3A_2 = arith.muli %add3A, %mul3A_1 : i32
    "tpu.region"() ({
      %run_scoped3A = tpu.sem_alloc : memref<!tpu.dma_semaphore, #tpu.memory_space<semaphore_mem>>
      %dma_start3A = arith.constant 0 : i32
      %dma_start3A_11 = tpu.memref_slice %arg2[%mul3A_2, %dma_start3A] : memref<2560x128xi32, #tpu.memory_space<hbm>> -> memref<80x128xi32, #tpu.memory_space<hbm>>
      %dma_start3A_12 = arith.constant 0 : i32
      %dma_start3A_13 = tpu.memref_slice %arg2[%mul3A_2, %dma_start3A_12] : memref<2560x128xi32, #tpu.memory_space<hbm>> -> memref<80x128xi32, #tpu.memory_space<hbm>>
      tpu.enqueue_dma source(%dma_start3A_13 : memref<80x128xi32, #tpu.memory_space<hbm>>) target(%arg6 : memref<80x128xi32, #tpu.memory_space<vmem>>) target_semaphore(%run_scoped3A : memref<!tpu.dma_semaphore, #tpu.memory_space<semaphore_mem>>)
      %dma_wait3A = arith.constant 0 : i32
      %dma_wait3A_14 = tpu.memref_slice %arg2[%mul3A_2, %dma_wait3A] : memref<2560x128xi32, #tpu.memory_space<hbm>> -> memref<80x128xi32, #tpu.memory_space<hbm>>
      %dma_wait3A_15 = arith.constant 0 : i32
      %dma_wait3A_16 = tpu.memref_slice %arg2[%mul3A_2, %dma_wait3A_15] : memref<2560x128xi32, #tpu.memory_space<hbm>> -> memref<80x128xi32, #tpu.memory_space<hbm>>
      tpu.wait_dma2 semaphore(%run_scoped3A : memref<!tpu.dma_semaphore, #tpu.memory_space<semaphore_mem>>) src(%dma_wait3A_16 : memref<80x128xi32, #tpu.memory_space<hbm>>) dst(%arg6 : memref<80x128xi32, #tpu.memory_space<vmem>>)
      tpu.yield
    }) : () -> ()
    %mul3A_3 = arith.constant 632 : i32
    %mul3A_4 = arith.muli %arg1, %mul3A_3 : i32
    "tpu.region"() ({
      %run_scoped3A = tpu.sem_alloc : memref<!tpu.dma_semaphore, #tpu.memory_space<semaphore_mem>>
      %dma_start3A = arith.constant 0 : i32
      %dma_start3A_11 = tpu.memref_slice %arg8[%mul3A_4, %dma_start3A] : memref<10112x128xf32, #tpu.memory_space<vmem_shared>> -> memref<632x128xf32, #tpu.memory_space<vmem_shared>>
      %dma_start3A_12 = arith.constant 0 : i32
      %dma_start3A_13 = tpu.memref_slice %arg3[%mul3A_4, %dma_start3A_12] : memref<10112x128xf32, #tpu.memory_space<hbm>> -> memref<632x128xf32, #tpu.memory_space<hbm>>
      tpu.enqueue_dma source(%dma_start3A_13 : memref<632x128xf32, #tpu.memory_space<hbm>>) target(%dma_start3A_11 : memref<632x128xf32, #tpu.memory_space<vmem_shared>>) target_semaphore(%run_scoped3A : memref<!tpu.dma_semaphore, #tpu.memory_space<semaphore_mem>>)
      %dma_wait3A = arith.constant 0 : i32
      %dma_wait3A_14 = tpu.memref_slice %arg8[%mul3A_4, %dma_wait3A] : memref<10112x128xf32, #tpu.memory_space<vmem_shared>> -> memref<632x128xf32, #tpu.memory_space<vmem_shared>>
      %dma_wait3A_15 = arith.constant 0 : i32
      %dma_wait3A_16 = tpu.memref_slice %arg3[%mul3A_4, %dma_wait3A_15] : memref<10112x128xf32, #tpu.memory_space<hbm>> -> memref<632x128xf32, #tpu.memory_space<hbm>>
      tpu.wait_dma2 semaphore(%run_scoped3A : memref<!tpu.dma_semaphore, #tpu.memory_space<semaphore_mem>>) src(%dma_wait3A_16 : memref<632x128xf32, #tpu.memory_space<hbm>>) dst(%dma_wait3A_14 : memref<632x128xf32, #tpu.memory_space<vmem_shared>>)
      tpu.yield
    }) : () -> ()
    "tpu.region"() ({
      %run_scoped3A = tpu.sem_alloc : memref<!tpu.dma_semaphore, #tpu.memory_space<semaphore_mem>>
      tpu.enqueue_dma source(%arg4 : memref<128x128xf32, #tpu.memory_space<hbm>>) target(%arg7 : memref<128x128xf32, #tpu.memory_space<vmem>>) target_semaphore(%run_scoped3A : memref<!tpu.dma_semaphore, #tpu.memory_space<semaphore_mem>>)
      tpu.wait_dma2 semaphore(%run_scoped3A : memref<!tpu.dma_semaphore, #tpu.memory_space<semaphore_mem>>) src(%arg4 : memref<128x128xf32, #tpu.memory_space<hbm>>) dst(%arg7 : memref<128x128xf32, #tpu.memory_space<vmem>>)
      tpu.yield
    }) : () -> ()
    %barrier3A = arith.constant 0 : index
    tpu.barrier barrier_id(%barrier3A)
    %scan3A = arith.constant 0 : i32
    %scan3A_5 = arith.constant 0 : i32
    %scan3A_6 = arith.constant 80 : i32
    %scan3A_7 = arith.addi %scan3A_5, %scan3A_6 : i32
    %scan3A_8 = arith.constant 1 : i32
    scf.for %scan3A_11 = %scan3A_5 to %scan3A_7 step %scan3A_8  : i32 {
      "tpu.region"() ({
        %run_scoped3A = tpu.sem_alloc : memref<!tpu.dma_semaphore, #tpu.memory_space<semaphore_mem>>
        %dma_start3A = arith.constant 0 : i32
        %dma_start3A_12 = tpu.memref_slice %arg6[%scan3A_11, %dma_start3A] : memref<80x128xi32, #tpu.memory_space<vmem>> -> memref<1x128xi32, #tpu.memory_space<vmem>>
        %dma_start3A_13 = tpu.memref_squeeze %dma_start3A_12 : memref<1x128xi32, #tpu.memory_space<vmem>> -> memref<128xi32, #tpu.memory_space<vmem>>
        %dma_start3A_14 = arith.constant 0 : i32
        %dma_start3A_15 = arith.constant 0 : i32
        %dma_start3A_16 = tpu.memref_slice %arg8[%dma_start3A_14, %dma_start3A_15] : memref<10112x128xf32, #tpu.memory_space<vmem_shared>> -> memref<10112x128xf32, #tpu.memory_space<vmem_shared>>
        tpu.enqueue_indirect_dma source(%arg7 : memref<128x128xf32, #tpu.memory_space<vmem>>) target(%dma_start3A_16 : memref<10112x128xf32, #tpu.memory_space<vmem_shared>>) offsets(%dma_start3A_13 : memref<128xi32, #tpu.memory_space<vmem>>) semaphore(%run_scoped3A : memref<!tpu.dma_semaphore, #tpu.memory_space<semaphore_mem>>) {add = true}
        %dma_wait3A = arith.constant 0 : i32
        %dma_wait3A_17 = tpu.memref_slice %arg6[%scan3A_11, %dma_wait3A] : memref<80x128xi32, #tpu.memory_space<vmem>> -> memref<1x128xi32, #tpu.memory_space<vmem>>
        %dma_wait3A_18 = tpu.memref_squeeze %dma_wait3A_17 : memref<1x128xi32, #tpu.memory_space<vmem>> -> memref<128xi32, #tpu.memory_space<vmem>>
        %dma_wait3A_19 = arith.constant 0 : i32
        %dma_wait3A_20 = arith.constant 0 : i32
        %dma_wait3A_21 = tpu.memref_slice %arg8[%dma_wait3A_19, %dma_wait3A_20] : memref<10112x128xf32, #tpu.memory_space<vmem_shared>> -> memref<10112x128xf32, #tpu.memory_space<vmem_shared>>
        tpu.wait_indirect_dma semaphore(%run_scoped3A : memref<!tpu.dma_semaphore, #tpu.memory_space<semaphore_mem>>) src(%arg7 : memref<128x128xf32, #tpu.memory_space<vmem>>) dst(%dma_wait3A_21 : memref<10112x128xf32, #tpu.memory_space<vmem_shared>>)
        tpu.yield
      }) : () -> ()
    }
    %scan3A_9 = arith.constant 80 : i32
    %barrier3A_10 = arith.constant 0 : index
    tpu.barrier barrier_id(%barrier3A_10)
    "tpu.region"() ({
      %run_scoped3A = tpu.sem_alloc : memref<!tpu.dma_semaphore, #tpu.memory_space<semaphore_mem>>
      %dma_start3A = arith.constant 0 : i32
      %dma_start3A_11 = tpu.memref_slice %arg5[%arg0, %mul3A_4, %dma_start3A] : memref<2x10112x128xf32, #tpu.memory_space<hbm>> -> memref<1x632x128xf32, #tpu.memory_space<hbm>>
      %dma_start3A_12 = tpu.memref_squeeze %dma_start3A_11 : memref<1x632x128xf32, #tpu.memory_space<hbm>> -> memref<632x128xf32, #tpu.memory_space<hbm>>
      %dma_start3A_13 = arith.constant 0 : i32
      %dma_start3A_14 = tpu.memref_slice %arg8[%mul3A_4, %dma_start3A_13] : memref<10112x128xf32, #tpu.memory_space<vmem_shared>> -> memref<632x128xf32, #tpu.memory_space<vmem_shared>>
      tpu.enqueue_dma source(%dma_start3A_14 : memref<632x128xf32, #tpu.memory_space<vmem_shared>>) target(%dma_start3A_12 : memref<632x128xf32, #tpu.memory_space<hbm>>) target_semaphore(%run_scoped3A : memref<!tpu.dma_semaphore, #tpu.memory_space<semaphore_mem>>)
      %dma_wait3A = arith.constant 0 : i32
      %dma_wait3A_15 = tpu.memref_slice %arg5[%arg0, %mul3A_4, %dma_wait3A] : memref<2x10112x128xf32, #tpu.memory_space<hbm>> -> memref<1x632x128xf32, #tpu.memory_space<hbm>>
      %dma_wait3A_16 = tpu.memref_squeeze %dma_wait3A_15 : memref<1x632x128xf32, #tpu.memory_space<hbm>> -> memref<632x128xf32, #tpu.memory_space<hbm>>
      %dma_wait3A_17 = arith.constant 0 : i32
      %dma_wait3A_18 = tpu.memref_slice %arg8[%mul3A_4, %dma_wait3A_17] : memref<10112x128xf32, #tpu.memory_space<vmem_shared>> -> memref<632x128xf32, #tpu.memory_space<vmem_shared>>
      tpu.wait_dma2 semaphore(%run_scoped3A : memref<!tpu.dma_semaphore, #tpu.memory_space<semaphore_mem>>) src(%dma_wait3A_18 : memref<632x128xf32, #tpu.memory_space<vmem_shared>>) dst(%dma_wait3A_16 : memref<632x128xf32, #tpu.memory_space<hbm>>)
      tpu.yield
    }) : () -> ()
    return
  }
}

#map = affine_map<(d0, d1) -> (0, 0)>
#map1 = affine_map<(d0, d1) -> (0, 0, 0)>
module attributes {stable_mosaic.version = 14 : i64} {
  func.func @_sc_agg_body(%arg0: i32, %arg1: i32, %arg2: memref<10000x128xf32, #tpu.memory_space<hbm>>, %arg3: memref<2560x128xi32, #tpu.memory_space<hbm>>, %arg4: memref<2560x128xi32, #tpu.memory_space<hbm>>, %arg5: memref<10112x128xf32, #tpu.memory_space<hbm>>, %arg6: memref<2x10112x128xf32, #tpu.memory_space<hbm>>, %arg7: memref<8x128xi32, #tpu.memory_space<vmem>>, %arg8: memref<8x128xi32, #tpu.memory_space<vmem>>, %arg9: memref<2x128x128xf32, #tpu.memory_space<vmem>>, %arg10: memref<10112x128xf32, #tpu.memory_space<vmem_shared>>, %arg11: memref<!tpu.dma_semaphore, #tpu.memory_space<semaphore_mem>>) attributes {dimension_semantics = [#tpu.dimension_semantics<core_parallel>, #tpu.dimension_semantics<subcore_parallel>], iteration_bounds = array<i64: 2, 16>, scalar_prefetch = 0 : i64, scratch_operands = 5 : i64, tpu.core_type = #tpu.core_type<sc_vector_subcore>, window_params = [{transform_indices = #map}, {transform_indices = #map}, {transform_indices = #map}, {transform_indices = #map}, {transform_indices = #map1}]} {
    %mul3A = arith.constant 632 : i32
    %mul3A_0 = arith.muli %arg1, %mul3A : i32
    "tpu.region"() ({
      %run_scoped3A = tpu.sem_alloc : memref<!tpu.dma_semaphore, #tpu.memory_space<semaphore_mem>>
      %dma_start3A = arith.constant 0 : i32
      %dma_start3A_9 = tpu.memref_slice %arg10[%mul3A_0, %dma_start3A] : memref<10112x128xf32, #tpu.memory_space<vmem_shared>> -> memref<632x128xf32, #tpu.memory_space<vmem_shared>>
      %dma_start3A_10 = arith.constant 0 : i32
      %dma_start3A_11 = tpu.memref_slice %arg5[%mul3A_0, %dma_start3A_10] : memref<10112x128xf32, #tpu.memory_space<hbm>> -> memref<632x128xf32, #tpu.memory_space<hbm>>
      tpu.enqueue_dma source(%dma_start3A_11 : memref<632x128xf32, #tpu.memory_space<hbm>>) target(%dma_start3A_9 : memref<632x128xf32, #tpu.memory_space<vmem_shared>>) target_semaphore(%run_scoped3A : memref<!tpu.dma_semaphore, #tpu.memory_space<semaphore_mem>>)
      %dma_wait3A = arith.constant 0 : i32
      %dma_wait3A_12 = tpu.memref_slice %arg10[%mul3A_0, %dma_wait3A] : memref<10112x128xf32, #tpu.memory_space<vmem_shared>> -> memref<632x128xf32, #tpu.memory_space<vmem_shared>>
      %dma_wait3A_13 = arith.constant 0 : i32
      %dma_wait3A_14 = tpu.memref_slice %arg5[%mul3A_0, %dma_wait3A_13] : memref<10112x128xf32, #tpu.memory_space<hbm>> -> memref<632x128xf32, #tpu.memory_space<hbm>>
      tpu.wait_dma2 semaphore(%run_scoped3A : memref<!tpu.dma_semaphore, #tpu.memory_space<semaphore_mem>>) src(%dma_wait3A_14 : memref<632x128xf32, #tpu.memory_space<hbm>>) dst(%dma_wait3A_12 : memref<632x128xf32, #tpu.memory_space<vmem_shared>>)
      tpu.yield
    }) : () -> ()
    %barrier3A = arith.constant 0 : index
    tpu.barrier barrier_id(%barrier3A)
    %eq3A = arith.constant 0 : i32
    %eq3A_1 = arith.cmpi eq, %arg0, %eq3A : i32
    %convert_element_type3A = arith.extui %eq3A_1 : i1 to i32
    %cond3A = arith.constant 0 : i32
    %cond3A_2 = arith.cmpi ne, %convert_element_type3A, %cond3A : i32
    scf.if %cond3A_2 {
      %mul3A_9 = arith.constant 144 : i32
      %mul3A_10 = arith.muli %arg1, %mul3A_9 : i32
      %scan3A = arith.constant 0 : i32
      %scan3A_11 = arith.constant 0 : i32
      %scan3A_12 = arith.constant 18 : i32
      %scan3A_13 = arith.addi %scan3A_11, %scan3A_12 : i32
      %scan3A_14 = arith.constant 1 : i32
      scf.for %scan3A_16 = %scan3A_11 to %scan3A_13 step %scan3A_14  : i32 {
        %mul3A_17 = arith.constant 8 : i32
        %mul3A_18 = arith.muli %scan3A_16, %mul3A_17 : i32
        %add3A = arith.addi %mul3A_10, %mul3A_18 : i32
        "tpu.region"() ({
          %run_scoped3A_224 = tpu.sem_alloc : memref<!tpu.dma_semaphore, #tpu.memory_space<semaphore_mem>>
          %dma_start3A_225 = arith.constant 0 : i32
          %dma_start3A_226 = tpu.memref_slice %arg3[%add3A, %dma_start3A_225] : memref<2560x128xi32, #tpu.memory_space<hbm>> -> memref<8x128xi32, #tpu.memory_space<hbm>>
          %dma_start3A_227 = arith.constant 0 : i32
          %dma_start3A_228 = tpu.memref_slice %arg3[%add3A, %dma_start3A_227] : memref<2560x128xi32, #tpu.memory_space<hbm>> -> memref<8x128xi32, #tpu.memory_space<hbm>>
          tpu.enqueue_dma source(%dma_start3A_228 : memref<8x128xi32, #tpu.memory_space<hbm>>) target(%arg7 : memref<8x128xi32, #tpu.memory_space<vmem>>) target_semaphore(%run_scoped3A_224 : memref<!tpu.dma_semaphore, #tpu.memory_space<semaphore_mem>>)
          %dma_wait3A_229 = arith.constant 0 : i32
          %dma_wait3A_230 = tpu.memref_slice %arg3[%add3A, %dma_wait3A_229] : memref<2560x128xi32, #tpu.memory_space<hbm>> -> memref<8x128xi32, #tpu.memory_space<hbm>>
          %dma_wait3A_231 = arith.constant 0 : i32
          %dma_wait3A_232 = tpu.memref_slice %arg3[%add3A, %dma_wait3A_231] : memref<2560x128xi32, #tpu.memory_space<hbm>> -> memref<8x128xi32, #tpu.memory_space<hbm>>
          tpu.wait_dma2 semaphore(%run_scoped3A_224 : memref<!tpu.dma_semaphore, #tpu.memory_space<semaphore_mem>>) src(%dma_wait3A_232 : memref<8x128xi32, #tpu.memory_space<hbm>>) dst(%arg7 : memref<8x128xi32, #tpu.memory_space<vmem>>)
          tpu.yield
        }) : () -> ()
        "tpu.region"() ({
          %run_scoped3A_224 = tpu.sem_alloc : memref<!tpu.dma_semaphore, #tpu.memory_space<semaphore_mem>>
          %dma_start3A_225 = arith.constant 0 : i32
          %dma_start3A_226 = tpu.memref_slice %arg4[%add3A, %dma_start3A_225] : memref<2560x128xi32, #tpu.memory_space<hbm>> -> memref<8x128xi32, #tpu.memory_space<hbm>>
          %dma_start3A_227 = arith.constant 0 : i32
          %dma_start3A_228 = tpu.memref_slice %arg4[%add3A, %dma_start3A_227] : memref<2560x128xi32, #tpu.memory_space<hbm>> -> memref<8x128xi32, #tpu.memory_space<hbm>>
          tpu.enqueue_dma source(%dma_start3A_228 : memref<8x128xi32, #tpu.memory_space<hbm>>) target(%arg8 : memref<8x128xi32, #tpu.memory_space<vmem>>) target_semaphore(%run_scoped3A_224 : memref<!tpu.dma_semaphore, #tpu.memory_space<semaphore_mem>>)
          %dma_wait3A_229 = arith.constant 0 : i32
          %dma_wait3A_230 = tpu.memref_slice %arg4[%add3A, %dma_wait3A_229] : memref<2560x128xi32, #tpu.memory_space<hbm>> -> memref<8x128xi32, #tpu.memory_space<hbm>>
          %dma_wait3A_231 = arith.constant 0 : i32
          %dma_wait3A_232 = tpu.memref_slice %arg4[%add3A, %dma_wait3A_231] : memref<2560x128xi32, #tpu.memory_space<hbm>> -> memref<8x128xi32, #tpu.memory_space<hbm>>
          tpu.wait_dma2 semaphore(%run_scoped3A_224 : memref<!tpu.dma_semaphore, #tpu.memory_space<semaphore_mem>>) src(%dma_wait3A_232 : memref<8x128xi32, #tpu.memory_space<hbm>>) dst(%arg8 : memref<8x128xi32, #tpu.memory_space<vmem>>)
          tpu.yield
        }) : () -> ()
        %dma_start3A = arith.constant 0 : i32
        %dma_start3A_19 = arith.constant 0 : i32
        %dma_start3A_20 = arith.constant 0 : i32
        %dma_start3A_21 = arith.constant 0 : i32
        %dma_start3A_22 = tpu.memref_slice %arg9[%dma_start3A_19, %dma_start3A_20, %dma_start3A_21] : memref<2x128x128xf32, #tpu.memory_space<vmem>> -> memref<1x128x128xf32, #tpu.memory_space<vmem>>
        %dma_start3A_23 = tpu.memref_squeeze %dma_start3A_22 : memref<1x128x128xf32, #tpu.memory_space<vmem>> -> memref<128x128xf32, #tpu.memory_space<vmem>>
        %dma_start3A_24 = arith.constant 0 : i32
        %dma_start3A_25 = tpu.memref_slice %arg7[%dma_start3A, %dma_start3A_24] : memref<8x128xi32, #tpu.memory_space<vmem>> -> memref<1x128xi32, #tpu.memory_space<vmem>>
        %dma_start3A_26 = tpu.memref_squeeze %dma_start3A_25 : memref<1x128xi32, #tpu.memory_space<vmem>> -> memref<128xi32, #tpu.memory_space<vmem>>
        %dma_start3A_27 = arith.constant 0 : i32
        %dma_start3A_28 = arith.constant 0 : i32
        %dma_start3A_29 = tpu.memref_slice %arg2[%dma_start3A_27, %dma_start3A_28] : memref<10000x128xf32, #tpu.memory_space<hbm>> -> memref<10000x128xf32, #tpu.memory_space<hbm>>
        tpu.enqueue_indirect_dma source(%dma_start3A_29 : memref<10000x128xf32, #tpu.memory_space<hbm>>) target(%dma_start3A_23 : memref<128x128xf32, #tpu.memory_space<vmem>>) offsets(%dma_start3A_26 : memref<128xi32, #tpu.memory_space<vmem>>) semaphore(%arg11 : memref<!tpu.dma_semaphore, #tpu.memory_space<semaphore_mem>>)
        %dma_wait3A = arith.constant 0 : i32
        %dma_wait3A_30 = arith.constant 0 : i32
        %dma_wait3A_31 = arith.constant 0 : i32
        %dma_wait3A_32 = arith.constant 0 : i32
        %dma_wait3A_33 = tpu.memref_slice %arg9[%dma_wait3A_30, %dma_wait3A_31, %dma_wait3A_32] : memref<2x128x128xf32, #tpu.memory_space<vmem>> -> memref<1x128x128xf32, #tpu.memory_space<vmem>>
        %dma_wait3A_34 = tpu.memref_squeeze %dma_wait3A_33 : memref<1x128x128xf32, #tpu.memory_space<vmem>> -> memref<128x128xf32, #tpu.memory_space<vmem>>
        %dma_wait3A_35 = arith.constant 0 : i32
        %dma_wait3A_36 = tpu.memref_slice %arg7[%dma_wait3A, %dma_wait3A_35] : memref<8x128xi32, #tpu.memory_space<vmem>> -> memref<1x128xi32, #tpu.memory_space<vmem>>
        %dma_wait3A_37 = tpu.memref_squeeze %dma_wait3A_36 : memref<1x128xi32, #tpu.memory_space<vmem>> -> memref<128xi32, #tpu.memory_space<vmem>>
        %dma_wait3A_38 = arith.constant 0 : i32
        %dma_wait3A_39 = arith.constant 0 : i32
        %dma_wait3A_40 = tpu.memref_slice %arg2[%dma_wait3A_38, %dma_wait3A_39] : memref<10000x128xf32, #tpu.memory_space<hbm>> -> memref<10000x128xf32, #tpu.memory_space<hbm>>
        tpu.wait_indirect_dma semaphore(%arg11 : memref<!tpu.dma_semaphore, #tpu.memory_space<semaphore_mem>>) src(%dma_wait3A_40 : memref<10000x128xf32, #tpu.memory_space<hbm>>) dst(%dma_wait3A_34 : memref<128x128xf32, #tpu.memory_space<vmem>>)
        %dma_start3A_41 = arith.constant 1 : i32
        %dma_start3A_42 = arith.constant 1 : i32
        %dma_start3A_43 = arith.constant 0 : i32
        %dma_start3A_44 = arith.constant 0 : i32
        %dma_start3A_45 = tpu.memref_slice %arg9[%dma_start3A_42, %dma_start3A_43, %dma_start3A_44] : memref<2x128x128xf32, #tpu.memory_space<vmem>> -> memref<1x128x128xf32, #tpu.memory_space<vmem>>
        %dma_start3A_46 = tpu.memref_squeeze %dma_start3A_45 : memref<1x128x128xf32, #tpu.memory_space<vmem>> -> memref<128x128xf32, #tpu.memory_space<vmem>>
        %dma_start3A_47 = arith.constant 0 : i32
        %dma_start3A_48 = tpu.memref_slice %arg7[%dma_start3A_41, %dma_start3A_47] : memref<8x128xi32, #tpu.memory_space<vmem>> -> memref<1x128xi32, #tpu.memory_space<vmem>>
        %dma_start3A_49 = tpu.memref_squeeze %dma_start3A_48 : memref<1x128xi32, #tpu.memory_space<vmem>> -> memref<128xi32, #tpu.memory_space<vmem>>
        %dma_start3A_50 = arith.constant 0 : i32
        %dma_start3A_51 = arith.constant 0 : i32
        %dma_start3A_52 = tpu.memref_slice %arg2[%dma_start3A_50, %dma_start3A_51] : memref<10000x128xf32, #tpu.memory_space<hbm>> -> memref<10000x128xf32, #tpu.memory_space<hbm>>
        tpu.enqueue_indirect_dma source(%dma_start3A_52 : memref<10000x128xf32, #tpu.memory_space<hbm>>) target(%dma_start3A_46 : memref<128x128xf32, #tpu.memory_space<vmem>>) offsets(%dma_start3A_49 : memref<128xi32, #tpu.memory_space<vmem>>) semaphore(%arg11 : memref<!tpu.dma_semaphore, #tpu.memory_space<semaphore_mem>>)
        %run_scoped3A = arith.constant 0 : i32
        %run_scoped3A_53 = arith.constant 0 : i32
        "tpu.region"() ({
          %run_scoped3A_224 = tpu.sem_alloc : memref<!tpu.dma_semaphore, #tpu.memory_space<semaphore_mem>>
          %dma_start3A_225 = arith.constant 0 : i32
          %dma_start3A_226 = arith.constant 0 : i32
          %dma_start3A_227 = tpu.memref_slice %arg9[%run_scoped3A, %dma_start3A_225, %dma_start3A_226] : memref<2x128x128xf32, #tpu.memory_space<vmem>> -> memref<1x128x128xf32, #tpu.memory_space<vmem>>
          %dma_start3A_228 = tpu.memref_squeeze %dma_start3A_227 : memref<1x128x128xf32, #tpu.memory_space<vmem>> -> memref<128x128xf32, #tpu.memory_space<vmem>>
          %dma_start3A_229 = arith.constant 0 : i32
          %dma_start3A_230 = tpu.memref_slice %arg8[%run_scoped3A_53, %dma_start3A_229] : memref<8x128xi32, #tpu.memory_space<vmem>> -> memref<1x128xi32, #tpu.memory_space<vmem>>
          %dma_start3A_231 = tpu.memref_squeeze %dma_start3A_230 : memref<1x128xi32, #tpu.memory_space<vmem>> -> memref<128xi32, #tpu.memory_space<vmem>>
          %dma_start3A_232 = arith.constant 0 : i32
          %dma_start3A_233 = arith.constant 0 : i32
          %dma_start3A_234 = tpu.memref_slice %arg10[%dma_start3A_232, %dma_start3A_233] : memref<10112x128xf32, #tpu.memory_space<vmem_shared>> -> memref<10112x128xf32, #tpu.memory_space<vmem_shared>>
          tpu.enqueue_indirect_dma source(%dma_start3A_228 : memref<128x128xf32, #tpu.memory_space<vmem>>) target(%dma_start3A_234 : memref<10112x128xf32, #tpu.memory_space<vmem_shared>>) offsets(%dma_start3A_231 : memref<128xi32, #tpu.memory_space<vmem>>) semaphore(%run_scoped3A_224 : memref<!tpu.dma_semaphore, #tpu.memory_space<semaphore_mem>>) {add = true}
          %dma_wait3A_235 = arith.constant 0 : i32
          %dma_wait3A_236 = arith.constant 0 : i32
          %dma_wait3A_237 = tpu.memref_slice %arg9[%run_scoped3A, %dma_wait3A_235, %dma_wait3A_236] : memref<2x128x128xf32, #tpu.memory_space<vmem>> -> memref<1x128x128xf32, #tpu.memory_space<vmem>>
          %dma_wait3A_238 = tpu.memref_squeeze %dma_wait3A_237 : memref<1x128x128xf32, #tpu.memory_space<vmem>> -> memref<128x128xf32, #tpu.memory_space<vmem>>
          %dma_wait3A_239 = arith.constant 0 : i32
          %dma_wait3A_240 = tpu.memref_slice %arg8[%run_scoped3A_53, %dma_wait3A_239] : memref<8x128xi32, #tpu.memory_space<vmem>> -> memref<1x128xi32, #tpu.memory_space<vmem>>
          %dma_wait3A_241 = tpu.memref_squeeze %dma_wait3A_240 : memref<1x128xi32, #tpu.memory_space<vmem>> -> memref<128xi32, #tpu.memory_space<vmem>>
          %dma_wait3A_242 = arith.constant 0 : i32
          %dma_wait3A_243 = arith.constant 0 : i32
          %dma_wait3A_244 = tpu.memref_slice %arg10[%dma_wait3A_242, %dma_wait3A_243] : memref<10112x128xf32, #tpu.memory_space<vmem_shared>> -> memref<10112x128xf32, #tpu.memory_space<vmem_shared>>
          tpu.wait_indirect_dma semaphore(%run_scoped3A_224 : memref<!tpu.dma_semaphore, #tpu.memory_space<semaphore_mem>>) src(%dma_wait3A_238 : memref<128x128xf32, #tpu.memory_space<vmem>>) dst(%dma_wait3A_244 : memref<10112x128xf32, #tpu.memory_space<vmem_shared>>)
          tpu.yield
        }) : () -> ()
        %dma_wait3A_54 = arith.constant 1 : i32
        %dma_wait3A_55 = arith.constant 1 : i32
        %dma_wait3A_56 = arith.constant 0 : i32
        %dma_wait3A_57 = arith.constant 0 : i32
        %dma_wait3A_58 = tpu.memref_slice %arg9[%dma_wait3A_55, %dma_wait3A_56, %dma_wait3A_57] : memref<2x128x128xf32, #tpu.memory_space<vmem>> -> memref<1x128x128xf32, #tpu.memory_space<vmem>>
        %dma_wait3A_59 = tpu.memref_squeeze %dma_wait3A_58 : memref<1x128x128xf32, #tpu.memory_space<vmem>> -> memref<128x128xf32, #tpu.memory_space<vmem>>
        %dma_wait3A_60 = arith.constant 0 : i32
        %dma_wait3A_61 = tpu.memref_slice %arg7[%dma_wait3A_54, %dma_wait3A_60] : memref<8x128xi32, #tpu.memory_space<vmem>> -> memref<1x128xi32, #tpu.memory_space<vmem>>
        %dma_wait3A_62 = tpu.memref_squeeze %dma_wait3A_61 : memref<1x128xi32, #tpu.memory_space<vmem>> -> memref<128xi32, #tpu.memory_space<vmem>>
        %dma_wait3A_63 = arith.constant 0 : i32
        %dma_wait3A_64 = arith.constant 0 : i32
        %dma_wait3A_65 = tpu.memref_slice %arg2[%dma_wait3A_63, %dma_wait3A_64] : memref<10000x128xf32, #tpu.memory_space<hbm>> -> memref<10000x128xf32, #tpu.memory_space<hbm>>
        tpu.wait_indirect_dma semaphore(%arg11 : memref<!tpu.dma_semaphore, #tpu.memory_space<semaphore_mem>>) src(%dma_wait3A_65 : memref<10000x128xf32, #tpu.memory_space<hbm>>) dst(%dma_wait3A_59 : memref<128x128xf32, #tpu.memory_space<vmem>>)
        %dma_start3A_66 = arith.constant 2 : i32
        %dma_start3A_67 = arith.constant 0 : i32
        %dma_start3A_68 = arith.constant 0 : i32
        %dma_start3A_69 = arith.constant 0 : i32
        %dma_start3A_70 = tpu.memref_slice %arg9[%dma_start3A_67, %dma_start3A_68, %dma_start3A_69] : memref<2x128x128xf32, #tpu.memory_space<vmem>> -> memref<1x128x128xf32, #tpu.memory_space<vmem>>
        %dma_start3A_71 = tpu.memref_squeeze %dma_start3A_70 : memref<1x128x128xf32, #tpu.memory_space<vmem>> -> memref<128x128xf32, #tpu.memory_space<vmem>>
        %dma_start3A_72 = arith.constant 0 : i32
        %dma_start3A_73 = tpu.memref_slice %arg7[%dma_start3A_66, %dma_start3A_72] : memref<8x128xi32, #tpu.memory_space<vmem>> -> memref<1x128xi32, #tpu.memory_space<vmem>>
        %dma_start3A_74 = tpu.memref_squeeze %dma_start3A_73 : memref<1x128xi32, #tpu.memory_space<vmem>> -> memref<128xi32, #tpu.memory_space<vmem>>
        %dma_start3A_75 = arith.constant 0 : i32
        %dma_start3A_76 = arith.constant 0 : i32
        %dma_start3A_77 = tpu.memref_slice %arg2[%dma_start3A_75, %dma_start3A_76] : memref<10000x128xf32, #tpu.memory_space<hbm>> -> memref<10000x128xf32, #tpu.memory_space<hbm>>
        tpu.enqueue_indirect_dma source(%dma_start3A_77 : memref<10000x128xf32, #tpu.memory_space<hbm>>) target(%dma_start3A_71 : memref<128x128xf32, #tpu.memory_space<vmem>>) offsets(%dma_start3A_74 : memref<128xi32, #tpu.memory_space<vmem>>) semaphore(%arg11 : memref<!tpu.dma_semaphore, #tpu.memory_space<semaphore_mem>>)
        %run_scoped3A_78 = arith.constant 1 : i32
        %run_scoped3A_79 = arith.constant 1 : i32
        "tpu.region"() ({
          %run_scoped3A_224 = tpu.sem_alloc : memref<!tpu.dma_semaphore, #tpu.memory_space<semaphore_mem>>
          %dma_start3A_225 = arith.constant 0 : i32
          %dma_start3A_226 = arith.constant 0 : i32
          %dma_start3A_227 = tpu.memref_slice %arg9[%run_scoped3A_78, %dma_start3A_225, %dma_start3A_226] : memref<2x128x128xf32, #tpu.memory_space<vmem>> -> memref<1x128x128xf32, #tpu.memory_space<vmem>>
          %dma_start3A_228 = tpu.memref_squeeze %dma_start3A_227 : memref<1x128x128xf32, #tpu.memory_space<vmem>> -> memref<128x128xf32, #tpu.memory_space<vmem>>
          %dma_start3A_229 = arith.constant 0 : i32
          %dma_start3A_230 = tpu.memref_slice %arg8[%run_scoped3A_79, %dma_start3A_229] : memref<8x128xi32, #tpu.memory_space<vmem>> -> memref<1x128xi32, #tpu.memory_space<vmem>>
          %dma_start3A_231 = tpu.memref_squeeze %dma_start3A_230 : memref<1x128xi32, #tpu.memory_space<vmem>> -> memref<128xi32, #tpu.memory_space<vmem>>
          %dma_start3A_232 = arith.constant 0 : i32
          %dma_start3A_233 = arith.constant 0 : i32
          %dma_start3A_234 = tpu.memref_slice %arg10[%dma_start3A_232, %dma_start3A_233] : memref<10112x128xf32, #tpu.memory_space<vmem_shared>> -> memref<10112x128xf32, #tpu.memory_space<vmem_shared>>
          tpu.enqueue_indirect_dma source(%dma_start3A_228 : memref<128x128xf32, #tpu.memory_space<vmem>>) target(%dma_start3A_234 : memref<10112x128xf32, #tpu.memory_space<vmem_shared>>) offsets(%dma_start3A_231 : memref<128xi32, #tpu.memory_space<vmem>>) semaphore(%run_scoped3A_224 : memref<!tpu.dma_semaphore, #tpu.memory_space<semaphore_mem>>) {add = true}
          %dma_wait3A_235 = arith.constant 0 : i32
          %dma_wait3A_236 = arith.constant 0 : i32
          %dma_wait3A_237 = tpu.memref_slice %arg9[%run_scoped3A_78, %dma_wait3A_235, %dma_wait3A_236] : memref<2x128x128xf32, #tpu.memory_space<vmem>> -> memref<1x128x128xf32, #tpu.memory_space<vmem>>
          %dma_wait3A_238 = tpu.memref_squeeze %dma_wait3A_237 : memref<1x128x128xf32, #tpu.memory_space<vmem>> -> memref<128x128xf32, #tpu.memory_space<vmem>>
          %dma_wait3A_239 = arith.constant 0 : i32
          %dma_wait3A_240 = tpu.memref_slice %arg8[%run_scoped3A_79, %dma_wait3A_239] : memref<8x128xi32, #tpu.memory_space<vmem>> -> memref<1x128xi32, #tpu.memory_space<vmem>>
          %dma_wait3A_241 = tpu.memref_squeeze %dma_wait3A_240 : memref<1x128xi32, #tpu.memory_space<vmem>> -> memref<128xi32, #tpu.memory_space<vmem>>
          %dma_wait3A_242 = arith.constant 0 : i32
          %dma_wait3A_243 = arith.constant 0 : i32
          %dma_wait3A_244 = tpu.memref_slice %arg10[%dma_wait3A_242, %dma_wait3A_243] : memref<10112x128xf32, #tpu.memory_space<vmem_shared>> -> memref<10112x128xf32, #tpu.memory_space<vmem_shared>>
          tpu.wait_indirect_dma semaphore(%run_scoped3A_224 : memref<!tpu.dma_semaphore, #tpu.memory_space<semaphore_mem>>) src(%dma_wait3A_238 : memref<128x128xf32, #tpu.memory_space<vmem>>) dst(%dma_wait3A_244 : memref<10112x128xf32, #tpu.memory_space<vmem_shared>>)
          tpu.yield
        }) : () -> ()
        %dma_wait3A_80 = arith.constant 2 : i32
        %dma_wait3A_81 = arith.constant 0 : i32
        %dma_wait3A_82 = arith.constant 0 : i32
        %dma_wait3A_83 = arith.constant 0 : i32
        %dma_wait3A_84 = tpu.memref_slice %arg9[%dma_wait3A_81, %dma_wait3A_82, %dma_wait3A_83] : memref<2x128x128xf32, #tpu.memory_space<vmem>> -> memref<1x128x128xf32, #tpu.memory_space<vmem>>
        %dma_wait3A_85 = tpu.memref_squeeze %dma_wait3A_84 : memref<1x128x128xf32, #tpu.memory_space<vmem>> -> memref<128x128xf32, #tpu.memory_space<vmem>>
        %dma_wait3A_86 = arith.constant 0 : i32
        %dma_wait3A_87 = tpu.memref_slice %arg7[%dma_wait3A_80, %dma_wait3A_86] : memref<8x128xi32, #tpu.memory_space<vmem>> -> memref<1x128xi32, #tpu.memory_space<vmem>>
        %dma_wait3A_88 = tpu.memref_squeeze %dma_wait3A_87 : memref<1x128xi32, #tpu.memory_space<vmem>> -> memref<128xi32, #tpu.memory_space<vmem>>
        %dma_wait3A_89 = arith.constant 0 : i32
        %dma_wait3A_90 = arith.constant 0 : i32
        %dma_wait3A_91 = tpu.memref_slice %arg2[%dma_wait3A_89, %dma_wait3A_90] : memref<10000x128xf32, #tpu.memory_space<hbm>> -> memref<10000x128xf32, #tpu.memory_space<hbm>>
        tpu.wait_indirect_dma semaphore(%arg11 : memref<!tpu.dma_semaphore, #tpu.memory_space<semaphore_mem>>) src(%dma_wait3A_91 : memref<10000x128xf32, #tpu.memory_space<hbm>>) dst(%dma_wait3A_85 : memref<128x128xf32, #tpu.memory_space<vmem>>)
        %dma_start3A_92 = arith.constant 3 : i32
        %dma_start3A_93 = arith.constant 1 : i32
        %dma_start3A_94 = arith.constant 0 : i32
        %dma_start3A_95 = arith.constant 0 : i32
        %dma_start3A_96 = tpu.memref_slice %arg9[%dma_start3A_93, %dma_start3A_94, %dma_start3A_95] : memref<2x128x128xf32, #tpu.memory_space<vmem>> -> memref<1x128x128xf32, #tpu.memory_space<vmem>>
        %dma_start3A_97 = tpu.memref_squeeze %dma_start3A_96 : memref<1x128x128xf32, #tpu.memory_space<vmem>> -> memref<128x128xf32, #tpu.memory_space<vmem>>
        %dma_start3A_98 = arith.constant 0 : i32
        %dma_start3A_99 = tpu.memref_slice %arg7[%dma_start3A_92, %dma_start3A_98] : memref<8x128xi32, #tpu.memory_space<vmem>> -> memref<1x128xi32, #tpu.memory_space<vmem>>
        %dma_start3A_100 = tpu.memref_squeeze %dma_start3A_99 : memref<1x128xi32, #tpu.memory_space<vmem>> -> memref<128xi32, #tpu.memory_space<vmem>>
        %dma_start3A_101 = arith.constant 0 : i32
        %dma_start3A_102 = arith.constant 0 : i32
        %dma_start3A_103 = tpu.memref_slice %arg2[%dma_start3A_101, %dma_start3A_102] : memref<10000x128xf32, #tpu.memory_space<hbm>> -> memref<10000x128xf32, #tpu.memory_space<hbm>>
        tpu.enqueue_indirect_dma source(%dma_start3A_103 : memref<10000x128xf32, #tpu.memory_space<hbm>>) target(%dma_start3A_97 : memref<128x128xf32, #tpu.memory_space<vmem>>) offsets(%dma_start3A_100 : memref<128xi32, #tpu.memory_space<vmem>>) semaphore(%arg11 : memref<!tpu.dma_semaphore, #tpu.memory_space<semaphore_mem>>)
        %run_scoped3A_104 = arith.constant 0 : i32
        %run_scoped3A_105 = arith.constant 2 : i32
        "tpu.region"() ({
          %run_scoped3A_224 = tpu.sem_alloc : memref<!tpu.dma_semaphore, #tpu.memory_space<semaphore_mem>>
          %dma_start3A_225 = arith.constant 0 : i32
          %dma_start3A_226 = arith.constant 0 : i32
          %dma_start3A_227 = tpu.memref_slice %arg9[%run_scoped3A_104, %dma_start3A_225, %dma_start3A_226] : memref<2x128x128xf32, #tpu.memory_space<vmem>> -> memref<1x128x128xf32, #tpu.memory_space<vmem>>
          %dma_start3A_228 = tpu.memref_squeeze %dma_start3A_227 : memref<1x128x128xf32, #tpu.memory_space<vmem>> -> memref<128x128xf32, #tpu.memory_space<vmem>>
          %dma_start3A_229 = arith.constant 0 : i32
          %dma_start3A_230 = tpu.memref_slice %arg8[%run_scoped3A_105, %dma_start3A_229] : memref<8x128xi32, #tpu.memory_space<vmem>> -> memref<1x128xi32, #tpu.memory_space<vmem>>
          %dma_start3A_231 = tpu.memref_squeeze %dma_start3A_230 : memref<1x128xi32, #tpu.memory_space<vmem>> -> memref<128xi32, #tpu.memory_space<vmem>>
          %dma_start3A_232 = arith.constant 0 : i32
          %dma_start3A_233 = arith.constant 0 : i32
          %dma_start3A_234 = tpu.memref_slice %arg10[%dma_start3A_232, %dma_start3A_233] : memref<10112x128xf32, #tpu.memory_space<vmem_shared>> -> memref<10112x128xf32, #tpu.memory_space<vmem_shared>>
          tpu.enqueue_indirect_dma source(%dma_start3A_228 : memref<128x128xf32, #tpu.memory_space<vmem>>) target(%dma_start3A_234 : memref<10112x128xf32, #tpu.memory_space<vmem_shared>>) offsets(%dma_start3A_231 : memref<128xi32, #tpu.memory_space<vmem>>) semaphore(%run_scoped3A_224 : memref<!tpu.dma_semaphore, #tpu.memory_space<semaphore_mem>>) {add = true}
          %dma_wait3A_235 = arith.constant 0 : i32
          %dma_wait3A_236 = arith.constant 0 : i32
          %dma_wait3A_237 = tpu.memref_slice %arg9[%run_scoped3A_104, %dma_wait3A_235, %dma_wait3A_236] : memref<2x128x128xf32, #tpu.memory_space<vmem>> -> memref<1x128x128xf32, #tpu.memory_space<vmem>>
          %dma_wait3A_238 = tpu.memref_squeeze %dma_wait3A_237 : memref<1x128x128xf32, #tpu.memory_space<vmem>> -> memref<128x128xf32, #tpu.memory_space<vmem>>
          %dma_wait3A_239 = arith.constant 0 : i32
          %dma_wait3A_240 = tpu.memref_slice %arg8[%run_scoped3A_105, %dma_wait3A_239] : memref<8x128xi32, #tpu.memory_space<vmem>> -> memref<1x128xi32, #tpu.memory_space<vmem>>
          %dma_wait3A_241 = tpu.memref_squeeze %dma_wait3A_240 : memref<1x128xi32, #tpu.memory_space<vmem>> -> memref<128xi32, #tpu.memory_space<vmem>>
          %dma_wait3A_242 = arith.constant 0 : i32
          %dma_wait3A_243 = arith.constant 0 : i32
          %dma_wait3A_244 = tpu.memref_slice %arg10[%dma_wait3A_242, %dma_wait3A_243] : memref<10112x128xf32, #tpu.memory_space<vmem_shared>> -> memref<10112x128xf32, #tpu.memory_space<vmem_shared>>
          tpu.wait_indirect_dma semaphore(%run_scoped3A_224 : memref<!tpu.dma_semaphore, #tpu.memory_space<semaphore_mem>>) src(%dma_wait3A_238 : memref<128x128xf32, #tpu.memory_space<vmem>>) dst(%dma_wait3A_244 : memref<10112x128xf32, #tpu.memory_space<vmem_shared>>)
          tpu.yield
        }) : () -> ()
        %dma_wait3A_106 = arith.constant 3 : i32
        %dma_wait3A_107 = arith.constant 1 : i32
        %dma_wait3A_108 = arith.constant 0 : i32
        %dma_wait3A_109 = arith.constant 0 : i32
        %dma_wait3A_110 = tpu.memref_slice %arg9[%dma_wait3A_107, %dma_wait3A_108, %dma_wait3A_109] : memref<2x128x128xf32, #tpu.memory_space<vmem>> -> memref<1x128x128xf32, #tpu.memory_space<vmem>>
        %dma_wait3A_111 = tpu.memref_squeeze %dma_wait3A_110 : memref<1x128x128xf32, #tpu.memory_space<vmem>> -> memref<128x128xf32, #tpu.memory_space<vmem>>
        %dma_wait3A_112 = arith.constant 0 : i32
        %dma_wait3A_113 = tpu.memref_slice %arg7[%dma_wait3A_106, %dma_wait3A_112] : memref<8x128xi32, #tpu.memory_space<vmem>> -> memref<1x128xi32, #tpu.memory_space<vmem>>
        %dma_wait3A_114 = tpu.memref_squeeze %dma_wait3A_113 : memref<1x128xi32, #tpu.memory_space<vmem>> -> memref<128xi32, #tpu.memory_space<vmem>>
        %dma_wait3A_115 = arith.constant 0 : i32
        %dma_wait3A_116 = arith.constant 0 : i32
        %dma_wait3A_117 = tpu.memref_slice %arg2[%dma_wait3A_115, %dma_wait3A_116] : memref<10000x128xf32, #tpu.memory_space<hbm>> -> memref<10000x128xf32, #tpu.memory_space<hbm>>
        tpu.wait_indirect_dma semaphore(%arg11 : memref<!tpu.dma_semaphore, #tpu.memory_space<semaphore_mem>>) src(%dma_wait3A_117 : memref<10000x128xf32, #tpu.memory_space<hbm>>) dst(%dma_wait3A_111 : memref<128x128xf32, #tpu.memory_space<vmem>>)
        %dma_start3A_118 = arith.constant 4 : i32
        %dma_start3A_119 = arith.constant 0 : i32
        %dma_start3A_120 = arith.constant 0 : i32
        %dma_start3A_121 = arith.constant 0 : i32
        %dma_start3A_122 = tpu.memref_slice %arg9[%dma_start3A_119, %dma_start3A_120, %dma_start3A_121] : memref<2x128x128xf32, #tpu.memory_space<vmem>> -> memref<1x128x128xf32, #tpu.memory_space<vmem>>
        %dma_start3A_123 = tpu.memref_squeeze %dma_start3A_122 : memref<1x128x128xf32, #tpu.memory_space<vmem>> -> memref<128x128xf32, #tpu.memory_space<vmem>>
        %dma_start3A_124 = arith.constant 0 : i32
        %dma_start3A_125 = tpu.memref_slice %arg7[%dma_start3A_118, %dma_start3A_124] : memref<8x128xi32, #tpu.memory_space<vmem>> -> memref<1x128xi32, #tpu.memory_space<vmem>>
        %dma_start3A_126 = tpu.memref_squeeze %dma_start3A_125 : memref<1x128xi32, #tpu.memory_space<vmem>> -> memref<128xi32, #tpu.memory_space<vmem>>
        %dma_start3A_127 = arith.constant 0 : i32
        %dma_start3A_128 = arith.constant 0 : i32
        %dma_start3A_129 = tpu.memref_slice %arg2[%dma_start3A_127, %dma_start3A_128] : memref<10000x128xf32, #tpu.memory_space<hbm>> -> memref<10000x128xf32, #tpu.memory_space<hbm>>
        tpu.enqueue_indirect_dma source(%dma_start3A_129 : memref<10000x128xf32, #tpu.memory_space<hbm>>) target(%dma_start3A_123 : memref<128x128xf32, #tpu.memory_space<vmem>>) offsets(%dma_start3A_126 : memref<128xi32, #tpu.memory_space<vmem>>) semaphore(%arg11 : memref<!tpu.dma_semaphore, #tpu.memory_space<semaphore_mem>>)
        %run_scoped3A_130 = arith.constant 1 : i32
        %run_scoped3A_131 = arith.constant 3 : i32
        "tpu.region"() ({
          %run_scoped3A_224 = tpu.sem_alloc : memref<!tpu.dma_semaphore, #tpu.memory_space<semaphore_mem>>
          %dma_start3A_225 = arith.constant 0 : i32
          %dma_start3A_226 = arith.constant 0 : i32
          %dma_start3A_227 = tpu.memref_slice %arg9[%run_scoped3A_130, %dma_start3A_225, %dma_start3A_226] : memref<2x128x128xf32, #tpu.memory_space<vmem>> -> memref<1x128x128xf32, #tpu.memory_space<vmem>>
          %dma_start3A_228 = tpu.memref_squeeze %dma_start3A_227 : memref<1x128x128xf32, #tpu.memory_space<vmem>> -> memref<128x128xf32, #tpu.memory_space<vmem>>
          %dma_start3A_229 = arith.constant 0 : i32
          %dma_start3A_230 = tpu.memref_slice %arg8[%run_scoped3A_131, %dma_start3A_229] : memref<8x128xi32, #tpu.memory_space<vmem>> -> memref<1x128xi32, #tpu.memory_space<vmem>>
          %dma_start3A_231 = tpu.memref_squeeze %dma_start3A_230 : memref<1x128xi32, #tpu.memory_space<vmem>> -> memref<128xi32, #tpu.memory_space<vmem>>
          %dma_start3A_232 = arith.constant 0 : i32
          %dma_start3A_233 = arith.constant 0 : i32
          %dma_start3A_234 = tpu.memref_slice %arg10[%dma_start3A_232, %dma_start3A_233] : memref<10112x128xf32, #tpu.memory_space<vmem_shared>> -> memref<10112x128xf32, #tpu.memory_space<vmem_shared>>
          tpu.enqueue_indirect_dma source(%dma_start3A_228 : memref<128x128xf32, #tpu.memory_space<vmem>>) target(%dma_start3A_234 : memref<10112x128xf32, #tpu.memory_space<vmem_shared>>) offsets(%dma_start3A_231 : memref<128xi32, #tpu.memory_space<vmem>>) semaphore(%run_scoped3A_224 : memref<!tpu.dma_semaphore, #tpu.memory_space<semaphore_mem>>) {add = true}
          %dma_wait3A_235 = arith.constant 0 : i32
          %dma_wait3A_236 = arith.constant 0 : i32
          %dma_wait3A_237 = tpu.memref_slice %arg9[%run_scoped3A_130, %dma_wait3A_235, %dma_wait3A_236] : memref<2x128x128xf32, #tpu.memory_space<vmem>> -> memref<1x128x128xf32, #tpu.memory_space<vmem>>
          %dma_wait3A_238 = tpu.memref_squeeze %dma_wait3A_237 : memref<1x128x128xf32, #tpu.memory_space<vmem>> -> memref<128x128xf32, #tpu.memory_space<vmem>>
          %dma_wait3A_239 = arith.constant 0 : i32
          %dma_wait3A_240 = tpu.memref_slice %arg8[%run_scoped3A_131, %dma_wait3A_239] : memref<8x128xi32, #tpu.memory_space<vmem>> -> memref<1x128xi32, #tpu.memory_space<vmem>>
          %dma_wait3A_241 = tpu.memref_squeeze %dma_wait3A_240 : memref<1x128xi32, #tpu.memory_space<vmem>> -> memref<128xi32, #tpu.memory_space<vmem>>
          %dma_wait3A_242 = arith.constant 0 : i32
          %dma_wait3A_243 = arith.constant 0 : i32
          %dma_wait3A_244 = tpu.memref_slice %arg10[%dma_wait3A_242, %dma_wait3A_243] : memref<10112x128xf32, #tpu.memory_space<vmem_shared>> -> memref<10112x128xf32, #tpu.memory_space<vmem_shared>>
          tpu.wait_indirect_dma semaphore(%run_scoped3A_224 : memref<!tpu.dma_semaphore, #tpu.memory_space<semaphore_mem>>) src(%dma_wait3A_238 : memref<128x128xf32, #tpu.memory_space<vmem>>) dst(%dma_wait3A_244 : memref<10112x128xf32, #tpu.memory_space<vmem_shared>>)
          tpu.yield
        }) : () -> ()
        %dma_wait3A_132 = arith.constant 4 : i32
        %dma_wait3A_133 = arith.constant 0 : i32
        %dma_wait3A_134 = arith.constant 0 : i32
        %dma_wait3A_135 = arith.constant 0 : i32
        %dma_wait3A_136 = tpu.memref_slice %arg9[%dma_wait3A_133, %dma_wait3A_134, %dma_wait3A_135] : memref<2x128x128xf32, #tpu.memory_space<vmem>> -> memref<1x128x128xf32, #tpu.memory_space<vmem>>
        %dma_wait3A_137 = tpu.memref_squeeze %dma_wait3A_136 : memref<1x128x128xf32, #tpu.memory_space<vmem>> -> memref<128x128xf32, #tpu.memory_space<vmem>>
        %dma_wait3A_138 = arith.constant 0 : i32
        %dma_wait3A_139 = tpu.memref_slice %arg7[%dma_wait3A_132, %dma_wait3A_138] : memref<8x128xi32, #tpu.memory_space<vmem>> -> memref<1x128xi32, #tpu.memory_space<vmem>>
        %dma_wait3A_140 = tpu.memref_squeeze %dma_wait3A_139 : memref<1x128xi32, #tpu.memory_space<vmem>> -> memref<128xi32, #tpu.memory_space<vmem>>
        %dma_wait3A_141 = arith.constant 0 : i32
        %dma_wait3A_142 = arith.constant 0 : i32
        %dma_wait3A_143 = tpu.memref_slice %arg2[%dma_wait3A_141, %dma_wait3A_142] : memref<10000x128xf32, #tpu.memory_space<hbm>> -> memref<10000x128xf32, #tpu.memory_space<hbm>>
        tpu.wait_indirect_dma semaphore(%arg11 : memref<!tpu.dma_semaphore, #tpu.memory_space<semaphore_mem>>) src(%dma_wait3A_143 : memref<10000x128xf32, #tpu.memory_space<hbm>>) dst(%dma_wait3A_137 : memref<128x128xf32, #tpu.memory_space<vmem>>)
        %dma_start3A_144 = arith.constant 5 : i32
        %dma_start3A_145 = arith.constant 1 : i32
        %dma_start3A_146 = arith.constant 0 : i32
        %dma_start3A_147 = arith.constant 0 : i32
        %dma_start3A_148 = tpu.memref_slice %arg9[%dma_start3A_145, %dma_start3A_146, %dma_start3A_147] : memref<2x128x128xf32, #tpu.memory_space<vmem>> -> memref<1x128x128xf32, #tpu.memory_space<vmem>>
        %dma_start3A_149 = tpu.memref_squeeze %dma_start3A_148 : memref<1x128x128xf32, #tpu.memory_space<vmem>> -> memref<128x128xf32, #tpu.memory_space<vmem>>
        %dma_start3A_150 = arith.constant 0 : i32
        %dma_start3A_151 = tpu.memref_slice %arg7[%dma_start3A_144, %dma_start3A_150] : memref<8x128xi32, #tpu.memory_space<vmem>> -> memref<1x128xi32, #tpu.memory_space<vmem>>
        %dma_start3A_152 = tpu.memref_squeeze %dma_start3A_151 : memref<1x128xi32, #tpu.memory_space<vmem>> -> memref<128xi32, #tpu.memory_space<vmem>>
        %dma_start3A_153 = arith.constant 0 : i32
        %dma_start3A_154 = arith.constant 0 : i32
        %dma_start3A_155 = tpu.memref_slice %arg2[%dma_start3A_153, %dma_start3A_154] : memref<10000x128xf32, #tpu.memory_space<hbm>> -> memref<10000x128xf32, #tpu.memory_space<hbm>>
        tpu.enqueue_indirect_dma source(%dma_start3A_155 : memref<10000x128xf32, #tpu.memory_space<hbm>>) target(%dma_start3A_149 : memref<128x128xf32, #tpu.memory_space<vmem>>) offsets(%dma_start3A_152 : memref<128xi32, #tpu.memory_space<vmem>>) semaphore(%arg11 : memref<!tpu.dma_semaphore, #tpu.memory_space<semaphore_mem>>)
        %run_scoped3A_156 = arith.constant 0 : i32
        %run_scoped3A_157 = arith.constant 4 : i32
        "tpu.region"() ({
          %run_scoped3A_224 = tpu.sem_alloc : memref<!tpu.dma_semaphore, #tpu.memory_space<semaphore_mem>>
          %dma_start3A_225 = arith.constant 0 : i32
          %dma_start3A_226 = arith.constant 0 : i32
          %dma_start3A_227 = tpu.memref_slice %arg9[%run_scoped3A_156, %dma_start3A_225, %dma_start3A_226] : memref<2x128x128xf32, #tpu.memory_space<vmem>> -> memref<1x128x128xf32, #tpu.memory_space<vmem>>
          %dma_start3A_228 = tpu.memref_squeeze %dma_start3A_227 : memref<1x128x128xf32, #tpu.memory_space<vmem>> -> memref<128x128xf32, #tpu.memory_space<vmem>>
          %dma_start3A_229 = arith.constant 0 : i32
          %dma_start3A_230 = tpu.memref_slice %arg8[%run_scoped3A_157, %dma_start3A_229] : memref<8x128xi32, #tpu.memory_space<vmem>> -> memref<1x128xi32, #tpu.memory_space<vmem>>
          %dma_start3A_231 = tpu.memref_squeeze %dma_start3A_230 : memref<1x128xi32, #tpu.memory_space<vmem>> -> memref<128xi32, #tpu.memory_space<vmem>>
          %dma_start3A_232 = arith.constant 0 : i32
          %dma_start3A_233 = arith.constant 0 : i32
          %dma_start3A_234 = tpu.memref_slice %arg10[%dma_start3A_232, %dma_start3A_233] : memref<10112x128xf32, #tpu.memory_space<vmem_shared>> -> memref<10112x128xf32, #tpu.memory_space<vmem_shared>>
          tpu.enqueue_indirect_dma source(%dma_start3A_228 : memref<128x128xf32, #tpu.memory_space<vmem>>) target(%dma_start3A_234 : memref<10112x128xf32, #tpu.memory_space<vmem_shared>>) offsets(%dma_start3A_231 : memref<128xi32, #tpu.memory_space<vmem>>) semaphore(%run_scoped3A_224 : memref<!tpu.dma_semaphore, #tpu.memory_space<semaphore_mem>>) {add = true}
          %dma_wait3A_235 = arith.constant 0 : i32
          %dma_wait3A_236 = arith.constant 0 : i32
          %dma_wait3A_237 = tpu.memref_slice %arg9[%run_scoped3A_156, %dma_wait3A_235, %dma_wait3A_236] : memref<2x128x128xf32, #tpu.memory_space<vmem>> -> memref<1x128x128xf32, #tpu.memory_space<vmem>>
          %dma_wait3A_238 = tpu.memref_squeeze %dma_wait3A_237 : memref<1x128x128xf32, #tpu.memory_space<vmem>> -> memref<128x128xf32, #tpu.memory_space<vmem>>
          %dma_wait3A_239 = arith.constant 0 : i32
          %dma_wait3A_240 = tpu.memref_slice %arg8[%run_scoped3A_157, %dma_wait3A_239] : memref<8x128xi32, #tpu.memory_space<vmem>> -> memref<1x128xi32, #tpu.memory_space<vmem>>
          %dma_wait3A_241 = tpu.memref_squeeze %dma_wait3A_240 : memref<1x128xi32, #tpu.memory_space<vmem>> -> memref<128xi32, #tpu.memory_space<vmem>>
          %dma_wait3A_242 = arith.constant 0 : i32
          %dma_wait3A_243 = arith.constant 0 : i32
          %dma_wait3A_244 = tpu.memref_slice %arg10[%dma_wait3A_242, %dma_wait3A_243] : memref<10112x128xf32, #tpu.memory_space<vmem_shared>> -> memref<10112x128xf32, #tpu.memory_space<vmem_shared>>
          tpu.wait_indirect_dma semaphore(%run_scoped3A_224 : memref<!tpu.dma_semaphore, #tpu.memory_space<semaphore_mem>>) src(%dma_wait3A_238 : memref<128x128xf32, #tpu.memory_space<vmem>>) dst(%dma_wait3A_244 : memref<10112x128xf32, #tpu.memory_space<vmem_shared>>)
          tpu.yield
        }) : () -> ()
        %dma_wait3A_158 = arith.constant 5 : i32
        %dma_wait3A_159 = arith.constant 1 : i32
        %dma_wait3A_160 = arith.constant 0 : i32
        %dma_wait3A_161 = arith.constant 0 : i32
        %dma_wait3A_162 = tpu.memref_slice %arg9[%dma_wait3A_159, %dma_wait3A_160, %dma_wait3A_161] : memref<2x128x128xf32, #tpu.memory_space<vmem>> -> memref<1x128x128xf32, #tpu.memory_space<vmem>>
        %dma_wait3A_163 = tpu.memref_squeeze %dma_wait3A_162 : memref<1x128x128xf32, #tpu.memory_space<vmem>> -> memref<128x128xf32, #tpu.memory_space<vmem>>
        %dma_wait3A_164 = arith.constant 0 : i32
        %dma_wait3A_165 = tpu.memref_slice %arg7[%dma_wait3A_158, %dma_wait3A_164] : memref<8x128xi32, #tpu.memory_space<vmem>> -> memref<1x128xi32, #tpu.memory_space<vmem>>
        %dma_wait3A_166 = tpu.memref_squeeze %dma_wait3A_165 : memref<1x128xi32, #tpu.memory_space<vmem>> -> memref<128xi32, #tpu.memory_space<vmem>>
        %dma_wait3A_167 = arith.constant 0 : i32
        %dma_wait3A_168 = arith.constant 0 : i32
        %dma_wait3A_169 = tpu.memref_slice %arg2[%dma_wait3A_167, %dma_wait3A_168] : memref<10000x128xf32, #tpu.memory_space<hbm>> -> memref<10000x128xf32, #tpu.memory_space<hbm>>
        tpu.wait_indirect_dma semaphore(%arg11 : memref<!tpu.dma_semaphore, #tpu.memory_space<semaphore_mem>>) src(%dma_wait3A_169 : memref<10000x128xf32, #tpu.memory_space<hbm>>) dst(%dma_wait3A_163 : memref<128x128xf32, #tpu.memory_space<vmem>>)
        %dma_start3A_170 = arith.constant 6 : i32
        %dma_start3A_171 = arith.constant 0 : i32
        %dma_start3A_172 = arith.constant 0 : i32
        %dma_start3A_173 = arith.constant 0 : i32
        %dma_start3A_174 = tpu.memref_slice %arg9[%dma_start3A_171, %dma_start3A_172, %dma_start3A_173] : memref<2x128x128xf32, #tpu.memory_space<vmem>> -> memref<1x128x128xf32, #tpu.memory_space<vmem>>
        %dma_start3A_175 = tpu.memref_squeeze %dma_start3A_174 : memref<1x128x128xf32, #tpu.memory_space<vmem>> -> memref<128x128xf32, #tpu.memory_space<vmem>>
        %dma_start3A_176 = arith.constant 0 : i32
        %dma_start3A_177 = tpu.memref_slice %arg7[%dma_start3A_170, %dma_start3A_176] : memref<8x128xi32, #tpu.memory_space<vmem>> -> memref<1x128xi32, #tpu.memory_space<vmem>>
        %dma_start3A_178 = tpu.memref_squeeze %dma_start3A_177 : memref<1x128xi32, #tpu.memory_space<vmem>> -> memref<128xi32, #tpu.memory_space<vmem>>
        %dma_start3A_179 = arith.constant 0 : i32
        %dma_start3A_180 = arith.constant 0 : i32
        %dma_start3A_181 = tpu.memref_slice %arg2[%dma_start3A_179, %dma_start3A_180] : memref<10000x128xf32, #tpu.memory_space<hbm>> -> memref<10000x128xf32, #tpu.memory_space<hbm>>
        tpu.enqueue_indirect_dma source(%dma_start3A_181 : memref<10000x128xf32, #tpu.memory_space<hbm>>) target(%dma_start3A_175 : memref<128x128xf32, #tpu.memory_space<vmem>>) offsets(%dma_start3A_178 : memref<128xi32, #tpu.memory_space<vmem>>) semaphore(%arg11 : memref<!tpu.dma_semaphore, #tpu.memory_space<semaphore_mem>>)
        %run_scoped3A_182 = arith.constant 1 : i32
        %run_scoped3A_183 = arith.constant 5 : i32
        "tpu.region"() ({
          %run_scoped3A_224 = tpu.sem_alloc : memref<!tpu.dma_semaphore, #tpu.memory_space<semaphore_mem>>
          %dma_start3A_225 = arith.constant 0 : i32
          %dma_start3A_226 = arith.constant 0 : i32
          %dma_start3A_227 = tpu.memref_slice %arg9[%run_scoped3A_182, %dma_start3A_225, %dma_start3A_226] : memref<2x128x128xf32, #tpu.memory_space<vmem>> -> memref<1x128x128xf32, #tpu.memory_space<vmem>>
          %dma_start3A_228 = tpu.memref_squeeze %dma_start3A_227 : memref<1x128x128xf32, #tpu.memory_space<vmem>> -> memref<128x128xf32, #tpu.memory_space<vmem>>
          %dma_start3A_229 = arith.constant 0 : i32
          %dma_start3A_230 = tpu.memref_slice %arg8[%run_scoped3A_183, %dma_start3A_229] : memref<8x128xi32, #tpu.memory_space<vmem>> -> memref<1x128xi32, #tpu.memory_space<vmem>>
          %dma_start3A_231 = tpu.memref_squeeze %dma_start3A_230 : memref<1x128xi32, #tpu.memory_space<vmem>> -> memref<128xi32, #tpu.memory_space<vmem>>
          %dma_start3A_232 = arith.constant 0 : i32
          %dma_start3A_233 = arith.constant 0 : i32
          %dma_start3A_234 = tpu.memref_slice %arg10[%dma_start3A_232, %dma_start3A_233] : memref<10112x128xf32, #tpu.memory_space<vmem_shared>> -> memref<10112x128xf32, #tpu.memory_space<vmem_shared>>
          tpu.enqueue_indirect_dma source(%dma_start3A_228 : memref<128x128xf32, #tpu.memory_space<vmem>>) target(%dma_start3A_234 : memref<10112x128xf32, #tpu.memory_space<vmem_shared>>) offsets(%dma_start3A_231 : memref<128xi32, #tpu.memory_space<vmem>>) semaphore(%run_scoped3A_224 : memref<!tpu.dma_semaphore, #tpu.memory_space<semaphore_mem>>) {add = true}
          %dma_wait3A_235 = arith.constant 0 : i32
          %dma_wait3A_236 = arith.constant 0 : i32
          %dma_wait3A_237 = tpu.memref_slice %arg9[%run_scoped3A_182, %dma_wait3A_235, %dma_wait3A_236] : memref<2x128x128xf32, #tpu.memory_space<vmem>> -> memref<1x128x128xf32, #tpu.memory_space<vmem>>
          %dma_wait3A_238 = tpu.memref_squeeze %dma_wait3A_237 : memref<1x128x128xf32, #tpu.memory_space<vmem>> -> memref<128x128xf32, #tpu.memory_space<vmem>>
          %dma_wait3A_239 = arith.constant 0 : i32
          %dma_wait3A_240 = tpu.memref_slice %arg8[%run_scoped3A_183, %dma_wait3A_239] : memref<8x128xi32, #tpu.memory_space<vmem>> -> memref<1x128xi32, #tpu.memory_space<vmem>>
          %dma_wait3A_241 = tpu.memref_squeeze %dma_wait3A_240 : memref<1x128xi32, #tpu.memory_space<vmem>> -> memref<128xi32, #tpu.memory_space<vmem>>
          %dma_wait3A_242 = arith.constant 0 : i32
          %dma_wait3A_243 = arith.constant 0 : i32
          %dma_wait3A_244 = tpu.memref_slice %arg10[%dma_wait3A_242, %dma_wait3A_243] : memref<10112x128xf32, #tpu.memory_space<vmem_shared>> -> memref<10112x128xf32, #tpu.memory_space<vmem_shared>>
          tpu.wait_indirect_dma semaphore(%run_scoped3A_224 : memref<!tpu.dma_semaphore, #tpu.memory_space<semaphore_mem>>) src(%dma_wait3A_238 : memref<128x128xf32, #tpu.memory_space<vmem>>) dst(%dma_wait3A_244 : memref<10112x128xf32, #tpu.memory_space<vmem_shared>>)
          tpu.yield
        }) : () -> ()
        %dma_wait3A_184 = arith.constant 6 : i32
        %dma_wait3A_185 = arith.constant 0 : i32
        %dma_wait3A_186 = arith.constant 0 : i32
        %dma_wait3A_187 = arith.constant 0 : i32
        %dma_wait3A_188 = tpu.memref_slice %arg9[%dma_wait3A_185, %dma_wait3A_186, %dma_wait3A_187] : memref<2x128x128xf32, #tpu.memory_space<vmem>> -> memref<1x128x128xf32, #tpu.memory_space<vmem>>
        %dma_wait3A_189 = tpu.memref_squeeze %dma_wait3A_188 : memref<1x128x128xf32, #tpu.memory_space<vmem>> -> memref<128x128xf32, #tpu.memory_space<vmem>>
        %dma_wait3A_190 = arith.constant 0 : i32
        %dma_wait3A_191 = tpu.memref_slice %arg7[%dma_wait3A_184, %dma_wait3A_190] : memref<8x128xi32, #tpu.memory_space<vmem>> -> memref<1x128xi32, #tpu.memory_space<vmem>>
        %dma_wait3A_192 = tpu.memref_squeeze %dma_wait3A_191 : memref<1x128xi32, #tpu.memory_space<vmem>> -> memref<128xi32, #tpu.memory_space<vmem>>
        %dma_wait3A_193 = arith.constant 0 : i32
        %dma_wait3A_194 = arith.constant 0 : i32
        %dma_wait3A_195 = tpu.memref_slice %arg2[%dma_wait3A_193, %dma_wait3A_194] : memref<10000x128xf32, #tpu.memory_space<hbm>> -> memref<10000x128xf32, #tpu.memory_space<hbm>>
        tpu.wait_indirect_dma semaphore(%arg11 : memref<!tpu.dma_semaphore, #tpu.memory_space<semaphore_mem>>) src(%dma_wait3A_195 : memref<10000x128xf32, #tpu.memory_space<hbm>>) dst(%dma_wait3A_189 : memref<128x128xf32, #tpu.memory_space<vmem>>)
        %dma_start3A_196 = arith.constant 7 : i32
        %dma_start3A_197 = arith.constant 1 : i32
        %dma_start3A_198 = arith.constant 0 : i32
        %dma_start3A_199 = arith.constant 0 : i32
        %dma_start3A_200 = tpu.memref_slice %arg9[%dma_start3A_197, %dma_start3A_198, %dma_start3A_199] : memref<2x128x128xf32, #tpu.memory_space<vmem>> -> memref<1x128x128xf32, #tpu.memory_space<vmem>>
        %dma_start3A_201 = tpu.memref_squeeze %dma_start3A_200 : memref<1x128x128xf32, #tpu.memory_space<vmem>> -> memref<128x128xf32, #tpu.memory_space<vmem>>
        %dma_start3A_202 = arith.constant 0 : i32
        %dma_start3A_203 = tpu.memref_slice %arg7[%dma_start3A_196, %dma_start3A_202] : memref<8x128xi32, #tpu.memory_space<vmem>> -> memref<1x128xi32, #tpu.memory_space<vmem>>
        %dma_start3A_204 = tpu.memref_squeeze %dma_start3A_203 : memref<1x128xi32, #tpu.memory_space<vmem>> -> memref<128xi32, #tpu.memory_space<vmem>>
        %dma_start3A_205 = arith.constant 0 : i32
        %dma_start3A_206 = arith.constant 0 : i32
        %dma_start3A_207 = tpu.memref_slice %arg2[%dma_start3A_205, %dma_start3A_206] : memref<10000x128xf32, #tpu.memory_space<hbm>> -> memref<10000x128xf32, #tpu.memory_space<hbm>>
        tpu.enqueue_indirect_dma source(%dma_start3A_207 : memref<10000x128xf32, #tpu.memory_space<hbm>>) target(%dma_start3A_201 : memref<128x128xf32, #tpu.memory_space<vmem>>) offsets(%dma_start3A_204 : memref<128xi32, #tpu.memory_space<vmem>>) semaphore(%arg11 : memref<!tpu.dma_semaphore, #tpu.memory_space<semaphore_mem>>)
        %run_scoped3A_208 = arith.constant 0 : i32
        %run_scoped3A_209 = arith.constant 6 : i32
        "tpu.region"() ({
          %run_scoped3A_224 = tpu.sem_alloc : memref<!tpu.dma_semaphore, #tpu.memory_space<semaphore_mem>>
          %dma_start3A_225 = arith.constant 0 : i32
          %dma_start3A_226 = arith.constant 0 : i32
          %dma_start3A_227 = tpu.memref_slice %arg9[%run_scoped3A_208, %dma_start3A_225, %dma_start3A_226] : memref<2x128x128xf32, #tpu.memory_space<vmem>> -> memref<1x128x128xf32, #tpu.memory_space<vmem>>
          %dma_start3A_228 = tpu.memref_squeeze %dma_start3A_227 : memref<1x128x128xf32, #tpu.memory_space<vmem>> -> memref<128x128xf32, #tpu.memory_space<vmem>>
          %dma_start3A_229 = arith.constant 0 : i32
          %dma_start3A_230 = tpu.memref_slice %arg8[%run_scoped3A_209, %dma_start3A_229] : memref<8x128xi32, #tpu.memory_space<vmem>> -> memref<1x128xi32, #tpu.memory_space<vmem>>
          %dma_start3A_231 = tpu.memref_squeeze %dma_start3A_230 : memref<1x128xi32, #tpu.memory_space<vmem>> -> memref<128xi32, #tpu.memory_space<vmem>>
          %dma_start3A_232 = arith.constant 0 : i32
          %dma_start3A_233 = arith.constant 0 : i32
          %dma_start3A_234 = tpu.memref_slice %arg10[%dma_start3A_232, %dma_start3A_233] : memref<10112x128xf32, #tpu.memory_space<vmem_shared>> -> memref<10112x128xf32, #tpu.memory_space<vmem_shared>>
          tpu.enqueue_indirect_dma source(%dma_start3A_228 : memref<128x128xf32, #tpu.memory_space<vmem>>) target(%dma_start3A_234 : memref<10112x128xf32, #tpu.memory_space<vmem_shared>>) offsets(%dma_start3A_231 : memref<128xi32, #tpu.memory_space<vmem>>) semaphore(%run_scoped3A_224 : memref<!tpu.dma_semaphore, #tpu.memory_space<semaphore_mem>>) {add = true}
          %dma_wait3A_235 = arith.constant 0 : i32
          %dma_wait3A_236 = arith.constant 0 : i32
          %dma_wait3A_237 = tpu.memref_slice %arg9[%run_scoped3A_208, %dma_wait3A_235, %dma_wait3A_236] : memref<2x128x128xf32, #tpu.memory_space<vmem>> -> memref<1x128x128xf32, #tpu.memory_space<vmem>>
          %dma_wait3A_238 = tpu.memref_squeeze %dma_wait3A_237 : memref<1x128x128xf32, #tpu.memory_space<vmem>> -> memref<128x128xf32, #tpu.memory_space<vmem>>
          %dma_wait3A_239 = arith.constant 0 : i32
          %dma_wait3A_240 = tpu.memref_slice %arg8[%run_scoped3A_209, %dma_wait3A_239] : memref<8x128xi32, #tpu.memory_space<vmem>> -> memref<1x128xi32, #tpu.memory_space<vmem>>
          %dma_wait3A_241 = tpu.memref_squeeze %dma_wait3A_240 : memref<1x128xi32, #tpu.memory_space<vmem>> -> memref<128xi32, #tpu.memory_space<vmem>>
          %dma_wait3A_242 = arith.constant 0 : i32
          %dma_wait3A_243 = arith.constant 0 : i32
          %dma_wait3A_244 = tpu.memref_slice %arg10[%dma_wait3A_242, %dma_wait3A_243] : memref<10112x128xf32, #tpu.memory_space<vmem_shared>> -> memref<10112x128xf32, #tpu.memory_space<vmem_shared>>
          tpu.wait_indirect_dma semaphore(%run_scoped3A_224 : memref<!tpu.dma_semaphore, #tpu.memory_space<semaphore_mem>>) src(%dma_wait3A_238 : memref<128x128xf32, #tpu.memory_space<vmem>>) dst(%dma_wait3A_244 : memref<10112x128xf32, #tpu.memory_space<vmem_shared>>)
          tpu.yield
        }) : () -> ()
        %dma_wait3A_210 = arith.constant 7 : i32
        %dma_wait3A_211 = arith.constant 1 : i32
        %dma_wait3A_212 = arith.constant 0 : i32
        %dma_wait3A_213 = arith.constant 0 : i32
        %dma_wait3A_214 = tpu.memref_slice %arg9[%dma_wait3A_211, %dma_wait3A_212, %dma_wait3A_213] : memref<2x128x128xf32, #tpu.memory_space<vmem>> -> memref<1x128x128xf32, #tpu.memory_space<vmem>>
        %dma_wait3A_215 = tpu.memref_squeeze %dma_wait3A_214 : memref<1x128x128xf32, #tpu.memory_space<vmem>> -> memref<128x128xf32, #tpu.memory_space<vmem>>
        %dma_wait3A_216 = arith.constant 0 : i32
        %dma_wait3A_217 = tpu.memref_slice %arg7[%dma_wait3A_210, %dma_wait3A_216] : memref<8x128xi32, #tpu.memory_space<vmem>> -> memref<1x128xi32, #tpu.memory_space<vmem>>
        %dma_wait3A_218 = tpu.memref_squeeze %dma_wait3A_217 : memref<1x128xi32, #tpu.memory_space<vmem>> -> memref<128xi32, #tpu.memory_space<vmem>>
        %dma_wait3A_219 = arith.constant 0 : i32
        %dma_wait3A_220 = arith.constant 0 : i32
        %dma_wait3A_221 = tpu.memref_slice %arg2[%dma_wait3A_219, %dma_wait3A_220] : memref<10000x128xf32, #tpu.memory_space<hbm>> -> memref<10000x128xf32, #tpu.memory_space<hbm>>
        tpu.wait_indirect_dma semaphore(%arg11 : memref<!tpu.dma_semaphore, #tpu.memory_space<semaphore_mem>>) src(%dma_wait3A_221 : memref<10000x128xf32, #tpu.memory_space<hbm>>) dst(%dma_wait3A_215 : memref<128x128xf32, #tpu.memory_space<vmem>>)
        %run_scoped3A_222 = arith.constant 1 : i32
        %run_scoped3A_223 = arith.constant 7 : i32
        "tpu.region"() ({
          %run_scoped3A_224 = tpu.sem_alloc : memref<!tpu.dma_semaphore, #tpu.memory_space<semaphore_mem>>
          %dma_start3A_225 = arith.constant 0 : i32
          %dma_start3A_226 = arith.constant 0 : i32
          %dma_start3A_227 = tpu.memref_slice %arg9[%run_scoped3A_222, %dma_start3A_225, %dma_start3A_226] : memref<2x128x128xf32, #tpu.memory_space<vmem>> -> memref<1x128x128xf32, #tpu.memory_space<vmem>>
          %dma_start3A_228 = tpu.memref_squeeze %dma_start3A_227 : memref<1x128x128xf32, #tpu.memory_space<vmem>> -> memref<128x128xf32, #tpu.memory_space<vmem>>
          %dma_start3A_229 = arith.constant 0 : i32
          %dma_start3A_230 = tpu.memref_slice %arg8[%run_scoped3A_223, %dma_start3A_229] : memref<8x128xi32, #tpu.memory_space<vmem>> -> memref<1x128xi32, #tpu.memory_space<vmem>>
          %dma_start3A_231 = tpu.memref_squeeze %dma_start3A_230 : memref<1x128xi32, #tpu.memory_space<vmem>> -> memref<128xi32, #tpu.memory_space<vmem>>
          %dma_start3A_232 = arith.constant 0 : i32
          %dma_start3A_233 = arith.constant 0 : i32
          %dma_start3A_234 = tpu.memref_slice %arg10[%dma_start3A_232, %dma_start3A_233] : memref<10112x128xf32, #tpu.memory_space<vmem_shared>> -> memref<10112x128xf32, #tpu.memory_space<vmem_shared>>
          tpu.enqueue_indirect_dma source(%dma_start3A_228 : memref<128x128xf32, #tpu.memory_space<vmem>>) target(%dma_start3A_234 : memref<10112x128xf32, #tpu.memory_space<vmem_shared>>) offsets(%dma_start3A_231 : memref<128xi32, #tpu.memory_space<vmem>>) semaphore(%run_scoped3A_224 : memref<!tpu.dma_semaphore, #tpu.memory_space<semaphore_mem>>) {add = true}
          %dma_wait3A_235 = arith.constant 0 : i32
          %dma_wait3A_236 = arith.constant 0 : i32
          %dma_wait3A_237 = tpu.memref_slice %arg9[%run_scoped3A_222, %dma_wait3A_235, %dma_wait3A_236] : memref<2x128x128xf32, #tpu.memory_space<vmem>> -> memref<1x128x128xf32, #tpu.memory_space<vmem>>
          %dma_wait3A_238 = tpu.memref_squeeze %dma_wait3A_237 : memref<1x128x128xf32, #tpu.memory_space<vmem>> -> memref<128x128xf32, #tpu.memory_space<vmem>>
          %dma_wait3A_239 = arith.constant 0 : i32
          %dma_wait3A_240 = tpu.memref_slice %arg8[%run_scoped3A_223, %dma_wait3A_239] : memref<8x128xi32, #tpu.memory_space<vmem>> -> memref<1x128xi32, #tpu.memory_space<vmem>>
          %dma_wait3A_241 = tpu.memref_squeeze %dma_wait3A_240 : memref<1x128xi32, #tpu.memory_space<vmem>> -> memref<128xi32, #tpu.memory_space<vmem>>
          %dma_wait3A_242 = arith.constant 0 : i32
          %dma_wait3A_243 = arith.constant 0 : i32
          %dma_wait3A_244 = tpu.memref_slice %arg10[%dma_wait3A_242, %dma_wait3A_243] : memref<10112x128xf32, #tpu.memory_space<vmem_shared>> -> memref<10112x128xf32, #tpu.memory_space<vmem_shared>>
          tpu.wait_indirect_dma semaphore(%run_scoped3A_224 : memref<!tpu.dma_semaphore, #tpu.memory_space<semaphore_mem>>) src(%dma_wait3A_238 : memref<128x128xf32, #tpu.memory_space<vmem>>) dst(%dma_wait3A_244 : memref<10112x128xf32, #tpu.memory_space<vmem_shared>>)
          tpu.yield
        }) : () -> ()
      }
      %scan3A_15 = arith.constant 18 : i32
    } else {
    }
    %eq3A_3 = arith.constant 1 : i32
    %eq3A_4 = arith.cmpi eq, %arg0, %eq3A_3 : i32
    %convert_element_type3A_5 = arith.extui %eq3A_4 : i1 to i32
    %cond3A_6 = arith.constant 0 : i32
    %cond3A_7 = arith.cmpi ne, %convert_element_type3A_5, %cond3A_6 : i32
    scf.if %cond3A_7 {
      %mul3A_9 = arith.constant 16 : i32
      %mul3A_10 = arith.muli %arg1, %mul3A_9 : i32
      %add3A = arith.constant 2304 : i32
      %add3A_11 = arith.addi %add3A, %mul3A_10 : i32
      %scan3A = arith.constant 0 : i32
      %scan3A_12 = arith.constant 0 : i32
      %scan3A_13 = arith.constant 2 : i32
      %scan3A_14 = arith.addi %scan3A_12, %scan3A_13 : i32
      %scan3A_15 = arith.constant 1 : i32
      scf.for %scan3A_17 = %scan3A_12 to %scan3A_14 step %scan3A_15  : i32 {
        %mul3A_18 = arith.constant 8 : i32
        %mul3A_19 = arith.muli %scan3A_17, %mul3A_18 : i32
        %add3A_20 = arith.addi %add3A_11, %mul3A_19 : i32
        "tpu.region"() ({
          %run_scoped3A_226 = tpu.sem_alloc : memref<!tpu.dma_semaphore, #tpu.memory_space<semaphore_mem>>
          %dma_start3A_227 = arith.constant 0 : i32
          %dma_start3A_228 = tpu.memref_slice %arg3[%add3A_20, %dma_start3A_227] : memref<2560x128xi32, #tpu.memory_space<hbm>> -> memref<8x128xi32, #tpu.memory_space<hbm>>
          %dma_start3A_229 = arith.constant 0 : i32
          %dma_start3A_230 = tpu.memref_slice %arg3[%add3A_20, %dma_start3A_229] : memref<2560x128xi32, #tpu.memory_space<hbm>> -> memref<8x128xi32, #tpu.memory_space<hbm>>
          tpu.enqueue_dma source(%dma_start3A_230 : memref<8x128xi32, #tpu.memory_space<hbm>>) target(%arg7 : memref<8x128xi32, #tpu.memory_space<vmem>>) target_semaphore(%run_scoped3A_226 : memref<!tpu.dma_semaphore, #tpu.memory_space<semaphore_mem>>)
          %dma_wait3A_231 = arith.constant 0 : i32
          %dma_wait3A_232 = tpu.memref_slice %arg3[%add3A_20, %dma_wait3A_231] : memref<2560x128xi32, #tpu.memory_space<hbm>> -> memref<8x128xi32, #tpu.memory_space<hbm>>
          %dma_wait3A_233 = arith.constant 0 : i32
          %dma_wait3A_234 = tpu.memref_slice %arg3[%add3A_20, %dma_wait3A_233] : memref<2560x128xi32, #tpu.memory_space<hbm>> -> memref<8x128xi32, #tpu.memory_space<hbm>>
          tpu.wait_dma2 semaphore(%run_scoped3A_226 : memref<!tpu.dma_semaphore, #tpu.memory_space<semaphore_mem>>) src(%dma_wait3A_234 : memref<8x128xi32, #tpu.memory_space<hbm>>) dst(%arg7 : memref<8x128xi32, #tpu.memory_space<vmem>>)
          tpu.yield
        }) : () -> ()
        "tpu.region"() ({
          %run_scoped3A_226 = tpu.sem_alloc : memref<!tpu.dma_semaphore, #tpu.memory_space<semaphore_mem>>
          %dma_start3A_227 = arith.constant 0 : i32
          %dma_start3A_228 = tpu.memref_slice %arg4[%add3A_20, %dma_start3A_227] : memref<2560x128xi32, #tpu.memory_space<hbm>> -> memref<8x128xi32, #tpu.memory_space<hbm>>
          %dma_start3A_229 = arith.constant 0 : i32
          %dma_start3A_230 = tpu.memref_slice %arg4[%add3A_20, %dma_start3A_229] : memref<2560x128xi32, #tpu.memory_space<hbm>> -> memref<8x128xi32, #tpu.memory_space<hbm>>
          tpu.enqueue_dma source(%dma_start3A_230 : memref<8x128xi32, #tpu.memory_space<hbm>>) target(%arg8 : memref<8x128xi32, #tpu.memory_space<vmem>>) target_semaphore(%run_scoped3A_226 : memref<!tpu.dma_semaphore, #tpu.memory_space<semaphore_mem>>)
          %dma_wait3A_231 = arith.constant 0 : i32
          %dma_wait3A_232 = tpu.memref_slice %arg4[%add3A_20, %dma_wait3A_231] : memref<2560x128xi32, #tpu.memory_space<hbm>> -> memref<8x128xi32, #tpu.memory_space<hbm>>
          %dma_wait3A_233 = arith.constant 0 : i32
          %dma_wait3A_234 = tpu.memref_slice %arg4[%add3A_20, %dma_wait3A_233] : memref<2560x128xi32, #tpu.memory_space<hbm>> -> memref<8x128xi32, #tpu.memory_space<hbm>>
          tpu.wait_dma2 semaphore(%run_scoped3A_226 : memref<!tpu.dma_semaphore, #tpu.memory_space<semaphore_mem>>) src(%dma_wait3A_234 : memref<8x128xi32, #tpu.memory_space<hbm>>) dst(%arg8 : memref<8x128xi32, #tpu.memory_space<vmem>>)
          tpu.yield
        }) : () -> ()
        %dma_start3A = arith.constant 0 : i32
        %dma_start3A_21 = arith.constant 0 : i32
        %dma_start3A_22 = arith.constant 0 : i32
        %dma_start3A_23 = arith.constant 0 : i32
        %dma_start3A_24 = tpu.memref_slice %arg9[%dma_start3A_21, %dma_start3A_22, %dma_start3A_23] : memref<2x128x128xf32, #tpu.memory_space<vmem>> -> memref<1x128x128xf32, #tpu.memory_space<vmem>>
        %dma_start3A_25 = tpu.memref_squeeze %dma_start3A_24 : memref<1x128x128xf32, #tpu.memory_space<vmem>> -> memref<128x128xf32, #tpu.memory_space<vmem>>
        %dma_start3A_26 = arith.constant 0 : i32
        %dma_start3A_27 = tpu.memref_slice %arg7[%dma_start3A, %dma_start3A_26] : memref<8x128xi32, #tpu.memory_space<vmem>> -> memref<1x128xi32, #tpu.memory_space<vmem>>
        %dma_start3A_28 = tpu.memref_squeeze %dma_start3A_27 : memref<1x128xi32, #tpu.memory_space<vmem>> -> memref<128xi32, #tpu.memory_space<vmem>>
        %dma_start3A_29 = arith.constant 0 : i32
        %dma_start3A_30 = arith.constant 0 : i32
        %dma_start3A_31 = tpu.memref_slice %arg2[%dma_start3A_29, %dma_start3A_30] : memref<10000x128xf32, #tpu.memory_space<hbm>> -> memref<10000x128xf32, #tpu.memory_space<hbm>>
        tpu.enqueue_indirect_dma source(%dma_start3A_31 : memref<10000x128xf32, #tpu.memory_space<hbm>>) target(%dma_start3A_25 : memref<128x128xf32, #tpu.memory_space<vmem>>) offsets(%dma_start3A_28 : memref<128xi32, #tpu.memory_space<vmem>>) semaphore(%arg11 : memref<!tpu.dma_semaphore, #tpu.memory_space<semaphore_mem>>)
        %dma_wait3A = arith.constant 0 : i32
        %dma_wait3A_32 = arith.constant 0 : i32
        %dma_wait3A_33 = arith.constant 0 : i32
        %dma_wait3A_34 = arith.constant 0 : i32
        %dma_wait3A_35 = tpu.memref_slice %arg9[%dma_wait3A_32, %dma_wait3A_33, %dma_wait3A_34] : memref<2x128x128xf32, #tpu.memory_space<vmem>> -> memref<1x128x128xf32, #tpu.memory_space<vmem>>
        %dma_wait3A_36 = tpu.memref_squeeze %dma_wait3A_35 : memref<1x128x128xf32, #tpu.memory_space<vmem>> -> memref<128x128xf32, #tpu.memory_space<vmem>>
        %dma_wait3A_37 = arith.constant 0 : i32
        %dma_wait3A_38 = tpu.memref_slice %arg7[%dma_wait3A, %dma_wait3A_37] : memref<8x128xi32, #tpu.memory_space<vmem>> -> memref<1x128xi32, #tpu.memory_space<vmem>>
        %dma_wait3A_39 = tpu.memref_squeeze %dma_wait3A_38 : memref<1x128xi32, #tpu.memory_space<vmem>> -> memref<128xi32, #tpu.memory_space<vmem>>
        %dma_wait3A_40 = arith.constant 0 : i32
        %dma_wait3A_41 = arith.constant 0 : i32
        %dma_wait3A_42 = tpu.memref_slice %arg2[%dma_wait3A_40, %dma_wait3A_41] : memref<10000x128xf32, #tpu.memory_space<hbm>> -> memref<10000x128xf32, #tpu.memory_space<hbm>>
        tpu.wait_indirect_dma semaphore(%arg11 : memref<!tpu.dma_semaphore, #tpu.memory_space<semaphore_mem>>) src(%dma_wait3A_42 : memref<10000x128xf32, #tpu.memory_space<hbm>>) dst(%dma_wait3A_36 : memref<128x128xf32, #tpu.memory_space<vmem>>)
        %dma_start3A_43 = arith.constant 1 : i32
        %dma_start3A_44 = arith.constant 1 : i32
        %dma_start3A_45 = arith.constant 0 : i32
        %dma_start3A_46 = arith.constant 0 : i32
        %dma_start3A_47 = tpu.memref_slice %arg9[%dma_start3A_44, %dma_start3A_45, %dma_start3A_46] : memref<2x128x128xf32, #tpu.memory_space<vmem>> -> memref<1x128x128xf32, #tpu.memory_space<vmem>>
        %dma_start3A_48 = tpu.memref_squeeze %dma_start3A_47 : memref<1x128x128xf32, #tpu.memory_space<vmem>> -> memref<128x128xf32, #tpu.memory_space<vmem>>
        %dma_start3A_49 = arith.constant 0 : i32
        %dma_start3A_50 = tpu.memref_slice %arg7[%dma_start3A_43, %dma_start3A_49] : memref<8x128xi32, #tpu.memory_space<vmem>> -> memref<1x128xi32, #tpu.memory_space<vmem>>
        %dma_start3A_51 = tpu.memref_squeeze %dma_start3A_50 : memref<1x128xi32, #tpu.memory_space<vmem>> -> memref<128xi32, #tpu.memory_space<vmem>>
        %dma_start3A_52 = arith.constant 0 : i32
        %dma_start3A_53 = arith.constant 0 : i32
        %dma_start3A_54 = tpu.memref_slice %arg2[%dma_start3A_52, %dma_start3A_53] : memref<10000x128xf32, #tpu.memory_space<hbm>> -> memref<10000x128xf32, #tpu.memory_space<hbm>>
        tpu.enqueue_indirect_dma source(%dma_start3A_54 : memref<10000x128xf32, #tpu.memory_space<hbm>>) target(%dma_start3A_48 : memref<128x128xf32, #tpu.memory_space<vmem>>) offsets(%dma_start3A_51 : memref<128xi32, #tpu.memory_space<vmem>>) semaphore(%arg11 : memref<!tpu.dma_semaphore, #tpu.memory_space<semaphore_mem>>)
        %run_scoped3A = arith.constant 0 : i32
        %run_scoped3A_55 = arith.constant 0 : i32
        "tpu.region"() ({
          %run_scoped3A_226 = tpu.sem_alloc : memref<!tpu.dma_semaphore, #tpu.memory_space<semaphore_mem>>
          %dma_start3A_227 = arith.constant 0 : i32
          %dma_start3A_228 = arith.constant 0 : i32
          %dma_start3A_229 = tpu.memref_slice %arg9[%run_scoped3A, %dma_start3A_227, %dma_start3A_228] : memref<2x128x128xf32, #tpu.memory_space<vmem>> -> memref<1x128x128xf32, #tpu.memory_space<vmem>>
          %dma_start3A_230 = tpu.memref_squeeze %dma_start3A_229 : memref<1x128x128xf32, #tpu.memory_space<vmem>> -> memref<128x128xf32, #tpu.memory_space<vmem>>
          %dma_start3A_231 = arith.constant 0 : i32
          %dma_start3A_232 = tpu.memref_slice %arg8[%run_scoped3A_55, %dma_start3A_231] : memref<8x128xi32, #tpu.memory_space<vmem>> -> memref<1x128xi32, #tpu.memory_space<vmem>>
          %dma_start3A_233 = tpu.memref_squeeze %dma_start3A_232 : memref<1x128xi32, #tpu.memory_space<vmem>> -> memref<128xi32, #tpu.memory_space<vmem>>
          %dma_start3A_234 = arith.constant 0 : i32
          %dma_start3A_235 = arith.constant 0 : i32
          %dma_start3A_236 = tpu.memref_slice %arg10[%dma_start3A_234, %dma_start3A_235] : memref<10112x128xf32, #tpu.memory_space<vmem_shared>> -> memref<10112x128xf32, #tpu.memory_space<vmem_shared>>
          tpu.enqueue_indirect_dma source(%dma_start3A_230 : memref<128x128xf32, #tpu.memory_space<vmem>>) target(%dma_start3A_236 : memref<10112x128xf32, #tpu.memory_space<vmem_shared>>) offsets(%dma_start3A_233 : memref<128xi32, #tpu.memory_space<vmem>>) semaphore(%run_scoped3A_226 : memref<!tpu.dma_semaphore, #tpu.memory_space<semaphore_mem>>) {add = true}
          %dma_wait3A_237 = arith.constant 0 : i32
          %dma_wait3A_238 = arith.constant 0 : i32
          %dma_wait3A_239 = tpu.memref_slice %arg9[%run_scoped3A, %dma_wait3A_237, %dma_wait3A_238] : memref<2x128x128xf32, #tpu.memory_space<vmem>> -> memref<1x128x128xf32, #tpu.memory_space<vmem>>
          %dma_wait3A_240 = tpu.memref_squeeze %dma_wait3A_239 : memref<1x128x128xf32, #tpu.memory_space<vmem>> -> memref<128x128xf32, #tpu.memory_space<vmem>>
          %dma_wait3A_241 = arith.constant 0 : i32
          %dma_wait3A_242 = tpu.memref_slice %arg8[%run_scoped3A_55, %dma_wait3A_241] : memref<8x128xi32, #tpu.memory_space<vmem>> -> memref<1x128xi32, #tpu.memory_space<vmem>>
          %dma_wait3A_243 = tpu.memref_squeeze %dma_wait3A_242 : memref<1x128xi32, #tpu.memory_space<vmem>> -> memref<128xi32, #tpu.memory_space<vmem>>
          %dma_wait3A_244 = arith.constant 0 : i32
          %dma_wait3A_245 = arith.constant 0 : i32
          %dma_wait3A_246 = tpu.memref_slice %arg10[%dma_wait3A_244, %dma_wait3A_245] : memref<10112x128xf32, #tpu.memory_space<vmem_shared>> -> memref<10112x128xf32, #tpu.memory_space<vmem_shared>>
          tpu.wait_indirect_dma semaphore(%run_scoped3A_226 : memref<!tpu.dma_semaphore, #tpu.memory_space<semaphore_mem>>) src(%dma_wait3A_240 : memref<128x128xf32, #tpu.memory_space<vmem>>) dst(%dma_wait3A_246 : memref<10112x128xf32, #tpu.memory_space<vmem_shared>>)
          tpu.yield
        }) : () -> ()
        %dma_wait3A_56 = arith.constant 1 : i32
        %dma_wait3A_57 = arith.constant 1 : i32
        %dma_wait3A_58 = arith.constant 0 : i32
        %dma_wait3A_59 = arith.constant 0 : i32
        %dma_wait3A_60 = tpu.memref_slice %arg9[%dma_wait3A_57, %dma_wait3A_58, %dma_wait3A_59] : memref<2x128x128xf32, #tpu.memory_space<vmem>> -> memref<1x128x128xf32, #tpu.memory_space<vmem>>
        %dma_wait3A_61 = tpu.memref_squeeze %dma_wait3A_60 : memref<1x128x128xf32, #tpu.memory_space<vmem>> -> memref<128x128xf32, #tpu.memory_space<vmem>>
        %dma_wait3A_62 = arith.constant 0 : i32
        %dma_wait3A_63 = tpu.memref_slice %arg7[%dma_wait3A_56, %dma_wait3A_62] : memref<8x128xi32, #tpu.memory_space<vmem>> -> memref<1x128xi32, #tpu.memory_space<vmem>>
        %dma_wait3A_64 = tpu.memref_squeeze %dma_wait3A_63 : memref<1x128xi32, #tpu.memory_space<vmem>> -> memref<128xi32, #tpu.memory_space<vmem>>
        %dma_wait3A_65 = arith.constant 0 : i32
        %dma_wait3A_66 = arith.constant 0 : i32
        %dma_wait3A_67 = tpu.memref_slice %arg2[%dma_wait3A_65, %dma_wait3A_66] : memref<10000x128xf32, #tpu.memory_space<hbm>> -> memref<10000x128xf32, #tpu.memory_space<hbm>>
        tpu.wait_indirect_dma semaphore(%arg11 : memref<!tpu.dma_semaphore, #tpu.memory_space<semaphore_mem>>) src(%dma_wait3A_67 : memref<10000x128xf32, #tpu.memory_space<hbm>>) dst(%dma_wait3A_61 : memref<128x128xf32, #tpu.memory_space<vmem>>)
        %dma_start3A_68 = arith.constant 2 : i32
        %dma_start3A_69 = arith.constant 0 : i32
        %dma_start3A_70 = arith.constant 0 : i32
        %dma_start3A_71 = arith.constant 0 : i32
        %dma_start3A_72 = tpu.memref_slice %arg9[%dma_start3A_69, %dma_start3A_70, %dma_start3A_71] : memref<2x128x128xf32, #tpu.memory_space<vmem>> -> memref<1x128x128xf32, #tpu.memory_space<vmem>>
        %dma_start3A_73 = tpu.memref_squeeze %dma_start3A_72 : memref<1x128x128xf32, #tpu.memory_space<vmem>> -> memref<128x128xf32, #tpu.memory_space<vmem>>
        %dma_start3A_74 = arith.constant 0 : i32
        %dma_start3A_75 = tpu.memref_slice %arg7[%dma_start3A_68, %dma_start3A_74] : memref<8x128xi32, #tpu.memory_space<vmem>> -> memref<1x128xi32, #tpu.memory_space<vmem>>
        %dma_start3A_76 = tpu.memref_squeeze %dma_start3A_75 : memref<1x128xi32, #tpu.memory_space<vmem>> -> memref<128xi32, #tpu.memory_space<vmem>>
        %dma_start3A_77 = arith.constant 0 : i32
        %dma_start3A_78 = arith.constant 0 : i32
        %dma_start3A_79 = tpu.memref_slice %arg2[%dma_start3A_77, %dma_start3A_78] : memref<10000x128xf32, #tpu.memory_space<hbm>> -> memref<10000x128xf32, #tpu.memory_space<hbm>>
        tpu.enqueue_indirect_dma source(%dma_start3A_79 : memref<10000x128xf32, #tpu.memory_space<hbm>>) target(%dma_start3A_73 : memref<128x128xf32, #tpu.memory_space<vmem>>) offsets(%dma_start3A_76 : memref<128xi32, #tpu.memory_space<vmem>>) semaphore(%arg11 : memref<!tpu.dma_semaphore, #tpu.memory_space<semaphore_mem>>)
        %run_scoped3A_80 = arith.constant 1 : i32
        %run_scoped3A_81 = arith.constant 1 : i32
        "tpu.region"() ({
          %run_scoped3A_226 = tpu.sem_alloc : memref<!tpu.dma_semaphore, #tpu.memory_space<semaphore_mem>>
          %dma_start3A_227 = arith.constant 0 : i32
          %dma_start3A_228 = arith.constant 0 : i32
          %dma_start3A_229 = tpu.memref_slice %arg9[%run_scoped3A_80, %dma_start3A_227, %dma_start3A_228] : memref<2x128x128xf32, #tpu.memory_space<vmem>> -> memref<1x128x128xf32, #tpu.memory_space<vmem>>
          %dma_start3A_230 = tpu.memref_squeeze %dma_start3A_229 : memref<1x128x128xf32, #tpu.memory_space<vmem>> -> memref<128x128xf32, #tpu.memory_space<vmem>>
          %dma_start3A_231 = arith.constant 0 : i32
          %dma_start3A_232 = tpu.memref_slice %arg8[%run_scoped3A_81, %dma_start3A_231] : memref<8x128xi32, #tpu.memory_space<vmem>> -> memref<1x128xi32, #tpu.memory_space<vmem>>
          %dma_start3A_233 = tpu.memref_squeeze %dma_start3A_232 : memref<1x128xi32, #tpu.memory_space<vmem>> -> memref<128xi32, #tpu.memory_space<vmem>>
          %dma_start3A_234 = arith.constant 0 : i32
          %dma_start3A_235 = arith.constant 0 : i32
          %dma_start3A_236 = tpu.memref_slice %arg10[%dma_start3A_234, %dma_start3A_235] : memref<10112x128xf32, #tpu.memory_space<vmem_shared>> -> memref<10112x128xf32, #tpu.memory_space<vmem_shared>>
          tpu.enqueue_indirect_dma source(%dma_start3A_230 : memref<128x128xf32, #tpu.memory_space<vmem>>) target(%dma_start3A_236 : memref<10112x128xf32, #tpu.memory_space<vmem_shared>>) offsets(%dma_start3A_233 : memref<128xi32, #tpu.memory_space<vmem>>) semaphore(%run_scoped3A_226 : memref<!tpu.dma_semaphore, #tpu.memory_space<semaphore_mem>>) {add = true}
          %dma_wait3A_237 = arith.constant 0 : i32
          %dma_wait3A_238 = arith.constant 0 : i32
          %dma_wait3A_239 = tpu.memref_slice %arg9[%run_scoped3A_80, %dma_wait3A_237, %dma_wait3A_238] : memref<2x128x128xf32, #tpu.memory_space<vmem>> -> memref<1x128x128xf32, #tpu.memory_space<vmem>>
          %dma_wait3A_240 = tpu.memref_squeeze %dma_wait3A_239 : memref<1x128x128xf32, #tpu.memory_space<vmem>> -> memref<128x128xf32, #tpu.memory_space<vmem>>
          %dma_wait3A_241 = arith.constant 0 : i32
          %dma_wait3A_242 = tpu.memref_slice %arg8[%run_scoped3A_81, %dma_wait3A_241] : memref<8x128xi32, #tpu.memory_space<vmem>> -> memref<1x128xi32, #tpu.memory_space<vmem>>
          %dma_wait3A_243 = tpu.memref_squeeze %dma_wait3A_242 : memref<1x128xi32, #tpu.memory_space<vmem>> -> memref<128xi32, #tpu.memory_space<vmem>>
          %dma_wait3A_244 = arith.constant 0 : i32
          %dma_wait3A_245 = arith.constant 0 : i32
          %dma_wait3A_246 = tpu.memref_slice %arg10[%dma_wait3A_244, %dma_wait3A_245] : memref<10112x128xf32, #tpu.memory_space<vmem_shared>> -> memref<10112x128xf32, #tpu.memory_space<vmem_shared>>
          tpu.wait_indirect_dma semaphore(%run_scoped3A_226 : memref<!tpu.dma_semaphore, #tpu.memory_space<semaphore_mem>>) src(%dma_wait3A_240 : memref<128x128xf32, #tpu.memory_space<vmem>>) dst(%dma_wait3A_246 : memref<10112x128xf32, #tpu.memory_space<vmem_shared>>)
          tpu.yield
        }) : () -> ()
        %dma_wait3A_82 = arith.constant 2 : i32
        %dma_wait3A_83 = arith.constant 0 : i32
        %dma_wait3A_84 = arith.constant 0 : i32
        %dma_wait3A_85 = arith.constant 0 : i32
        %dma_wait3A_86 = tpu.memref_slice %arg9[%dma_wait3A_83, %dma_wait3A_84, %dma_wait3A_85] : memref<2x128x128xf32, #tpu.memory_space<vmem>> -> memref<1x128x128xf32, #tpu.memory_space<vmem>>
        %dma_wait3A_87 = tpu.memref_squeeze %dma_wait3A_86 : memref<1x128x128xf32, #tpu.memory_space<vmem>> -> memref<128x128xf32, #tpu.memory_space<vmem>>
        %dma_wait3A_88 = arith.constant 0 : i32
        %dma_wait3A_89 = tpu.memref_slice %arg7[%dma_wait3A_82, %dma_wait3A_88] : memref<8x128xi32, #tpu.memory_space<vmem>> -> memref<1x128xi32, #tpu.memory_space<vmem>>
        %dma_wait3A_90 = tpu.memref_squeeze %dma_wait3A_89 : memref<1x128xi32, #tpu.memory_space<vmem>> -> memref<128xi32, #tpu.memory_space<vmem>>
        %dma_wait3A_91 = arith.constant 0 : i32
        %dma_wait3A_92 = arith.constant 0 : i32
        %dma_wait3A_93 = tpu.memref_slice %arg2[%dma_wait3A_91, %dma_wait3A_92] : memref<10000x128xf32, #tpu.memory_space<hbm>> -> memref<10000x128xf32, #tpu.memory_space<hbm>>
        tpu.wait_indirect_dma semaphore(%arg11 : memref<!tpu.dma_semaphore, #tpu.memory_space<semaphore_mem>>) src(%dma_wait3A_93 : memref<10000x128xf32, #tpu.memory_space<hbm>>) dst(%dma_wait3A_87 : memref<128x128xf32, #tpu.memory_space<vmem>>)
        %dma_start3A_94 = arith.constant 3 : i32
        %dma_start3A_95 = arith.constant 1 : i32
        %dma_start3A_96 = arith.constant 0 : i32
        %dma_start3A_97 = arith.constant 0 : i32
        %dma_start3A_98 = tpu.memref_slice %arg9[%dma_start3A_95, %dma_start3A_96, %dma_start3A_97] : memref<2x128x128xf32, #tpu.memory_space<vmem>> -> memref<1x128x128xf32, #tpu.memory_space<vmem>>
        %dma_start3A_99 = tpu.memref_squeeze %dma_start3A_98 : memref<1x128x128xf32, #tpu.memory_space<vmem>> -> memref<128x128xf32, #tpu.memory_space<vmem>>
        %dma_start3A_100 = arith.constant 0 : i32
        %dma_start3A_101 = tpu.memref_slice %arg7[%dma_start3A_94, %dma_start3A_100] : memref<8x128xi32, #tpu.memory_space<vmem>> -> memref<1x128xi32, #tpu.memory_space<vmem>>
        %dma_start3A_102 = tpu.memref_squeeze %dma_start3A_101 : memref<1x128xi32, #tpu.memory_space<vmem>> -> memref<128xi32, #tpu.memory_space<vmem>>
        %dma_start3A_103 = arith.constant 0 : i32
        %dma_start3A_104 = arith.constant 0 : i32
        %dma_start3A_105 = tpu.memref_slice %arg2[%dma_start3A_103, %dma_start3A_104] : memref<10000x128xf32, #tpu.memory_space<hbm>> -> memref<10000x128xf32, #tpu.memory_space<hbm>>
        tpu.enqueue_indirect_dma source(%dma_start3A_105 : memref<10000x128xf32, #tpu.memory_space<hbm>>) target(%dma_start3A_99 : memref<128x128xf32, #tpu.memory_space<vmem>>) offsets(%dma_start3A_102 : memref<128xi32, #tpu.memory_space<vmem>>) semaphore(%arg11 : memref<!tpu.dma_semaphore, #tpu.memory_space<semaphore_mem>>)
        %run_scoped3A_106 = arith.constant 0 : i32
        %run_scoped3A_107 = arith.constant 2 : i32
        "tpu.region"() ({
          %run_scoped3A_226 = tpu.sem_alloc : memref<!tpu.dma_semaphore, #tpu.memory_space<semaphore_mem>>
          %dma_start3A_227 = arith.constant 0 : i32
          %dma_start3A_228 = arith.constant 0 : i32
          %dma_start3A_229 = tpu.memref_slice %arg9[%run_scoped3A_106, %dma_start3A_227, %dma_start3A_228] : memref<2x128x128xf32, #tpu.memory_space<vmem>> -> memref<1x128x128xf32, #tpu.memory_space<vmem>>
          %dma_start3A_230 = tpu.memref_squeeze %dma_start3A_229 : memref<1x128x128xf32, #tpu.memory_space<vmem>> -> memref<128x128xf32, #tpu.memory_space<vmem>>
          %dma_start3A_231 = arith.constant 0 : i32
          %dma_start3A_232 = tpu.memref_slice %arg8[%run_scoped3A_107, %dma_start3A_231] : memref<8x128xi32, #tpu.memory_space<vmem>> -> memref<1x128xi32, #tpu.memory_space<vmem>>
          %dma_start3A_233 = tpu.memref_squeeze %dma_start3A_232 : memref<1x128xi32, #tpu.memory_space<vmem>> -> memref<128xi32, #tpu.memory_space<vmem>>
          %dma_start3A_234 = arith.constant 0 : i32
          %dma_start3A_235 = arith.constant 0 : i32
          %dma_start3A_236 = tpu.memref_slice %arg10[%dma_start3A_234, %dma_start3A_235] : memref<10112x128xf32, #tpu.memory_space<vmem_shared>> -> memref<10112x128xf32, #tpu.memory_space<vmem_shared>>
          tpu.enqueue_indirect_dma source(%dma_start3A_230 : memref<128x128xf32, #tpu.memory_space<vmem>>) target(%dma_start3A_236 : memref<10112x128xf32, #tpu.memory_space<vmem_shared>>) offsets(%dma_start3A_233 : memref<128xi32, #tpu.memory_space<vmem>>) semaphore(%run_scoped3A_226 : memref<!tpu.dma_semaphore, #tpu.memory_space<semaphore_mem>>) {add = true}
          %dma_wait3A_237 = arith.constant 0 : i32
          %dma_wait3A_238 = arith.constant 0 : i32
          %dma_wait3A_239 = tpu.memref_slice %arg9[%run_scoped3A_106, %dma_wait3A_237, %dma_wait3A_238] : memref<2x128x128xf32, #tpu.memory_space<vmem>> -> memref<1x128x128xf32, #tpu.memory_space<vmem>>
          %dma_wait3A_240 = tpu.memref_squeeze %dma_wait3A_239 : memref<1x128x128xf32, #tpu.memory_space<vmem>> -> memref<128x128xf32, #tpu.memory_space<vmem>>
          %dma_wait3A_241 = arith.constant 0 : i32
          %dma_wait3A_242 = tpu.memref_slice %arg8[%run_scoped3A_107, %dma_wait3A_241] : memref<8x128xi32, #tpu.memory_space<vmem>> -> memref<1x128xi32, #tpu.memory_space<vmem>>
          %dma_wait3A_243 = tpu.memref_squeeze %dma_wait3A_242 : memref<1x128xi32, #tpu.memory_space<vmem>> -> memref<128xi32, #tpu.memory_space<vmem>>
          %dma_wait3A_244 = arith.constant 0 : i32
          %dma_wait3A_245 = arith.constant 0 : i32
          %dma_wait3A_246 = tpu.memref_slice %arg10[%dma_wait3A_244, %dma_wait3A_245] : memref<10112x128xf32, #tpu.memory_space<vmem_shared>> -> memref<10112x128xf32, #tpu.memory_space<vmem_shared>>
          tpu.wait_indirect_dma semaphore(%run_scoped3A_226 : memref<!tpu.dma_semaphore, #tpu.memory_space<semaphore_mem>>) src(%dma_wait3A_240 : memref<128x128xf32, #tpu.memory_space<vmem>>) dst(%dma_wait3A_246 : memref<10112x128xf32, #tpu.memory_space<vmem_shared>>)
          tpu.yield
        }) : () -> ()
        %dma_wait3A_108 = arith.constant 3 : i32
        %dma_wait3A_109 = arith.constant 1 : i32
        %dma_wait3A_110 = arith.constant 0 : i32
        %dma_wait3A_111 = arith.constant 0 : i32
        %dma_wait3A_112 = tpu.memref_slice %arg9[%dma_wait3A_109, %dma_wait3A_110, %dma_wait3A_111] : memref<2x128x128xf32, #tpu.memory_space<vmem>> -> memref<1x128x128xf32, #tpu.memory_space<vmem>>
        %dma_wait3A_113 = tpu.memref_squeeze %dma_wait3A_112 : memref<1x128x128xf32, #tpu.memory_space<vmem>> -> memref<128x128xf32, #tpu.memory_space<vmem>>
        %dma_wait3A_114 = arith.constant 0 : i32
        %dma_wait3A_115 = tpu.memref_slice %arg7[%dma_wait3A_108, %dma_wait3A_114] : memref<8x128xi32, #tpu.memory_space<vmem>> -> memref<1x128xi32, #tpu.memory_space<vmem>>
        %dma_wait3A_116 = tpu.memref_squeeze %dma_wait3A_115 : memref<1x128xi32, #tpu.memory_space<vmem>> -> memref<128xi32, #tpu.memory_space<vmem>>
        %dma_wait3A_117 = arith.constant 0 : i32
        %dma_wait3A_118 = arith.constant 0 : i32
        %dma_wait3A_119 = tpu.memref_slice %arg2[%dma_wait3A_117, %dma_wait3A_118] : memref<10000x128xf32, #tpu.memory_space<hbm>> -> memref<10000x128xf32, #tpu.memory_space<hbm>>
        tpu.wait_indirect_dma semaphore(%arg11 : memref<!tpu.dma_semaphore, #tpu.memory_space<semaphore_mem>>) src(%dma_wait3A_119 : memref<10000x128xf32, #tpu.memory_space<hbm>>) dst(%dma_wait3A_113 : memref<128x128xf32, #tpu.memory_space<vmem>>)
        %dma_start3A_120 = arith.constant 4 : i32
        %dma_start3A_121 = arith.constant 0 : i32
        %dma_start3A_122 = arith.constant 0 : i32
        %dma_start3A_123 = arith.constant 0 : i32
        %dma_start3A_124 = tpu.memref_slice %arg9[%dma_start3A_121, %dma_start3A_122, %dma_start3A_123] : memref<2x128x128xf32, #tpu.memory_space<vmem>> -> memref<1x128x128xf32, #tpu.memory_space<vmem>>
        %dma_start3A_125 = tpu.memref_squeeze %dma_start3A_124 : memref<1x128x128xf32, #tpu.memory_space<vmem>> -> memref<128x128xf32, #tpu.memory_space<vmem>>
        %dma_start3A_126 = arith.constant 0 : i32
        %dma_start3A_127 = tpu.memref_slice %arg7[%dma_start3A_120, %dma_start3A_126] : memref<8x128xi32, #tpu.memory_space<vmem>> -> memref<1x128xi32, #tpu.memory_space<vmem>>
        %dma_start3A_128 = tpu.memref_squeeze %dma_start3A_127 : memref<1x128xi32, #tpu.memory_space<vmem>> -> memref<128xi32, #tpu.memory_space<vmem>>
        %dma_start3A_129 = arith.constant 0 : i32
        %dma_start3A_130 = arith.constant 0 : i32
        %dma_start3A_131 = tpu.memref_slice %arg2[%dma_start3A_129, %dma_start3A_130] : memref<10000x128xf32, #tpu.memory_space<hbm>> -> memref<10000x128xf32, #tpu.memory_space<hbm>>
        tpu.enqueue_indirect_dma source(%dma_start3A_131 : memref<10000x128xf32, #tpu.memory_space<hbm>>) target(%dma_start3A_125 : memref<128x128xf32, #tpu.memory_space<vmem>>) offsets(%dma_start3A_128 : memref<128xi32, #tpu.memory_space<vmem>>) semaphore(%arg11 : memref<!tpu.dma_semaphore, #tpu.memory_space<semaphore_mem>>)
        %run_scoped3A_132 = arith.constant 1 : i32
        %run_scoped3A_133 = arith.constant 3 : i32
        "tpu.region"() ({
          %run_scoped3A_226 = tpu.sem_alloc : memref<!tpu.dma_semaphore, #tpu.memory_space<semaphore_mem>>
          %dma_start3A_227 = arith.constant 0 : i32
          %dma_start3A_228 = arith.constant 0 : i32
          %dma_start3A_229 = tpu.memref_slice %arg9[%run_scoped3A_132, %dma_start3A_227, %dma_start3A_228] : memref<2x128x128xf32, #tpu.memory_space<vmem>> -> memref<1x128x128xf32, #tpu.memory_space<vmem>>
          %dma_start3A_230 = tpu.memref_squeeze %dma_start3A_229 : memref<1x128x128xf32, #tpu.memory_space<vmem>> -> memref<128x128xf32, #tpu.memory_space<vmem>>
          %dma_start3A_231 = arith.constant 0 : i32
          %dma_start3A_232 = tpu.memref_slice %arg8[%run_scoped3A_133, %dma_start3A_231] : memref<8x128xi32, #tpu.memory_space<vmem>> -> memref<1x128xi32, #tpu.memory_space<vmem>>
          %dma_start3A_233 = tpu.memref_squeeze %dma_start3A_232 : memref<1x128xi32, #tpu.memory_space<vmem>> -> memref<128xi32, #tpu.memory_space<vmem>>
          %dma_start3A_234 = arith.constant 0 : i32
          %dma_start3A_235 = arith.constant 0 : i32
          %dma_start3A_236 = tpu.memref_slice %arg10[%dma_start3A_234, %dma_start3A_235] : memref<10112x128xf32, #tpu.memory_space<vmem_shared>> -> memref<10112x128xf32, #tpu.memory_space<vmem_shared>>
          tpu.enqueue_indirect_dma source(%dma_start3A_230 : memref<128x128xf32, #tpu.memory_space<vmem>>) target(%dma_start3A_236 : memref<10112x128xf32, #tpu.memory_space<vmem_shared>>) offsets(%dma_start3A_233 : memref<128xi32, #tpu.memory_space<vmem>>) semaphore(%run_scoped3A_226 : memref<!tpu.dma_semaphore, #tpu.memory_space<semaphore_mem>>) {add = true}
          %dma_wait3A_237 = arith.constant 0 : i32
          %dma_wait3A_238 = arith.constant 0 : i32
          %dma_wait3A_239 = tpu.memref_slice %arg9[%run_scoped3A_132, %dma_wait3A_237, %dma_wait3A_238] : memref<2x128x128xf32, #tpu.memory_space<vmem>> -> memref<1x128x128xf32, #tpu.memory_space<vmem>>
          %dma_wait3A_240 = tpu.memref_squeeze %dma_wait3A_239 : memref<1x128x128xf32, #tpu.memory_space<vmem>> -> memref<128x128xf32, #tpu.memory_space<vmem>>
          %dma_wait3A_241 = arith.constant 0 : i32
          %dma_wait3A_242 = tpu.memref_slice %arg8[%run_scoped3A_133, %dma_wait3A_241] : memref<8x128xi32, #tpu.memory_space<vmem>> -> memref<1x128xi32, #tpu.memory_space<vmem>>
          %dma_wait3A_243 = tpu.memref_squeeze %dma_wait3A_242 : memref<1x128xi32, #tpu.memory_space<vmem>> -> memref<128xi32, #tpu.memory_space<vmem>>
          %dma_wait3A_244 = arith.constant 0 : i32
          %dma_wait3A_245 = arith.constant 0 : i32
          %dma_wait3A_246 = tpu.memref_slice %arg10[%dma_wait3A_244, %dma_wait3A_245] : memref<10112x128xf32, #tpu.memory_space<vmem_shared>> -> memref<10112x128xf32, #tpu.memory_space<vmem_shared>>
          tpu.wait_indirect_dma semaphore(%run_scoped3A_226 : memref<!tpu.dma_semaphore, #tpu.memory_space<semaphore_mem>>) src(%dma_wait3A_240 : memref<128x128xf32, #tpu.memory_space<vmem>>) dst(%dma_wait3A_246 : memref<10112x128xf32, #tpu.memory_space<vmem_shared>>)
          tpu.yield
        }) : () -> ()
        %dma_wait3A_134 = arith.constant 4 : i32
        %dma_wait3A_135 = arith.constant 0 : i32
        %dma_wait3A_136 = arith.constant 0 : i32
        %dma_wait3A_137 = arith.constant 0 : i32
        %dma_wait3A_138 = tpu.memref_slice %arg9[%dma_wait3A_135, %dma_wait3A_136, %dma_wait3A_137] : memref<2x128x128xf32, #tpu.memory_space<vmem>> -> memref<1x128x128xf32, #tpu.memory_space<vmem>>
        %dma_wait3A_139 = tpu.memref_squeeze %dma_wait3A_138 : memref<1x128x128xf32, #tpu.memory_space<vmem>> -> memref<128x128xf32, #tpu.memory_space<vmem>>
        %dma_wait3A_140 = arith.constant 0 : i32
        %dma_wait3A_141 = tpu.memref_slice %arg7[%dma_wait3A_134, %dma_wait3A_140] : memref<8x128xi32, #tpu.memory_space<vmem>> -> memref<1x128xi32, #tpu.memory_space<vmem>>
        %dma_wait3A_142 = tpu.memref_squeeze %dma_wait3A_141 : memref<1x128xi32, #tpu.memory_space<vmem>> -> memref<128xi32, #tpu.memory_space<vmem>>
        %dma_wait3A_143 = arith.constant 0 : i32
        %dma_wait3A_144 = arith.constant 0 : i32
        %dma_wait3A_145 = tpu.memref_slice %arg2[%dma_wait3A_143, %dma_wait3A_144] : memref<10000x128xf32, #tpu.memory_space<hbm>> -> memref<10000x128xf32, #tpu.memory_space<hbm>>
        tpu.wait_indirect_dma semaphore(%arg11 : memref<!tpu.dma_semaphore, #tpu.memory_space<semaphore_mem>>) src(%dma_wait3A_145 : memref<10000x128xf32, #tpu.memory_space<hbm>>) dst(%dma_wait3A_139 : memref<128x128xf32, #tpu.memory_space<vmem>>)
        %dma_start3A_146 = arith.constant 5 : i32
        %dma_start3A_147 = arith.constant 1 : i32
        %dma_start3A_148 = arith.constant 0 : i32
        %dma_start3A_149 = arith.constant 0 : i32
        %dma_start3A_150 = tpu.memref_slice %arg9[%dma_start3A_147, %dma_start3A_148, %dma_start3A_149] : memref<2x128x128xf32, #tpu.memory_space<vmem>> -> memref<1x128x128xf32, #tpu.memory_space<vmem>>
        %dma_start3A_151 = tpu.memref_squeeze %dma_start3A_150 : memref<1x128x128xf32, #tpu.memory_space<vmem>> -> memref<128x128xf32, #tpu.memory_space<vmem>>
        %dma_start3A_152 = arith.constant 0 : i32
        %dma_start3A_153 = tpu.memref_slice %arg7[%dma_start3A_146, %dma_start3A_152] : memref<8x128xi32, #tpu.memory_space<vmem>> -> memref<1x128xi32, #tpu.memory_space<vmem>>
        %dma_start3A_154 = tpu.memref_squeeze %dma_start3A_153 : memref<1x128xi32, #tpu.memory_space<vmem>> -> memref<128xi32, #tpu.memory_space<vmem>>
        %dma_start3A_155 = arith.constant 0 : i32
        %dma_start3A_156 = arith.constant 0 : i32
        %dma_start3A_157 = tpu.memref_slice %arg2[%dma_start3A_155, %dma_start3A_156] : memref<10000x128xf32, #tpu.memory_space<hbm>> -> memref<10000x128xf32, #tpu.memory_space<hbm>>
        tpu.enqueue_indirect_dma source(%dma_start3A_157 : memref<10000x128xf32, #tpu.memory_space<hbm>>) target(%dma_start3A_151 : memref<128x128xf32, #tpu.memory_space<vmem>>) offsets(%dma_start3A_154 : memref<128xi32, #tpu.memory_space<vmem>>) semaphore(%arg11 : memref<!tpu.dma_semaphore, #tpu.memory_space<semaphore_mem>>)
        %run_scoped3A_158 = arith.constant 0 : i32
        %run_scoped3A_159 = arith.constant 4 : i32
        "tpu.region"() ({
          %run_scoped3A_226 = tpu.sem_alloc : memref<!tpu.dma_semaphore, #tpu.memory_space<semaphore_mem>>
          %dma_start3A_227 = arith.constant 0 : i32
          %dma_start3A_228 = arith.constant 0 : i32
          %dma_start3A_229 = tpu.memref_slice %arg9[%run_scoped3A_158, %dma_start3A_227, %dma_start3A_228] : memref<2x128x128xf32, #tpu.memory_space<vmem>> -> memref<1x128x128xf32, #tpu.memory_space<vmem>>
          %dma_start3A_230 = tpu.memref_squeeze %dma_start3A_229 : memref<1x128x128xf32, #tpu.memory_space<vmem>> -> memref<128x128xf32, #tpu.memory_space<vmem>>
          %dma_start3A_231 = arith.constant 0 : i32
          %dma_start3A_232 = tpu.memref_slice %arg8[%run_scoped3A_159, %dma_start3A_231] : memref<8x128xi32, #tpu.memory_space<vmem>> -> memref<1x128xi32, #tpu.memory_space<vmem>>
          %dma_start3A_233 = tpu.memref_squeeze %dma_start3A_232 : memref<1x128xi32, #tpu.memory_space<vmem>> -> memref<128xi32, #tpu.memory_space<vmem>>
          %dma_start3A_234 = arith.constant 0 : i32
          %dma_start3A_235 = arith.constant 0 : i32
          %dma_start3A_236 = tpu.memref_slice %arg10[%dma_start3A_234, %dma_start3A_235] : memref<10112x128xf32, #tpu.memory_space<vmem_shared>> -> memref<10112x128xf32, #tpu.memory_space<vmem_shared>>
          tpu.enqueue_indirect_dma source(%dma_start3A_230 : memref<128x128xf32, #tpu.memory_space<vmem>>) target(%dma_start3A_236 : memref<10112x128xf32, #tpu.memory_space<vmem_shared>>) offsets(%dma_start3A_233 : memref<128xi32, #tpu.memory_space<vmem>>) semaphore(%run_scoped3A_226 : memref<!tpu.dma_semaphore, #tpu.memory_space<semaphore_mem>>) {add = true}
          %dma_wait3A_237 = arith.constant 0 : i32
          %dma_wait3A_238 = arith.constant 0 : i32
          %dma_wait3A_239 = tpu.memref_slice %arg9[%run_scoped3A_158, %dma_wait3A_237, %dma_wait3A_238] : memref<2x128x128xf32, #tpu.memory_space<vmem>> -> memref<1x128x128xf32, #tpu.memory_space<vmem>>
          %dma_wait3A_240 = tpu.memref_squeeze %dma_wait3A_239 : memref<1x128x128xf32, #tpu.memory_space<vmem>> -> memref<128x128xf32, #tpu.memory_space<vmem>>
          %dma_wait3A_241 = arith.constant 0 : i32
          %dma_wait3A_242 = tpu.memref_slice %arg8[%run_scoped3A_159, %dma_wait3A_241] : memref<8x128xi32, #tpu.memory_space<vmem>> -> memref<1x128xi32, #tpu.memory_space<vmem>>
          %dma_wait3A_243 = tpu.memref_squeeze %dma_wait3A_242 : memref<1x128xi32, #tpu.memory_space<vmem>> -> memref<128xi32, #tpu.memory_space<vmem>>
          %dma_wait3A_244 = arith.constant 0 : i32
          %dma_wait3A_245 = arith.constant 0 : i32
          %dma_wait3A_246 = tpu.memref_slice %arg10[%dma_wait3A_244, %dma_wait3A_245] : memref<10112x128xf32, #tpu.memory_space<vmem_shared>> -> memref<10112x128xf32, #tpu.memory_space<vmem_shared>>
          tpu.wait_indirect_dma semaphore(%run_scoped3A_226 : memref<!tpu.dma_semaphore, #tpu.memory_space<semaphore_mem>>) src(%dma_wait3A_240 : memref<128x128xf32, #tpu.memory_space<vmem>>) dst(%dma_wait3A_246 : memref<10112x128xf32, #tpu.memory_space<vmem_shared>>)
          tpu.yield
        }) : () -> ()
        %dma_wait3A_160 = arith.constant 5 : i32
        %dma_wait3A_161 = arith.constant 1 : i32
        %dma_wait3A_162 = arith.constant 0 : i32
        %dma_wait3A_163 = arith.constant 0 : i32
        %dma_wait3A_164 = tpu.memref_slice %arg9[%dma_wait3A_161, %dma_wait3A_162, %dma_wait3A_163] : memref<2x128x128xf32, #tpu.memory_space<vmem>> -> memref<1x128x128xf32, #tpu.memory_space<vmem>>
        %dma_wait3A_165 = tpu.memref_squeeze %dma_wait3A_164 : memref<1x128x128xf32, #tpu.memory_space<vmem>> -> memref<128x128xf32, #tpu.memory_space<vmem>>
        %dma_wait3A_166 = arith.constant 0 : i32
        %dma_wait3A_167 = tpu.memref_slice %arg7[%dma_wait3A_160, %dma_wait3A_166] : memref<8x128xi32, #tpu.memory_space<vmem>> -> memref<1x128xi32, #tpu.memory_space<vmem>>
        %dma_wait3A_168 = tpu.memref_squeeze %dma_wait3A_167 : memref<1x128xi32, #tpu.memory_space<vmem>> -> memref<128xi32, #tpu.memory_space<vmem>>
        %dma_wait3A_169 = arith.constant 0 : i32
        %dma_wait3A_170 = arith.constant 0 : i32
        %dma_wait3A_171 = tpu.memref_slice %arg2[%dma_wait3A_169, %dma_wait3A_170] : memref<10000x128xf32, #tpu.memory_space<hbm>> -> memref<10000x128xf32, #tpu.memory_space<hbm>>
        tpu.wait_indirect_dma semaphore(%arg11 : memref<!tpu.dma_semaphore, #tpu.memory_space<semaphore_mem>>) src(%dma_wait3A_171 : memref<10000x128xf32, #tpu.memory_space<hbm>>) dst(%dma_wait3A_165 : memref<128x128xf32, #tpu.memory_space<vmem>>)
        %dma_start3A_172 = arith.constant 6 : i32
        %dma_start3A_173 = arith.constant 0 : i32
        %dma_start3A_174 = arith.constant 0 : i32
        %dma_start3A_175 = arith.constant 0 : i32
        %dma_start3A_176 = tpu.memref_slice %arg9[%dma_start3A_173, %dma_start3A_174, %dma_start3A_175] : memref<2x128x128xf32, #tpu.memory_space<vmem>> -> memref<1x128x128xf32, #tpu.memory_space<vmem>>
        %dma_start3A_177 = tpu.memref_squeeze %dma_start3A_176 : memref<1x128x128xf32, #tpu.memory_space<vmem>> -> memref<128x128xf32, #tpu.memory_space<vmem>>
        %dma_start3A_178 = arith.constant 0 : i32
        %dma_start3A_179 = tpu.memref_slice %arg7[%dma_start3A_172, %dma_start3A_178] : memref<8x128xi32, #tpu.memory_space<vmem>> -> memref<1x128xi32, #tpu.memory_space<vmem>>
        %dma_start3A_180 = tpu.memref_squeeze %dma_start3A_179 : memref<1x128xi32, #tpu.memory_space<vmem>> -> memref<128xi32, #tpu.memory_space<vmem>>
        %dma_start3A_181 = arith.constant 0 : i32
        %dma_start3A_182 = arith.constant 0 : i32
        %dma_start3A_183 = tpu.memref_slice %arg2[%dma_start3A_181, %dma_start3A_182] : memref<10000x128xf32, #tpu.memory_space<hbm>> -> memref<10000x128xf32, #tpu.memory_space<hbm>>
        tpu.enqueue_indirect_dma source(%dma_start3A_183 : memref<10000x128xf32, #tpu.memory_space<hbm>>) target(%dma_start3A_177 : memref<128x128xf32, #tpu.memory_space<vmem>>) offsets(%dma_start3A_180 : memref<128xi32, #tpu.memory_space<vmem>>) semaphore(%arg11 : memref<!tpu.dma_semaphore, #tpu.memory_space<semaphore_mem>>)
        %run_scoped3A_184 = arith.constant 1 : i32
        %run_scoped3A_185 = arith.constant 5 : i32
        "tpu.region"() ({
          %run_scoped3A_226 = tpu.sem_alloc : memref<!tpu.dma_semaphore, #tpu.memory_space<semaphore_mem>>
          %dma_start3A_227 = arith.constant 0 : i32
          %dma_start3A_228 = arith.constant 0 : i32
          %dma_start3A_229 = tpu.memref_slice %arg9[%run_scoped3A_184, %dma_start3A_227, %dma_start3A_228] : memref<2x128x128xf32, #tpu.memory_space<vmem>> -> memref<1x128x128xf32, #tpu.memory_space<vmem>>
          %dma_start3A_230 = tpu.memref_squeeze %dma_start3A_229 : memref<1x128x128xf32, #tpu.memory_space<vmem>> -> memref<128x128xf32, #tpu.memory_space<vmem>>
          %dma_start3A_231 = arith.constant 0 : i32
          %dma_start3A_232 = tpu.memref_slice %arg8[%run_scoped3A_185, %dma_start3A_231] : memref<8x128xi32, #tpu.memory_space<vmem>> -> memref<1x128xi32, #tpu.memory_space<vmem>>
          %dma_start3A_233 = tpu.memref_squeeze %dma_start3A_232 : memref<1x128xi32, #tpu.memory_space<vmem>> -> memref<128xi32, #tpu.memory_space<vmem>>
          %dma_start3A_234 = arith.constant 0 : i32
          %dma_start3A_235 = arith.constant 0 : i32
          %dma_start3A_236 = tpu.memref_slice %arg10[%dma_start3A_234, %dma_start3A_235] : memref<10112x128xf32, #tpu.memory_space<vmem_shared>> -> memref<10112x128xf32, #tpu.memory_space<vmem_shared>>
          tpu.enqueue_indirect_dma source(%dma_start3A_230 : memref<128x128xf32, #tpu.memory_space<vmem>>) target(%dma_start3A_236 : memref<10112x128xf32, #tpu.memory_space<vmem_shared>>) offsets(%dma_start3A_233 : memref<128xi32, #tpu.memory_space<vmem>>) semaphore(%run_scoped3A_226 : memref<!tpu.dma_semaphore, #tpu.memory_space<semaphore_mem>>) {add = true}
          %dma_wait3A_237 = arith.constant 0 : i32
          %dma_wait3A_238 = arith.constant 0 : i32
          %dma_wait3A_239 = tpu.memref_slice %arg9[%run_scoped3A_184, %dma_wait3A_237, %dma_wait3A_238] : memref<2x128x128xf32, #tpu.memory_space<vmem>> -> memref<1x128x128xf32, #tpu.memory_space<vmem>>
          %dma_wait3A_240 = tpu.memref_squeeze %dma_wait3A_239 : memref<1x128x128xf32, #tpu.memory_space<vmem>> -> memref<128x128xf32, #tpu.memory_space<vmem>>
          %dma_wait3A_241 = arith.constant 0 : i32
          %dma_wait3A_242 = tpu.memref_slice %arg8[%run_scoped3A_185, %dma_wait3A_241] : memref<8x128xi32, #tpu.memory_space<vmem>> -> memref<1x128xi32, #tpu.memory_space<vmem>>
          %dma_wait3A_243 = tpu.memref_squeeze %dma_wait3A_242 : memref<1x128xi32, #tpu.memory_space<vmem>> -> memref<128xi32, #tpu.memory_space<vmem>>
          %dma_wait3A_244 = arith.constant 0 : i32
          %dma_wait3A_245 = arith.constant 0 : i32
          %dma_wait3A_246 = tpu.memref_slice %arg10[%dma_wait3A_244, %dma_wait3A_245] : memref<10112x128xf32, #tpu.memory_space<vmem_shared>> -> memref<10112x128xf32, #tpu.memory_space<vmem_shared>>
          tpu.wait_indirect_dma semaphore(%run_scoped3A_226 : memref<!tpu.dma_semaphore, #tpu.memory_space<semaphore_mem>>) src(%dma_wait3A_240 : memref<128x128xf32, #tpu.memory_space<vmem>>) dst(%dma_wait3A_246 : memref<10112x128xf32, #tpu.memory_space<vmem_shared>>)
          tpu.yield
        }) : () -> ()
        %dma_wait3A_186 = arith.constant 6 : i32
        %dma_wait3A_187 = arith.constant 0 : i32
        %dma_wait3A_188 = arith.constant 0 : i32
        %dma_wait3A_189 = arith.constant 0 : i32
        %dma_wait3A_190 = tpu.memref_slice %arg9[%dma_wait3A_187, %dma_wait3A_188, %dma_wait3A_189] : memref<2x128x128xf32, #tpu.memory_space<vmem>> -> memref<1x128x128xf32, #tpu.memory_space<vmem>>
        %dma_wait3A_191 = tpu.memref_squeeze %dma_wait3A_190 : memref<1x128x128xf32, #tpu.memory_space<vmem>> -> memref<128x128xf32, #tpu.memory_space<vmem>>
        %dma_wait3A_192 = arith.constant 0 : i32
        %dma_wait3A_193 = tpu.memref_slice %arg7[%dma_wait3A_186, %dma_wait3A_192] : memref<8x128xi32, #tpu.memory_space<vmem>> -> memref<1x128xi32, #tpu.memory_space<vmem>>
        %dma_wait3A_194 = tpu.memref_squeeze %dma_wait3A_193 : memref<1x128xi32, #tpu.memory_space<vmem>> -> memref<128xi32, #tpu.memory_space<vmem>>
        %dma_wait3A_195 = arith.constant 0 : i32
        %dma_wait3A_196 = arith.constant 0 : i32
        %dma_wait3A_197 = tpu.memref_slice %arg2[%dma_wait3A_195, %dma_wait3A_196] : memref<10000x128xf32, #tpu.memory_space<hbm>> -> memref<10000x128xf32, #tpu.memory_space<hbm>>
        tpu.wait_indirect_dma semaphore(%arg11 : memref<!tpu.dma_semaphore, #tpu.memory_space<semaphore_mem>>) src(%dma_wait3A_197 : memref<10000x128xf32, #tpu.memory_space<hbm>>) dst(%dma_wait3A_191 : memref<128x128xf32, #tpu.memory_space<vmem>>)
        %dma_start3A_198 = arith.constant 7 : i32
        %dma_start3A_199 = arith.constant 1 : i32
        %dma_start3A_200 = arith.constant 0 : i32
        %dma_start3A_201 = arith.constant 0 : i32
        %dma_start3A_202 = tpu.memref_slice %arg9[%dma_start3A_199, %dma_start3A_200, %dma_start3A_201] : memref<2x128x128xf32, #tpu.memory_space<vmem>> -> memref<1x128x128xf32, #tpu.memory_space<vmem>>
        %dma_start3A_203 = tpu.memref_squeeze %dma_start3A_202 : memref<1x128x128xf32, #tpu.memory_space<vmem>> -> memref<128x128xf32, #tpu.memory_space<vmem>>
        %dma_start3A_204 = arith.constant 0 : i32
        %dma_start3A_205 = tpu.memref_slice %arg7[%dma_start3A_198, %dma_start3A_204] : memref<8x128xi32, #tpu.memory_space<vmem>> -> memref<1x128xi32, #tpu.memory_space<vmem>>
        %dma_start3A_206 = tpu.memref_squeeze %dma_start3A_205 : memref<1x128xi32, #tpu.memory_space<vmem>> -> memref<128xi32, #tpu.memory_space<vmem>>
        %dma_start3A_207 = arith.constant 0 : i32
        %dma_start3A_208 = arith.constant 0 : i32
        %dma_start3A_209 = tpu.memref_slice %arg2[%dma_start3A_207, %dma_start3A_208] : memref<10000x128xf32, #tpu.memory_space<hbm>> -> memref<10000x128xf32, #tpu.memory_space<hbm>>
        tpu.enqueue_indirect_dma source(%dma_start3A_209 : memref<10000x128xf32, #tpu.memory_space<hbm>>) target(%dma_start3A_203 : memref<128x128xf32, #tpu.memory_space<vmem>>) offsets(%dma_start3A_206 : memref<128xi32, #tpu.memory_space<vmem>>) semaphore(%arg11 : memref<!tpu.dma_semaphore, #tpu.memory_space<semaphore_mem>>)
        %run_scoped3A_210 = arith.constant 0 : i32
        %run_scoped3A_211 = arith.constant 6 : i32
        "tpu.region"() ({
          %run_scoped3A_226 = tpu.sem_alloc : memref<!tpu.dma_semaphore, #tpu.memory_space<semaphore_mem>>
          %dma_start3A_227 = arith.constant 0 : i32
          %dma_start3A_228 = arith.constant 0 : i32
          %dma_start3A_229 = tpu.memref_slice %arg9[%run_scoped3A_210, %dma_start3A_227, %dma_start3A_228] : memref<2x128x128xf32, #tpu.memory_space<vmem>> -> memref<1x128x128xf32, #tpu.memory_space<vmem>>
          %dma_start3A_230 = tpu.memref_squeeze %dma_start3A_229 : memref<1x128x128xf32, #tpu.memory_space<vmem>> -> memref<128x128xf32, #tpu.memory_space<vmem>>
          %dma_start3A_231 = arith.constant 0 : i32
          %dma_start3A_232 = tpu.memref_slice %arg8[%run_scoped3A_211, %dma_start3A_231] : memref<8x128xi32, #tpu.memory_space<vmem>> -> memref<1x128xi32, #tpu.memory_space<vmem>>
          %dma_start3A_233 = tpu.memref_squeeze %dma_start3A_232 : memref<1x128xi32, #tpu.memory_space<vmem>> -> memref<128xi32, #tpu.memory_space<vmem>>
          %dma_start3A_234 = arith.constant 0 : i32
          %dma_start3A_235 = arith.constant 0 : i32
          %dma_start3A_236 = tpu.memref_slice %arg10[%dma_start3A_234, %dma_start3A_235] : memref<10112x128xf32, #tpu.memory_space<vmem_shared>> -> memref<10112x128xf32, #tpu.memory_space<vmem_shared>>
          tpu.enqueue_indirect_dma source(%dma_start3A_230 : memref<128x128xf32, #tpu.memory_space<vmem>>) target(%dma_start3A_236 : memref<10112x128xf32, #tpu.memory_space<vmem_shared>>) offsets(%dma_start3A_233 : memref<128xi32, #tpu.memory_space<vmem>>) semaphore(%run_scoped3A_226 : memref<!tpu.dma_semaphore, #tpu.memory_space<semaphore_mem>>) {add = true}
          %dma_wait3A_237 = arith.constant 0 : i32
          %dma_wait3A_238 = arith.constant 0 : i32
          %dma_wait3A_239 = tpu.memref_slice %arg9[%run_scoped3A_210, %dma_wait3A_237, %dma_wait3A_238] : memref<2x128x128xf32, #tpu.memory_space<vmem>> -> memref<1x128x128xf32, #tpu.memory_space<vmem>>
          %dma_wait3A_240 = tpu.memref_squeeze %dma_wait3A_239 : memref<1x128x128xf32, #tpu.memory_space<vmem>> -> memref<128x128xf32, #tpu.memory_space<vmem>>
          %dma_wait3A_241 = arith.constant 0 : i32
          %dma_wait3A_242 = tpu.memref_slice %arg8[%run_scoped3A_211, %dma_wait3A_241] : memref<8x128xi32, #tpu.memory_space<vmem>> -> memref<1x128xi32, #tpu.memory_space<vmem>>
          %dma_wait3A_243 = tpu.memref_squeeze %dma_wait3A_242 : memref<1x128xi32, #tpu.memory_space<vmem>> -> memref<128xi32, #tpu.memory_space<vmem>>
          %dma_wait3A_244 = arith.constant 0 : i32
          %dma_wait3A_245 = arith.constant 0 : i32
          %dma_wait3A_246 = tpu.memref_slice %arg10[%dma_wait3A_244, %dma_wait3A_245] : memref<10112x128xf32, #tpu.memory_space<vmem_shared>> -> memref<10112x128xf32, #tpu.memory_space<vmem_shared>>
          tpu.wait_indirect_dma semaphore(%run_scoped3A_226 : memref<!tpu.dma_semaphore, #tpu.memory_space<semaphore_mem>>) src(%dma_wait3A_240 : memref<128x128xf32, #tpu.memory_space<vmem>>) dst(%dma_wait3A_246 : memref<10112x128xf32, #tpu.memory_space<vmem_shared>>)
          tpu.yield
        }) : () -> ()
        %dma_wait3A_212 = arith.constant 7 : i32
        %dma_wait3A_213 = arith.constant 1 : i32
        %dma_wait3A_214 = arith.constant 0 : i32
        %dma_wait3A_215 = arith.constant 0 : i32
        %dma_wait3A_216 = tpu.memref_slice %arg9[%dma_wait3A_213, %dma_wait3A_214, %dma_wait3A_215] : memref<2x128x128xf32, #tpu.memory_space<vmem>> -> memref<1x128x128xf32, #tpu.memory_space<vmem>>
        %dma_wait3A_217 = tpu.memref_squeeze %dma_wait3A_216 : memref<1x128x128xf32, #tpu.memory_space<vmem>> -> memref<128x128xf32, #tpu.memory_space<vmem>>
        %dma_wait3A_218 = arith.constant 0 : i32
        %dma_wait3A_219 = tpu.memref_slice %arg7[%dma_wait3A_212, %dma_wait3A_218] : memref<8x128xi32, #tpu.memory_space<vmem>> -> memref<1x128xi32, #tpu.memory_space<vmem>>
        %dma_wait3A_220 = tpu.memref_squeeze %dma_wait3A_219 : memref<1x128xi32, #tpu.memory_space<vmem>> -> memref<128xi32, #tpu.memory_space<vmem>>
        %dma_wait3A_221 = arith.constant 0 : i32
        %dma_wait3A_222 = arith.constant 0 : i32
        %dma_wait3A_223 = tpu.memref_slice %arg2[%dma_wait3A_221, %dma_wait3A_222] : memref<10000x128xf32, #tpu.memory_space<hbm>> -> memref<10000x128xf32, #tpu.memory_space<hbm>>
        tpu.wait_indirect_dma semaphore(%arg11 : memref<!tpu.dma_semaphore, #tpu.memory_space<semaphore_mem>>) src(%dma_wait3A_223 : memref<10000x128xf32, #tpu.memory_space<hbm>>) dst(%dma_wait3A_217 : memref<128x128xf32, #tpu.memory_space<vmem>>)
        %run_scoped3A_224 = arith.constant 1 : i32
        %run_scoped3A_225 = arith.constant 7 : i32
        "tpu.region"() ({
          %run_scoped3A_226 = tpu.sem_alloc : memref<!tpu.dma_semaphore, #tpu.memory_space<semaphore_mem>>
          %dma_start3A_227 = arith.constant 0 : i32
          %dma_start3A_228 = arith.constant 0 : i32
          %dma_start3A_229 = tpu.memref_slice %arg9[%run_scoped3A_224, %dma_start3A_227, %dma_start3A_228] : memref<2x128x128xf32, #tpu.memory_space<vmem>> -> memref<1x128x128xf32, #tpu.memory_space<vmem>>
          %dma_start3A_230 = tpu.memref_squeeze %dma_start3A_229 : memref<1x128x128xf32, #tpu.memory_space<vmem>> -> memref<128x128xf32, #tpu.memory_space<vmem>>
          %dma_start3A_231 = arith.constant 0 : i32
          %dma_start3A_232 = tpu.memref_slice %arg8[%run_scoped3A_225, %dma_start3A_231] : memref<8x128xi32, #tpu.memory_space<vmem>> -> memref<1x128xi32, #tpu.memory_space<vmem>>
          %dma_start3A_233 = tpu.memref_squeeze %dma_start3A_232 : memref<1x128xi32, #tpu.memory_space<vmem>> -> memref<128xi32, #tpu.memory_space<vmem>>
          %dma_start3A_234 = arith.constant 0 : i32
          %dma_start3A_235 = arith.constant 0 : i32
          %dma_start3A_236 = tpu.memref_slice %arg10[%dma_start3A_234, %dma_start3A_235] : memref<10112x128xf32, #tpu.memory_space<vmem_shared>> -> memref<10112x128xf32, #tpu.memory_space<vmem_shared>>
          tpu.enqueue_indirect_dma source(%dma_start3A_230 : memref<128x128xf32, #tpu.memory_space<vmem>>) target(%dma_start3A_236 : memref<10112x128xf32, #tpu.memory_space<vmem_shared>>) offsets(%dma_start3A_233 : memref<128xi32, #tpu.memory_space<vmem>>) semaphore(%run_scoped3A_226 : memref<!tpu.dma_semaphore, #tpu.memory_space<semaphore_mem>>) {add = true}
          %dma_wait3A_237 = arith.constant 0 : i32
          %dma_wait3A_238 = arith.constant 0 : i32
          %dma_wait3A_239 = tpu.memref_slice %arg9[%run_scoped3A_224, %dma_wait3A_237, %dma_wait3A_238] : memref<2x128x128xf32, #tpu.memory_space<vmem>> -> memref<1x128x128xf32, #tpu.memory_space<vmem>>
          %dma_wait3A_240 = tpu.memref_squeeze %dma_wait3A_239 : memref<1x128x128xf32, #tpu.memory_space<vmem>> -> memref<128x128xf32, #tpu.memory_space<vmem>>
          %dma_wait3A_241 = arith.constant 0 : i32
          %dma_wait3A_242 = tpu.memref_slice %arg8[%run_scoped3A_225, %dma_wait3A_241] : memref<8x128xi32, #tpu.memory_space<vmem>> -> memref<1x128xi32, #tpu.memory_space<vmem>>
          %dma_wait3A_243 = tpu.memref_squeeze %dma_wait3A_242 : memref<1x128xi32, #tpu.memory_space<vmem>> -> memref<128xi32, #tpu.memory_space<vmem>>
          %dma_wait3A_244 = arith.constant 0 : i32
          %dma_wait3A_245 = arith.constant 0 : i32
          %dma_wait3A_246 = tpu.memref_slice %arg10[%dma_wait3A_244, %dma_wait3A_245] : memref<10112x128xf32, #tpu.memory_space<vmem_shared>> -> memref<10112x128xf32, #tpu.memory_space<vmem_shared>>
          tpu.wait_indirect_dma semaphore(%run_scoped3A_226 : memref<!tpu.dma_semaphore, #tpu.memory_space<semaphore_mem>>) src(%dma_wait3A_240 : memref<128x128xf32, #tpu.memory_space<vmem>>) dst(%dma_wait3A_246 : memref<10112x128xf32, #tpu.memory_space<vmem_shared>>)
          tpu.yield
        }) : () -> ()
      }
      %scan3A_16 = arith.constant 2 : i32
    } else {
    }
    %barrier3A_8 = arith.constant 0 : index
    tpu.barrier barrier_id(%barrier3A_8)
    "tpu.region"() ({
      %run_scoped3A = tpu.sem_alloc : memref<!tpu.dma_semaphore, #tpu.memory_space<semaphore_mem>>
      %dma_start3A = arith.constant 0 : i32
      %dma_start3A_9 = tpu.memref_slice %arg6[%arg0, %mul3A_0, %dma_start3A] : memref<2x10112x128xf32, #tpu.memory_space<hbm>> -> memref<1x632x128xf32, #tpu.memory_space<hbm>>
      %dma_start3A_10 = tpu.memref_squeeze %dma_start3A_9 : memref<1x632x128xf32, #tpu.memory_space<hbm>> -> memref<632x128xf32, #tpu.memory_space<hbm>>
      %dma_start3A_11 = arith.constant 0 : i32
      %dma_start3A_12 = tpu.memref_slice %arg10[%mul3A_0, %dma_start3A_11] : memref<10112x128xf32, #tpu.memory_space<vmem_shared>> -> memref<632x128xf32, #tpu.memory_space<vmem_shared>>
      tpu.enqueue_dma source(%dma_start3A_12 : memref<632x128xf32, #tpu.memory_space<vmem_shared>>) target(%dma_start3A_10 : memref<632x128xf32, #tpu.memory_space<hbm>>) target_semaphore(%run_scoped3A : memref<!tpu.dma_semaphore, #tpu.memory_space<semaphore_mem>>)
      %dma_wait3A = arith.constant 0 : i32
      %dma_wait3A_13 = tpu.memref_slice %arg6[%arg0, %mul3A_0, %dma_wait3A] : memref<2x10112x128xf32, #tpu.memory_space<hbm>> -> memref<1x632x128xf32, #tpu.memory_space<hbm>>
      %dma_wait3A_14 = tpu.memref_squeeze %dma_wait3A_13 : memref<1x632x128xf32, #tpu.memory_space<hbm>> -> memref<632x128xf32, #tpu.memory_space<hbm>>
      %dma_wait3A_15 = arith.constant 0 : i32
      %dma_wait3A_16 = tpu.memref_slice %arg10[%mul3A_0, %dma_wait3A_15] : memref<10112x128xf32, #tpu.memory_space<vmem_shared>> -> memref<632x128xf32, #tpu.memory_space<vmem_shared>>
      tpu.wait_dma2 semaphore(%run_scoped3A : memref<!tpu.dma_semaphore, #tpu.memory_space<semaphore_mem>>) src(%dma_wait3A_16 : memref<632x128xf32, #tpu.memory_space<vmem_shared>>) dst(%dma_wait3A_14 : memref<632x128xf32, #tpu.memory_space<hbm>>)
      tpu.yield
    }) : () -> ()
    return
  }
}

#map = affine_map<(d0, d1) -> (0, 0)>
#map1 = affine_map<(d0, d1) -> (0, 0, 0)>
module attributes {stable_mosaic.version = 14 : i64} {
  func.func @_sc_agg_body(%arg0: i32, %arg1: i32, %arg2: memref<10000x128xf32, #tpu.memory_space<hbm>>, %arg3: memref<2560x128xi32, #tpu.memory_space<hbm>>, %arg4: memref<2560x128xi32, #tpu.memory_space<hbm>>, %arg5: memref<10112x128xf32, #tpu.memory_space<hbm>>, %arg6: memref<2x10112x128xf32, #tpu.memory_space<hbm>>, %arg7: memref<8x128xi32, #tpu.memory_space<vmem>>, %arg8: memref<8x128xi32, #tpu.memory_space<vmem>>, %arg9: memref<2x128x128xf32, #tpu.memory_space<vmem>>, %arg10: memref<10112x128xf32, #tpu.memory_space<vmem_shared>>, %arg11: memref<!tpu.dma_semaphore, #tpu.memory_space<semaphore_mem>>) attributes {dimension_semantics = [#tpu.dimension_semantics<core_parallel>, #tpu.dimension_semantics<subcore_parallel>], iteration_bounds = array<i64: 2, 16>, scalar_prefetch = 0 : i64, scratch_operands = 5 : i64, tpu.core_type = #tpu.core_type<sc_vector_subcore>, window_params = [{transform_indices = #map}, {transform_indices = #map}, {transform_indices = #map}, {transform_indices = #map}, {transform_indices = #map1}]} {
    %mul3A = arith.constant 632 : i32
    %mul3A_0 = arith.muli %arg1, %mul3A : i32
    "tpu.region"() ({
      %run_scoped3A = tpu.sem_alloc : memref<!tpu.dma_semaphore, #tpu.memory_space<semaphore_mem>>
      %dma_start3A = arith.constant 0 : i32
      %dma_start3A_9 = tpu.memref_slice %arg10[%mul3A_0, %dma_start3A] : memref<10112x128xf32, #tpu.memory_space<vmem_shared>> -> memref<632x128xf32, #tpu.memory_space<vmem_shared>>
      %dma_start3A_10 = arith.constant 0 : i32
      %dma_start3A_11 = tpu.memref_slice %arg5[%mul3A_0, %dma_start3A_10] : memref<10112x128xf32, #tpu.memory_space<hbm>> -> memref<632x128xf32, #tpu.memory_space<hbm>>
      tpu.enqueue_dma source(%dma_start3A_11 : memref<632x128xf32, #tpu.memory_space<hbm>>) target(%dma_start3A_9 : memref<632x128xf32, #tpu.memory_space<vmem_shared>>) target_semaphore(%run_scoped3A : memref<!tpu.dma_semaphore, #tpu.memory_space<semaphore_mem>>)
      %dma_wait3A = arith.constant 0 : i32
      %dma_wait3A_12 = tpu.memref_slice %arg10[%mul3A_0, %dma_wait3A] : memref<10112x128xf32, #tpu.memory_space<vmem_shared>> -> memref<632x128xf32, #tpu.memory_space<vmem_shared>>
      %dma_wait3A_13 = arith.constant 0 : i32
      %dma_wait3A_14 = tpu.memref_slice %arg5[%mul3A_0, %dma_wait3A_13] : memref<10112x128xf32, #tpu.memory_space<hbm>> -> memref<632x128xf32, #tpu.memory_space<hbm>>
      tpu.wait_dma2 semaphore(%run_scoped3A : memref<!tpu.dma_semaphore, #tpu.memory_space<semaphore_mem>>) src(%dma_wait3A_14 : memref<632x128xf32, #tpu.memory_space<hbm>>) dst(%dma_wait3A_12 : memref<632x128xf32, #tpu.memory_space<vmem_shared>>)
      tpu.yield
    }) : () -> ()
    %barrier3A = arith.constant 0 : index
    tpu.barrier barrier_id(%barrier3A)
    %eq3A = arith.constant 0 : i32
    %eq3A_1 = arith.cmpi eq, %arg0, %eq3A : i32
    %convert_element_type3A = arith.extui %eq3A_1 : i1 to i32
    %cond3A = arith.constant 0 : i32
    %cond3A_2 = arith.cmpi ne, %convert_element_type3A, %cond3A : i32
    scf.if %cond3A_2 {
      %mul3A_9 = arith.constant 144 : i32
      %mul3A_10 = arith.muli %arg1, %mul3A_9 : i32
      %scan3A = arith.constant 0 : i32
      %scan3A_11 = arith.constant 0 : i32
      %scan3A_12 = arith.constant 18 : i32
      %scan3A_13 = arith.addi %scan3A_11, %scan3A_12 : i32
      %scan3A_14 = arith.constant 1 : i32
      scf.for %scan3A_16 = %scan3A_11 to %scan3A_13 step %scan3A_14  : i32 {
        %mul3A_17 = arith.constant 8 : i32
        %mul3A_18 = arith.muli %scan3A_16, %mul3A_17 : i32
        %add3A = arith.addi %mul3A_10, %mul3A_18 : i32
        "tpu.region"() ({
          %run_scoped3A_224 = tpu.sem_alloc : memref<!tpu.dma_semaphore, #tpu.memory_space<semaphore_mem>>
          %dma_start3A_225 = arith.constant 0 : i32
          %dma_start3A_226 = tpu.memref_slice %arg3[%add3A, %dma_start3A_225] : memref<2560x128xi32, #tpu.memory_space<hbm>> -> memref<8x128xi32, #tpu.memory_space<hbm>>
          %dma_start3A_227 = arith.constant 0 : i32
          %dma_start3A_228 = tpu.memref_slice %arg3[%add3A, %dma_start3A_227] : memref<2560x128xi32, #tpu.memory_space<hbm>> -> memref<8x128xi32, #tpu.memory_space<hbm>>
          tpu.enqueue_dma source(%dma_start3A_228 : memref<8x128xi32, #tpu.memory_space<hbm>>) target(%arg7 : memref<8x128xi32, #tpu.memory_space<vmem>>) target_semaphore(%run_scoped3A_224 : memref<!tpu.dma_semaphore, #tpu.memory_space<semaphore_mem>>)
          %dma_wait3A_229 = arith.constant 0 : i32
          %dma_wait3A_230 = tpu.memref_slice %arg3[%add3A, %dma_wait3A_229] : memref<2560x128xi32, #tpu.memory_space<hbm>> -> memref<8x128xi32, #tpu.memory_space<hbm>>
          %dma_wait3A_231 = arith.constant 0 : i32
          %dma_wait3A_232 = tpu.memref_slice %arg3[%add3A, %dma_wait3A_231] : memref<2560x128xi32, #tpu.memory_space<hbm>> -> memref<8x128xi32, #tpu.memory_space<hbm>>
          tpu.wait_dma2 semaphore(%run_scoped3A_224 : memref<!tpu.dma_semaphore, #tpu.memory_space<semaphore_mem>>) src(%dma_wait3A_232 : memref<8x128xi32, #tpu.memory_space<hbm>>) dst(%arg7 : memref<8x128xi32, #tpu.memory_space<vmem>>)
          tpu.yield
        }) : () -> ()
        "tpu.region"() ({
          %run_scoped3A_224 = tpu.sem_alloc : memref<!tpu.dma_semaphore, #tpu.memory_space<semaphore_mem>>
          %dma_start3A_225 = arith.constant 0 : i32
          %dma_start3A_226 = tpu.memref_slice %arg4[%add3A, %dma_start3A_225] : memref<2560x128xi32, #tpu.memory_space<hbm>> -> memref<8x128xi32, #tpu.memory_space<hbm>>
          %dma_start3A_227 = arith.constant 0 : i32
          %dma_start3A_228 = tpu.memref_slice %arg4[%add3A, %dma_start3A_227] : memref<2560x128xi32, #tpu.memory_space<hbm>> -> memref<8x128xi32, #tpu.memory_space<hbm>>
          tpu.enqueue_dma source(%dma_start3A_228 : memref<8x128xi32, #tpu.memory_space<hbm>>) target(%arg8 : memref<8x128xi32, #tpu.memory_space<vmem>>) target_semaphore(%run_scoped3A_224 : memref<!tpu.dma_semaphore, #tpu.memory_space<semaphore_mem>>)
          %dma_wait3A_229 = arith.constant 0 : i32
          %dma_wait3A_230 = tpu.memref_slice %arg4[%add3A, %dma_wait3A_229] : memref<2560x128xi32, #tpu.memory_space<hbm>> -> memref<8x128xi32, #tpu.memory_space<hbm>>
          %dma_wait3A_231 = arith.constant 0 : i32
          %dma_wait3A_232 = tpu.memref_slice %arg4[%add3A, %dma_wait3A_231] : memref<2560x128xi32, #tpu.memory_space<hbm>> -> memref<8x128xi32, #tpu.memory_space<hbm>>
          tpu.wait_dma2 semaphore(%run_scoped3A_224 : memref<!tpu.dma_semaphore, #tpu.memory_space<semaphore_mem>>) src(%dma_wait3A_232 : memref<8x128xi32, #tpu.memory_space<hbm>>) dst(%arg8 : memref<8x128xi32, #tpu.memory_space<vmem>>)
          tpu.yield
        }) : () -> ()
        %dma_start3A = arith.constant 0 : i32
        %dma_start3A_19 = arith.constant 0 : i32
        %dma_start3A_20 = arith.constant 0 : i32
        %dma_start3A_21 = arith.constant 0 : i32
        %dma_start3A_22 = tpu.memref_slice %arg9[%dma_start3A_19, %dma_start3A_20, %dma_start3A_21] : memref<2x128x128xf32, #tpu.memory_space<vmem>> -> memref<1x128x128xf32, #tpu.memory_space<vmem>>
        %dma_start3A_23 = tpu.memref_squeeze %dma_start3A_22 : memref<1x128x128xf32, #tpu.memory_space<vmem>> -> memref<128x128xf32, #tpu.memory_space<vmem>>
        %dma_start3A_24 = arith.constant 0 : i32
        %dma_start3A_25 = tpu.memref_slice %arg7[%dma_start3A, %dma_start3A_24] : memref<8x128xi32, #tpu.memory_space<vmem>> -> memref<1x128xi32, #tpu.memory_space<vmem>>
        %dma_start3A_26 = tpu.memref_squeeze %dma_start3A_25 : memref<1x128xi32, #tpu.memory_space<vmem>> -> memref<128xi32, #tpu.memory_space<vmem>>
        %dma_start3A_27 = arith.constant 0 : i32
        %dma_start3A_28 = arith.constant 0 : i32
        %dma_start3A_29 = tpu.memref_slice %arg2[%dma_start3A_27, %dma_start3A_28] : memref<10000x128xf32, #tpu.memory_space<hbm>> -> memref<10000x128xf32, #tpu.memory_space<hbm>>
        tpu.enqueue_indirect_dma source(%dma_start3A_29 : memref<10000x128xf32, #tpu.memory_space<hbm>>) target(%dma_start3A_23 : memref<128x128xf32, #tpu.memory_space<vmem>>) offsets(%dma_start3A_26 : memref<128xi32, #tpu.memory_space<vmem>>) semaphore(%arg11 : memref<!tpu.dma_semaphore, #tpu.memory_space<semaphore_mem>>)
        %dma_wait3A = arith.constant 0 : i32
        %dma_wait3A_30 = arith.constant 0 : i32
        %dma_wait3A_31 = arith.constant 0 : i32
        %dma_wait3A_32 = arith.constant 0 : i32
        %dma_wait3A_33 = tpu.memref_slice %arg9[%dma_wait3A_30, %dma_wait3A_31, %dma_wait3A_32] : memref<2x128x128xf32, #tpu.memory_space<vmem>> -> memref<1x128x128xf32, #tpu.memory_space<vmem>>
        %dma_wait3A_34 = tpu.memref_squeeze %dma_wait3A_33 : memref<1x128x128xf32, #tpu.memory_space<vmem>> -> memref<128x128xf32, #tpu.memory_space<vmem>>
        %dma_wait3A_35 = arith.constant 0 : i32
        %dma_wait3A_36 = tpu.memref_slice %arg7[%dma_wait3A, %dma_wait3A_35] : memref<8x128xi32, #tpu.memory_space<vmem>> -> memref<1x128xi32, #tpu.memory_space<vmem>>
        %dma_wait3A_37 = tpu.memref_squeeze %dma_wait3A_36 : memref<1x128xi32, #tpu.memory_space<vmem>> -> memref<128xi32, #tpu.memory_space<vmem>>
        %dma_wait3A_38 = arith.constant 0 : i32
        %dma_wait3A_39 = arith.constant 0 : i32
        %dma_wait3A_40 = tpu.memref_slice %arg2[%dma_wait3A_38, %dma_wait3A_39] : memref<10000x128xf32, #tpu.memory_space<hbm>> -> memref<10000x128xf32, #tpu.memory_space<hbm>>
        tpu.wait_indirect_dma semaphore(%arg11 : memref<!tpu.dma_semaphore, #tpu.memory_space<semaphore_mem>>) src(%dma_wait3A_40 : memref<10000x128xf32, #tpu.memory_space<hbm>>) dst(%dma_wait3A_34 : memref<128x128xf32, #tpu.memory_space<vmem>>)
        %dma_start3A_41 = arith.constant 1 : i32
        %dma_start3A_42 = arith.constant 1 : i32
        %dma_start3A_43 = arith.constant 0 : i32
        %dma_start3A_44 = arith.constant 0 : i32
        %dma_start3A_45 = tpu.memref_slice %arg9[%dma_start3A_42, %dma_start3A_43, %dma_start3A_44] : memref<2x128x128xf32, #tpu.memory_space<vmem>> -> memref<1x128x128xf32, #tpu.memory_space<vmem>>
        %dma_start3A_46 = tpu.memref_squeeze %dma_start3A_45 : memref<1x128x128xf32, #tpu.memory_space<vmem>> -> memref<128x128xf32, #tpu.memory_space<vmem>>
        %dma_start3A_47 = arith.constant 0 : i32
        %dma_start3A_48 = tpu.memref_slice %arg7[%dma_start3A_41, %dma_start3A_47] : memref<8x128xi32, #tpu.memory_space<vmem>> -> memref<1x128xi32, #tpu.memory_space<vmem>>
        %dma_start3A_49 = tpu.memref_squeeze %dma_start3A_48 : memref<1x128xi32, #tpu.memory_space<vmem>> -> memref<128xi32, #tpu.memory_space<vmem>>
        %dma_start3A_50 = arith.constant 0 : i32
        %dma_start3A_51 = arith.constant 0 : i32
        %dma_start3A_52 = tpu.memref_slice %arg2[%dma_start3A_50, %dma_start3A_51] : memref<10000x128xf32, #tpu.memory_space<hbm>> -> memref<10000x128xf32, #tpu.memory_space<hbm>>
        tpu.enqueue_indirect_dma source(%dma_start3A_52 : memref<10000x128xf32, #tpu.memory_space<hbm>>) target(%dma_start3A_46 : memref<128x128xf32, #tpu.memory_space<vmem>>) offsets(%dma_start3A_49 : memref<128xi32, #tpu.memory_space<vmem>>) semaphore(%arg11 : memref<!tpu.dma_semaphore, #tpu.memory_space<semaphore_mem>>)
        %run_scoped3A = arith.constant 0 : i32
        %run_scoped3A_53 = arith.constant 0 : i32
        "tpu.region"() ({
          %run_scoped3A_224 = tpu.sem_alloc : memref<!tpu.dma_semaphore, #tpu.memory_space<semaphore_mem>>
          %dma_start3A_225 = arith.constant 0 : i32
          %dma_start3A_226 = arith.constant 0 : i32
          %dma_start3A_227 = tpu.memref_slice %arg9[%run_scoped3A, %dma_start3A_225, %dma_start3A_226] : memref<2x128x128xf32, #tpu.memory_space<vmem>> -> memref<1x128x128xf32, #tpu.memory_space<vmem>>
          %dma_start3A_228 = tpu.memref_squeeze %dma_start3A_227 : memref<1x128x128xf32, #tpu.memory_space<vmem>> -> memref<128x128xf32, #tpu.memory_space<vmem>>
          %dma_start3A_229 = arith.constant 0 : i32
          %dma_start3A_230 = tpu.memref_slice %arg8[%run_scoped3A_53, %dma_start3A_229] : memref<8x128xi32, #tpu.memory_space<vmem>> -> memref<1x128xi32, #tpu.memory_space<vmem>>
          %dma_start3A_231 = tpu.memref_squeeze %dma_start3A_230 : memref<1x128xi32, #tpu.memory_space<vmem>> -> memref<128xi32, #tpu.memory_space<vmem>>
          %dma_start3A_232 = arith.constant 0 : i32
          %dma_start3A_233 = arith.constant 0 : i32
          %dma_start3A_234 = tpu.memref_slice %arg10[%dma_start3A_232, %dma_start3A_233] : memref<10112x128xf32, #tpu.memory_space<vmem_shared>> -> memref<10112x128xf32, #tpu.memory_space<vmem_shared>>
          tpu.enqueue_indirect_dma source(%dma_start3A_228 : memref<128x128xf32, #tpu.memory_space<vmem>>) target(%dma_start3A_234 : memref<10112x128xf32, #tpu.memory_space<vmem_shared>>) offsets(%dma_start3A_231 : memref<128xi32, #tpu.memory_space<vmem>>) semaphore(%run_scoped3A_224 : memref<!tpu.dma_semaphore, #tpu.memory_space<semaphore_mem>>) {add = true}
          %dma_wait3A_235 = arith.constant 0 : i32
          %dma_wait3A_236 = arith.constant 0 : i32
          %dma_wait3A_237 = tpu.memref_slice %arg9[%run_scoped3A, %dma_wait3A_235, %dma_wait3A_236] : memref<2x128x128xf32, #tpu.memory_space<vmem>> -> memref<1x128x128xf32, #tpu.memory_space<vmem>>
          %dma_wait3A_238 = tpu.memref_squeeze %dma_wait3A_237 : memref<1x128x128xf32, #tpu.memory_space<vmem>> -> memref<128x128xf32, #tpu.memory_space<vmem>>
          %dma_wait3A_239 = arith.constant 0 : i32
          %dma_wait3A_240 = tpu.memref_slice %arg8[%run_scoped3A_53, %dma_wait3A_239] : memref<8x128xi32, #tpu.memory_space<vmem>> -> memref<1x128xi32, #tpu.memory_space<vmem>>
          %dma_wait3A_241 = tpu.memref_squeeze %dma_wait3A_240 : memref<1x128xi32, #tpu.memory_space<vmem>> -> memref<128xi32, #tpu.memory_space<vmem>>
          %dma_wait3A_242 = arith.constant 0 : i32
          %dma_wait3A_243 = arith.constant 0 : i32
          %dma_wait3A_244 = tpu.memref_slice %arg10[%dma_wait3A_242, %dma_wait3A_243] : memref<10112x128xf32, #tpu.memory_space<vmem_shared>> -> memref<10112x128xf32, #tpu.memory_space<vmem_shared>>
          tpu.wait_indirect_dma semaphore(%run_scoped3A_224 : memref<!tpu.dma_semaphore, #tpu.memory_space<semaphore_mem>>) src(%dma_wait3A_238 : memref<128x128xf32, #tpu.memory_space<vmem>>) dst(%dma_wait3A_244 : memref<10112x128xf32, #tpu.memory_space<vmem_shared>>)
          tpu.yield
        }) : () -> ()
        %dma_wait3A_54 = arith.constant 1 : i32
        %dma_wait3A_55 = arith.constant 1 : i32
        %dma_wait3A_56 = arith.constant 0 : i32
        %dma_wait3A_57 = arith.constant 0 : i32
        %dma_wait3A_58 = tpu.memref_slice %arg9[%dma_wait3A_55, %dma_wait3A_56, %dma_wait3A_57] : memref<2x128x128xf32, #tpu.memory_space<vmem>> -> memref<1x128x128xf32, #tpu.memory_space<vmem>>
        %dma_wait3A_59 = tpu.memref_squeeze %dma_wait3A_58 : memref<1x128x128xf32, #tpu.memory_space<vmem>> -> memref<128x128xf32, #tpu.memory_space<vmem>>
        %dma_wait3A_60 = arith.constant 0 : i32
        %dma_wait3A_61 = tpu.memref_slice %arg7[%dma_wait3A_54, %dma_wait3A_60] : memref<8x128xi32, #tpu.memory_space<vmem>> -> memref<1x128xi32, #tpu.memory_space<vmem>>
        %dma_wait3A_62 = tpu.memref_squeeze %dma_wait3A_61 : memref<1x128xi32, #tpu.memory_space<vmem>> -> memref<128xi32, #tpu.memory_space<vmem>>
        %dma_wait3A_63 = arith.constant 0 : i32
        %dma_wait3A_64 = arith.constant 0 : i32
        %dma_wait3A_65 = tpu.memref_slice %arg2[%dma_wait3A_63, %dma_wait3A_64] : memref<10000x128xf32, #tpu.memory_space<hbm>> -> memref<10000x128xf32, #tpu.memory_space<hbm>>
        tpu.wait_indirect_dma semaphore(%arg11 : memref<!tpu.dma_semaphore, #tpu.memory_space<semaphore_mem>>) src(%dma_wait3A_65 : memref<10000x128xf32, #tpu.memory_space<hbm>>) dst(%dma_wait3A_59 : memref<128x128xf32, #tpu.memory_space<vmem>>)
        %dma_start3A_66 = arith.constant 2 : i32
        %dma_start3A_67 = arith.constant 0 : i32
        %dma_start3A_68 = arith.constant 0 : i32
        %dma_start3A_69 = arith.constant 0 : i32
        %dma_start3A_70 = tpu.memref_slice %arg9[%dma_start3A_67, %dma_start3A_68, %dma_start3A_69] : memref<2x128x128xf32, #tpu.memory_space<vmem>> -> memref<1x128x128xf32, #tpu.memory_space<vmem>>
        %dma_start3A_71 = tpu.memref_squeeze %dma_start3A_70 : memref<1x128x128xf32, #tpu.memory_space<vmem>> -> memref<128x128xf32, #tpu.memory_space<vmem>>
        %dma_start3A_72 = arith.constant 0 : i32
        %dma_start3A_73 = tpu.memref_slice %arg7[%dma_start3A_66, %dma_start3A_72] : memref<8x128xi32, #tpu.memory_space<vmem>> -> memref<1x128xi32, #tpu.memory_space<vmem>>
        %dma_start3A_74 = tpu.memref_squeeze %dma_start3A_73 : memref<1x128xi32, #tpu.memory_space<vmem>> -> memref<128xi32, #tpu.memory_space<vmem>>
        %dma_start3A_75 = arith.constant 0 : i32
        %dma_start3A_76 = arith.constant 0 : i32
        %dma_start3A_77 = tpu.memref_slice %arg2[%dma_start3A_75, %dma_start3A_76] : memref<10000x128xf32, #tpu.memory_space<hbm>> -> memref<10000x128xf32, #tpu.memory_space<hbm>>
        tpu.enqueue_indirect_dma source(%dma_start3A_77 : memref<10000x128xf32, #tpu.memory_space<hbm>>) target(%dma_start3A_71 : memref<128x128xf32, #tpu.memory_space<vmem>>) offsets(%dma_start3A_74 : memref<128xi32, #tpu.memory_space<vmem>>) semaphore(%arg11 : memref<!tpu.dma_semaphore, #tpu.memory_space<semaphore_mem>>)
        %run_scoped3A_78 = arith.constant 1 : i32
        %run_scoped3A_79 = arith.constant 1 : i32
        "tpu.region"() ({
          %run_scoped3A_224 = tpu.sem_alloc : memref<!tpu.dma_semaphore, #tpu.memory_space<semaphore_mem>>
          %dma_start3A_225 = arith.constant 0 : i32
          %dma_start3A_226 = arith.constant 0 : i32
          %dma_start3A_227 = tpu.memref_slice %arg9[%run_scoped3A_78, %dma_start3A_225, %dma_start3A_226] : memref<2x128x128xf32, #tpu.memory_space<vmem>> -> memref<1x128x128xf32, #tpu.memory_space<vmem>>
          %dma_start3A_228 = tpu.memref_squeeze %dma_start3A_227 : memref<1x128x128xf32, #tpu.memory_space<vmem>> -> memref<128x128xf32, #tpu.memory_space<vmem>>
          %dma_start3A_229 = arith.constant 0 : i32
          %dma_start3A_230 = tpu.memref_slice %arg8[%run_scoped3A_79, %dma_start3A_229] : memref<8x128xi32, #tpu.memory_space<vmem>> -> memref<1x128xi32, #tpu.memory_space<vmem>>
          %dma_start3A_231 = tpu.memref_squeeze %dma_start3A_230 : memref<1x128xi32, #tpu.memory_space<vmem>> -> memref<128xi32, #tpu.memory_space<vmem>>
          %dma_start3A_232 = arith.constant 0 : i32
          %dma_start3A_233 = arith.constant 0 : i32
          %dma_start3A_234 = tpu.memref_slice %arg10[%dma_start3A_232, %dma_start3A_233] : memref<10112x128xf32, #tpu.memory_space<vmem_shared>> -> memref<10112x128xf32, #tpu.memory_space<vmem_shared>>
          tpu.enqueue_indirect_dma source(%dma_start3A_228 : memref<128x128xf32, #tpu.memory_space<vmem>>) target(%dma_start3A_234 : memref<10112x128xf32, #tpu.memory_space<vmem_shared>>) offsets(%dma_start3A_231 : memref<128xi32, #tpu.memory_space<vmem>>) semaphore(%run_scoped3A_224 : memref<!tpu.dma_semaphore, #tpu.memory_space<semaphore_mem>>) {add = true}
          %dma_wait3A_235 = arith.constant 0 : i32
          %dma_wait3A_236 = arith.constant 0 : i32
          %dma_wait3A_237 = tpu.memref_slice %arg9[%run_scoped3A_78, %dma_wait3A_235, %dma_wait3A_236] : memref<2x128x128xf32, #tpu.memory_space<vmem>> -> memref<1x128x128xf32, #tpu.memory_space<vmem>>
          %dma_wait3A_238 = tpu.memref_squeeze %dma_wait3A_237 : memref<1x128x128xf32, #tpu.memory_space<vmem>> -> memref<128x128xf32, #tpu.memory_space<vmem>>
          %dma_wait3A_239 = arith.constant 0 : i32
          %dma_wait3A_240 = tpu.memref_slice %arg8[%run_scoped3A_79, %dma_wait3A_239] : memref<8x128xi32, #tpu.memory_space<vmem>> -> memref<1x128xi32, #tpu.memory_space<vmem>>
          %dma_wait3A_241 = tpu.memref_squeeze %dma_wait3A_240 : memref<1x128xi32, #tpu.memory_space<vmem>> -> memref<128xi32, #tpu.memory_space<vmem>>
          %dma_wait3A_242 = arith.constant 0 : i32
          %dma_wait3A_243 = arith.constant 0 : i32
          %dma_wait3A_244 = tpu.memref_slice %arg10[%dma_wait3A_242, %dma_wait3A_243] : memref<10112x128xf32, #tpu.memory_space<vmem_shared>> -> memref<10112x128xf32, #tpu.memory_space<vmem_shared>>
          tpu.wait_indirect_dma semaphore(%run_scoped3A_224 : memref<!tpu.dma_semaphore, #tpu.memory_space<semaphore_mem>>) src(%dma_wait3A_238 : memref<128x128xf32, #tpu.memory_space<vmem>>) dst(%dma_wait3A_244 : memref<10112x128xf32, #tpu.memory_space<vmem_shared>>)
          tpu.yield
        }) : () -> ()
        %dma_wait3A_80 = arith.constant 2 : i32
        %dma_wait3A_81 = arith.constant 0 : i32
        %dma_wait3A_82 = arith.constant 0 : i32
        %dma_wait3A_83 = arith.constant 0 : i32
        %dma_wait3A_84 = tpu.memref_slice %arg9[%dma_wait3A_81, %dma_wait3A_82, %dma_wait3A_83] : memref<2x128x128xf32, #tpu.memory_space<vmem>> -> memref<1x128x128xf32, #tpu.memory_space<vmem>>
        %dma_wait3A_85 = tpu.memref_squeeze %dma_wait3A_84 : memref<1x128x128xf32, #tpu.memory_space<vmem>> -> memref<128x128xf32, #tpu.memory_space<vmem>>
        %dma_wait3A_86 = arith.constant 0 : i32
        %dma_wait3A_87 = tpu.memref_slice %arg7[%dma_wait3A_80, %dma_wait3A_86] : memref<8x128xi32, #tpu.memory_space<vmem>> -> memref<1x128xi32, #tpu.memory_space<vmem>>
        %dma_wait3A_88 = tpu.memref_squeeze %dma_wait3A_87 : memref<1x128xi32, #tpu.memory_space<vmem>> -> memref<128xi32, #tpu.memory_space<vmem>>
        %dma_wait3A_89 = arith.constant 0 : i32
        %dma_wait3A_90 = arith.constant 0 : i32
        %dma_wait3A_91 = tpu.memref_slice %arg2[%dma_wait3A_89, %dma_wait3A_90] : memref<10000x128xf32, #tpu.memory_space<hbm>> -> memref<10000x128xf32, #tpu.memory_space<hbm>>
        tpu.wait_indirect_dma semaphore(%arg11 : memref<!tpu.dma_semaphore, #tpu.memory_space<semaphore_mem>>) src(%dma_wait3A_91 : memref<10000x128xf32, #tpu.memory_space<hbm>>) dst(%dma_wait3A_85 : memref<128x128xf32, #tpu.memory_space<vmem>>)
        %dma_start3A_92 = arith.constant 3 : i32
        %dma_start3A_93 = arith.constant 1 : i32
        %dma_start3A_94 = arith.constant 0 : i32
        %dma_start3A_95 = arith.constant 0 : i32
        %dma_start3A_96 = tpu.memref_slice %arg9[%dma_start3A_93, %dma_start3A_94, %dma_start3A_95] : memref<2x128x128xf32, #tpu.memory_space<vmem>> -> memref<1x128x128xf32, #tpu.memory_space<vmem>>
        %dma_start3A_97 = tpu.memref_squeeze %dma_start3A_96 : memref<1x128x128xf32, #tpu.memory_space<vmem>> -> memref<128x128xf32, #tpu.memory_space<vmem>>
        %dma_start3A_98 = arith.constant 0 : i32
        %dma_start3A_99 = tpu.memref_slice %arg7[%dma_start3A_92, %dma_start3A_98] : memref<8x128xi32, #tpu.memory_space<vmem>> -> memref<1x128xi32, #tpu.memory_space<vmem>>
        %dma_start3A_100 = tpu.memref_squeeze %dma_start3A_99 : memref<1x128xi32, #tpu.memory_space<vmem>> -> memref<128xi32, #tpu.memory_space<vmem>>
        %dma_start3A_101 = arith.constant 0 : i32
        %dma_start3A_102 = arith.constant 0 : i32
        %dma_start3A_103 = tpu.memref_slice %arg2[%dma_start3A_101, %dma_start3A_102] : memref<10000x128xf32, #tpu.memory_space<hbm>> -> memref<10000x128xf32, #tpu.memory_space<hbm>>
        tpu.enqueue_indirect_dma source(%dma_start3A_103 : memref<10000x128xf32, #tpu.memory_space<hbm>>) target(%dma_start3A_97 : memref<128x128xf32, #tpu.memory_space<vmem>>) offsets(%dma_start3A_100 : memref<128xi32, #tpu.memory_space<vmem>>) semaphore(%arg11 : memref<!tpu.dma_semaphore, #tpu.memory_space<semaphore_mem>>)
        %run_scoped3A_104 = arith.constant 0 : i32
        %run_scoped3A_105 = arith.constant 2 : i32
        "tpu.region"() ({
          %run_scoped3A_224 = tpu.sem_alloc : memref<!tpu.dma_semaphore, #tpu.memory_space<semaphore_mem>>
          %dma_start3A_225 = arith.constant 0 : i32
          %dma_start3A_226 = arith.constant 0 : i32
          %dma_start3A_227 = tpu.memref_slice %arg9[%run_scoped3A_104, %dma_start3A_225, %dma_start3A_226] : memref<2x128x128xf32, #tpu.memory_space<vmem>> -> memref<1x128x128xf32, #tpu.memory_space<vmem>>
          %dma_start3A_228 = tpu.memref_squeeze %dma_start3A_227 : memref<1x128x128xf32, #tpu.memory_space<vmem>> -> memref<128x128xf32, #tpu.memory_space<vmem>>
          %dma_start3A_229 = arith.constant 0 : i32
          %dma_start3A_230 = tpu.memref_slice %arg8[%run_scoped3A_105, %dma_start3A_229] : memref<8x128xi32, #tpu.memory_space<vmem>> -> memref<1x128xi32, #tpu.memory_space<vmem>>
          %dma_start3A_231 = tpu.memref_squeeze %dma_start3A_230 : memref<1x128xi32, #tpu.memory_space<vmem>> -> memref<128xi32, #tpu.memory_space<vmem>>
          %dma_start3A_232 = arith.constant 0 : i32
          %dma_start3A_233 = arith.constant 0 : i32
          %dma_start3A_234 = tpu.memref_slice %arg10[%dma_start3A_232, %dma_start3A_233] : memref<10112x128xf32, #tpu.memory_space<vmem_shared>> -> memref<10112x128xf32, #tpu.memory_space<vmem_shared>>
          tpu.enqueue_indirect_dma source(%dma_start3A_228 : memref<128x128xf32, #tpu.memory_space<vmem>>) target(%dma_start3A_234 : memref<10112x128xf32, #tpu.memory_space<vmem_shared>>) offsets(%dma_start3A_231 : memref<128xi32, #tpu.memory_space<vmem>>) semaphore(%run_scoped3A_224 : memref<!tpu.dma_semaphore, #tpu.memory_space<semaphore_mem>>) {add = true}
          %dma_wait3A_235 = arith.constant 0 : i32
          %dma_wait3A_236 = arith.constant 0 : i32
          %dma_wait3A_237 = tpu.memref_slice %arg9[%run_scoped3A_104, %dma_wait3A_235, %dma_wait3A_236] : memref<2x128x128xf32, #tpu.memory_space<vmem>> -> memref<1x128x128xf32, #tpu.memory_space<vmem>>
          %dma_wait3A_238 = tpu.memref_squeeze %dma_wait3A_237 : memref<1x128x128xf32, #tpu.memory_space<vmem>> -> memref<128x128xf32, #tpu.memory_space<vmem>>
          %dma_wait3A_239 = arith.constant 0 : i32
          %dma_wait3A_240 = tpu.memref_slice %arg8[%run_scoped3A_105, %dma_wait3A_239] : memref<8x128xi32, #tpu.memory_space<vmem>> -> memref<1x128xi32, #tpu.memory_space<vmem>>
          %dma_wait3A_241 = tpu.memref_squeeze %dma_wait3A_240 : memref<1x128xi32, #tpu.memory_space<vmem>> -> memref<128xi32, #tpu.memory_space<vmem>>
          %dma_wait3A_242 = arith.constant 0 : i32
          %dma_wait3A_243 = arith.constant 0 : i32
          %dma_wait3A_244 = tpu.memref_slice %arg10[%dma_wait3A_242, %dma_wait3A_243] : memref<10112x128xf32, #tpu.memory_space<vmem_shared>> -> memref<10112x128xf32, #tpu.memory_space<vmem_shared>>
          tpu.wait_indirect_dma semaphore(%run_scoped3A_224 : memref<!tpu.dma_semaphore, #tpu.memory_space<semaphore_mem>>) src(%dma_wait3A_238 : memref<128x128xf32, #tpu.memory_space<vmem>>) dst(%dma_wait3A_244 : memref<10112x128xf32, #tpu.memory_space<vmem_shared>>)
          tpu.yield
        }) : () -> ()
        %dma_wait3A_106 = arith.constant 3 : i32
        %dma_wait3A_107 = arith.constant 1 : i32
        %dma_wait3A_108 = arith.constant 0 : i32
        %dma_wait3A_109 = arith.constant 0 : i32
        %dma_wait3A_110 = tpu.memref_slice %arg9[%dma_wait3A_107, %dma_wait3A_108, %dma_wait3A_109] : memref<2x128x128xf32, #tpu.memory_space<vmem>> -> memref<1x128x128xf32, #tpu.memory_space<vmem>>
        %dma_wait3A_111 = tpu.memref_squeeze %dma_wait3A_110 : memref<1x128x128xf32, #tpu.memory_space<vmem>> -> memref<128x128xf32, #tpu.memory_space<vmem>>
        %dma_wait3A_112 = arith.constant 0 : i32
        %dma_wait3A_113 = tpu.memref_slice %arg7[%dma_wait3A_106, %dma_wait3A_112] : memref<8x128xi32, #tpu.memory_space<vmem>> -> memref<1x128xi32, #tpu.memory_space<vmem>>
        %dma_wait3A_114 = tpu.memref_squeeze %dma_wait3A_113 : memref<1x128xi32, #tpu.memory_space<vmem>> -> memref<128xi32, #tpu.memory_space<vmem>>
        %dma_wait3A_115 = arith.constant 0 : i32
        %dma_wait3A_116 = arith.constant 0 : i32
        %dma_wait3A_117 = tpu.memref_slice %arg2[%dma_wait3A_115, %dma_wait3A_116] : memref<10000x128xf32, #tpu.memory_space<hbm>> -> memref<10000x128xf32, #tpu.memory_space<hbm>>
        tpu.wait_indirect_dma semaphore(%arg11 : memref<!tpu.dma_semaphore, #tpu.memory_space<semaphore_mem>>) src(%dma_wait3A_117 : memref<10000x128xf32, #tpu.memory_space<hbm>>) dst(%dma_wait3A_111 : memref<128x128xf32, #tpu.memory_space<vmem>>)
        %dma_start3A_118 = arith.constant 4 : i32
        %dma_start3A_119 = arith.constant 0 : i32
        %dma_start3A_120 = arith.constant 0 : i32
        %dma_start3A_121 = arith.constant 0 : i32
        %dma_start3A_122 = tpu.memref_slice %arg9[%dma_start3A_119, %dma_start3A_120, %dma_start3A_121] : memref<2x128x128xf32, #tpu.memory_space<vmem>> -> memref<1x128x128xf32, #tpu.memory_space<vmem>>
        %dma_start3A_123 = tpu.memref_squeeze %dma_start3A_122 : memref<1x128x128xf32, #tpu.memory_space<vmem>> -> memref<128x128xf32, #tpu.memory_space<vmem>>
        %dma_start3A_124 = arith.constant 0 : i32
        %dma_start3A_125 = tpu.memref_slice %arg7[%dma_start3A_118, %dma_start3A_124] : memref<8x128xi32, #tpu.memory_space<vmem>> -> memref<1x128xi32, #tpu.memory_space<vmem>>
        %dma_start3A_126 = tpu.memref_squeeze %dma_start3A_125 : memref<1x128xi32, #tpu.memory_space<vmem>> -> memref<128xi32, #tpu.memory_space<vmem>>
        %dma_start3A_127 = arith.constant 0 : i32
        %dma_start3A_128 = arith.constant 0 : i32
        %dma_start3A_129 = tpu.memref_slice %arg2[%dma_start3A_127, %dma_start3A_128] : memref<10000x128xf32, #tpu.memory_space<hbm>> -> memref<10000x128xf32, #tpu.memory_space<hbm>>
        tpu.enqueue_indirect_dma source(%dma_start3A_129 : memref<10000x128xf32, #tpu.memory_space<hbm>>) target(%dma_start3A_123 : memref<128x128xf32, #tpu.memory_space<vmem>>) offsets(%dma_start3A_126 : memref<128xi32, #tpu.memory_space<vmem>>) semaphore(%arg11 : memref<!tpu.dma_semaphore, #tpu.memory_space<semaphore_mem>>)
        %run_scoped3A_130 = arith.constant 1 : i32
        %run_scoped3A_131 = arith.constant 3 : i32
        "tpu.region"() ({
          %run_scoped3A_224 = tpu.sem_alloc : memref<!tpu.dma_semaphore, #tpu.memory_space<semaphore_mem>>
          %dma_start3A_225 = arith.constant 0 : i32
          %dma_start3A_226 = arith.constant 0 : i32
          %dma_start3A_227 = tpu.memref_slice %arg9[%run_scoped3A_130, %dma_start3A_225, %dma_start3A_226] : memref<2x128x128xf32, #tpu.memory_space<vmem>> -> memref<1x128x128xf32, #tpu.memory_space<vmem>>
          %dma_start3A_228 = tpu.memref_squeeze %dma_start3A_227 : memref<1x128x128xf32, #tpu.memory_space<vmem>> -> memref<128x128xf32, #tpu.memory_space<vmem>>
          %dma_start3A_229 = arith.constant 0 : i32
          %dma_start3A_230 = tpu.memref_slice %arg8[%run_scoped3A_131, %dma_start3A_229] : memref<8x128xi32, #tpu.memory_space<vmem>> -> memref<1x128xi32, #tpu.memory_space<vmem>>
          %dma_start3A_231 = tpu.memref_squeeze %dma_start3A_230 : memref<1x128xi32, #tpu.memory_space<vmem>> -> memref<128xi32, #tpu.memory_space<vmem>>
          %dma_start3A_232 = arith.constant 0 : i32
          %dma_start3A_233 = arith.constant 0 : i32
          %dma_start3A_234 = tpu.memref_slice %arg10[%dma_start3A_232, %dma_start3A_233] : memref<10112x128xf32, #tpu.memory_space<vmem_shared>> -> memref<10112x128xf32, #tpu.memory_space<vmem_shared>>
          tpu.enqueue_indirect_dma source(%dma_start3A_228 : memref<128x128xf32, #tpu.memory_space<vmem>>) target(%dma_start3A_234 : memref<10112x128xf32, #tpu.memory_space<vmem_shared>>) offsets(%dma_start3A_231 : memref<128xi32, #tpu.memory_space<vmem>>) semaphore(%run_scoped3A_224 : memref<!tpu.dma_semaphore, #tpu.memory_space<semaphore_mem>>) {add = true}
          %dma_wait3A_235 = arith.constant 0 : i32
          %dma_wait3A_236 = arith.constant 0 : i32
          %dma_wait3A_237 = tpu.memref_slice %arg9[%run_scoped3A_130, %dma_wait3A_235, %dma_wait3A_236] : memref<2x128x128xf32, #tpu.memory_space<vmem>> -> memref<1x128x128xf32, #tpu.memory_space<vmem>>
          %dma_wait3A_238 = tpu.memref_squeeze %dma_wait3A_237 : memref<1x128x128xf32, #tpu.memory_space<vmem>> -> memref<128x128xf32, #tpu.memory_space<vmem>>
          %dma_wait3A_239 = arith.constant 0 : i32
          %dma_wait3A_240 = tpu.memref_slice %arg8[%run_scoped3A_131, %dma_wait3A_239] : memref<8x128xi32, #tpu.memory_space<vmem>> -> memref<1x128xi32, #tpu.memory_space<vmem>>
          %dma_wait3A_241 = tpu.memref_squeeze %dma_wait3A_240 : memref<1x128xi32, #tpu.memory_space<vmem>> -> memref<128xi32, #tpu.memory_space<vmem>>
          %dma_wait3A_242 = arith.constant 0 : i32
          %dma_wait3A_243 = arith.constant 0 : i32
          %dma_wait3A_244 = tpu.memref_slice %arg10[%dma_wait3A_242, %dma_wait3A_243] : memref<10112x128xf32, #tpu.memory_space<vmem_shared>> -> memref<10112x128xf32, #tpu.memory_space<vmem_shared>>
          tpu.wait_indirect_dma semaphore(%run_scoped3A_224 : memref<!tpu.dma_semaphore, #tpu.memory_space<semaphore_mem>>) src(%dma_wait3A_238 : memref<128x128xf32, #tpu.memory_space<vmem>>) dst(%dma_wait3A_244 : memref<10112x128xf32, #tpu.memory_space<vmem_shared>>)
          tpu.yield
        }) : () -> ()
        %dma_wait3A_132 = arith.constant 4 : i32
        %dma_wait3A_133 = arith.constant 0 : i32
        %dma_wait3A_134 = arith.constant 0 : i32
        %dma_wait3A_135 = arith.constant 0 : i32
        %dma_wait3A_136 = tpu.memref_slice %arg9[%dma_wait3A_133, %dma_wait3A_134, %dma_wait3A_135] : memref<2x128x128xf32, #tpu.memory_space<vmem>> -> memref<1x128x128xf32, #tpu.memory_space<vmem>>
        %dma_wait3A_137 = tpu.memref_squeeze %dma_wait3A_136 : memref<1x128x128xf32, #tpu.memory_space<vmem>> -> memref<128x128xf32, #tpu.memory_space<vmem>>
        %dma_wait3A_138 = arith.constant 0 : i32
        %dma_wait3A_139 = tpu.memref_slice %arg7[%dma_wait3A_132, %dma_wait3A_138] : memref<8x128xi32, #tpu.memory_space<vmem>> -> memref<1x128xi32, #tpu.memory_space<vmem>>
        %dma_wait3A_140 = tpu.memref_squeeze %dma_wait3A_139 : memref<1x128xi32, #tpu.memory_space<vmem>> -> memref<128xi32, #tpu.memory_space<vmem>>
        %dma_wait3A_141 = arith.constant 0 : i32
        %dma_wait3A_142 = arith.constant 0 : i32
        %dma_wait3A_143 = tpu.memref_slice %arg2[%dma_wait3A_141, %dma_wait3A_142] : memref<10000x128xf32, #tpu.memory_space<hbm>> -> memref<10000x128xf32, #tpu.memory_space<hbm>>
        tpu.wait_indirect_dma semaphore(%arg11 : memref<!tpu.dma_semaphore, #tpu.memory_space<semaphore_mem>>) src(%dma_wait3A_143 : memref<10000x128xf32, #tpu.memory_space<hbm>>) dst(%dma_wait3A_137 : memref<128x128xf32, #tpu.memory_space<vmem>>)
        %dma_start3A_144 = arith.constant 5 : i32
        %dma_start3A_145 = arith.constant 1 : i32
        %dma_start3A_146 = arith.constant 0 : i32
        %dma_start3A_147 = arith.constant 0 : i32
        %dma_start3A_148 = tpu.memref_slice %arg9[%dma_start3A_145, %dma_start3A_146, %dma_start3A_147] : memref<2x128x128xf32, #tpu.memory_space<vmem>> -> memref<1x128x128xf32, #tpu.memory_space<vmem>>
        %dma_start3A_149 = tpu.memref_squeeze %dma_start3A_148 : memref<1x128x128xf32, #tpu.memory_space<vmem>> -> memref<128x128xf32, #tpu.memory_space<vmem>>
        %dma_start3A_150 = arith.constant 0 : i32
        %dma_start3A_151 = tpu.memref_slice %arg7[%dma_start3A_144, %dma_start3A_150] : memref<8x128xi32, #tpu.memory_space<vmem>> -> memref<1x128xi32, #tpu.memory_space<vmem>>
        %dma_start3A_152 = tpu.memref_squeeze %dma_start3A_151 : memref<1x128xi32, #tpu.memory_space<vmem>> -> memref<128xi32, #tpu.memory_space<vmem>>
        %dma_start3A_153 = arith.constant 0 : i32
        %dma_start3A_154 = arith.constant 0 : i32
        %dma_start3A_155 = tpu.memref_slice %arg2[%dma_start3A_153, %dma_start3A_154] : memref<10000x128xf32, #tpu.memory_space<hbm>> -> memref<10000x128xf32, #tpu.memory_space<hbm>>
        tpu.enqueue_indirect_dma source(%dma_start3A_155 : memref<10000x128xf32, #tpu.memory_space<hbm>>) target(%dma_start3A_149 : memref<128x128xf32, #tpu.memory_space<vmem>>) offsets(%dma_start3A_152 : memref<128xi32, #tpu.memory_space<vmem>>) semaphore(%arg11 : memref<!tpu.dma_semaphore, #tpu.memory_space<semaphore_mem>>)
        %run_scoped3A_156 = arith.constant 0 : i32
        %run_scoped3A_157 = arith.constant 4 : i32
        "tpu.region"() ({
          %run_scoped3A_224 = tpu.sem_alloc : memref<!tpu.dma_semaphore, #tpu.memory_space<semaphore_mem>>
          %dma_start3A_225 = arith.constant 0 : i32
          %dma_start3A_226 = arith.constant 0 : i32
          %dma_start3A_227 = tpu.memref_slice %arg9[%run_scoped3A_156, %dma_start3A_225, %dma_start3A_226] : memref<2x128x128xf32, #tpu.memory_space<vmem>> -> memref<1x128x128xf32, #tpu.memory_space<vmem>>
          %dma_start3A_228 = tpu.memref_squeeze %dma_start3A_227 : memref<1x128x128xf32, #tpu.memory_space<vmem>> -> memref<128x128xf32, #tpu.memory_space<vmem>>
          %dma_start3A_229 = arith.constant 0 : i32
          %dma_start3A_230 = tpu.memref_slice %arg8[%run_scoped3A_157, %dma_start3A_229] : memref<8x128xi32, #tpu.memory_space<vmem>> -> memref<1x128xi32, #tpu.memory_space<vmem>>
          %dma_start3A_231 = tpu.memref_squeeze %dma_start3A_230 : memref<1x128xi32, #tpu.memory_space<vmem>> -> memref<128xi32, #tpu.memory_space<vmem>>
          %dma_start3A_232 = arith.constant 0 : i32
          %dma_start3A_233 = arith.constant 0 : i32
          %dma_start3A_234 = tpu.memref_slice %arg10[%dma_start3A_232, %dma_start3A_233] : memref<10112x128xf32, #tpu.memory_space<vmem_shared>> -> memref<10112x128xf32, #tpu.memory_space<vmem_shared>>
          tpu.enqueue_indirect_dma source(%dma_start3A_228 : memref<128x128xf32, #tpu.memory_space<vmem>>) target(%dma_start3A_234 : memref<10112x128xf32, #tpu.memory_space<vmem_shared>>) offsets(%dma_start3A_231 : memref<128xi32, #tpu.memory_space<vmem>>) semaphore(%run_scoped3A_224 : memref<!tpu.dma_semaphore, #tpu.memory_space<semaphore_mem>>) {add = true}
          %dma_wait3A_235 = arith.constant 0 : i32
          %dma_wait3A_236 = arith.constant 0 : i32
          %dma_wait3A_237 = tpu.memref_slice %arg9[%run_scoped3A_156, %dma_wait3A_235, %dma_wait3A_236] : memref<2x128x128xf32, #tpu.memory_space<vmem>> -> memref<1x128x128xf32, #tpu.memory_space<vmem>>
          %dma_wait3A_238 = tpu.memref_squeeze %dma_wait3A_237 : memref<1x128x128xf32, #tpu.memory_space<vmem>> -> memref<128x128xf32, #tpu.memory_space<vmem>>
          %dma_wait3A_239 = arith.constant 0 : i32
          %dma_wait3A_240 = tpu.memref_slice %arg8[%run_scoped3A_157, %dma_wait3A_239] : memref<8x128xi32, #tpu.memory_space<vmem>> -> memref<1x128xi32, #tpu.memory_space<vmem>>
          %dma_wait3A_241 = tpu.memref_squeeze %dma_wait3A_240 : memref<1x128xi32, #tpu.memory_space<vmem>> -> memref<128xi32, #tpu.memory_space<vmem>>
          %dma_wait3A_242 = arith.constant 0 : i32
          %dma_wait3A_243 = arith.constant 0 : i32
          %dma_wait3A_244 = tpu.memref_slice %arg10[%dma_wait3A_242, %dma_wait3A_243] : memref<10112x128xf32, #tpu.memory_space<vmem_shared>> -> memref<10112x128xf32, #tpu.memory_space<vmem_shared>>
          tpu.wait_indirect_dma semaphore(%run_scoped3A_224 : memref<!tpu.dma_semaphore, #tpu.memory_space<semaphore_mem>>) src(%dma_wait3A_238 : memref<128x128xf32, #tpu.memory_space<vmem>>) dst(%dma_wait3A_244 : memref<10112x128xf32, #tpu.memory_space<vmem_shared>>)
          tpu.yield
        }) : () -> ()
        %dma_wait3A_158 = arith.constant 5 : i32
        %dma_wait3A_159 = arith.constant 1 : i32
        %dma_wait3A_160 = arith.constant 0 : i32
        %dma_wait3A_161 = arith.constant 0 : i32
        %dma_wait3A_162 = tpu.memref_slice %arg9[%dma_wait3A_159, %dma_wait3A_160, %dma_wait3A_161] : memref<2x128x128xf32, #tpu.memory_space<vmem>> -> memref<1x128x128xf32, #tpu.memory_space<vmem>>
        %dma_wait3A_163 = tpu.memref_squeeze %dma_wait3A_162 : memref<1x128x128xf32, #tpu.memory_space<vmem>> -> memref<128x128xf32, #tpu.memory_space<vmem>>
        %dma_wait3A_164 = arith.constant 0 : i32
        %dma_wait3A_165 = tpu.memref_slice %arg7[%dma_wait3A_158, %dma_wait3A_164] : memref<8x128xi32, #tpu.memory_space<vmem>> -> memref<1x128xi32, #tpu.memory_space<vmem>>
        %dma_wait3A_166 = tpu.memref_squeeze %dma_wait3A_165 : memref<1x128xi32, #tpu.memory_space<vmem>> -> memref<128xi32, #tpu.memory_space<vmem>>
        %dma_wait3A_167 = arith.constant 0 : i32
        %dma_wait3A_168 = arith.constant 0 : i32
        %dma_wait3A_169 = tpu.memref_slice %arg2[%dma_wait3A_167, %dma_wait3A_168] : memref<10000x128xf32, #tpu.memory_space<hbm>> -> memref<10000x128xf32, #tpu.memory_space<hbm>>
        tpu.wait_indirect_dma semaphore(%arg11 : memref<!tpu.dma_semaphore, #tpu.memory_space<semaphore_mem>>) src(%dma_wait3A_169 : memref<10000x128xf32, #tpu.memory_space<hbm>>) dst(%dma_wait3A_163 : memref<128x128xf32, #tpu.memory_space<vmem>>)
        %dma_start3A_170 = arith.constant 6 : i32
        %dma_start3A_171 = arith.constant 0 : i32
        %dma_start3A_172 = arith.constant 0 : i32
        %dma_start3A_173 = arith.constant 0 : i32
        %dma_start3A_174 = tpu.memref_slice %arg9[%dma_start3A_171, %dma_start3A_172, %dma_start3A_173] : memref<2x128x128xf32, #tpu.memory_space<vmem>> -> memref<1x128x128xf32, #tpu.memory_space<vmem>>
        %dma_start3A_175 = tpu.memref_squeeze %dma_start3A_174 : memref<1x128x128xf32, #tpu.memory_space<vmem>> -> memref<128x128xf32, #tpu.memory_space<vmem>>
        %dma_start3A_176 = arith.constant 0 : i32
        %dma_start3A_177 = tpu.memref_slice %arg7[%dma_start3A_170, %dma_start3A_176] : memref<8x128xi32, #tpu.memory_space<vmem>> -> memref<1x128xi32, #tpu.memory_space<vmem>>
        %dma_start3A_178 = tpu.memref_squeeze %dma_start3A_177 : memref<1x128xi32, #tpu.memory_space<vmem>> -> memref<128xi32, #tpu.memory_space<vmem>>
        %dma_start3A_179 = arith.constant 0 : i32
        %dma_start3A_180 = arith.constant 0 : i32
        %dma_start3A_181 = tpu.memref_slice %arg2[%dma_start3A_179, %dma_start3A_180] : memref<10000x128xf32, #tpu.memory_space<hbm>> -> memref<10000x128xf32, #tpu.memory_space<hbm>>
        tpu.enqueue_indirect_dma source(%dma_start3A_181 : memref<10000x128xf32, #tpu.memory_space<hbm>>) target(%dma_start3A_175 : memref<128x128xf32, #tpu.memory_space<vmem>>) offsets(%dma_start3A_178 : memref<128xi32, #tpu.memory_space<vmem>>) semaphore(%arg11 : memref<!tpu.dma_semaphore, #tpu.memory_space<semaphore_mem>>)
        %run_scoped3A_182 = arith.constant 1 : i32
        %run_scoped3A_183 = arith.constant 5 : i32
        "tpu.region"() ({
          %run_scoped3A_224 = tpu.sem_alloc : memref<!tpu.dma_semaphore, #tpu.memory_space<semaphore_mem>>
          %dma_start3A_225 = arith.constant 0 : i32
          %dma_start3A_226 = arith.constant 0 : i32
          %dma_start3A_227 = tpu.memref_slice %arg9[%run_scoped3A_182, %dma_start3A_225, %dma_start3A_226] : memref<2x128x128xf32, #tpu.memory_space<vmem>> -> memref<1x128x128xf32, #tpu.memory_space<vmem>>
          %dma_start3A_228 = tpu.memref_squeeze %dma_start3A_227 : memref<1x128x128xf32, #tpu.memory_space<vmem>> -> memref<128x128xf32, #tpu.memory_space<vmem>>
          %dma_start3A_229 = arith.constant 0 : i32
          %dma_start3A_230 = tpu.memref_slice %arg8[%run_scoped3A_183, %dma_start3A_229] : memref<8x128xi32, #tpu.memory_space<vmem>> -> memref<1x128xi32, #tpu.memory_space<vmem>>
          %dma_start3A_231 = tpu.memref_squeeze %dma_start3A_230 : memref<1x128xi32, #tpu.memory_space<vmem>> -> memref<128xi32, #tpu.memory_space<vmem>>
          %dma_start3A_232 = arith.constant 0 : i32
          %dma_start3A_233 = arith.constant 0 : i32
          %dma_start3A_234 = tpu.memref_slice %arg10[%dma_start3A_232, %dma_start3A_233] : memref<10112x128xf32, #tpu.memory_space<vmem_shared>> -> memref<10112x128xf32, #tpu.memory_space<vmem_shared>>
          tpu.enqueue_indirect_dma source(%dma_start3A_228 : memref<128x128xf32, #tpu.memory_space<vmem>>) target(%dma_start3A_234 : memref<10112x128xf32, #tpu.memory_space<vmem_shared>>) offsets(%dma_start3A_231 : memref<128xi32, #tpu.memory_space<vmem>>) semaphore(%run_scoped3A_224 : memref<!tpu.dma_semaphore, #tpu.memory_space<semaphore_mem>>) {add = true}
          %dma_wait3A_235 = arith.constant 0 : i32
          %dma_wait3A_236 = arith.constant 0 : i32
          %dma_wait3A_237 = tpu.memref_slice %arg9[%run_scoped3A_182, %dma_wait3A_235, %dma_wait3A_236] : memref<2x128x128xf32, #tpu.memory_space<vmem>> -> memref<1x128x128xf32, #tpu.memory_space<vmem>>
          %dma_wait3A_238 = tpu.memref_squeeze %dma_wait3A_237 : memref<1x128x128xf32, #tpu.memory_space<vmem>> -> memref<128x128xf32, #tpu.memory_space<vmem>>
          %dma_wait3A_239 = arith.constant 0 : i32
          %dma_wait3A_240 = tpu.memref_slice %arg8[%run_scoped3A_183, %dma_wait3A_239] : memref<8x128xi32, #tpu.memory_space<vmem>> -> memref<1x128xi32, #tpu.memory_space<vmem>>
          %dma_wait3A_241 = tpu.memref_squeeze %dma_wait3A_240 : memref<1x128xi32, #tpu.memory_space<vmem>> -> memref<128xi32, #tpu.memory_space<vmem>>
          %dma_wait3A_242 = arith.constant 0 : i32
          %dma_wait3A_243 = arith.constant 0 : i32
          %dma_wait3A_244 = tpu.memref_slice %arg10[%dma_wait3A_242, %dma_wait3A_243] : memref<10112x128xf32, #tpu.memory_space<vmem_shared>> -> memref<10112x128xf32, #tpu.memory_space<vmem_shared>>
          tpu.wait_indirect_dma semaphore(%run_scoped3A_224 : memref<!tpu.dma_semaphore, #tpu.memory_space<semaphore_mem>>) src(%dma_wait3A_238 : memref<128x128xf32, #tpu.memory_space<vmem>>) dst(%dma_wait3A_244 : memref<10112x128xf32, #tpu.memory_space<vmem_shared>>)
          tpu.yield
        }) : () -> ()
        %dma_wait3A_184 = arith.constant 6 : i32
        %dma_wait3A_185 = arith.constant 0 : i32
        %dma_wait3A_186 = arith.constant 0 : i32
        %dma_wait3A_187 = arith.constant 0 : i32
        %dma_wait3A_188 = tpu.memref_slice %arg9[%dma_wait3A_185, %dma_wait3A_186, %dma_wait3A_187] : memref<2x128x128xf32, #tpu.memory_space<vmem>> -> memref<1x128x128xf32, #tpu.memory_space<vmem>>
        %dma_wait3A_189 = tpu.memref_squeeze %dma_wait3A_188 : memref<1x128x128xf32, #tpu.memory_space<vmem>> -> memref<128x128xf32, #tpu.memory_space<vmem>>
        %dma_wait3A_190 = arith.constant 0 : i32
        %dma_wait3A_191 = tpu.memref_slice %arg7[%dma_wait3A_184, %dma_wait3A_190] : memref<8x128xi32, #tpu.memory_space<vmem>> -> memref<1x128xi32, #tpu.memory_space<vmem>>
        %dma_wait3A_192 = tpu.memref_squeeze %dma_wait3A_191 : memref<1x128xi32, #tpu.memory_space<vmem>> -> memref<128xi32, #tpu.memory_space<vmem>>
        %dma_wait3A_193 = arith.constant 0 : i32
        %dma_wait3A_194 = arith.constant 0 : i32
        %dma_wait3A_195 = tpu.memref_slice %arg2[%dma_wait3A_193, %dma_wait3A_194] : memref<10000x128xf32, #tpu.memory_space<hbm>> -> memref<10000x128xf32, #tpu.memory_space<hbm>>
        tpu.wait_indirect_dma semaphore(%arg11 : memref<!tpu.dma_semaphore, #tpu.memory_space<semaphore_mem>>) src(%dma_wait3A_195 : memref<10000x128xf32, #tpu.memory_space<hbm>>) dst(%dma_wait3A_189 : memref<128x128xf32, #tpu.memory_space<vmem>>)
        %dma_start3A_196 = arith.constant 7 : i32
        %dma_start3A_197 = arith.constant 1 : i32
        %dma_start3A_198 = arith.constant 0 : i32
        %dma_start3A_199 = arith.constant 0 : i32
        %dma_start3A_200 = tpu.memref_slice %arg9[%dma_start3A_197, %dma_start3A_198, %dma_start3A_199] : memref<2x128x128xf32, #tpu.memory_space<vmem>> -> memref<1x128x128xf32, #tpu.memory_space<vmem>>
        %dma_start3A_201 = tpu.memref_squeeze %dma_start3A_200 : memref<1x128x128xf32, #tpu.memory_space<vmem>> -> memref<128x128xf32, #tpu.memory_space<vmem>>
        %dma_start3A_202 = arith.constant 0 : i32
        %dma_start3A_203 = tpu.memref_slice %arg7[%dma_start3A_196, %dma_start3A_202] : memref<8x128xi32, #tpu.memory_space<vmem>> -> memref<1x128xi32, #tpu.memory_space<vmem>>
        %dma_start3A_204 = tpu.memref_squeeze %dma_start3A_203 : memref<1x128xi32, #tpu.memory_space<vmem>> -> memref<128xi32, #tpu.memory_space<vmem>>
        %dma_start3A_205 = arith.constant 0 : i32
        %dma_start3A_206 = arith.constant 0 : i32
        %dma_start3A_207 = tpu.memref_slice %arg2[%dma_start3A_205, %dma_start3A_206] : memref<10000x128xf32, #tpu.memory_space<hbm>> -> memref<10000x128xf32, #tpu.memory_space<hbm>>
        tpu.enqueue_indirect_dma source(%dma_start3A_207 : memref<10000x128xf32, #tpu.memory_space<hbm>>) target(%dma_start3A_201 : memref<128x128xf32, #tpu.memory_space<vmem>>) offsets(%dma_start3A_204 : memref<128xi32, #tpu.memory_space<vmem>>) semaphore(%arg11 : memref<!tpu.dma_semaphore, #tpu.memory_space<semaphore_mem>>)
        %run_scoped3A_208 = arith.constant 0 : i32
        %run_scoped3A_209 = arith.constant 6 : i32
        "tpu.region"() ({
          %run_scoped3A_224 = tpu.sem_alloc : memref<!tpu.dma_semaphore, #tpu.memory_space<semaphore_mem>>
          %dma_start3A_225 = arith.constant 0 : i32
          %dma_start3A_226 = arith.constant 0 : i32
          %dma_start3A_227 = tpu.memref_slice %arg9[%run_scoped3A_208, %dma_start3A_225, %dma_start3A_226] : memref<2x128x128xf32, #tpu.memory_space<vmem>> -> memref<1x128x128xf32, #tpu.memory_space<vmem>>
          %dma_start3A_228 = tpu.memref_squeeze %dma_start3A_227 : memref<1x128x128xf32, #tpu.memory_space<vmem>> -> memref<128x128xf32, #tpu.memory_space<vmem>>
          %dma_start3A_229 = arith.constant 0 : i32
          %dma_start3A_230 = tpu.memref_slice %arg8[%run_scoped3A_209, %dma_start3A_229] : memref<8x128xi32, #tpu.memory_space<vmem>> -> memref<1x128xi32, #tpu.memory_space<vmem>>
          %dma_start3A_231 = tpu.memref_squeeze %dma_start3A_230 : memref<1x128xi32, #tpu.memory_space<vmem>> -> memref<128xi32, #tpu.memory_space<vmem>>
          %dma_start3A_232 = arith.constant 0 : i32
          %dma_start3A_233 = arith.constant 0 : i32
          %dma_start3A_234 = tpu.memref_slice %arg10[%dma_start3A_232, %dma_start3A_233] : memref<10112x128xf32, #tpu.memory_space<vmem_shared>> -> memref<10112x128xf32, #tpu.memory_space<vmem_shared>>
          tpu.enqueue_indirect_dma source(%dma_start3A_228 : memref<128x128xf32, #tpu.memory_space<vmem>>) target(%dma_start3A_234 : memref<10112x128xf32, #tpu.memory_space<vmem_shared>>) offsets(%dma_start3A_231 : memref<128xi32, #tpu.memory_space<vmem>>) semaphore(%run_scoped3A_224 : memref<!tpu.dma_semaphore, #tpu.memory_space<semaphore_mem>>) {add = true}
          %dma_wait3A_235 = arith.constant 0 : i32
          %dma_wait3A_236 = arith.constant 0 : i32
          %dma_wait3A_237 = tpu.memref_slice %arg9[%run_scoped3A_208, %dma_wait3A_235, %dma_wait3A_236] : memref<2x128x128xf32, #tpu.memory_space<vmem>> -> memref<1x128x128xf32, #tpu.memory_space<vmem>>
          %dma_wait3A_238 = tpu.memref_squeeze %dma_wait3A_237 : memref<1x128x128xf32, #tpu.memory_space<vmem>> -> memref<128x128xf32, #tpu.memory_space<vmem>>
          %dma_wait3A_239 = arith.constant 0 : i32
          %dma_wait3A_240 = tpu.memref_slice %arg8[%run_scoped3A_209, %dma_wait3A_239] : memref<8x128xi32, #tpu.memory_space<vmem>> -> memref<1x128xi32, #tpu.memory_space<vmem>>
          %dma_wait3A_241 = tpu.memref_squeeze %dma_wait3A_240 : memref<1x128xi32, #tpu.memory_space<vmem>> -> memref<128xi32, #tpu.memory_space<vmem>>
          %dma_wait3A_242 = arith.constant 0 : i32
          %dma_wait3A_243 = arith.constant 0 : i32
          %dma_wait3A_244 = tpu.memref_slice %arg10[%dma_wait3A_242, %dma_wait3A_243] : memref<10112x128xf32, #tpu.memory_space<vmem_shared>> -> memref<10112x128xf32, #tpu.memory_space<vmem_shared>>
          tpu.wait_indirect_dma semaphore(%run_scoped3A_224 : memref<!tpu.dma_semaphore, #tpu.memory_space<semaphore_mem>>) src(%dma_wait3A_238 : memref<128x128xf32, #tpu.memory_space<vmem>>) dst(%dma_wait3A_244 : memref<10112x128xf32, #tpu.memory_space<vmem_shared>>)
          tpu.yield
        }) : () -> ()
        %dma_wait3A_210 = arith.constant 7 : i32
        %dma_wait3A_211 = arith.constant 1 : i32
        %dma_wait3A_212 = arith.constant 0 : i32
        %dma_wait3A_213 = arith.constant 0 : i32
        %dma_wait3A_214 = tpu.memref_slice %arg9[%dma_wait3A_211, %dma_wait3A_212, %dma_wait3A_213] : memref<2x128x128xf32, #tpu.memory_space<vmem>> -> memref<1x128x128xf32, #tpu.memory_space<vmem>>
        %dma_wait3A_215 = tpu.memref_squeeze %dma_wait3A_214 : memref<1x128x128xf32, #tpu.memory_space<vmem>> -> memref<128x128xf32, #tpu.memory_space<vmem>>
        %dma_wait3A_216 = arith.constant 0 : i32
        %dma_wait3A_217 = tpu.memref_slice %arg7[%dma_wait3A_210, %dma_wait3A_216] : memref<8x128xi32, #tpu.memory_space<vmem>> -> memref<1x128xi32, #tpu.memory_space<vmem>>
        %dma_wait3A_218 = tpu.memref_squeeze %dma_wait3A_217 : memref<1x128xi32, #tpu.memory_space<vmem>> -> memref<128xi32, #tpu.memory_space<vmem>>
        %dma_wait3A_219 = arith.constant 0 : i32
        %dma_wait3A_220 = arith.constant 0 : i32
        %dma_wait3A_221 = tpu.memref_slice %arg2[%dma_wait3A_219, %dma_wait3A_220] : memref<10000x128xf32, #tpu.memory_space<hbm>> -> memref<10000x128xf32, #tpu.memory_space<hbm>>
        tpu.wait_indirect_dma semaphore(%arg11 : memref<!tpu.dma_semaphore, #tpu.memory_space<semaphore_mem>>) src(%dma_wait3A_221 : memref<10000x128xf32, #tpu.memory_space<hbm>>) dst(%dma_wait3A_215 : memref<128x128xf32, #tpu.memory_space<vmem>>)
        %run_scoped3A_222 = arith.constant 1 : i32
        %run_scoped3A_223 = arith.constant 7 : i32
        "tpu.region"() ({
          %run_scoped3A_224 = tpu.sem_alloc : memref<!tpu.dma_semaphore, #tpu.memory_space<semaphore_mem>>
          %dma_start3A_225 = arith.constant 0 : i32
          %dma_start3A_226 = arith.constant 0 : i32
          %dma_start3A_227 = tpu.memref_slice %arg9[%run_scoped3A_222, %dma_start3A_225, %dma_start3A_226] : memref<2x128x128xf32, #tpu.memory_space<vmem>> -> memref<1x128x128xf32, #tpu.memory_space<vmem>>
          %dma_start3A_228 = tpu.memref_squeeze %dma_start3A_227 : memref<1x128x128xf32, #tpu.memory_space<vmem>> -> memref<128x128xf32, #tpu.memory_space<vmem>>
          %dma_start3A_229 = arith.constant 0 : i32
          %dma_start3A_230 = tpu.memref_slice %arg8[%run_scoped3A_223, %dma_start3A_229] : memref<8x128xi32, #tpu.memory_space<vmem>> -> memref<1x128xi32, #tpu.memory_space<vmem>>
          %dma_start3A_231 = tpu.memref_squeeze %dma_start3A_230 : memref<1x128xi32, #tpu.memory_space<vmem>> -> memref<128xi32, #tpu.memory_space<vmem>>
          %dma_start3A_232 = arith.constant 0 : i32
          %dma_start3A_233 = arith.constant 0 : i32
          %dma_start3A_234 = tpu.memref_slice %arg10[%dma_start3A_232, %dma_start3A_233] : memref<10112x128xf32, #tpu.memory_space<vmem_shared>> -> memref<10112x128xf32, #tpu.memory_space<vmem_shared>>
          tpu.enqueue_indirect_dma source(%dma_start3A_228 : memref<128x128xf32, #tpu.memory_space<vmem>>) target(%dma_start3A_234 : memref<10112x128xf32, #tpu.memory_space<vmem_shared>>) offsets(%dma_start3A_231 : memref<128xi32, #tpu.memory_space<vmem>>) semaphore(%run_scoped3A_224 : memref<!tpu.dma_semaphore, #tpu.memory_space<semaphore_mem>>) {add = true}
          %dma_wait3A_235 = arith.constant 0 : i32
          %dma_wait3A_236 = arith.constant 0 : i32
          %dma_wait3A_237 = tpu.memref_slice %arg9[%run_scoped3A_222, %dma_wait3A_235, %dma_wait3A_236] : memref<2x128x128xf32, #tpu.memory_space<vmem>> -> memref<1x128x128xf32, #tpu.memory_space<vmem>>
          %dma_wait3A_238 = tpu.memref_squeeze %dma_wait3A_237 : memref<1x128x128xf32, #tpu.memory_space<vmem>> -> memref<128x128xf32, #tpu.memory_space<vmem>>
          %dma_wait3A_239 = arith.constant 0 : i32
          %dma_wait3A_240 = tpu.memref_slice %arg8[%run_scoped3A_223, %dma_wait3A_239] : memref<8x128xi32, #tpu.memory_space<vmem>> -> memref<1x128xi32, #tpu.memory_space<vmem>>
          %dma_wait3A_241 = tpu.memref_squeeze %dma_wait3A_240 : memref<1x128xi32, #tpu.memory_space<vmem>> -> memref<128xi32, #tpu.memory_space<vmem>>
          %dma_wait3A_242 = arith.constant 0 : i32
          %dma_wait3A_243 = arith.constant 0 : i32
          %dma_wait3A_244 = tpu.memref_slice %arg10[%dma_wait3A_242, %dma_wait3A_243] : memref<10112x128xf32, #tpu.memory_space<vmem_shared>> -> memref<10112x128xf32, #tpu.memory_space<vmem_shared>>
          tpu.wait_indirect_dma semaphore(%run_scoped3A_224 : memref<!tpu.dma_semaphore, #tpu.memory_space<semaphore_mem>>) src(%dma_wait3A_238 : memref<128x128xf32, #tpu.memory_space<vmem>>) dst(%dma_wait3A_244 : memref<10112x128xf32, #tpu.memory_space<vmem_shared>>)
          tpu.yield
        }) : () -> ()
      }
      %scan3A_15 = arith.constant 18 : i32
    } else {
    }
    %eq3A_3 = arith.constant 1 : i32
    %eq3A_4 = arith.cmpi eq, %arg0, %eq3A_3 : i32
    %convert_element_type3A_5 = arith.extui %eq3A_4 : i1 to i32
    %cond3A_6 = arith.constant 0 : i32
    %cond3A_7 = arith.cmpi ne, %convert_element_type3A_5, %cond3A_6 : i32
    scf.if %cond3A_7 {
      %mul3A_9 = arith.constant 16 : i32
      %mul3A_10 = arith.muli %arg1, %mul3A_9 : i32
      %add3A = arith.constant 2304 : i32
      %add3A_11 = arith.addi %add3A, %mul3A_10 : i32
      %scan3A = arith.constant 0 : i32
      %scan3A_12 = arith.constant 0 : i32
      %scan3A_13 = arith.constant 2 : i32
      %scan3A_14 = arith.addi %scan3A_12, %scan3A_13 : i32
      %scan3A_15 = arith.constant 1 : i32
      scf.for %scan3A_17 = %scan3A_12 to %scan3A_14 step %scan3A_15  : i32 {
        %mul3A_18 = arith.constant 8 : i32
        %mul3A_19 = arith.muli %scan3A_17, %mul3A_18 : i32
        %add3A_20 = arith.addi %add3A_11, %mul3A_19 : i32
        "tpu.region"() ({
          %run_scoped3A_226 = tpu.sem_alloc : memref<!tpu.dma_semaphore, #tpu.memory_space<semaphore_mem>>
          %dma_start3A_227 = arith.constant 0 : i32
          %dma_start3A_228 = tpu.memref_slice %arg3[%add3A_20, %dma_start3A_227] : memref<2560x128xi32, #tpu.memory_space<hbm>> -> memref<8x128xi32, #tpu.memory_space<hbm>>
          %dma_start3A_229 = arith.constant 0 : i32
          %dma_start3A_230 = tpu.memref_slice %arg3[%add3A_20, %dma_start3A_229] : memref<2560x128xi32, #tpu.memory_space<hbm>> -> memref<8x128xi32, #tpu.memory_space<hbm>>
          tpu.enqueue_dma source(%dma_start3A_230 : memref<8x128xi32, #tpu.memory_space<hbm>>) target(%arg7 : memref<8x128xi32, #tpu.memory_space<vmem>>) target_semaphore(%run_scoped3A_226 : memref<!tpu.dma_semaphore, #tpu.memory_space<semaphore_mem>>)
          %dma_wait3A_231 = arith.constant 0 : i32
          %dma_wait3A_232 = tpu.memref_slice %arg3[%add3A_20, %dma_wait3A_231] : memref<2560x128xi32, #tpu.memory_space<hbm>> -> memref<8x128xi32, #tpu.memory_space<hbm>>
          %dma_wait3A_233 = arith.constant 0 : i32
          %dma_wait3A_234 = tpu.memref_slice %arg3[%add3A_20, %dma_wait3A_233] : memref<2560x128xi32, #tpu.memory_space<hbm>> -> memref<8x128xi32, #tpu.memory_space<hbm>>
          tpu.wait_dma2 semaphore(%run_scoped3A_226 : memref<!tpu.dma_semaphore, #tpu.memory_space<semaphore_mem>>) src(%dma_wait3A_234 : memref<8x128xi32, #tpu.memory_space<hbm>>) dst(%arg7 : memref<8x128xi32, #tpu.memory_space<vmem>>)
          tpu.yield
        }) : () -> ()
        "tpu.region"() ({
          %run_scoped3A_226 = tpu.sem_alloc : memref<!tpu.dma_semaphore, #tpu.memory_space<semaphore_mem>>
          %dma_start3A_227 = arith.constant 0 : i32
          %dma_start3A_228 = tpu.memref_slice %arg4[%add3A_20, %dma_start3A_227] : memref<2560x128xi32, #tpu.memory_space<hbm>> -> memref<8x128xi32, #tpu.memory_space<hbm>>
          %dma_start3A_229 = arith.constant 0 : i32
          %dma_start3A_230 = tpu.memref_slice %arg4[%add3A_20, %dma_start3A_229] : memref<2560x128xi32, #tpu.memory_space<hbm>> -> memref<8x128xi32, #tpu.memory_space<hbm>>
          tpu.enqueue_dma source(%dma_start3A_230 : memref<8x128xi32, #tpu.memory_space<hbm>>) target(%arg8 : memref<8x128xi32, #tpu.memory_space<vmem>>) target_semaphore(%run_scoped3A_226 : memref<!tpu.dma_semaphore, #tpu.memory_space<semaphore_mem>>)
          %dma_wait3A_231 = arith.constant 0 : i32
          %dma_wait3A_232 = tpu.memref_slice %arg4[%add3A_20, %dma_wait3A_231] : memref<2560x128xi32, #tpu.memory_space<hbm>> -> memref<8x128xi32, #tpu.memory_space<hbm>>
          %dma_wait3A_233 = arith.constant 0 : i32
          %dma_wait3A_234 = tpu.memref_slice %arg4[%add3A_20, %dma_wait3A_233] : memref<2560x128xi32, #tpu.memory_space<hbm>> -> memref<8x128xi32, #tpu.memory_space<hbm>>
          tpu.wait_dma2 semaphore(%run_scoped3A_226 : memref<!tpu.dma_semaphore, #tpu.memory_space<semaphore_mem>>) src(%dma_wait3A_234 : memref<8x128xi32, #tpu.memory_space<hbm>>) dst(%arg8 : memref<8x128xi32, #tpu.memory_space<vmem>>)
          tpu.yield
        }) : () -> ()
        %dma_start3A = arith.constant 0 : i32
        %dma_start3A_21 = arith.constant 0 : i32
        %dma_start3A_22 = arith.constant 0 : i32
        %dma_start3A_23 = arith.constant 0 : i32
        %dma_start3A_24 = tpu.memref_slice %arg9[%dma_start3A_21, %dma_start3A_22, %dma_start3A_23] : memref<2x128x128xf32, #tpu.memory_space<vmem>> -> memref<1x128x128xf32, #tpu.memory_space<vmem>>
        %dma_start3A_25 = tpu.memref_squeeze %dma_start3A_24 : memref<1x128x128xf32, #tpu.memory_space<vmem>> -> memref<128x128xf32, #tpu.memory_space<vmem>>
        %dma_start3A_26 = arith.constant 0 : i32
        %dma_start3A_27 = tpu.memref_slice %arg7[%dma_start3A, %dma_start3A_26] : memref<8x128xi32, #tpu.memory_space<vmem>> -> memref<1x128xi32, #tpu.memory_space<vmem>>
        %dma_start3A_28 = tpu.memref_squeeze %dma_start3A_27 : memref<1x128xi32, #tpu.memory_space<vmem>> -> memref<128xi32, #tpu.memory_space<vmem>>
        %dma_start3A_29 = arith.constant 0 : i32
        %dma_start3A_30 = arith.constant 0 : i32
        %dma_start3A_31 = tpu.memref_slice %arg2[%dma_start3A_29, %dma_start3A_30] : memref<10000x128xf32, #tpu.memory_space<hbm>> -> memref<10000x128xf32, #tpu.memory_space<hbm>>
        tpu.enqueue_indirect_dma source(%dma_start3A_31 : memref<10000x128xf32, #tpu.memory_space<hbm>>) target(%dma_start3A_25 : memref<128x128xf32, #tpu.memory_space<vmem>>) offsets(%dma_start3A_28 : memref<128xi32, #tpu.memory_space<vmem>>) semaphore(%arg11 : memref<!tpu.dma_semaphore, #tpu.memory_space<semaphore_mem>>)
        %dma_wait3A = arith.constant 0 : i32
        %dma_wait3A_32 = arith.constant 0 : i32
        %dma_wait3A_33 = arith.constant 0 : i32
        %dma_wait3A_34 = arith.constant 0 : i32
        %dma_wait3A_35 = tpu.memref_slice %arg9[%dma_wait3A_32, %dma_wait3A_33, %dma_wait3A_34] : memref<2x128x128xf32, #tpu.memory_space<vmem>> -> memref<1x128x128xf32, #tpu.memory_space<vmem>>
        %dma_wait3A_36 = tpu.memref_squeeze %dma_wait3A_35 : memref<1x128x128xf32, #tpu.memory_space<vmem>> -> memref<128x128xf32, #tpu.memory_space<vmem>>
        %dma_wait3A_37 = arith.constant 0 : i32
        %dma_wait3A_38 = tpu.memref_slice %arg7[%dma_wait3A, %dma_wait3A_37] : memref<8x128xi32, #tpu.memory_space<vmem>> -> memref<1x128xi32, #tpu.memory_space<vmem>>
        %dma_wait3A_39 = tpu.memref_squeeze %dma_wait3A_38 : memref<1x128xi32, #tpu.memory_space<vmem>> -> memref<128xi32, #tpu.memory_space<vmem>>
        %dma_wait3A_40 = arith.constant 0 : i32
        %dma_wait3A_41 = arith.constant 0 : i32
        %dma_wait3A_42 = tpu.memref_slice %arg2[%dma_wait3A_40, %dma_wait3A_41] : memref<10000x128xf32, #tpu.memory_space<hbm>> -> memref<10000x128xf32, #tpu.memory_space<hbm>>
        tpu.wait_indirect_dma semaphore(%arg11 : memref<!tpu.dma_semaphore, #tpu.memory_space<semaphore_mem>>) src(%dma_wait3A_42 : memref<10000x128xf32, #tpu.memory_space<hbm>>) dst(%dma_wait3A_36 : memref<128x128xf32, #tpu.memory_space<vmem>>)
        %dma_start3A_43 = arith.constant 1 : i32
        %dma_start3A_44 = arith.constant 1 : i32
        %dma_start3A_45 = arith.constant 0 : i32
        %dma_start3A_46 = arith.constant 0 : i32
        %dma_start3A_47 = tpu.memref_slice %arg9[%dma_start3A_44, %dma_start3A_45, %dma_start3A_46] : memref<2x128x128xf32, #tpu.memory_space<vmem>> -> memref<1x128x128xf32, #tpu.memory_space<vmem>>
        %dma_start3A_48 = tpu.memref_squeeze %dma_start3A_47 : memref<1x128x128xf32, #tpu.memory_space<vmem>> -> memref<128x128xf32, #tpu.memory_space<vmem>>
        %dma_start3A_49 = arith.constant 0 : i32
        %dma_start3A_50 = tpu.memref_slice %arg7[%dma_start3A_43, %dma_start3A_49] : memref<8x128xi32, #tpu.memory_space<vmem>> -> memref<1x128xi32, #tpu.memory_space<vmem>>
        %dma_start3A_51 = tpu.memref_squeeze %dma_start3A_50 : memref<1x128xi32, #tpu.memory_space<vmem>> -> memref<128xi32, #tpu.memory_space<vmem>>
        %dma_start3A_52 = arith.constant 0 : i32
        %dma_start3A_53 = arith.constant 0 : i32
        %dma_start3A_54 = tpu.memref_slice %arg2[%dma_start3A_52, %dma_start3A_53] : memref<10000x128xf32, #tpu.memory_space<hbm>> -> memref<10000x128xf32, #tpu.memory_space<hbm>>
        tpu.enqueue_indirect_dma source(%dma_start3A_54 : memref<10000x128xf32, #tpu.memory_space<hbm>>) target(%dma_start3A_48 : memref<128x128xf32, #tpu.memory_space<vmem>>) offsets(%dma_start3A_51 : memref<128xi32, #tpu.memory_space<vmem>>) semaphore(%arg11 : memref<!tpu.dma_semaphore, #tpu.memory_space<semaphore_mem>>)
        %run_scoped3A = arith.constant 0 : i32
        %run_scoped3A_55 = arith.constant 0 : i32
        "tpu.region"() ({
          %run_scoped3A_226 = tpu.sem_alloc : memref<!tpu.dma_semaphore, #tpu.memory_space<semaphore_mem>>
          %dma_start3A_227 = arith.constant 0 : i32
          %dma_start3A_228 = arith.constant 0 : i32
          %dma_start3A_229 = tpu.memref_slice %arg9[%run_scoped3A, %dma_start3A_227, %dma_start3A_228] : memref<2x128x128xf32, #tpu.memory_space<vmem>> -> memref<1x128x128xf32, #tpu.memory_space<vmem>>
          %dma_start3A_230 = tpu.memref_squeeze %dma_start3A_229 : memref<1x128x128xf32, #tpu.memory_space<vmem>> -> memref<128x128xf32, #tpu.memory_space<vmem>>
          %dma_start3A_231 = arith.constant 0 : i32
          %dma_start3A_232 = tpu.memref_slice %arg8[%run_scoped3A_55, %dma_start3A_231] : memref<8x128xi32, #tpu.memory_space<vmem>> -> memref<1x128xi32, #tpu.memory_space<vmem>>
          %dma_start3A_233 = tpu.memref_squeeze %dma_start3A_232 : memref<1x128xi32, #tpu.memory_space<vmem>> -> memref<128xi32, #tpu.memory_space<vmem>>
          %dma_start3A_234 = arith.constant 0 : i32
          %dma_start3A_235 = arith.constant 0 : i32
          %dma_start3A_236 = tpu.memref_slice %arg10[%dma_start3A_234, %dma_start3A_235] : memref<10112x128xf32, #tpu.memory_space<vmem_shared>> -> memref<10112x128xf32, #tpu.memory_space<vmem_shared>>
          tpu.enqueue_indirect_dma source(%dma_start3A_230 : memref<128x128xf32, #tpu.memory_space<vmem>>) target(%dma_start3A_236 : memref<10112x128xf32, #tpu.memory_space<vmem_shared>>) offsets(%dma_start3A_233 : memref<128xi32, #tpu.memory_space<vmem>>) semaphore(%run_scoped3A_226 : memref<!tpu.dma_semaphore, #tpu.memory_space<semaphore_mem>>) {add = true}
          %dma_wait3A_237 = arith.constant 0 : i32
          %dma_wait3A_238 = arith.constant 0 : i32
          %dma_wait3A_239 = tpu.memref_slice %arg9[%run_scoped3A, %dma_wait3A_237, %dma_wait3A_238] : memref<2x128x128xf32, #tpu.memory_space<vmem>> -> memref<1x128x128xf32, #tpu.memory_space<vmem>>
          %dma_wait3A_240 = tpu.memref_squeeze %dma_wait3A_239 : memref<1x128x128xf32, #tpu.memory_space<vmem>> -> memref<128x128xf32, #tpu.memory_space<vmem>>
          %dma_wait3A_241 = arith.constant 0 : i32
          %dma_wait3A_242 = tpu.memref_slice %arg8[%run_scoped3A_55, %dma_wait3A_241] : memref<8x128xi32, #tpu.memory_space<vmem>> -> memref<1x128xi32, #tpu.memory_space<vmem>>
          %dma_wait3A_243 = tpu.memref_squeeze %dma_wait3A_242 : memref<1x128xi32, #tpu.memory_space<vmem>> -> memref<128xi32, #tpu.memory_space<vmem>>
          %dma_wait3A_244 = arith.constant 0 : i32
          %dma_wait3A_245 = arith.constant 0 : i32
          %dma_wait3A_246 = tpu.memref_slice %arg10[%dma_wait3A_244, %dma_wait3A_245] : memref<10112x128xf32, #tpu.memory_space<vmem_shared>> -> memref<10112x128xf32, #tpu.memory_space<vmem_shared>>
          tpu.wait_indirect_dma semaphore(%run_scoped3A_226 : memref<!tpu.dma_semaphore, #tpu.memory_space<semaphore_mem>>) src(%dma_wait3A_240 : memref<128x128xf32, #tpu.memory_space<vmem>>) dst(%dma_wait3A_246 : memref<10112x128xf32, #tpu.memory_space<vmem_shared>>)
          tpu.yield
        }) : () -> ()
        %dma_wait3A_56 = arith.constant 1 : i32
        %dma_wait3A_57 = arith.constant 1 : i32
        %dma_wait3A_58 = arith.constant 0 : i32
        %dma_wait3A_59 = arith.constant 0 : i32
        %dma_wait3A_60 = tpu.memref_slice %arg9[%dma_wait3A_57, %dma_wait3A_58, %dma_wait3A_59] : memref<2x128x128xf32, #tpu.memory_space<vmem>> -> memref<1x128x128xf32, #tpu.memory_space<vmem>>
        %dma_wait3A_61 = tpu.memref_squeeze %dma_wait3A_60 : memref<1x128x128xf32, #tpu.memory_space<vmem>> -> memref<128x128xf32, #tpu.memory_space<vmem>>
        %dma_wait3A_62 = arith.constant 0 : i32
        %dma_wait3A_63 = tpu.memref_slice %arg7[%dma_wait3A_56, %dma_wait3A_62] : memref<8x128xi32, #tpu.memory_space<vmem>> -> memref<1x128xi32, #tpu.memory_space<vmem>>
        %dma_wait3A_64 = tpu.memref_squeeze %dma_wait3A_63 : memref<1x128xi32, #tpu.memory_space<vmem>> -> memref<128xi32, #tpu.memory_space<vmem>>
        %dma_wait3A_65 = arith.constant 0 : i32
        %dma_wait3A_66 = arith.constant 0 : i32
        %dma_wait3A_67 = tpu.memref_slice %arg2[%dma_wait3A_65, %dma_wait3A_66] : memref<10000x128xf32, #tpu.memory_space<hbm>> -> memref<10000x128xf32, #tpu.memory_space<hbm>>
        tpu.wait_indirect_dma semaphore(%arg11 : memref<!tpu.dma_semaphore, #tpu.memory_space<semaphore_mem>>) src(%dma_wait3A_67 : memref<10000x128xf32, #tpu.memory_space<hbm>>) dst(%dma_wait3A_61 : memref<128x128xf32, #tpu.memory_space<vmem>>)
        %dma_start3A_68 = arith.constant 2 : i32
        %dma_start3A_69 = arith.constant 0 : i32
        %dma_start3A_70 = arith.constant 0 : i32
        %dma_start3A_71 = arith.constant 0 : i32
        %dma_start3A_72 = tpu.memref_slice %arg9[%dma_start3A_69, %dma_start3A_70, %dma_start3A_71] : memref<2x128x128xf32, #tpu.memory_space<vmem>> -> memref<1x128x128xf32, #tpu.memory_space<vmem>>
        %dma_start3A_73 = tpu.memref_squeeze %dma_start3A_72 : memref<1x128x128xf32, #tpu.memory_space<vmem>> -> memref<128x128xf32, #tpu.memory_space<vmem>>
        %dma_start3A_74 = arith.constant 0 : i32
        %dma_start3A_75 = tpu.memref_slice %arg7[%dma_start3A_68, %dma_start3A_74] : memref<8x128xi32, #tpu.memory_space<vmem>> -> memref<1x128xi32, #tpu.memory_space<vmem>>
        %dma_start3A_76 = tpu.memref_squeeze %dma_start3A_75 : memref<1x128xi32, #tpu.memory_space<vmem>> -> memref<128xi32, #tpu.memory_space<vmem>>
        %dma_start3A_77 = arith.constant 0 : i32
        %dma_start3A_78 = arith.constant 0 : i32
        %dma_start3A_79 = tpu.memref_slice %arg2[%dma_start3A_77, %dma_start3A_78] : memref<10000x128xf32, #tpu.memory_space<hbm>> -> memref<10000x128xf32, #tpu.memory_space<hbm>>
        tpu.enqueue_indirect_dma source(%dma_start3A_79 : memref<10000x128xf32, #tpu.memory_space<hbm>>) target(%dma_start3A_73 : memref<128x128xf32, #tpu.memory_space<vmem>>) offsets(%dma_start3A_76 : memref<128xi32, #tpu.memory_space<vmem>>) semaphore(%arg11 : memref<!tpu.dma_semaphore, #tpu.memory_space<semaphore_mem>>)
        %run_scoped3A_80 = arith.constant 1 : i32
        %run_scoped3A_81 = arith.constant 1 : i32
        "tpu.region"() ({
          %run_scoped3A_226 = tpu.sem_alloc : memref<!tpu.dma_semaphore, #tpu.memory_space<semaphore_mem>>
          %dma_start3A_227 = arith.constant 0 : i32
          %dma_start3A_228 = arith.constant 0 : i32
          %dma_start3A_229 = tpu.memref_slice %arg9[%run_scoped3A_80, %dma_start3A_227, %dma_start3A_228] : memref<2x128x128xf32, #tpu.memory_space<vmem>> -> memref<1x128x128xf32, #tpu.memory_space<vmem>>
          %dma_start3A_230 = tpu.memref_squeeze %dma_start3A_229 : memref<1x128x128xf32, #tpu.memory_space<vmem>> -> memref<128x128xf32, #tpu.memory_space<vmem>>
          %dma_start3A_231 = arith.constant 0 : i32
          %dma_start3A_232 = tpu.memref_slice %arg8[%run_scoped3A_81, %dma_start3A_231] : memref<8x128xi32, #tpu.memory_space<vmem>> -> memref<1x128xi32, #tpu.memory_space<vmem>>
          %dma_start3A_233 = tpu.memref_squeeze %dma_start3A_232 : memref<1x128xi32, #tpu.memory_space<vmem>> -> memref<128xi32, #tpu.memory_space<vmem>>
          %dma_start3A_234 = arith.constant 0 : i32
          %dma_start3A_235 = arith.constant 0 : i32
          %dma_start3A_236 = tpu.memref_slice %arg10[%dma_start3A_234, %dma_start3A_235] : memref<10112x128xf32, #tpu.memory_space<vmem_shared>> -> memref<10112x128xf32, #tpu.memory_space<vmem_shared>>
          tpu.enqueue_indirect_dma source(%dma_start3A_230 : memref<128x128xf32, #tpu.memory_space<vmem>>) target(%dma_start3A_236 : memref<10112x128xf32, #tpu.memory_space<vmem_shared>>) offsets(%dma_start3A_233 : memref<128xi32, #tpu.memory_space<vmem>>) semaphore(%run_scoped3A_226 : memref<!tpu.dma_semaphore, #tpu.memory_space<semaphore_mem>>) {add = true}
          %dma_wait3A_237 = arith.constant 0 : i32
          %dma_wait3A_238 = arith.constant 0 : i32
          %dma_wait3A_239 = tpu.memref_slice %arg9[%run_scoped3A_80, %dma_wait3A_237, %dma_wait3A_238] : memref<2x128x128xf32, #tpu.memory_space<vmem>> -> memref<1x128x128xf32, #tpu.memory_space<vmem>>
          %dma_wait3A_240 = tpu.memref_squeeze %dma_wait3A_239 : memref<1x128x128xf32, #tpu.memory_space<vmem>> -> memref<128x128xf32, #tpu.memory_space<vmem>>
          %dma_wait3A_241 = arith.constant 0 : i32
          %dma_wait3A_242 = tpu.memref_slice %arg8[%run_scoped3A_81, %dma_wait3A_241] : memref<8x128xi32, #tpu.memory_space<vmem>> -> memref<1x128xi32, #tpu.memory_space<vmem>>
          %dma_wait3A_243 = tpu.memref_squeeze %dma_wait3A_242 : memref<1x128xi32, #tpu.memory_space<vmem>> -> memref<128xi32, #tpu.memory_space<vmem>>
          %dma_wait3A_244 = arith.constant 0 : i32
          %dma_wait3A_245 = arith.constant 0 : i32
          %dma_wait3A_246 = tpu.memref_slice %arg10[%dma_wait3A_244, %dma_wait3A_245] : memref<10112x128xf32, #tpu.memory_space<vmem_shared>> -> memref<10112x128xf32, #tpu.memory_space<vmem_shared>>
          tpu.wait_indirect_dma semaphore(%run_scoped3A_226 : memref<!tpu.dma_semaphore, #tpu.memory_space<semaphore_mem>>) src(%dma_wait3A_240 : memref<128x128xf32, #tpu.memory_space<vmem>>) dst(%dma_wait3A_246 : memref<10112x128xf32, #tpu.memory_space<vmem_shared>>)
          tpu.yield
        }) : () -> ()
        %dma_wait3A_82 = arith.constant 2 : i32
        %dma_wait3A_83 = arith.constant 0 : i32
        %dma_wait3A_84 = arith.constant 0 : i32
        %dma_wait3A_85 = arith.constant 0 : i32
        %dma_wait3A_86 = tpu.memref_slice %arg9[%dma_wait3A_83, %dma_wait3A_84, %dma_wait3A_85] : memref<2x128x128xf32, #tpu.memory_space<vmem>> -> memref<1x128x128xf32, #tpu.memory_space<vmem>>
        %dma_wait3A_87 = tpu.memref_squeeze %dma_wait3A_86 : memref<1x128x128xf32, #tpu.memory_space<vmem>> -> memref<128x128xf32, #tpu.memory_space<vmem>>
        %dma_wait3A_88 = arith.constant 0 : i32
        %dma_wait3A_89 = tpu.memref_slice %arg7[%dma_wait3A_82, %dma_wait3A_88] : memref<8x128xi32, #tpu.memory_space<vmem>> -> memref<1x128xi32, #tpu.memory_space<vmem>>
        %dma_wait3A_90 = tpu.memref_squeeze %dma_wait3A_89 : memref<1x128xi32, #tpu.memory_space<vmem>> -> memref<128xi32, #tpu.memory_space<vmem>>
        %dma_wait3A_91 = arith.constant 0 : i32
        %dma_wait3A_92 = arith.constant 0 : i32
        %dma_wait3A_93 = tpu.memref_slice %arg2[%dma_wait3A_91, %dma_wait3A_92] : memref<10000x128xf32, #tpu.memory_space<hbm>> -> memref<10000x128xf32, #tpu.memory_space<hbm>>
        tpu.wait_indirect_dma semaphore(%arg11 : memref<!tpu.dma_semaphore, #tpu.memory_space<semaphore_mem>>) src(%dma_wait3A_93 : memref<10000x128xf32, #tpu.memory_space<hbm>>) dst(%dma_wait3A_87 : memref<128x128xf32, #tpu.memory_space<vmem>>)
        %dma_start3A_94 = arith.constant 3 : i32
        %dma_start3A_95 = arith.constant 1 : i32
        %dma_start3A_96 = arith.constant 0 : i32
        %dma_start3A_97 = arith.constant 0 : i32
        %dma_start3A_98 = tpu.memref_slice %arg9[%dma_start3A_95, %dma_start3A_96, %dma_start3A_97] : memref<2x128x128xf32, #tpu.memory_space<vmem>> -> memref<1x128x128xf32, #tpu.memory_space<vmem>>
        %dma_start3A_99 = tpu.memref_squeeze %dma_start3A_98 : memref<1x128x128xf32, #tpu.memory_space<vmem>> -> memref<128x128xf32, #tpu.memory_space<vmem>>
        %dma_start3A_100 = arith.constant 0 : i32
        %dma_start3A_101 = tpu.memref_slice %arg7[%dma_start3A_94, %dma_start3A_100] : memref<8x128xi32, #tpu.memory_space<vmem>> -> memref<1x128xi32, #tpu.memory_space<vmem>>
        %dma_start3A_102 = tpu.memref_squeeze %dma_start3A_101 : memref<1x128xi32, #tpu.memory_space<vmem>> -> memref<128xi32, #tpu.memory_space<vmem>>
        %dma_start3A_103 = arith.constant 0 : i32
        %dma_start3A_104 = arith.constant 0 : i32
        %dma_start3A_105 = tpu.memref_slice %arg2[%dma_start3A_103, %dma_start3A_104] : memref<10000x128xf32, #tpu.memory_space<hbm>> -> memref<10000x128xf32, #tpu.memory_space<hbm>>
        tpu.enqueue_indirect_dma source(%dma_start3A_105 : memref<10000x128xf32, #tpu.memory_space<hbm>>) target(%dma_start3A_99 : memref<128x128xf32, #tpu.memory_space<vmem>>) offsets(%dma_start3A_102 : memref<128xi32, #tpu.memory_space<vmem>>) semaphore(%arg11 : memref<!tpu.dma_semaphore, #tpu.memory_space<semaphore_mem>>)
        %run_scoped3A_106 = arith.constant 0 : i32
        %run_scoped3A_107 = arith.constant 2 : i32
        "tpu.region"() ({
          %run_scoped3A_226 = tpu.sem_alloc : memref<!tpu.dma_semaphore, #tpu.memory_space<semaphore_mem>>
          %dma_start3A_227 = arith.constant 0 : i32
          %dma_start3A_228 = arith.constant 0 : i32
          %dma_start3A_229 = tpu.memref_slice %arg9[%run_scoped3A_106, %dma_start3A_227, %dma_start3A_228] : memref<2x128x128xf32, #tpu.memory_space<vmem>> -> memref<1x128x128xf32, #tpu.memory_space<vmem>>
          %dma_start3A_230 = tpu.memref_squeeze %dma_start3A_229 : memref<1x128x128xf32, #tpu.memory_space<vmem>> -> memref<128x128xf32, #tpu.memory_space<vmem>>
          %dma_start3A_231 = arith.constant 0 : i32
          %dma_start3A_232 = tpu.memref_slice %arg8[%run_scoped3A_107, %dma_start3A_231] : memref<8x128xi32, #tpu.memory_space<vmem>> -> memref<1x128xi32, #tpu.memory_space<vmem>>
          %dma_start3A_233 = tpu.memref_squeeze %dma_start3A_232 : memref<1x128xi32, #tpu.memory_space<vmem>> -> memref<128xi32, #tpu.memory_space<vmem>>
          %dma_start3A_234 = arith.constant 0 : i32
          %dma_start3A_235 = arith.constant 0 : i32
          %dma_start3A_236 = tpu.memref_slice %arg10[%dma_start3A_234, %dma_start3A_235] : memref<10112x128xf32, #tpu.memory_space<vmem_shared>> -> memref<10112x128xf32, #tpu.memory_space<vmem_shared>>
          tpu.enqueue_indirect_dma source(%dma_start3A_230 : memref<128x128xf32, #tpu.memory_space<vmem>>) target(%dma_start3A_236 : memref<10112x128xf32, #tpu.memory_space<vmem_shared>>) offsets(%dma_start3A_233 : memref<128xi32, #tpu.memory_space<vmem>>) semaphore(%run_scoped3A_226 : memref<!tpu.dma_semaphore, #tpu.memory_space<semaphore_mem>>) {add = true}
          %dma_wait3A_237 = arith.constant 0 : i32
          %dma_wait3A_238 = arith.constant 0 : i32
          %dma_wait3A_239 = tpu.memref_slice %arg9[%run_scoped3A_106, %dma_wait3A_237, %dma_wait3A_238] : memref<2x128x128xf32, #tpu.memory_space<vmem>> -> memref<1x128x128xf32, #tpu.memory_space<vmem>>
          %dma_wait3A_240 = tpu.memref_squeeze %dma_wait3A_239 : memref<1x128x128xf32, #tpu.memory_space<vmem>> -> memref<128x128xf32, #tpu.memory_space<vmem>>
          %dma_wait3A_241 = arith.constant 0 : i32
          %dma_wait3A_242 = tpu.memref_slice %arg8[%run_scoped3A_107, %dma_wait3A_241] : memref<8x128xi32, #tpu.memory_space<vmem>> -> memref<1x128xi32, #tpu.memory_space<vmem>>
          %dma_wait3A_243 = tpu.memref_squeeze %dma_wait3A_242 : memref<1x128xi32, #tpu.memory_space<vmem>> -> memref<128xi32, #tpu.memory_space<vmem>>
          %dma_wait3A_244 = arith.constant 0 : i32
          %dma_wait3A_245 = arith.constant 0 : i32
          %dma_wait3A_246 = tpu.memref_slice %arg10[%dma_wait3A_244, %dma_wait3A_245] : memref<10112x128xf32, #tpu.memory_space<vmem_shared>> -> memref<10112x128xf32, #tpu.memory_space<vmem_shared>>
          tpu.wait_indirect_dma semaphore(%run_scoped3A_226 : memref<!tpu.dma_semaphore, #tpu.memory_space<semaphore_mem>>) src(%dma_wait3A_240 : memref<128x128xf32, #tpu.memory_space<vmem>>) dst(%dma_wait3A_246 : memref<10112x128xf32, #tpu.memory_space<vmem_shared>>)
          tpu.yield
        }) : () -> ()
        %dma_wait3A_108 = arith.constant 3 : i32
        %dma_wait3A_109 = arith.constant 1 : i32
        %dma_wait3A_110 = arith.constant 0 : i32
        %dma_wait3A_111 = arith.constant 0 : i32
        %dma_wait3A_112 = tpu.memref_slice %arg9[%dma_wait3A_109, %dma_wait3A_110, %dma_wait3A_111] : memref<2x128x128xf32, #tpu.memory_space<vmem>> -> memref<1x128x128xf32, #tpu.memory_space<vmem>>
        %dma_wait3A_113 = tpu.memref_squeeze %dma_wait3A_112 : memref<1x128x128xf32, #tpu.memory_space<vmem>> -> memref<128x128xf32, #tpu.memory_space<vmem>>
        %dma_wait3A_114 = arith.constant 0 : i32
        %dma_wait3A_115 = tpu.memref_slice %arg7[%dma_wait3A_108, %dma_wait3A_114] : memref<8x128xi32, #tpu.memory_space<vmem>> -> memref<1x128xi32, #tpu.memory_space<vmem>>
        %dma_wait3A_116 = tpu.memref_squeeze %dma_wait3A_115 : memref<1x128xi32, #tpu.memory_space<vmem>> -> memref<128xi32, #tpu.memory_space<vmem>>
        %dma_wait3A_117 = arith.constant 0 : i32
        %dma_wait3A_118 = arith.constant 0 : i32
        %dma_wait3A_119 = tpu.memref_slice %arg2[%dma_wait3A_117, %dma_wait3A_118] : memref<10000x128xf32, #tpu.memory_space<hbm>> -> memref<10000x128xf32, #tpu.memory_space<hbm>>
        tpu.wait_indirect_dma semaphore(%arg11 : memref<!tpu.dma_semaphore, #tpu.memory_space<semaphore_mem>>) src(%dma_wait3A_119 : memref<10000x128xf32, #tpu.memory_space<hbm>>) dst(%dma_wait3A_113 : memref<128x128xf32, #tpu.memory_space<vmem>>)
        %dma_start3A_120 = arith.constant 4 : i32
        %dma_start3A_121 = arith.constant 0 : i32
        %dma_start3A_122 = arith.constant 0 : i32
        %dma_start3A_123 = arith.constant 0 : i32
        %dma_start3A_124 = tpu.memref_slice %arg9[%dma_start3A_121, %dma_start3A_122, %dma_start3A_123] : memref<2x128x128xf32, #tpu.memory_space<vmem>> -> memref<1x128x128xf32, #tpu.memory_space<vmem>>
        %dma_start3A_125 = tpu.memref_squeeze %dma_start3A_124 : memref<1x128x128xf32, #tpu.memory_space<vmem>> -> memref<128x128xf32, #tpu.memory_space<vmem>>
        %dma_start3A_126 = arith.constant 0 : i32
        %dma_start3A_127 = tpu.memref_slice %arg7[%dma_start3A_120, %dma_start3A_126] : memref<8x128xi32, #tpu.memory_space<vmem>> -> memref<1x128xi32, #tpu.memory_space<vmem>>
        %dma_start3A_128 = tpu.memref_squeeze %dma_start3A_127 : memref<1x128xi32, #tpu.memory_space<vmem>> -> memref<128xi32, #tpu.memory_space<vmem>>
        %dma_start3A_129 = arith.constant 0 : i32
        %dma_start3A_130 = arith.constant 0 : i32
        %dma_start3A_131 = tpu.memref_slice %arg2[%dma_start3A_129, %dma_start3A_130] : memref<10000x128xf32, #tpu.memory_space<hbm>> -> memref<10000x128xf32, #tpu.memory_space<hbm>>
        tpu.enqueue_indirect_dma source(%dma_start3A_131 : memref<10000x128xf32, #tpu.memory_space<hbm>>) target(%dma_start3A_125 : memref<128x128xf32, #tpu.memory_space<vmem>>) offsets(%dma_start3A_128 : memref<128xi32, #tpu.memory_space<vmem>>) semaphore(%arg11 : memref<!tpu.dma_semaphore, #tpu.memory_space<semaphore_mem>>)
        %run_scoped3A_132 = arith.constant 1 : i32
        %run_scoped3A_133 = arith.constant 3 : i32
        "tpu.region"() ({
          %run_scoped3A_226 = tpu.sem_alloc : memref<!tpu.dma_semaphore, #tpu.memory_space<semaphore_mem>>
          %dma_start3A_227 = arith.constant 0 : i32
          %dma_start3A_228 = arith.constant 0 : i32
          %dma_start3A_229 = tpu.memref_slice %arg9[%run_scoped3A_132, %dma_start3A_227, %dma_start3A_228] : memref<2x128x128xf32, #tpu.memory_space<vmem>> -> memref<1x128x128xf32, #tpu.memory_space<vmem>>
          %dma_start3A_230 = tpu.memref_squeeze %dma_start3A_229 : memref<1x128x128xf32, #tpu.memory_space<vmem>> -> memref<128x128xf32, #tpu.memory_space<vmem>>
          %dma_start3A_231 = arith.constant 0 : i32
          %dma_start3A_232 = tpu.memref_slice %arg8[%run_scoped3A_133, %dma_start3A_231] : memref<8x128xi32, #tpu.memory_space<vmem>> -> memref<1x128xi32, #tpu.memory_space<vmem>>
          %dma_start3A_233 = tpu.memref_squeeze %dma_start3A_232 : memref<1x128xi32, #tpu.memory_space<vmem>> -> memref<128xi32, #tpu.memory_space<vmem>>
          %dma_start3A_234 = arith.constant 0 : i32
          %dma_start3A_235 = arith.constant 0 : i32
          %dma_start3A_236 = tpu.memref_slice %arg10[%dma_start3A_234, %dma_start3A_235] : memref<10112x128xf32, #tpu.memory_space<vmem_shared>> -> memref<10112x128xf32, #tpu.memory_space<vmem_shared>>
          tpu.enqueue_indirect_dma source(%dma_start3A_230 : memref<128x128xf32, #tpu.memory_space<vmem>>) target(%dma_start3A_236 : memref<10112x128xf32, #tpu.memory_space<vmem_shared>>) offsets(%dma_start3A_233 : memref<128xi32, #tpu.memory_space<vmem>>) semaphore(%run_scoped3A_226 : memref<!tpu.dma_semaphore, #tpu.memory_space<semaphore_mem>>) {add = true}
          %dma_wait3A_237 = arith.constant 0 : i32
          %dma_wait3A_238 = arith.constant 0 : i32
          %dma_wait3A_239 = tpu.memref_slice %arg9[%run_scoped3A_132, %dma_wait3A_237, %dma_wait3A_238] : memref<2x128x128xf32, #tpu.memory_space<vmem>> -> memref<1x128x128xf32, #tpu.memory_space<vmem>>
          %dma_wait3A_240 = tpu.memref_squeeze %dma_wait3A_239 : memref<1x128x128xf32, #tpu.memory_space<vmem>> -> memref<128x128xf32, #tpu.memory_space<vmem>>
          %dma_wait3A_241 = arith.constant 0 : i32
          %dma_wait3A_242 = tpu.memref_slice %arg8[%run_scoped3A_133, %dma_wait3A_241] : memref<8x128xi32, #tpu.memory_space<vmem>> -> memref<1x128xi32, #tpu.memory_space<vmem>>
          %dma_wait3A_243 = tpu.memref_squeeze %dma_wait3A_242 : memref<1x128xi32, #tpu.memory_space<vmem>> -> memref<128xi32, #tpu.memory_space<vmem>>
          %dma_wait3A_244 = arith.constant 0 : i32
          %dma_wait3A_245 = arith.constant 0 : i32
          %dma_wait3A_246 = tpu.memref_slice %arg10[%dma_wait3A_244, %dma_wait3A_245] : memref<10112x128xf32, #tpu.memory_space<vmem_shared>> -> memref<10112x128xf32, #tpu.memory_space<vmem_shared>>
          tpu.wait_indirect_dma semaphore(%run_scoped3A_226 : memref<!tpu.dma_semaphore, #tpu.memory_space<semaphore_mem>>) src(%dma_wait3A_240 : memref<128x128xf32, #tpu.memory_space<vmem>>) dst(%dma_wait3A_246 : memref<10112x128xf32, #tpu.memory_space<vmem_shared>>)
          tpu.yield
        }) : () -> ()
        %dma_wait3A_134 = arith.constant 4 : i32
        %dma_wait3A_135 = arith.constant 0 : i32
        %dma_wait3A_136 = arith.constant 0 : i32
        %dma_wait3A_137 = arith.constant 0 : i32
        %dma_wait3A_138 = tpu.memref_slice %arg9[%dma_wait3A_135, %dma_wait3A_136, %dma_wait3A_137] : memref<2x128x128xf32, #tpu.memory_space<vmem>> -> memref<1x128x128xf32, #tpu.memory_space<vmem>>
        %dma_wait3A_139 = tpu.memref_squeeze %dma_wait3A_138 : memref<1x128x128xf32, #tpu.memory_space<vmem>> -> memref<128x128xf32, #tpu.memory_space<vmem>>
        %dma_wait3A_140 = arith.constant 0 : i32
        %dma_wait3A_141 = tpu.memref_slice %arg7[%dma_wait3A_134, %dma_wait3A_140] : memref<8x128xi32, #tpu.memory_space<vmem>> -> memref<1x128xi32, #tpu.memory_space<vmem>>
        %dma_wait3A_142 = tpu.memref_squeeze %dma_wait3A_141 : memref<1x128xi32, #tpu.memory_space<vmem>> -> memref<128xi32, #tpu.memory_space<vmem>>
        %dma_wait3A_143 = arith.constant 0 : i32
        %dma_wait3A_144 = arith.constant 0 : i32
        %dma_wait3A_145 = tpu.memref_slice %arg2[%dma_wait3A_143, %dma_wait3A_144] : memref<10000x128xf32, #tpu.memory_space<hbm>> -> memref<10000x128xf32, #tpu.memory_space<hbm>>
        tpu.wait_indirect_dma semaphore(%arg11 : memref<!tpu.dma_semaphore, #tpu.memory_space<semaphore_mem>>) src(%dma_wait3A_145 : memref<10000x128xf32, #tpu.memory_space<hbm>>) dst(%dma_wait3A_139 : memref<128x128xf32, #tpu.memory_space<vmem>>)
        %dma_start3A_146 = arith.constant 5 : i32
        %dma_start3A_147 = arith.constant 1 : i32
        %dma_start3A_148 = arith.constant 0 : i32
        %dma_start3A_149 = arith.constant 0 : i32
        %dma_start3A_150 = tpu.memref_slice %arg9[%dma_start3A_147, %dma_start3A_148, %dma_start3A_149] : memref<2x128x128xf32, #tpu.memory_space<vmem>> -> memref<1x128x128xf32, #tpu.memory_space<vmem>>
        %dma_start3A_151 = tpu.memref_squeeze %dma_start3A_150 : memref<1x128x128xf32, #tpu.memory_space<vmem>> -> memref<128x128xf32, #tpu.memory_space<vmem>>
        %dma_start3A_152 = arith.constant 0 : i32
        %dma_start3A_153 = tpu.memref_slice %arg7[%dma_start3A_146, %dma_start3A_152] : memref<8x128xi32, #tpu.memory_space<vmem>> -> memref<1x128xi32, #tpu.memory_space<vmem>>
        %dma_start3A_154 = tpu.memref_squeeze %dma_start3A_153 : memref<1x128xi32, #tpu.memory_space<vmem>> -> memref<128xi32, #tpu.memory_space<vmem>>
        %dma_start3A_155 = arith.constant 0 : i32
        %dma_start3A_156 = arith.constant 0 : i32
        %dma_start3A_157 = tpu.memref_slice %arg2[%dma_start3A_155, %dma_start3A_156] : memref<10000x128xf32, #tpu.memory_space<hbm>> -> memref<10000x128xf32, #tpu.memory_space<hbm>>
        tpu.enqueue_indirect_dma source(%dma_start3A_157 : memref<10000x128xf32, #tpu.memory_space<hbm>>) target(%dma_start3A_151 : memref<128x128xf32, #tpu.memory_space<vmem>>) offsets(%dma_start3A_154 : memref<128xi32, #tpu.memory_space<vmem>>) semaphore(%arg11 : memref<!tpu.dma_semaphore, #tpu.memory_space<semaphore_mem>>)
        %run_scoped3A_158 = arith.constant 0 : i32
        %run_scoped3A_159 = arith.constant 4 : i32
        "tpu.region"() ({
          %run_scoped3A_226 = tpu.sem_alloc : memref<!tpu.dma_semaphore, #tpu.memory_space<semaphore_mem>>
          %dma_start3A_227 = arith.constant 0 : i32
          %dma_start3A_228 = arith.constant 0 : i32
          %dma_start3A_229 = tpu.memref_slice %arg9[%run_scoped3A_158, %dma_start3A_227, %dma_start3A_228] : memref<2x128x128xf32, #tpu.memory_space<vmem>> -> memref<1x128x128xf32, #tpu.memory_space<vmem>>
          %dma_start3A_230 = tpu.memref_squeeze %dma_start3A_229 : memref<1x128x128xf32, #tpu.memory_space<vmem>> -> memref<128x128xf32, #tpu.memory_space<vmem>>
          %dma_start3A_231 = arith.constant 0 : i32
          %dma_start3A_232 = tpu.memref_slice %arg8[%run_scoped3A_159, %dma_start3A_231] : memref<8x128xi32, #tpu.memory_space<vmem>> -> memref<1x128xi32, #tpu.memory_space<vmem>>
          %dma_start3A_233 = tpu.memref_squeeze %dma_start3A_232 : memref<1x128xi32, #tpu.memory_space<vmem>> -> memref<128xi32, #tpu.memory_space<vmem>>
          %dma_start3A_234 = arith.constant 0 : i32
          %dma_start3A_235 = arith.constant 0 : i32
          %dma_start3A_236 = tpu.memref_slice %arg10[%dma_start3A_234, %dma_start3A_235] : memref<10112x128xf32, #tpu.memory_space<vmem_shared>> -> memref<10112x128xf32, #tpu.memory_space<vmem_shared>>
          tpu.enqueue_indirect_dma source(%dma_start3A_230 : memref<128x128xf32, #tpu.memory_space<vmem>>) target(%dma_start3A_236 : memref<10112x128xf32, #tpu.memory_space<vmem_shared>>) offsets(%dma_start3A_233 : memref<128xi32, #tpu.memory_space<vmem>>) semaphore(%run_scoped3A_226 : memref<!tpu.dma_semaphore, #tpu.memory_space<semaphore_mem>>) {add = true}
          %dma_wait3A_237 = arith.constant 0 : i32
          %dma_wait3A_238 = arith.constant 0 : i32
          %dma_wait3A_239 = tpu.memref_slice %arg9[%run_scoped3A_158, %dma_wait3A_237, %dma_wait3A_238] : memref<2x128x128xf32, #tpu.memory_space<vmem>> -> memref<1x128x128xf32, #tpu.memory_space<vmem>>
          %dma_wait3A_240 = tpu.memref_squeeze %dma_wait3A_239 : memref<1x128x128xf32, #tpu.memory_space<vmem>> -> memref<128x128xf32, #tpu.memory_space<vmem>>
          %dma_wait3A_241 = arith.constant 0 : i32
          %dma_wait3A_242 = tpu.memref_slice %arg8[%run_scoped3A_159, %dma_wait3A_241] : memref<8x128xi32, #tpu.memory_space<vmem>> -> memref<1x128xi32, #tpu.memory_space<vmem>>
          %dma_wait3A_243 = tpu.memref_squeeze %dma_wait3A_242 : memref<1x128xi32, #tpu.memory_space<vmem>> -> memref<128xi32, #tpu.memory_space<vmem>>
          %dma_wait3A_244 = arith.constant 0 : i32
          %dma_wait3A_245 = arith.constant 0 : i32
          %dma_wait3A_246 = tpu.memref_slice %arg10[%dma_wait3A_244, %dma_wait3A_245] : memref<10112x128xf32, #tpu.memory_space<vmem_shared>> -> memref<10112x128xf32, #tpu.memory_space<vmem_shared>>
          tpu.wait_indirect_dma semaphore(%run_scoped3A_226 : memref<!tpu.dma_semaphore, #tpu.memory_space<semaphore_mem>>) src(%dma_wait3A_240 : memref<128x128xf32, #tpu.memory_space<vmem>>) dst(%dma_wait3A_246 : memref<10112x128xf32, #tpu.memory_space<vmem_shared>>)
          tpu.yield
        }) : () -> ()
        %dma_wait3A_160 = arith.constant 5 : i32
        %dma_wait3A_161 = arith.constant 1 : i32
        %dma_wait3A_162 = arith.constant 0 : i32
        %dma_wait3A_163 = arith.constant 0 : i32
        %dma_wait3A_164 = tpu.memref_slice %arg9[%dma_wait3A_161, %dma_wait3A_162, %dma_wait3A_163] : memref<2x128x128xf32, #tpu.memory_space<vmem>> -> memref<1x128x128xf32, #tpu.memory_space<vmem>>
        %dma_wait3A_165 = tpu.memref_squeeze %dma_wait3A_164 : memref<1x128x128xf32, #tpu.memory_space<vmem>> -> memref<128x128xf32, #tpu.memory_space<vmem>>
        %dma_wait3A_166 = arith.constant 0 : i32
        %dma_wait3A_167 = tpu.memref_slice %arg7[%dma_wait3A_160, %dma_wait3A_166] : memref<8x128xi32, #tpu.memory_space<vmem>> -> memref<1x128xi32, #tpu.memory_space<vmem>>
        %dma_wait3A_168 = tpu.memref_squeeze %dma_wait3A_167 : memref<1x128xi32, #tpu.memory_space<vmem>> -> memref<128xi32, #tpu.memory_space<vmem>>
        %dma_wait3A_169 = arith.constant 0 : i32
        %dma_wait3A_170 = arith.constant 0 : i32
        %dma_wait3A_171 = tpu.memref_slice %arg2[%dma_wait3A_169, %dma_wait3A_170] : memref<10000x128xf32, #tpu.memory_space<hbm>> -> memref<10000x128xf32, #tpu.memory_space<hbm>>
        tpu.wait_indirect_dma semaphore(%arg11 : memref<!tpu.dma_semaphore, #tpu.memory_space<semaphore_mem>>) src(%dma_wait3A_171 : memref<10000x128xf32, #tpu.memory_space<hbm>>) dst(%dma_wait3A_165 : memref<128x128xf32, #tpu.memory_space<vmem>>)
        %dma_start3A_172 = arith.constant 6 : i32
        %dma_start3A_173 = arith.constant 0 : i32
        %dma_start3A_174 = arith.constant 0 : i32
        %dma_start3A_175 = arith.constant 0 : i32
        %dma_start3A_176 = tpu.memref_slice %arg9[%dma_start3A_173, %dma_start3A_174, %dma_start3A_175] : memref<2x128x128xf32, #tpu.memory_space<vmem>> -> memref<1x128x128xf32, #tpu.memory_space<vmem>>
        %dma_start3A_177 = tpu.memref_squeeze %dma_start3A_176 : memref<1x128x128xf32, #tpu.memory_space<vmem>> -> memref<128x128xf32, #tpu.memory_space<vmem>>
        %dma_start3A_178 = arith.constant 0 : i32
        %dma_start3A_179 = tpu.memref_slice %arg7[%dma_start3A_172, %dma_start3A_178] : memref<8x128xi32, #tpu.memory_space<vmem>> -> memref<1x128xi32, #tpu.memory_space<vmem>>
        %dma_start3A_180 = tpu.memref_squeeze %dma_start3A_179 : memref<1x128xi32, #tpu.memory_space<vmem>> -> memref<128xi32, #tpu.memory_space<vmem>>
        %dma_start3A_181 = arith.constant 0 : i32
        %dma_start3A_182 = arith.constant 0 : i32
        %dma_start3A_183 = tpu.memref_slice %arg2[%dma_start3A_181, %dma_start3A_182] : memref<10000x128xf32, #tpu.memory_space<hbm>> -> memref<10000x128xf32, #tpu.memory_space<hbm>>
        tpu.enqueue_indirect_dma source(%dma_start3A_183 : memref<10000x128xf32, #tpu.memory_space<hbm>>) target(%dma_start3A_177 : memref<128x128xf32, #tpu.memory_space<vmem>>) offsets(%dma_start3A_180 : memref<128xi32, #tpu.memory_space<vmem>>) semaphore(%arg11 : memref<!tpu.dma_semaphore, #tpu.memory_space<semaphore_mem>>)
        %run_scoped3A_184 = arith.constant 1 : i32
        %run_scoped3A_185 = arith.constant 5 : i32
        "tpu.region"() ({
          %run_scoped3A_226 = tpu.sem_alloc : memref<!tpu.dma_semaphore, #tpu.memory_space<semaphore_mem>>
          %dma_start3A_227 = arith.constant 0 : i32
          %dma_start3A_228 = arith.constant 0 : i32
          %dma_start3A_229 = tpu.memref_slice %arg9[%run_scoped3A_184, %dma_start3A_227, %dma_start3A_228] : memref<2x128x128xf32, #tpu.memory_space<vmem>> -> memref<1x128x128xf32, #tpu.memory_space<vmem>>
          %dma_start3A_230 = tpu.memref_squeeze %dma_start3A_229 : memref<1x128x128xf32, #tpu.memory_space<vmem>> -> memref<128x128xf32, #tpu.memory_space<vmem>>
          %dma_start3A_231 = arith.constant 0 : i32
          %dma_start3A_232 = tpu.memref_slice %arg8[%run_scoped3A_185, %dma_start3A_231] : memref<8x128xi32, #tpu.memory_space<vmem>> -> memref<1x128xi32, #tpu.memory_space<vmem>>
          %dma_start3A_233 = tpu.memref_squeeze %dma_start3A_232 : memref<1x128xi32, #tpu.memory_space<vmem>> -> memref<128xi32, #tpu.memory_space<vmem>>
          %dma_start3A_234 = arith.constant 0 : i32
          %dma_start3A_235 = arith.constant 0 : i32
          %dma_start3A_236 = tpu.memref_slice %arg10[%dma_start3A_234, %dma_start3A_235] : memref<10112x128xf32, #tpu.memory_space<vmem_shared>> -> memref<10112x128xf32, #tpu.memory_space<vmem_shared>>
          tpu.enqueue_indirect_dma source(%dma_start3A_230 : memref<128x128xf32, #tpu.memory_space<vmem>>) target(%dma_start3A_236 : memref<10112x128xf32, #tpu.memory_space<vmem_shared>>) offsets(%dma_start3A_233 : memref<128xi32, #tpu.memory_space<vmem>>) semaphore(%run_scoped3A_226 : memref<!tpu.dma_semaphore, #tpu.memory_space<semaphore_mem>>) {add = true}
          %dma_wait3A_237 = arith.constant 0 : i32
          %dma_wait3A_238 = arith.constant 0 : i32
          %dma_wait3A_239 = tpu.memref_slice %arg9[%run_scoped3A_184, %dma_wait3A_237, %dma_wait3A_238] : memref<2x128x128xf32, #tpu.memory_space<vmem>> -> memref<1x128x128xf32, #tpu.memory_space<vmem>>
          %dma_wait3A_240 = tpu.memref_squeeze %dma_wait3A_239 : memref<1x128x128xf32, #tpu.memory_space<vmem>> -> memref<128x128xf32, #tpu.memory_space<vmem>>
          %dma_wait3A_241 = arith.constant 0 : i32
          %dma_wait3A_242 = tpu.memref_slice %arg8[%run_scoped3A_185, %dma_wait3A_241] : memref<8x128xi32, #tpu.memory_space<vmem>> -> memref<1x128xi32, #tpu.memory_space<vmem>>
          %dma_wait3A_243 = tpu.memref_squeeze %dma_wait3A_242 : memref<1x128xi32, #tpu.memory_space<vmem>> -> memref<128xi32, #tpu.memory_space<vmem>>
          %dma_wait3A_244 = arith.constant 0 : i32
          %dma_wait3A_245 = arith.constant 0 : i32
          %dma_wait3A_246 = tpu.memref_slice %arg10[%dma_wait3A_244, %dma_wait3A_245] : memref<10112x128xf32, #tpu.memory_space<vmem_shared>> -> memref<10112x128xf32, #tpu.memory_space<vmem_shared>>
          tpu.wait_indirect_dma semaphore(%run_scoped3A_226 : memref<!tpu.dma_semaphore, #tpu.memory_space<semaphore_mem>>) src(%dma_wait3A_240 : memref<128x128xf32, #tpu.memory_space<vmem>>) dst(%dma_wait3A_246 : memref<10112x128xf32, #tpu.memory_space<vmem_shared>>)
          tpu.yield
        }) : () -> ()
        %dma_wait3A_186 = arith.constant 6 : i32
        %dma_wait3A_187 = arith.constant 0 : i32
        %dma_wait3A_188 = arith.constant 0 : i32
        %dma_wait3A_189 = arith.constant 0 : i32
        %dma_wait3A_190 = tpu.memref_slice %arg9[%dma_wait3A_187, %dma_wait3A_188, %dma_wait3A_189] : memref<2x128x128xf32, #tpu.memory_space<vmem>> -> memref<1x128x128xf32, #tpu.memory_space<vmem>>
        %dma_wait3A_191 = tpu.memref_squeeze %dma_wait3A_190 : memref<1x128x128xf32, #tpu.memory_space<vmem>> -> memref<128x128xf32, #tpu.memory_space<vmem>>
        %dma_wait3A_192 = arith.constant 0 : i32
        %dma_wait3A_193 = tpu.memref_slice %arg7[%dma_wait3A_186, %dma_wait3A_192] : memref<8x128xi32, #tpu.memory_space<vmem>> -> memref<1x128xi32, #tpu.memory_space<vmem>>
        %dma_wait3A_194 = tpu.memref_squeeze %dma_wait3A_193 : memref<1x128xi32, #tpu.memory_space<vmem>> -> memref<128xi32, #tpu.memory_space<vmem>>
        %dma_wait3A_195 = arith.constant 0 : i32
        %dma_wait3A_196 = arith.constant 0 : i32
        %dma_wait3A_197 = tpu.memref_slice %arg2[%dma_wait3A_195, %dma_wait3A_196] : memref<10000x128xf32, #tpu.memory_space<hbm>> -> memref<10000x128xf32, #tpu.memory_space<hbm>>
        tpu.wait_indirect_dma semaphore(%arg11 : memref<!tpu.dma_semaphore, #tpu.memory_space<semaphore_mem>>) src(%dma_wait3A_197 : memref<10000x128xf32, #tpu.memory_space<hbm>>) dst(%dma_wait3A_191 : memref<128x128xf32, #tpu.memory_space<vmem>>)
        %dma_start3A_198 = arith.constant 7 : i32
        %dma_start3A_199 = arith.constant 1 : i32
        %dma_start3A_200 = arith.constant 0 : i32
        %dma_start3A_201 = arith.constant 0 : i32
        %dma_start3A_202 = tpu.memref_slice %arg9[%dma_start3A_199, %dma_start3A_200, %dma_start3A_201] : memref<2x128x128xf32, #tpu.memory_space<vmem>> -> memref<1x128x128xf32, #tpu.memory_space<vmem>>
        %dma_start3A_203 = tpu.memref_squeeze %dma_start3A_202 : memref<1x128x128xf32, #tpu.memory_space<vmem>> -> memref<128x128xf32, #tpu.memory_space<vmem>>
        %dma_start3A_204 = arith.constant 0 : i32
        %dma_start3A_205 = tpu.memref_slice %arg7[%dma_start3A_198, %dma_start3A_204] : memref<8x128xi32, #tpu.memory_space<vmem>> -> memref<1x128xi32, #tpu.memory_space<vmem>>
        %dma_start3A_206 = tpu.memref_squeeze %dma_start3A_205 : memref<1x128xi32, #tpu.memory_space<vmem>> -> memref<128xi32, #tpu.memory_space<vmem>>
        %dma_start3A_207 = arith.constant 0 : i32
        %dma_start3A_208 = arith.constant 0 : i32
        %dma_start3A_209 = tpu.memref_slice %arg2[%dma_start3A_207, %dma_start3A_208] : memref<10000x128xf32, #tpu.memory_space<hbm>> -> memref<10000x128xf32, #tpu.memory_space<hbm>>
        tpu.enqueue_indirect_dma source(%dma_start3A_209 : memref<10000x128xf32, #tpu.memory_space<hbm>>) target(%dma_start3A_203 : memref<128x128xf32, #tpu.memory_space<vmem>>) offsets(%dma_start3A_206 : memref<128xi32, #tpu.memory_space<vmem>>) semaphore(%arg11 : memref<!tpu.dma_semaphore, #tpu.memory_space<semaphore_mem>>)
        %run_scoped3A_210 = arith.constant 0 : i32
        %run_scoped3A_211 = arith.constant 6 : i32
        "tpu.region"() ({
          %run_scoped3A_226 = tpu.sem_alloc : memref<!tpu.dma_semaphore, #tpu.memory_space<semaphore_mem>>
          %dma_start3A_227 = arith.constant 0 : i32
          %dma_start3A_228 = arith.constant 0 : i32
          %dma_start3A_229 = tpu.memref_slice %arg9[%run_scoped3A_210, %dma_start3A_227, %dma_start3A_228] : memref<2x128x128xf32, #tpu.memory_space<vmem>> -> memref<1x128x128xf32, #tpu.memory_space<vmem>>
          %dma_start3A_230 = tpu.memref_squeeze %dma_start3A_229 : memref<1x128x128xf32, #tpu.memory_space<vmem>> -> memref<128x128xf32, #tpu.memory_space<vmem>>
          %dma_start3A_231 = arith.constant 0 : i32
          %dma_start3A_232 = tpu.memref_slice %arg8[%run_scoped3A_211, %dma_start3A_231] : memref<8x128xi32, #tpu.memory_space<vmem>> -> memref<1x128xi32, #tpu.memory_space<vmem>>
          %dma_start3A_233 = tpu.memref_squeeze %dma_start3A_232 : memref<1x128xi32, #tpu.memory_space<vmem>> -> memref<128xi32, #tpu.memory_space<vmem>>
          %dma_start3A_234 = arith.constant 0 : i32
          %dma_start3A_235 = arith.constant 0 : i32
          %dma_start3A_236 = tpu.memref_slice %arg10[%dma_start3A_234, %dma_start3A_235] : memref<10112x128xf32, #tpu.memory_space<vmem_shared>> -> memref<10112x128xf32, #tpu.memory_space<vmem_shared>>
          tpu.enqueue_indirect_dma source(%dma_start3A_230 : memref<128x128xf32, #tpu.memory_space<vmem>>) target(%dma_start3A_236 : memref<10112x128xf32, #tpu.memory_space<vmem_shared>>) offsets(%dma_start3A_233 : memref<128xi32, #tpu.memory_space<vmem>>) semaphore(%run_scoped3A_226 : memref<!tpu.dma_semaphore, #tpu.memory_space<semaphore_mem>>) {add = true}
          %dma_wait3A_237 = arith.constant 0 : i32
          %dma_wait3A_238 = arith.constant 0 : i32
          %dma_wait3A_239 = tpu.memref_slice %arg9[%run_scoped3A_210, %dma_wait3A_237, %dma_wait3A_238] : memref<2x128x128xf32, #tpu.memory_space<vmem>> -> memref<1x128x128xf32, #tpu.memory_space<vmem>>
          %dma_wait3A_240 = tpu.memref_squeeze %dma_wait3A_239 : memref<1x128x128xf32, #tpu.memory_space<vmem>> -> memref<128x128xf32, #tpu.memory_space<vmem>>
          %dma_wait3A_241 = arith.constant 0 : i32
          %dma_wait3A_242 = tpu.memref_slice %arg8[%run_scoped3A_211, %dma_wait3A_241] : memref<8x128xi32, #tpu.memory_space<vmem>> -> memref<1x128xi32, #tpu.memory_space<vmem>>
          %dma_wait3A_243 = tpu.memref_squeeze %dma_wait3A_242 : memref<1x128xi32, #tpu.memory_space<vmem>> -> memref<128xi32, #tpu.memory_space<vmem>>
          %dma_wait3A_244 = arith.constant 0 : i32
          %dma_wait3A_245 = arith.constant 0 : i32
          %dma_wait3A_246 = tpu.memref_slice %arg10[%dma_wait3A_244, %dma_wait3A_245] : memref<10112x128xf32, #tpu.memory_space<vmem_shared>> -> memref<10112x128xf32, #tpu.memory_space<vmem_shared>>
          tpu.wait_indirect_dma semaphore(%run_scoped3A_226 : memref<!tpu.dma_semaphore, #tpu.memory_space<semaphore_mem>>) src(%dma_wait3A_240 : memref<128x128xf32, #tpu.memory_space<vmem>>) dst(%dma_wait3A_246 : memref<10112x128xf32, #tpu.memory_space<vmem_shared>>)
          tpu.yield
        }) : () -> ()
        %dma_wait3A_212 = arith.constant 7 : i32
        %dma_wait3A_213 = arith.constant 1 : i32
        %dma_wait3A_214 = arith.constant 0 : i32
        %dma_wait3A_215 = arith.constant 0 : i32
        %dma_wait3A_216 = tpu.memref_slice %arg9[%dma_wait3A_213, %dma_wait3A_214, %dma_wait3A_215] : memref<2x128x128xf32, #tpu.memory_space<vmem>> -> memref<1x128x128xf32, #tpu.memory_space<vmem>>
        %dma_wait3A_217 = tpu.memref_squeeze %dma_wait3A_216 : memref<1x128x128xf32, #tpu.memory_space<vmem>> -> memref<128x128xf32, #tpu.memory_space<vmem>>
        %dma_wait3A_218 = arith.constant 0 : i32
        %dma_wait3A_219 = tpu.memref_slice %arg7[%dma_wait3A_212, %dma_wait3A_218] : memref<8x128xi32, #tpu.memory_space<vmem>> -> memref<1x128xi32, #tpu.memory_space<vmem>>
        %dma_wait3A_220 = tpu.memref_squeeze %dma_wait3A_219 : memref<1x128xi32, #tpu.memory_space<vmem>> -> memref<128xi32, #tpu.memory_space<vmem>>
        %dma_wait3A_221 = arith.constant 0 : i32
        %dma_wait3A_222 = arith.constant 0 : i32
        %dma_wait3A_223 = tpu.memref_slice %arg2[%dma_wait3A_221, %dma_wait3A_222] : memref<10000x128xf32, #tpu.memory_space<hbm>> -> memref<10000x128xf32, #tpu.memory_space<hbm>>
        tpu.wait_indirect_dma semaphore(%arg11 : memref<!tpu.dma_semaphore, #tpu.memory_space<semaphore_mem>>) src(%dma_wait3A_223 : memref<10000x128xf32, #tpu.memory_space<hbm>>) dst(%dma_wait3A_217 : memref<128x128xf32, #tpu.memory_space<vmem>>)
        %run_scoped3A_224 = arith.constant 1 : i32
        %run_scoped3A_225 = arith.constant 7 : i32
        "tpu.region"() ({
          %run_scoped3A_226 = tpu.sem_alloc : memref<!tpu.dma_semaphore, #tpu.memory_space<semaphore_mem>>
          %dma_start3A_227 = arith.constant 0 : i32
          %dma_start3A_228 = arith.constant 0 : i32
          %dma_start3A_229 = tpu.memref_slice %arg9[%run_scoped3A_224, %dma_start3A_227, %dma_start3A_228] : memref<2x128x128xf32, #tpu.memory_space<vmem>> -> memref<1x128x128xf32, #tpu.memory_space<vmem>>
          %dma_start3A_230 = tpu.memref_squeeze %dma_start3A_229 : memref<1x128x128xf32, #tpu.memory_space<vmem>> -> memref<128x128xf32, #tpu.memory_space<vmem>>
          %dma_start3A_231 = arith.constant 0 : i32
          %dma_start3A_232 = tpu.memref_slice %arg8[%run_scoped3A_225, %dma_start3A_231] : memref<8x128xi32, #tpu.memory_space<vmem>> -> memref<1x128xi32, #tpu.memory_space<vmem>>
          %dma_start3A_233 = tpu.memref_squeeze %dma_start3A_232 : memref<1x128xi32, #tpu.memory_space<vmem>> -> memref<128xi32, #tpu.memory_space<vmem>>
          %dma_start3A_234 = arith.constant 0 : i32
          %dma_start3A_235 = arith.constant 0 : i32
          %dma_start3A_236 = tpu.memref_slice %arg10[%dma_start3A_234, %dma_start3A_235] : memref<10112x128xf32, #tpu.memory_space<vmem_shared>> -> memref<10112x128xf32, #tpu.memory_space<vmem_shared>>
          tpu.enqueue_indirect_dma source(%dma_start3A_230 : memref<128x128xf32, #tpu.memory_space<vmem>>) target(%dma_start3A_236 : memref<10112x128xf32, #tpu.memory_space<vmem_shared>>) offsets(%dma_start3A_233 : memref<128xi32, #tpu.memory_space<vmem>>) semaphore(%run_scoped3A_226 : memref<!tpu.dma_semaphore, #tpu.memory_space<semaphore_mem>>) {add = true}
          %dma_wait3A_237 = arith.constant 0 : i32
          %dma_wait3A_238 = arith.constant 0 : i32
          %dma_wait3A_239 = tpu.memref_slice %arg9[%run_scoped3A_224, %dma_wait3A_237, %dma_wait3A_238] : memref<2x128x128xf32, #tpu.memory_space<vmem>> -> memref<1x128x128xf32, #tpu.memory_space<vmem>>
          %dma_wait3A_240 = tpu.memref_squeeze %dma_wait3A_239 : memref<1x128x128xf32, #tpu.memory_space<vmem>> -> memref<128x128xf32, #tpu.memory_space<vmem>>
          %dma_wait3A_241 = arith.constant 0 : i32
          %dma_wait3A_242 = tpu.memref_slice %arg8[%run_scoped3A_225, %dma_wait3A_241] : memref<8x128xi32, #tpu.memory_space<vmem>> -> memref<1x128xi32, #tpu.memory_space<vmem>>
          %dma_wait3A_243 = tpu.memref_squeeze %dma_wait3A_242 : memref<1x128xi32, #tpu.memory_space<vmem>> -> memref<128xi32, #tpu.memory_space<vmem>>
          %dma_wait3A_244 = arith.constant 0 : i32
          %dma_wait3A_245 = arith.constant 0 : i32
          %dma_wait3A_246 = tpu.memref_slice %arg10[%dma_wait3A_244, %dma_wait3A_245] : memref<10112x128xf32, #tpu.memory_space<vmem_shared>> -> memref<10112x128xf32, #tpu.memory_space<vmem_shared>>
          tpu.wait_indirect_dma semaphore(%run_scoped3A_226 : memref<!tpu.dma_semaphore, #tpu.memory_space<semaphore_mem>>) src(%dma_wait3A_240 : memref<128x128xf32, #tpu.memory_space<vmem>>) dst(%dma_wait3A_246 : memref<10112x128xf32, #tpu.memory_space<vmem_shared>>)
          tpu.yield
        }) : () -> ()
      }
      %scan3A_16 = arith.constant 2 : i32
    } else {
    }
    %barrier3A_8 = arith.constant 0 : index
    tpu.barrier barrier_id(%barrier3A_8)
    "tpu.region"() ({
      %run_scoped3A = tpu.sem_alloc : memref<!tpu.dma_semaphore, #tpu.memory_space<semaphore_mem>>
      %dma_start3A = arith.constant 0 : i32
      %dma_start3A_9 = tpu.memref_slice %arg6[%arg0, %mul3A_0, %dma_start3A] : memref<2x10112x128xf32, #tpu.memory_space<hbm>> -> memref<1x632x128xf32, #tpu.memory_space<hbm>>
      %dma_start3A_10 = tpu.memref_squeeze %dma_start3A_9 : memref<1x632x128xf32, #tpu.memory_space<hbm>> -> memref<632x128xf32, #tpu.memory_space<hbm>>
      %dma_start3A_11 = arith.constant 0 : i32
      %dma_start3A_12 = tpu.memref_slice %arg10[%mul3A_0, %dma_start3A_11] : memref<10112x128xf32, #tpu.memory_space<vmem_shared>> -> memref<632x128xf32, #tpu.memory_space<vmem_shared>>
      tpu.enqueue_dma source(%dma_start3A_12 : memref<632x128xf32, #tpu.memory_space<vmem_shared>>) target(%dma_start3A_10 : memref<632x128xf32, #tpu.memory_space<hbm>>) target_semaphore(%run_scoped3A : memref<!tpu.dma_semaphore, #tpu.memory_space<semaphore_mem>>)
      %dma_wait3A = arith.constant 0 : i32
      %dma_wait3A_13 = tpu.memref_slice %arg6[%arg0, %mul3A_0, %dma_wait3A] : memref<2x10112x128xf32, #tpu.memory_space<hbm>> -> memref<1x632x128xf32, #tpu.memory_space<hbm>>
      %dma_wait3A_14 = tpu.memref_squeeze %dma_wait3A_13 : memref<1x632x128xf32, #tpu.memory_space<hbm>> -> memref<632x128xf32, #tpu.memory_space<hbm>>
      %dma_wait3A_15 = arith.constant 0 : i32
      %dma_wait3A_16 = tpu.memref_slice %arg10[%mul3A_0, %dma_wait3A_15] : memref<10112x128xf32, #tpu.memory_space<vmem_shared>> -> memref<632x128xf32, #tpu.memory_space<vmem_shared>>
      tpu.wait_dma2 semaphore(%run_scoped3A : memref<!tpu.dma_semaphore, #tpu.memory_space<semaphore_mem>>) src(%dma_wait3A_16 : memref<632x128xf32, #tpu.memory_space<vmem_shared>>) dst(%dma_wait3A_14 : memref<632x128xf32, #tpu.memory_space<hbm>>)
      tpu.yield
    }) : () -> ()
    return
  }
}

module attributes {stable_mosaic.version = 14 : i64} {
  func.func @_tc_layer_body(%arg0: i32, %arg1: memref<2x400x128xf32, #tpu.memory_space<vmem>>, %arg2: memref<2x400x128xf32, #tpu.memory_space<vmem>>, %arg3: memref<400x128xf32, #tpu.memory_space<vmem>>, %arg4: memref<128x128xf32, #tpu.memory_space<vmem>>, %arg5: memref<1x128xf32, #tpu.memory_space<vmem>>, %arg6: memref<128x128xf32, #tpu.memory_space<vmem>>, %arg7: memref<1x128xf32, #tpu.memory_space<vmem>>, %arg8: memref<1x128xf32, #tpu.memory_space<vmem>>, %arg9: memref<400x128xf32, #tpu.memory_space<vmem>>) attributes {dimension_semantics = [#tpu.dimension_semantics<arbitrary>], iteration_bounds = array<i64: 25>, scalar_prefetch = 0 : i64, scratch_operands = 0 : i64, tpu.core_type = #tpu.core_type<tc>, window_params = [{transform_indices = @transform_0, window_bounds = array<i64: 2, 400, 128>}, {transform_indices = @transform_1, window_bounds = array<i64: 2, 400, 128>}, {transform_indices = @transform_2, window_bounds = array<i64: 400, 128>}, {pipeline_mode = #tpu.pipeline_mode<synchronous>, transform_indices = @transform_3, window_bounds = array<i64: 128, 128>}, {pipeline_mode = #tpu.pipeline_mode<synchronous>, transform_indices = @transform_4, window_bounds = array<i64: 1, 128>}, {pipeline_mode = #tpu.pipeline_mode<synchronous>, transform_indices = @transform_5, window_bounds = array<i64: 128, 128>}, {pipeline_mode = #tpu.pipeline_mode<synchronous>, transform_indices = @transform_6, window_bounds = array<i64: 1, 128>}, {pipeline_mode = #tpu.pipeline_mode<synchronous>, transform_indices = @transform_7, window_bounds = array<i64: 1, 128>}, {transform_indices = @transform_8, window_bounds = array<i64: 400, 128>}]} {
    %get3A = arith.constant 0 : index
    %get3A_0 = arith.constant 0 : index
    %get3A_1 = arith.constant 0 : index
    %get3A_2 = vector.load %arg2[%get3A, %get3A_0, %get3A_1] : memref<2x400x128xf32, #tpu.memory_space<vmem>>, vector<1x400x1xf32>
    %get3A_3 = vector.shape_cast %get3A_2 : vector<1x400x1xf32> to vector<400x1xf32>
    %get3A_4 = arith.constant 1 : index
    %get3A_5 = arith.constant 0 : index
    %get3A_6 = arith.constant 0 : index
    %get3A_7 = vector.load %arg2[%get3A_4, %get3A_5, %get3A_6] : memref<2x400x128xf32, #tpu.memory_space<vmem>>, vector<1x400x1xf32>
    %get3A_8 = vector.shape_cast %get3A_7 : vector<1x400x1xf32> to vector<400x1xf32>
    %add3A = arith.addf %get3A_3, %get3A_8 : vector<400x1xf32>
    %max3A = arith.constant 1.000000e+00 : f32
    %max3A_9 = vector.broadcast %max3A : f32 to vector<400x1xf32>
    %max3A_10 = arith.maximumf %add3A, %max3A_9 : vector<400x1xf32>
    %div3A = arith.constant 1.000000e+00 : f32
    %div3A_11 = vector.broadcast %div3A : f32 to vector<400x1xf32>
    %div3A_12 = arith.divf %div3A_11, %max3A_10 : vector<400x1xf32>
    %get3A_13 = arith.constant 0 : index
    %get3A_14 = arith.constant 0 : index
    %get3A_15 = arith.constant 0 : index
    %get3A_16 = vector.load %arg1[%get3A_13, %get3A_14, %get3A_15] : memref<2x400x128xf32, #tpu.memory_space<vmem>>, vector<1x400x128xf32>
    %get3A_17 = vector.shape_cast %get3A_16 : vector<1x400x128xf32> to vector<400x128xf32>
    %get3A_18 = arith.constant 1 : index
    %get3A_19 = arith.constant 0 : index
    %get3A_20 = arith.constant 0 : index
    %get3A_21 = vector.load %arg1[%get3A_18, %get3A_19, %get3A_20] : memref<2x400x128xf32, #tpu.memory_space<vmem>>, vector<1x400x128xf32>
    %get3A_22 = vector.shape_cast %get3A_21 : vector<1x400x128xf32> to vector<400x128xf32>
    %add3A_23 = arith.addf %get3A_17, %get3A_22 : vector<400x128xf32>
    %mul3A = vector.broadcast %div3A_12 : vector<400x1xf32> to vector<400x128xf32>
    %mul3A_24 = arith.mulf %add3A_23, %mul3A : vector<400x128xf32>
    %get3A_25 = arith.constant 0 : index
    %get3A_26 = arith.constant 0 : index
    %get3A_27 = vector.load %arg3[%get3A_25, %get3A_26] : memref<400x128xf32, #tpu.memory_space<vmem>>, vector<400x128xf32>
    %get3A_28 = arith.constant 0 : index
    %get3A_29 = arith.constant 0 : index
    %get3A_30 = vector.load %arg4[%get3A_28, %get3A_29] : memref<128x128xf32, #tpu.memory_space<vmem>>, vector<128x128xf32>
    %dot_general3A = arith.constant dense<0.000000e+00> : vector<400x128xf32>
    %dot_general3A_31 = tpu.matmul %mul3A_24, %get3A_30, %dot_general3A {dimension_numbers = #tpu.dot_dimension_numbers<[1], [0], [0], [1], [0, 0, 1, 1], [], []>, transpose_lhs_hint = false} : vector<400x128xf32>, vector<128x128xf32>, vector<400x128xf32> -> vector<400x128xf32>
    %get3A_32 = arith.constant 0 : index
    %get3A_33 = arith.constant 0 : index
    %get3A_34 = vector.load %arg6[%get3A_32, %get3A_33] : memref<128x128xf32, #tpu.memory_space<vmem>>, vector<128x128xf32>
    %dot_general3A_35 = arith.constant dense<0.000000e+00> : vector<400x128xf32>
    %dot_general3A_36 = tpu.matmul %get3A_27, %get3A_34, %dot_general3A_35 {dimension_numbers = #tpu.dot_dimension_numbers<[1], [0], [0], [1], [0, 0, 1, 1], [], []>, transpose_lhs_hint = false} : vector<400x128xf32>, vector<128x128xf32>, vector<400x128xf32> -> vector<400x128xf32>
    %add3A_37 = arith.addf %dot_general3A_31, %dot_general3A_36 : vector<400x128xf32>
    %get3A_38 = arith.constant 0 : index
    %get3A_39 = arith.constant 0 : index
    %get3A_40 = vector.load %arg5[%get3A_38, %get3A_39] : memref<1x128xf32, #tpu.memory_space<vmem>>, vector<1x128xf32>
    %add3A_41 = vector.broadcast %get3A_40 : vector<1x128xf32> to vector<400x128xf32>
    %add3A_42 = arith.addf %add3A_37, %add3A_41 : vector<400x128xf32>
    %reduce_sum3A = arith.constant dense<0.000000e+00> : vector<400xf32>
    %reduce_sum3A_43 = vector.multi_reduction <add>, %add3A_42, %reduce_sum3A [1] : vector<400x128xf32> to vector<400xf32>
    %broadcast_in_dim3A = vector.shape_cast %reduce_sum3A_43 : vector<400xf32> to vector<400x1xf32>
    %div3A_44 = arith.constant 1.280000e+02 : f32
    %div3A_45 = vector.broadcast %div3A_44 : f32 to vector<400x1xf32>
    %div3A_46 = arith.divf %broadcast_in_dim3A, %div3A_45 : vector<400x1xf32>
    %sub3A = vector.broadcast %div3A_46 : vector<400x1xf32> to vector<400x128xf32>
    %sub3A_47 = arith.subf %add3A_42, %sub3A : vector<400x128xf32>
    %sub3A_48 = vector.broadcast %div3A_46 : vector<400x1xf32> to vector<400x128xf32>
    %sub3A_49 = arith.subf %add3A_42, %sub3A_48 : vector<400x128xf32>
    %mul3A_50 = arith.mulf %sub3A_47, %sub3A_49 : vector<400x128xf32>
    %reduce_sum3A_51 = arith.constant dense<0.000000e+00> : vector<400xf32>
    %reduce_sum3A_52 = vector.multi_reduction <add>, %mul3A_50, %reduce_sum3A_51 [1] : vector<400x128xf32> to vector<400xf32>
    %broadcast_in_dim3A_53 = vector.shape_cast %reduce_sum3A_52 : vector<400xf32> to vector<400x1xf32>
    %div3A_54 = arith.constant 1.280000e+02 : f32
    %div3A_55 = vector.broadcast %div3A_54 : f32 to vector<400x1xf32>
    %div3A_56 = arith.divf %broadcast_in_dim3A_53, %div3A_55 : vector<400x1xf32>
    %sub3A_57 = vector.broadcast %div3A_46 : vector<400x1xf32> to vector<400x128xf32>
    %sub3A_58 = arith.subf %add3A_42, %sub3A_57 : vector<400x128xf32>
    %add3A_59 = arith.constant 9.99999974E-6 : f32
    %add3A_60 = vector.broadcast %add3A_59 : f32 to vector<400x1xf32>
    %add3A_61 = arith.addf %div3A_56, %add3A_60 : vector<400x1xf32>
    %rsqrt3A = math.rsqrt %add3A_61 : vector<400x1xf32>
    %mul3A_62 = vector.broadcast %rsqrt3A : vector<400x1xf32> to vector<400x128xf32>
    %mul3A_63 = arith.mulf %sub3A_58, %mul3A_62 : vector<400x128xf32>
    %get3A_64 = arith.constant 0 : index
    %get3A_65 = arith.constant 0 : index
    %get3A_66 = vector.load %arg7[%get3A_64, %get3A_65] : memref<1x128xf32, #tpu.memory_space<vmem>>, vector<1x128xf32>
    %mul3A_67 = vector.broadcast %get3A_66 : vector<1x128xf32> to vector<400x128xf32>
    %mul3A_68 = arith.mulf %mul3A_63, %mul3A_67 : vector<400x128xf32>
    %get3A_69 = arith.constant 0 : index
    %get3A_70 = arith.constant 0 : index
    %get3A_71 = vector.load %arg8[%get3A_69, %get3A_70] : memref<1x128xf32, #tpu.memory_space<vmem>>, vector<1x128xf32>
    %add3A_72 = vector.broadcast %get3A_71 : vector<1x128xf32> to vector<400x128xf32>
    %add3A_73 = arith.addf %mul3A_68, %add3A_72 : vector<400x128xf32>
    %add3A_74 = arith.addf %add3A_73, %get3A_27 : vector<400x128xf32>
    %max3A_75 = arith.constant 0.000000e+00 : f32
    %max3A_76 = vector.broadcast %max3A_75 : f32 to vector<400x128xf32>
    %max3A_77 = arith.maximumf %add3A_74, %max3A_76 : vector<400x128xf32>
    %swap3A = arith.constant 0 : index
    %swap3A_78 = arith.constant 0 : index
    %swap3A_79 = vector.load %arg9[%swap3A, %swap3A_78] : memref<400x128xf32, #tpu.memory_space<vmem>>, vector<400x128xf32>
    tpu.vector_store %arg9[%swap3A, %swap3A_78], %max3A_77 {strides = array<i32>} : memref<400x128xf32, #tpu.memory_space<vmem>>, vector<400x128xf32>,
    return
  }
  func.func @transform_0(%arg0: i32) -> (i32, i32, i32) {
    %c0_i32 = arith.constant 0 : i32
    %c0_i32_0 = arith.constant 0 : i32
    %c0_i32_1 = arith.constant 0 : i32
    return %c0_i32, %arg0, %c0_i32_0 : i32, i32, i32
  }
  func.func @transform_1(%arg0: i32) -> (i32, i32, i32) {
    %c0_i32 = arith.constant 0 : i32
    %c0_i32_0 = arith.constant 0 : i32
    %c0_i32_1 = arith.constant 0 : i32
    return %c0_i32, %arg0, %c0_i32_0 : i32, i32, i32
  }
  func.func @transform_2(%arg0: i32) -> (i32, i32) {
    %c0_i32 = arith.constant 0 : i32
    %c0_i32_0 = arith.constant 0 : i32
    return %arg0, %c0_i32 : i32, i32
  }
  func.func @transform_3(%arg0: i32) -> (i32, i32) {
    %c0_i32 = arith.constant 0 : i32
    %c0_i32_0 = arith.constant 0 : i32
    %c0_i32_1 = arith.constant 0 : i32
    return %c0_i32, %c0_i32_0 : i32, i32
  }
  func.func @transform_4(%arg0: i32) -> (i32, i32) {
    %c0_i32 = arith.constant 0 : i32
    %c0_i32_0 = arith.constant 0 : i32
    %c0_i32_1 = arith.constant 0 : i32
    return %c0_i32, %c0_i32_0 : i32, i32
  }
  func.func @transform_5(%arg0: i32) -> (i32, i32) {
    %c0_i32 = arith.constant 0 : i32
    %c0_i32_0 = arith.constant 0 : i32
    %c0_i32_1 = arith.constant 0 : i32
    return %c0_i32, %c0_i32_0 : i32, i32
  }
  func.func @transform_6(%arg0: i32) -> (i32, i32) {
    %c0_i32 = arith.constant 0 : i32
    %c0_i32_0 = arith.constant 0 : i32
    %c0_i32_1 = arith.constant 0 : i32
    return %c0_i32, %c0_i32_0 : i32, i32
  }
  func.func @transform_7(%arg0: i32) -> (i32, i32) {
    %c0_i32 = arith.constant 0 : i32
    %c0_i32_0 = arith.constant 0 : i32
    %c0_i32_1 = arith.constant 0 : i32
    return %c0_i32, %c0_i32_0 : i32, i32
  }
  func.func @transform_8(%arg0: i32) -> (i32, i32) {
    %c0_i32 = arith.constant 0 : i32
    %c0_i32_0 = arith.constant 0 : i32
    return %arg0, %c0_i32 : i32, i32
  }
}

module attributes {stable_mosaic.version = 14 : i64} {
  func.func @_tc_layer_body(%arg0: i32, %arg1: memref<2x400x128xf32, #tpu.memory_space<vmem>>, %arg2: memref<2x400x128xf32, #tpu.memory_space<vmem>>, %arg3: memref<400x128xf32, #tpu.memory_space<vmem>>, %arg4: memref<128x128xf32, #tpu.memory_space<vmem>>, %arg5: memref<1x128xf32, #tpu.memory_space<vmem>>, %arg6: memref<128x128xf32, #tpu.memory_space<vmem>>, %arg7: memref<1x128xf32, #tpu.memory_space<vmem>>, %arg8: memref<1x128xf32, #tpu.memory_space<vmem>>, %arg9: memref<128x64xf32, #tpu.memory_space<vmem>>, %arg10: memref<1x64xf32, #tpu.memory_space<vmem>>, %arg11: memref<64x128xf32, #tpu.memory_space<vmem>>, %arg12: memref<1x128xf32, #tpu.memory_space<vmem>>, %arg13: memref<400x128xf32, #tpu.memory_space<vmem>>) attributes {dimension_semantics = [#tpu.dimension_semantics<arbitrary>], iteration_bounds = array<i64: 25>, scalar_prefetch = 0 : i64, scratch_operands = 0 : i64, tpu.core_type = #tpu.core_type<tc>, window_params = [{transform_indices = @transform_0, window_bounds = array<i64: 2, 400, 128>}, {transform_indices = @transform_1, window_bounds = array<i64: 2, 400, 128>}, {transform_indices = @transform_2, window_bounds = array<i64: 400, 128>}, {pipeline_mode = #tpu.pipeline_mode<synchronous>, transform_indices = @transform_3, window_bounds = array<i64: 128, 128>}, {pipeline_mode = #tpu.pipeline_mode<synchronous>, transform_indices = @transform_4, window_bounds = array<i64: 1, 128>}, {pipeline_mode = #tpu.pipeline_mode<synchronous>, transform_indices = @transform_5, window_bounds = array<i64: 128, 128>}, {pipeline_mode = #tpu.pipeline_mode<synchronous>, transform_indices = @transform_6, window_bounds = array<i64: 1, 128>}, {pipeline_mode = #tpu.pipeline_mode<synchronous>, transform_indices = @transform_7, window_bounds = array<i64: 1, 128>}, {pipeline_mode = #tpu.pipeline_mode<synchronous>, transform_indices = @transform_8, window_bounds = array<i64: 128, 64>}, {pipeline_mode = #tpu.pipeline_mode<synchronous>, transform_indices = @transform_9, window_bounds = array<i64: 1, 64>}, {pipeline_mode = #tpu.pipeline_mode<synchronous>, transform_indices = @transform_10, window_bounds = array<i64: 64, 128>}, {pipeline_mode = #tpu.pipeline_mode<synchronous>, transform_indices = @transform_11, window_bounds = array<i64: 1, 128>}, {transform_indices = @transform_12, window_bounds = array<i64: 400, 128>}]} {
    %get3A = arith.constant 0 : index
    %get3A_0 = arith.constant 0 : index
    %get3A_1 = arith.constant 0 : index
    %get3A_2 = vector.load %arg2[%get3A, %get3A_0, %get3A_1] : memref<2x400x128xf32, #tpu.memory_space<vmem>>, vector<1x400x1xf32>
    %get3A_3 = vector.shape_cast %get3A_2 : vector<1x400x1xf32> to vector<400x1xf32>
    %get3A_4 = arith.constant 1 : index
    %get3A_5 = arith.constant 0 : index
    %get3A_6 = arith.constant 0 : index
    %get3A_7 = vector.load %arg2[%get3A_4, %get3A_5, %get3A_6] : memref<2x400x128xf32, #tpu.memory_space<vmem>>, vector<1x400x1xf32>
    %get3A_8 = vector.shape_cast %get3A_7 : vector<1x400x1xf32> to vector<400x1xf32>
    %add3A = arith.addf %get3A_3, %get3A_8 : vector<400x1xf32>
    %max3A = arith.constant 1.000000e+00 : f32
    %max3A_9 = vector.broadcast %max3A : f32 to vector<400x1xf32>
    %max3A_10 = arith.maximumf %add3A, %max3A_9 : vector<400x1xf32>
    %div3A = arith.constant 1.000000e+00 : f32
    %div3A_11 = vector.broadcast %div3A : f32 to vector<400x1xf32>
    %div3A_12 = arith.divf %div3A_11, %max3A_10 : vector<400x1xf32>
    %get3A_13 = arith.constant 0 : index
    %get3A_14 = arith.constant 0 : index
    %get3A_15 = arith.constant 0 : index
    %get3A_16 = vector.load %arg1[%get3A_13, %get3A_14, %get3A_15] : memref<2x400x128xf32, #tpu.memory_space<vmem>>, vector<1x400x128xf32>
    %get3A_17 = vector.shape_cast %get3A_16 : vector<1x400x128xf32> to vector<400x128xf32>
    %get3A_18 = arith.constant 1 : index
    %get3A_19 = arith.constant 0 : index
    %get3A_20 = arith.constant 0 : index
    %get3A_21 = vector.load %arg1[%get3A_18, %get3A_19, %get3A_20] : memref<2x400x128xf32, #tpu.memory_space<vmem>>, vector<1x400x128xf32>
    %get3A_22 = vector.shape_cast %get3A_21 : vector<1x400x128xf32> to vector<400x128xf32>
    %add3A_23 = arith.addf %get3A_17, %get3A_22 : vector<400x128xf32>
    %mul3A = vector.broadcast %div3A_12 : vector<400x1xf32> to vector<400x128xf32>
    %mul3A_24 = arith.mulf %add3A_23, %mul3A : vector<400x128xf32>
    %get3A_25 = arith.constant 0 : index
    %get3A_26 = arith.constant 0 : index
    %get3A_27 = vector.load %arg3[%get3A_25, %get3A_26] : memref<400x128xf32, #tpu.memory_space<vmem>>, vector<400x128xf32>
    %get3A_28 = arith.constant 0 : index
    %get3A_29 = arith.constant 0 : index
    %get3A_30 = vector.load %arg4[%get3A_28, %get3A_29] : memref<128x128xf32, #tpu.memory_space<vmem>>, vector<128x128xf32>
    %dot_general3A = arith.constant dense<0.000000e+00> : vector<400x128xf32>
    %dot_general3A_31 = tpu.matmul %mul3A_24, %get3A_30, %dot_general3A {dimension_numbers = #tpu.dot_dimension_numbers<[1], [0], [0], [1], [0, 0, 1, 1], [], []>, transpose_lhs_hint = false} : vector<400x128xf32>, vector<128x128xf32>, vector<400x128xf32> -> vector<400x128xf32>
    %get3A_32 = arith.constant 0 : index
    %get3A_33 = arith.constant 0 : index
    %get3A_34 = vector.load %arg6[%get3A_32, %get3A_33] : memref<128x128xf32, #tpu.memory_space<vmem>>, vector<128x128xf32>
    %dot_general3A_35 = arith.constant dense<0.000000e+00> : vector<400x128xf32>
    %dot_general3A_36 = tpu.matmul %get3A_27, %get3A_34, %dot_general3A_35 {dimension_numbers = #tpu.dot_dimension_numbers<[1], [0], [0], [1], [0, 0, 1, 1], [], []>, transpose_lhs_hint = false} : vector<400x128xf32>, vector<128x128xf32>, vector<400x128xf32> -> vector<400x128xf32>
    %add3A_37 = arith.addf %dot_general3A_31, %dot_general3A_36 : vector<400x128xf32>
    %get3A_38 = arith.constant 0 : index
    %get3A_39 = arith.constant 0 : index
    %get3A_40 = vector.load %arg5[%get3A_38, %get3A_39] : memref<1x128xf32, #tpu.memory_space<vmem>>, vector<1x128xf32>
    %add3A_41 = vector.broadcast %get3A_40 : vector<1x128xf32> to vector<400x128xf32>
    %add3A_42 = arith.addf %add3A_37, %add3A_41 : vector<400x128xf32>
    %reduce_sum3A = arith.constant dense<0.000000e+00> : vector<400xf32>
    %reduce_sum3A_43 = vector.multi_reduction <add>, %add3A_42, %reduce_sum3A [1] : vector<400x128xf32> to vector<400xf32>
    %broadcast_in_dim3A = vector.shape_cast %reduce_sum3A_43 : vector<400xf32> to vector<400x1xf32>
    %div3A_44 = arith.constant 1.280000e+02 : f32
    %div3A_45 = vector.broadcast %div3A_44 : f32 to vector<400x1xf32>
    %div3A_46 = arith.divf %broadcast_in_dim3A, %div3A_45 : vector<400x1xf32>
    %sub3A = vector.broadcast %div3A_46 : vector<400x1xf32> to vector<400x128xf32>
    %sub3A_47 = arith.subf %add3A_42, %sub3A : vector<400x128xf32>
    %sub3A_48 = vector.broadcast %div3A_46 : vector<400x1xf32> to vector<400x128xf32>
    %sub3A_49 = arith.subf %add3A_42, %sub3A_48 : vector<400x128xf32>
    %mul3A_50 = arith.mulf %sub3A_47, %sub3A_49 : vector<400x128xf32>
    %reduce_sum3A_51 = arith.constant dense<0.000000e+00> : vector<400xf32>
    %reduce_sum3A_52 = vector.multi_reduction <add>, %mul3A_50, %reduce_sum3A_51 [1] : vector<400x128xf32> to vector<400xf32>
    %broadcast_in_dim3A_53 = vector.shape_cast %reduce_sum3A_52 : vector<400xf32> to vector<400x1xf32>
    %div3A_54 = arith.constant 1.280000e+02 : f32
    %div3A_55 = vector.broadcast %div3A_54 : f32 to vector<400x1xf32>
    %div3A_56 = arith.divf %broadcast_in_dim3A_53, %div3A_55 : vector<400x1xf32>
    %sub3A_57 = vector.broadcast %div3A_46 : vector<400x1xf32> to vector<400x128xf32>
    %sub3A_58 = arith.subf %add3A_42, %sub3A_57 : vector<400x128xf32>
    %add3A_59 = arith.constant 9.99999974E-6 : f32
    %add3A_60 = vector.broadcast %add3A_59 : f32 to vector<400x1xf32>
    %add3A_61 = arith.addf %div3A_56, %add3A_60 : vector<400x1xf32>
    %rsqrt3A = math.rsqrt %add3A_61 : vector<400x1xf32>
    %mul3A_62 = vector.broadcast %rsqrt3A : vector<400x1xf32> to vector<400x128xf32>
    %mul3A_63 = arith.mulf %sub3A_58, %mul3A_62 : vector<400x128xf32>
    %get3A_64 = arith.constant 0 : index
    %get3A_65 = arith.constant 0 : index
    %get3A_66 = vector.load %arg7[%get3A_64, %get3A_65] : memref<1x128xf32, #tpu.memory_space<vmem>>, vector<1x128xf32>
    %mul3A_67 = vector.broadcast %get3A_66 : vector<1x128xf32> to vector<400x128xf32>
    %mul3A_68 = arith.mulf %mul3A_63, %mul3A_67 : vector<400x128xf32>
    %get3A_69 = arith.constant 0 : index
    %get3A_70 = arith.constant 0 : index
    %get3A_71 = vector.load %arg8[%get3A_69, %get3A_70] : memref<1x128xf32, #tpu.memory_space<vmem>>, vector<1x128xf32>
    %add3A_72 = vector.broadcast %get3A_71 : vector<1x128xf32> to vector<400x128xf32>
    %add3A_73 = arith.addf %mul3A_68, %add3A_72 : vector<400x128xf32>
    %add3A_74 = arith.addf %add3A_73, %get3A_27 : vector<400x128xf32>
    %max3A_75 = arith.constant 0.000000e+00 : f32
    %max3A_76 = vector.broadcast %max3A_75 : f32 to vector<400x128xf32>
    %max3A_77 = arith.maximumf %add3A_74, %max3A_76 : vector<400x128xf32>
    %get3A_78 = arith.constant 0 : index
    %get3A_79 = arith.constant 0 : index
    %get3A_80 = vector.load %arg9[%get3A_78, %get3A_79] : memref<128x64xf32, #tpu.memory_space<vmem>>, vector<128x64xf32>
    %dot_general3A_81 = arith.constant dense<0.000000e+00> : vector<400x64xf32>
    %dot_general3A_82 = tpu.matmul %max3A_77, %get3A_80, %dot_general3A_81 {dimension_numbers = #tpu.dot_dimension_numbers<[1], [0], [0], [1], [0, 0, 1, 1], [], []>, transpose_lhs_hint = false} : vector<400x128xf32>, vector<128x64xf32>, vector<400x64xf32> -> vector<400x64xf32>
    %get3A_83 = arith.constant 0 : index
    %get3A_84 = arith.constant 0 : index
    %get3A_85 = vector.load %arg10[%get3A_83, %get3A_84] : memref<1x64xf32, #tpu.memory_space<vmem>>, vector<1x64xf32>
    %add3A_86 = vector.broadcast %get3A_85 : vector<1x64xf32> to vector<400x64xf32>
    %add3A_87 = arith.addf %dot_general3A_82, %add3A_86 : vector<400x64xf32>
    %max3A_88 = arith.constant 0.000000e+00 : f32
    %max3A_89 = vector.broadcast %max3A_88 : f32 to vector<400x64xf32>
    %max3A_90 = arith.maximumf %add3A_87, %max3A_89 : vector<400x64xf32>
    %get3A_91 = arith.constant 0 : index
    %get3A_92 = arith.constant 0 : index
    %get3A_93 = vector.load %arg11[%get3A_91, %get3A_92] : memref<64x128xf32, #tpu.memory_space<vmem>>, vector<64x128xf32>
    %dot_general3A_94 = arith.constant dense<0.000000e+00> : vector<400x128xf32>
    %dot_general3A_95 = tpu.matmul %max3A_90, %get3A_93, %dot_general3A_94 {dimension_numbers = #tpu.dot_dimension_numbers<[1], [0], [0], [1], [0, 0, 1, 1], [], []>, transpose_lhs_hint = false} : vector<400x64xf32>, vector<64x128xf32>, vector<400x128xf32> -> vector<400x128xf32>
    %get3A_96 = arith.constant 0 : index
    %get3A_97 = arith.constant 0 : index
    %get3A_98 = vector.load %arg12[%get3A_96, %get3A_97] : memref<1x128xf32, #tpu.memory_space<vmem>>, vector<1x128xf32>
    %add3A_99 = vector.broadcast %get3A_98 : vector<1x128xf32> to vector<400x128xf32>
    %add3A_100 = arith.addf %dot_general3A_95, %add3A_99 : vector<400x128xf32>
    %swap3A = arith.constant 0 : index
    %swap3A_101 = arith.constant 0 : index
    %swap3A_102 = vector.load %arg13[%swap3A, %swap3A_101] : memref<400x128xf32, #tpu.memory_space<vmem>>, vector<400x128xf32>
    tpu.vector_store %arg13[%swap3A, %swap3A_101], %add3A_100 {strides = array<i32>} : memref<400x128xf32, #tpu.memory_space<vmem>>, vector<400x128xf32>,
    return
  }
  func.func @transform_0(%arg0: i32) -> (i32, i32, i32) {
    %c0_i32 = arith.constant 0 : i32
    %c0_i32_0 = arith.constant 0 : i32
    %c0_i32_1 = arith.constant 0 : i32
    return %c0_i32, %arg0, %c0_i32_0 : i32, i32, i32
  }
  func.func @transform_1(%arg0: i32) -> (i32, i32, i32) {
    %c0_i32 = arith.constant 0 : i32
    %c0_i32_0 = arith.constant 0 : i32
    %c0_i32_1 = arith.constant 0 : i32
    return %c0_i32, %arg0, %c0_i32_0 : i32, i32, i32
  }
  func.func @transform_2(%arg0: i32) -> (i32, i32) {
    %c0_i32 = arith.constant 0 : i32
    %c0_i32_0 = arith.constant 0 : i32
    return %arg0, %c0_i32 : i32, i32
  }
  func.func @transform_3(%arg0: i32) -> (i32, i32) {
    %c0_i32 = arith.constant 0 : i32
    %c0_i32_0 = arith.constant 0 : i32
    %c0_i32_1 = arith.constant 0 : i32
    return %c0_i32, %c0_i32_0 : i32, i32
  }
  func.func @transform_4(%arg0: i32) -> (i32, i32) {
    %c0_i32 = arith.constant 0 : i32
    %c0_i32_0 = arith.constant 0 : i32
    %c0_i32_1 = arith.constant 0 : i32
    return %c0_i32, %c0_i32_0 : i32, i32
  }
  func.func @transform_5(%arg0: i32) -> (i32, i32) {
    %c0_i32 = arith.constant 0 : i32
    %c0_i32_0 = arith.constant 0 : i32
    %c0_i32_1 = arith.constant 0 : i32
    return %c0_i32, %c0_i32_0 : i32, i32
  }
  func.func @transform_6(%arg0: i32) -> (i32, i32) {
    %c0_i32 = arith.constant 0 : i32
    %c0_i32_0 = arith.constant 0 : i32
    %c0_i32_1 = arith.constant 0 : i32
    return %c0_i32, %c0_i32_0 : i32, i32
  }
  func.func @transform_7(%arg0: i32) -> (i32, i32) {
    %c0_i32 = arith.constant 0 : i32
    %c0_i32_0 = arith.constant 0 : i32
    %c0_i32_1 = arith.constant 0 : i32
    return %c0_i32, %c0_i32_0 : i32, i32
  }
  func.func @transform_8(%arg0: i32) -> (i32, i32) {
    %c0_i32 = arith.constant 0 : i32
    %c0_i32_0 = arith.constant 0 : i32
    %c0_i32_1 = arith.constant 0 : i32
    return %c0_i32, %c0_i32_0 : i32, i32
  }
  func.func @transform_9(%arg0: i32) -> (i32, i32) {
    %c0_i32 = arith.constant 0 : i32
    %c0_i32_0 = arith.constant 0 : i32
    %c0_i32_1 = arith.constant 0 : i32
    return %c0_i32, %c0_i32_0 : i32, i32
  }
  func.func @transform_10(%arg0: i32) -> (i32, i32) {
    %c0_i32 = arith.constant 0 : i32
    %c0_i32_0 = arith.constant 0 : i32
    %c0_i32_1 = arith.constant 0 : i32
    return %c0_i32, %c0_i32_0 : i32, i32
  }
  func.func @transform_11(%arg0: i32) -> (i32, i32) {
    %c0_i32 = arith.constant 0 : i32
    %c0_i32_0 = arith.constant 0 : i32
    %c0_i32_1 = arith.constant 0 : i32
    return %c0_i32, %c0_i32_0 : i32, i32
  }
  func.func @transform_12(%arg0: i32) -> (i32, i32) {
    %c0_i32 = arith.constant 0 : i32
    %c0_i32_0 = arith.constant 0 : i32
    return %arg0, %c0_i32 : i32, i32
  }
}

</mosaic_0001>

<sc_bundles>
// kernel: kernel.12.cloned.1.call-start
scs
__scs_entry_jumppad:
0x0: {  	(pc) =	sbr.rel $0x88, $3  }
0x1: {  	(tag) =	ssettag $0x0;
	lr =	simm.s32 $0x1  }
0x2: {  	[smem:$0x3F8C] =	sst lr;
	_ =	strace $0xD0000000  }
0x3: {  	_ = 	snop  }
0x4: {  	_ = 	snop  }
0x5: {  	_ = 	snop  }
0x6: {  	_ = 	snop  }
0x7: {  	_ = 	snop  }
__scs_overlays_trampoline_lowered:
0x8: {  	[smem:$0x3F9B] =	sst s0  }
0x9: {  	[smem:$0x3F9C] =	sst s1  }
0xa: {  	[smem:$0x3F9D] =	sst s2  }
0xb: {  	[smem:$0x3F9E] =	sst s3  }
0xc: {  	[smem:$0x3F9F] =	sst s4  }
0xd: {  	[smem:$0x3FA0] =	sst s5  }
0xe: {  	[smem:$0x3FA1] =	sst s6  }
0xf: {  	[smem:$0x3FA2] =	sst s7  }
0x10: {  	[smem:$0x3FA3] =	sst s8  }
0x11: {  	[smem:$0x3FA4] =	sst s9;
	s0 =	simm.s32 @!p0 $0x0  }
0x12: {  	s1 =	sld [smem:$0x3F8A];
	s0 =	simm.s32 @p0 $0x1  }
0x13: {  	[smem:$0x3FA5] =	sst s0;
	s0 =	simm.s32 @!p1 $0x0  }
0x14: {  	s2 =	sld [smem:$0x3F89];
	s0 =	simm.s32 @p1 $0x1  }
0x15: {  	[smem:$0x3FA6] =	sst s0;
	s0 =	simm.s32 @!p2 $0x0  }
0x16: {  	s3 =	sld [smem:$0x3FDB];
	s0 =	simm.s32 @p2 $0x1  }
0x17: {  	s4 =	simm.s32 $0x1BF5;
	[smem:$0x3FA8] =	sst s0  }
0x18: {  	s0 =	sld [smem:$0x3F8B];
	_ =	swait.ge [sflag:s4], $0x0  }
0x19: {  	s7 =	sld [smem:$0x3F8C]  }
0x1a: {  	s8 =	sadd.s32 $0xFFFFE003, lr  }
0x1b: {  	s9 =	sadd.s32 $0xFFFFFEF7, lr;
	s5 =	simm.s32 $0xFFFFFFFF;
	p2 =	slt.u32 s8, $0xFFFFF086  }
0x1c: {  	p1 =	slt.u32 s9, $0xF7A;
	s5 =	simm.s32 @!p2 $0x0  }
0x1d: {  	s5 =	simm.s32 @p1 $0x1;
	p0 =	seq.s32 s7, s2  }
0x1e: {  	s7 =	smul.u32 @!p0 $0xF7A, s2;
	p2 =	seq.s32 @!p0 s5, $0x0  }
0x1f: {  	s9 =	smul.u32 $0xF7A, s1;
	s8 =	simm.s32 @!p0 $0x1BF5;
	p2 =	por !p2, p0  }
0x20: {  	[sflag:s8] =	ssyncset.s32 @!p0 $0xFFFFF086;
	s6 =	sadd.s32 @!p0 s3, s7;
	s7 =	simm.s32 @!p0 $0x108  }
0x21: {  	s3 =	sadd.s32 s3, s9;
	s6 =	sadd.s32 @!p0 $0x88, s6;
	s7 =	simm.s32 @p2 $0x1082  }
0x22: {  	[simem:s7], [sflag:s8] =	dma.local @!p0 [hbm:s6], $0xF7A  }
0x23: {  	s9 =	sor.u32 $0xD0000000, s2;
	s6 =	simm.s32 $0x108;
	_ =	swait.ge @!p0 [sflag:s8], $0x0  }
0x24: {  	s3 =	sadd.s32 $0x88, s3;
	s6 =	simm.s32 @!p1 $0x1082;
	[sflag:s4] =	ssyncset.s32 $0xFFFFF086  }
0x25: {  	[simem:s6], [sflag:s4] =	dma.local [hbm:s3], $0xF7A  }
0x26: {  	[smem:$0x3F8C] =	sst s1;
	(tag) =	ssettag s2;
	_ =	strace s9  }
0x27: {  	s1 =	sld [smem:$0x3F9C]  }
0x28: {  	s2 =	sld [smem:$0x3F9D]  }
0x29: {  	s4 =	sld [smem:$0x3F9F]  }
0x2a: {  	p0 =	seq.s32 s5, $0x0;
	s5 =	sld [smem:$0x3FA0]  }
0x2b: {  	s6 =	sld [smem:$0x3FA1]  }
0x2c: {  	s7 =	sld [smem:$0x3FA2]  }
0x2d: {  	s3 =	simm.s32 $0x108;
	s8 =	sld [smem:$0x3FA3]  }
0x2e: {  	s3 =	simm.s32 @!p0 $0x1082;
	s9 =	sld [smem:$0x3FA4]  }
0x2f: {  	lr =	sadd.s32 s0, s3;
	s0 =	sld [smem:$0x3F9B]  }
0x30: {  	s3 =	sld [smem:$0x3F9E]  }
0x31: {  	[smem:$0x3FA7] =	sst s10  }
0x32: {  	s10 =	sld [smem:$0x3FA5];
	_ =	sdelay $0x3  }
0x33: {  	p0 =	seq.s32 s10, $0x1;
	s10 =	sld [smem:$0x3FA7];
	_ =	sdelay $0x3  }
0x34: {  	[smem:$0x3FA7] =	sst s10  }
0x35: {  	s10 =	sld [smem:$0x3FA6];
	_ =	sdelay $0x3  }
0x36: {  	p1 =	seq.s32 s10, $0x1;
	s10 =	sld [smem:$0x3FA7];
	_ =	sdelay $0x3  }
0x37: {  	[smem:$0x3FA7] =	sst s10  }
0x38: {  	s10 =	sld [smem:$0x3FA8]  }
0x39: {  	_ = 	snop;
	(pc) =	sbr.ind lr, $3  }
0x3a: {  	_ = 	snop  }
0x3b: {  	_ = 	snop  }
0x3c: {  	p2 =	seq.s32 s10, $0x1;
	s10 =	sld [smem:$0x3FA7]  }
0x3d: {  	_ =	shalt  }
0x3e: {  	_ =	shalt  }
0x3f: {  	_ =	shalt  }
0x40: {  	_ =	shalt  }
0x41: {  	_ =	shalt  }
0x42: {  	_ =	shalt  }
0x43: {  	_ =	shalt  }
0x44: {  	_ =	shalt  }
0x45: {  	_ =	shalt  }
0x46: {  	_ =	shalt  }
0x47: {  	_ =	shalt  }
0x48: {  	_ =	shalt  }
0x49: {  	_ =	shalt  }
0x4a: {  	_ =	shalt  }
0x4b: {  	_ =	shalt  }
0x4c: {  	_ =	shalt  }
0x4d: {  	_ =	shalt  }
0x4e: {  	_ =	shalt  }
0x4f: {  	_ =	shalt  }
0x50: {  	_ =	shalt  }
0x51: {  	_ =	shalt  }
0x52: {  	_ =	shalt  }
0x53: {  	_ =	shalt  }
0x54: {  	_ =	shalt  }
0x55: {  	_ =	shalt  }
0x56: {  	_ =	shalt  }
0x57: {  	_ =	shalt  }
0x58: {  	_ =	shalt  }
0x59: {  	_ =	shalt  }
0x5a: {  	_ =	shalt  }
0x5b: {  	_ =	shalt  }
0x5c: {  	_ =	shalt  }
0x5d: {  	_ =	shalt  }
0x5e: {  	_ =	shalt  }
0x5f: {  	_ =	shalt  }
0x60: {  	_ =	shalt  }
0x61: {  	_ =	shalt  }
0x62: {  	_ =	shalt  }
0x63: {  	_ =	shalt  }
0x64: {  	_ =	shalt  }
0x65: {  	_ =	shalt  }
0x66: {  	_ =	shalt  }
0x67: {  	_ =	shalt  }
0x68: {  	_ =	shalt  }
0x69: {  	_ =	shalt  }
0x6a: {  	_ =	shalt  }
0x6b: {  	_ =	shalt  }
0x6c: {  	_ =	shalt  }
0x6d: {  	_ =	shalt  }
0x6e: {  	_ =	shalt  }
0x6f: {  	_ =	shalt  }
0x70: {  	_ =	shalt  }
0x71: {  	_ =	shalt  }
0x72: {  	_ =	shalt  }
0x73: {  	_ =	shalt  }
0x74: {  	_ =	shalt  }
0x75: {  	_ =	shalt  }
0x76: {  	_ =	shalt  }
0x77: {  	_ =	shalt  }
0x78: {  	_ =	shalt  }
0x79: {  	_ =	shalt  }
0x7a: {  	_ =	shalt  }
0x7b: {  	_ =	shalt  }
0x7c: {  	_ =	shalt  }
0x7d: {  	_ =	shalt  }
0x7e: {  	_ =	shalt  }
0x7f: {  	_ =	shalt  }
0x80: {  	_ =	shalt  }
0x81: {  	_ =	shalt  }
0x82: {  	_ =	shalt  }
0x83: {  	_ =	shalt  }
0x84: {  	_ =	shalt  }
0x85: {  	_ =	shalt  }
0x86: {  	_ =	shalt  }
0x87: {  	_ =	shalt  }
.Lfunc_end0:
.L_simem_size_0:
called_computation.1_lowered:
.L_overlay_start_0:
0x88: {  	s2 =	sld [smem:$0x3FD9]  }
0x89: {  	s3 =	sld [smem:$0x3FFE];
	_ =	sdelay $0x1  }
0x8a: {  	s1 =	srdreg.scid  }
0x8b: {  	s0 =	sand.u32 $0x1, s1  }
0x8c: {  	s17 =	sshll.u32 s0, $0xA;
	s2 =	sadd.s32 s3, s2  }
0x8d: {  	s2 =	sadd.s32 s2, s17  }
0x8e: {  	[smem:$0x3FB3] =	sst s2  }
0x8f: {  	_ = 	snop  }
0x90: {  	s2 =	sld [smem:$0x3FC9];
	(tm) =	ssettm $0x1  }
0x91: {  	s18 =	sld [smem:$0x3FFB];
	_ =	sdelay $0x3  }
0x92: {  	_ =	strace s18  }
0x93: {  	s3 =	sld [smem:$0x3FFC];
	_ =	sdelay $0x3  }
0x94: {  	_ =	strace s3  }
0x95: {  	s3 =	sld [smem:$0x3FFD];
	_ =	sdelay $0x3  }
0x96: {  	_ =	strace s3  }
0x97: {  	_ =	strace $0x8FFFFFFF  }
0x98: {  	s19 =	sld [smem:$0x3FDB];
	_ =	sdelay $0x1  }
0x99: {  	s4 =	simm.s32 $_scs_section_size  }
0x9a: {  	s5 =	simm.s32 $_size__tile_overlayer_lowered;
	s6 =	simm.s32 $_tile_overlayer_lowered  }
0x9b: {  	s22 =	simm.s32 $0x1BFF;
	s21 =	sshll.u32 s6, $0x1;
	s3 =	sadd.s32 s4, s19  }
0x9c: {  	s7 =	simm.s32 $0x0;
	s20 =	sshll.u32 s5, $0x1;
	s5 =	sadd.s32 s21, s3  }
0x9d: {  	[timem:s7], [sflag:s22] =	dma.local [hbm:s5], s20  }
0x9e: {  	_ =	swait.ge [sflag:s22], s20  }
0x9f: {  	s4 =	ssub.s32 $0x0, s20;
	[sflag:s22] =	ssyncset.done $0x0  }
0xa0: {  	[sflag:s22] =	ssyncadd.s32 s4;
	_ =	sdelay $0x1  }
0xa1: {  	s23 =	simm.s32 $0x1B8B  }
0xa2: {  	_ =	swait.ge [sflag:s23], $0x1  }
0xa3: {  	[sflag:s23] =	ssyncset.done $0x0  }
0xa4: {  	s25 =	simm.s32 $0x1B8E;
	s24 =	sld [smem:$0x3FFE];
	[sflag:s23] =	ssyncadd.s32 $0xFFFFFFFF  }
0xa5: {  	s26 =	simm.s32 $execute0_lowered;
	[smem:$0x3FD2] =	sst s25  }
0xa6: {  	s5 =	sshll.u32 s26, $0x1;
	_ =	strace $0x80000046;
	[dreg:$0x1] =	wrdreg $0xFFFFFFFF  }
0xa7: {  	s28 =	simm.s32 $_size_execute0_lowered;
	s3 =	sadd.s32 s3, s5;
	[dreg:$0x0] =	wrdreg $0x0  }
0xa8: {  	s5 =	sshll.u32 s28, $0x1;
	[dreg:$0x2] =	wrdreg s3  }
0xa9: {  	[dreg:$0x3] =	wrdreg s5  }
0xaa: {  	[dreg:$0x4] =	wrdreg $0xC0  }
0xab: {  	_ =	task [dreg:s7], $0x5FFFF  }
0xac: {  	[dreg:$0x1] =	wrdreg $0xFFFFFFFF  }
0xad: {  	[dreg:$0x0] =	wrdreg $0x60  }
0xae: {  	[dreg:$0x2] =	wrdreg s2  }
0xaf: {  	[dreg:$0x3] =	wrdreg s24  }
0xb0: {  	[dreg:$0x4] =	wrdreg $0x88000  }
0xb1: {  	[dreg:$0x5] =	wrdreg $0xA  }
0xb2: {  	_ =	task.clear_ibuf [dreg:s7], $0x6FFFF;
	_ =	strace $0x90000046  }
0xb3: {  	s29 =	simm.s32 $0xA;
	_ =	strace $0x80000048  }
0xb4: {  	_ =	swait.ge [sflag:s29], $0x1  }
0xb5: {  	[sflag:s29] =	ssyncadd.s32 $0xFFFFFFFF  }
0xb6: {  	_ =	strace $0x90000048  }
0xb7: {  	_ =	sfence  }
0xb8: {  	s30 =	sld [smem:$0x0];
	_ =	sdelay $0x2  }
0xb9: {  	s31 =	sshll.u32 s1, $0xD;
	s1 =	sshrl.u32 s1, $0x2  }
0xba: {  	s3 =	sand.u32 $0x4000, s31;
	s1 =	sadd.s32 s1, s30  }
0xbb: {  	s0 =	sor.u32 s3, s0;
	s1 =	sshll.u32 s1, $0x11  }
0xbc: {  	s0 =	sor.u32 s1, s0  }
0xbd: {  	s0 =	sadd.s32 $0x8F2B, s0  }
0xbe: {  	[sflag:s0] =	ssyncadd.remote.s32 $0x1  }
0xbf: {  	_ =	sfence.sel $0xFFFF  }
0xc0: {  	[dreg:$0x0] =	wrdreg $0xFFFFFFFF;
	(pc) =	sbr.abs _section_cstart, $3  }
0xc1: {  	[dreg:$0x1] =	wrdreg $0xFFFFFFFF  }
0xc2: {  	_ =	task.clear_ibuf [dreg:s7], $0x2FFFF;
	_ =	strace $0x9FFFFFFF  }
0xc3: {  	(tm) =	ssettm $0x7FFFFFFF  }
tec
execute0_lowered:
.L_overlay_start_1:
0x0: {  	(tag) =	ssettag $0x1  }
0x1: {  	s1 =	rddreg [dreg:$0x0]  }
0x2: {  	s0 =	rddreg [dreg:$0x1]  }
0x3: {  	s3 =	rddreg [dreg:$0x2]  }
0x4: {  	s4 =	simm.s32 $0x0;
	s5 =	stileid.u32;
	s2 =	srdreg.scid  }
0x5: {  	s16 =	simm.s32 $0x400;
	s17 =	simm.s32 $0x800;
	s18 =	simm.s32 $0x1  }
0x6: {  	s19 =	simm.s32 $0x4800;
	s28 =	simm.s32 $0x600;
	s29 =	simm.s32 $0x300  }
0x7: {  	s30 =	simm.s32 $0x680;
	s31 =	simm.s32 $0x380;
	[smem:$0x7FF] =	sst s4  }
0x8: {  	s7 =	smul.u32 $0x13C00, s5;
	s2 =	sand.u32 $0x1, s2;
	s14 =	sadd.s32 $0xE600, s0  }
0x9: {  	s6 =	sadd.s32 $0x4600, s0;
	s10 =	smul.u32 $0x4F000, s5;
	s23 =	sshll.u32 s5, $0x6  }
0xa: {  	s24 =	sshll.u32 s5, $0x8;
	s25 =	smul.u32 $0x900, s5;
	s5 =	simm.s32 $0x0  }
0xb: {  	_ =	strace $0x80000047;
	s8 =	smul.u32 $0x13C000, s2;
	s20 =	ssub.s32 $0x2, s2  }
0xc: {  	s15 =	sor.u32 $0x1C02, s23;
	p0 =	seq.s32 s2, $0x1;
	[dreg:$0xa] =	wrdreg s5  }
0xd: {  	s23 =	simm.s32 $0x500;
	s2 =	simm.s32 $0x780;
	[dreg:$0x4] =	wrdreg s14  }
0xe: {  	s9 =	sshrl.u32 s7, $0x3;
	s11 =	sshrl.u32 s20, $0x1;
	s22 =	sshrl.u32 s10, $0x2  }
0xf: {  	s12 =	sadd.s32 s25, s6;
	s13 =	sadd.s32 s25, s14;
	s10 =	smov.u32 s15  }
0x10: {  	s15 =	simm.s32 $0x2;
	s25 =	simm.s32 $0x580;
	s7 =	sadd.s32 s7, s8  }
0x11: {  	s9 =	sadd.s32 s9, s0;
	s21 =	ssub.s32 s20, s11;
	s8 =	sadd.s32 s22, s3  }
0x12: {  	s20 =	simm.s32 $0x100;
	s22 =	simm.s32 $0x180;
	[dreg:$0x6] =	wrdreg s10  }
0x13: {  	s7 =	sshrl.u32 s7, $0x3;
	s11 =	sadd.s32 $0x18600, s9;
	s26 =	smax.u32 s21, $0x1  }
.Ltmp0:
0x14: {  	s9 =	sor.u32 $0x9000, s24;
	[dreg:$0x8] =	wrdreg s26;
	(pc) =	sbr.rel .LBB2_1-.Ltmp0, $4  }
0x15: {  	s8 =	sshrl.u32 s8, $0x3;
	s21 =	simm.s32 $0x480;
	[dreg:$0x5] =	wrdreg s11  }
0x16: {  	s24 =	simm.s32 $0x200;
	s0 =	sadd.s32 s7, s0;
	[dreg:$0x9] =	wrdreg s8  }
0x17: {  	s26 =	simm.s32 $0x280;
	[dreg:$0xb] =	wrdreg s9;
	s0 =	sadd.s32 $0x3FE00, s0  }
0x18: {  	s7 =	simm.s32 $0x80;
	[dreg:$0x7] =	wrdreg s0;
	s0 =	simm.s32 $0x700  }
.LBB2_4:
0x19: {  	s5 =	sadd.s32 s11, s13;
	[sflag:s15] =	ssyncadd.s32 $0xFFFFC000  }
0x1a: {  	[tilespmem:s4], [sflag:$0x2] =	stream.linear.gather [hbm4b:s5+s4], $0x400, $0x38;
	[tilespmem:$0x1C400] =	vst v63  }
0x1b: {  	_ =	swait.ge [sflag:s15], $0x400  }
0x1c: {  	[sflag:s15] =	ssyncset.done $0x0  }
0x1d: {  	s14 =	sadd.s32 s11, s12;
	[sflag:s15] =	ssyncadd.s32 $0xFFFFFC00  }
0x1e: {  	[tilespmem:s16], [sflag:$0x2] =	stream.linear.gather [hbm4b:s14+s4], $0x400, $0x38;
	[tilespmem:$0x1C400] =	vst v63  }
0x1f: {  	_ =	swait.ge [sflag:s15], $0x400  }
0x20: {  	[sflag:s15] =	ssyncset.done $0x0  }
0x21: {  	[sflag:s15] =	ssyncadd.s32 $0xFFFFFC00  }
0x22: {  	[tilespmem:s17], [sflag:$0x1] =	stream.indirect.gather [hbm4b:s1+s7], $0x80, s4, s7, $0xb8;
	[tilespmem:$0x1C400] =	vst v63  }
0x23: {  	_ =	swait.ge [sflag:s18], $0x4000  }
0x24: {  	[sflag:s18] =	ssyncset.done $0x0  }
0x25: {  	[sflag:s18] =	ssyncadd.s32 $0xFFFFC000  }
0x26: {  	[tilespmem:s19], [sflag:$0x1] =	stream.indirect.gather [hbm4b:s1+s7], $0x80, s7, s7, $0xb8;
	[tilespmem:$0x1C400] =	vst v63  }
0x27: {  	_ = 	snop  }
0x28: {  	[spmem:s3] =	stream.indirect.scatter.add.f32 [tilespmem:s17], [sflag:$0x2], $0x80, s16, s7, $0xb8;
	[tilespmem:$0x1C400] =	vst v63  }
0x29: {  	_ =	swait.ge [sflag:s15], $0x4000  }
0x2a: {  	[sflag:s15] =	ssyncset.done $0x0  }
0x2b: {  	[sflag:s15] =	ssyncadd.s32 $0xFFFFC000  }
0x2c: {  	_ =	swait.ge [sflag:s18], $0x4000  }
0x2d: {  	[sflag:s18] =	ssyncset.done $0x0  }
0x2e: {  	[sflag:s18] =	ssyncadd.s32 $0xFFFFC000  }
0x2f: {  	[tilespmem:s17], [sflag:$0x1] =	stream.indirect.gather [hbm4b:s1+s7], $0x80, s20, s7, $0xb8;
	[tilespmem:$0x1C400] =	vst v63  }
0x30: {  	_ = 	snop  }
0x31: {  	[spmem:s3] =	stream.indirect.scatter.add.f32 [tilespmem:s19], [sflag:$0x2], $0x80, s21, s7, $0xb8;
	[tilespmem:$0x1C400] =	vst v63  }
0x32: {  	_ =	swait.ge [sflag:s15], $0x4000  }
0x33: {  	[sflag:s15] =	ssyncset.done $0x0  }
0x34: {  	[sflag:s15] =	ssyncadd.s32 $0xFFFFC000  }
0x35: {  	_ =	swait.ge [sflag:s18], $0x4000  }
0x36: {  	[sflag:s18] =	ssyncset.done $0x0  }
0x37: {  	[sflag:s18] =	ssyncadd.s32 $0xFFFFC000  }
0x38: {  	[tilespmem:s19], [sflag:$0x1] =	stream.indirect.gather [hbm4b:s1+s7], $0x80, s22, s7, $0xb8;
	[tilespmem:$0x1C400] =	vst v63  }
0x39: {  	_ = 	snop  }
0x3a: {  	[spmem:s3] =	stream.indirect.scatter.add.f32 [tilespmem:s17], [sflag:$0x2], $0x80, s23, s7, $0xb8;
	[tilespmem:$0x1C400] =	vst v63  }
0x3b: {  	_ =	swait.ge [sflag:s15], $0x4000  }
0x3c: {  	[sflag:s15] =	ssyncset.done $0x0  }
0x3d: {  	[sflag:s15] =	ssyncadd.s32 $0xFFFFC000  }
0x3e: {  	_ =	swait.ge [sflag:s18], $0x4000  }
0x3f: {  	[sflag:s18] =	ssyncset.done $0x0  }
0x40: {  	[sflag:s18] =	ssyncadd.s32 $0xFFFFC000  }
0x41: {  	[tilespmem:s17], [sflag:$0x1] =	stream.indirect.gather [hbm4b:s1+s7], $0x80, s24, s7, $0xb8;
	[tilespmem:$0x1C400] =	vst v63  }
0x42: {  	_ = 	snop  }
0x43: {  	[spmem:s3] =	stream.indirect.scatter.add.f32 [tilespmem:s19], [sflag:$0x2], $0x80, s25, s7, $0xb8;
	[tilespmem:$0x1C400] =	vst v63  }
0x44: {  	_ =	swait.ge [sflag:s15], $0x4000  }
0x45: {  	[sflag:s15] =	ssyncset.done $0x0  }
0x46: {  	[sflag:s15] =	ssyncadd.s32 $0xFFFFC000  }
0x47: {  	_ =	swait.ge [sflag:s18], $0x4000  }
0x48: {  	[sflag:s18] =	ssyncset.done $0x0  }
0x49: {  	[sflag:s18] =	ssyncadd.s32 $0xFFFFC000  }
0x4a: {  	[tilespmem:s19], [sflag:$0x1] =	stream.indirect.gather [hbm4b:s1+s7], $0x80, s26, s7, $0xb8;
	[tilespmem:$0x1C400] =	vst v63  }
0x4b: {  	_ = 	snop  }
0x4c: {  	[spmem:s3] =	stream.indirect.scatter.add.f32 [tilespmem:s17], [sflag:$0x2], $0x80, s28, s7, $0xb8;
	[tilespmem:$0x1C400] =	vst v63  }
0x4d: {  	_ =	swait.ge [sflag:s15], $0x4000  }
0x4e: {  	[sflag:s15] =	ssyncset.done $0x0  }
0x4f: {  	[sflag:s15] =	ssyncadd.s32 $0xFFFFC000  }
0x50: {  	_ =	swait.ge [sflag:s18], $0x4000  }
0x51: {  	[sflag:s18] =	ssyncset.done $0x0  }
0x52: {  	[sflag:s18] =	ssyncadd.s32 $0xFFFFC000  }
0x53: {  	[tilespmem:s17], [sflag:$0x1] =	stream.indirect.gather [hbm4b:s1+s7], $0x80, s29, s7, $0xb8;
	[tilespmem:$0x1C400] =	vst v63  }
0x54: {  	_ = 	snop  }
0x55: {  	[spmem:s3] =	stream.indirect.scatter.add.f32 [tilespmem:s19], [sflag:$0x2], $0x80, s30, s7, $0xb8;
	[tilespmem:$0x1C400] =	vst v63  }
0x56: {  	_ =	swait.ge [sflag:s15], $0x4000  }
0x57: {  	[sflag:s15] =	ssyncset.done $0x0  }
0x58: {  	[sflag:s15] =	ssyncadd.s32 $0xFFFFC000  }
0x59: {  	_ =	swait.ge [sflag:s18], $0x4000  }
0x5a: {  	[sflag:s18] =	ssyncset.done $0x0  }
0x5b: {  	[sflag:s18] =	ssyncadd.s32 $0xFFFFC000  }
0x5c: {  	[tilespmem:s19], [sflag:$0x1] =	stream.indirect.gather [hbm4b:s1+s7], $0x80, s31, s7, $0xb8;
	[tilespmem:$0x1C400] =	vst v63  }
0x5d: {  	_ = 	snop  }
0x5e: {  	[spmem:s3] =	stream.indirect.scatter.add.f32 [tilespmem:s17], [sflag:$0x2], $0x80, s0, s7, $0xb8;
	[tilespmem:$0x1C400] =	vst v63  }
0x5f: {  	_ =	swait.ge [sflag:s15], $0x4000  }
0x60: {  	[sflag:s15] =	ssyncset.done $0x0  }
0x61: {  	[sflag:s15] =	ssyncadd.s32 $0xFFFFC000  }
0x62: {  	_ =	swait.ge [sflag:s18], $0x4000  }
0x63: {  	[sflag:s18] =	ssyncset.done $0x0  }
0x64: {  	[sflag:s18] =	ssyncadd.s32 $0xFFFFC000  }
0x65: {  	[spmem:s3] =	stream.indirect.scatter.add.f32 [tilespmem:s19], [sflag:$0x2], $0x80, s2, s7, $0xb8;
	[tilespmem:$0x1C400] =	vst v63  }
0x66: {  	_ =	swait.ge [sflag:s15], $0x4000  }
0x67: {  	s14 =	rddreg [dreg:$0x4]  }
0x68: {  	[sflag:s15] =	ssyncset.done $0x0;
	s11 =	rddreg [dreg:$0x5]  }
0x69: {  	s10 =	rddreg [dreg:$0x6];
	[sflag:s15] =	ssyncadd.s32 $0xFFFFC000  }
.LBB2_6:
0x6a: {  	[bflag:$0x0] =	sbarrier.arrive $0xFFFF  }
0x6b: {  	s5 =	rddreg [dreg:$0x7]  }
0x6c: {  	s8 =	rddreg [dreg:$0x9]  }
0x6d: {  	[hbm:s5], [sflag:s10] =	dma.local [spmem:s8], $0x2780  }
0x6e: {  	_ =	swait.ge [sflag:s15], $0x2780  }
0x6f: {  	s9 =	smov.u32 s6;
	s6 =	smov.u32 s10;
	s5 =	rddreg [dreg:$0xa]  }
0x70: {  	s10 =	smov.u32 s11;
	s11 =	sadd.s32 $0x1, s5;
	s5 =	rddreg [dreg:$0x8]  }
0x71: {  	p1 =	sne.s32 s11, s5  }
.Ltmp1:
0x72: {  	_ = 	snop;
	(pc) =	sbr.rel @!p1 .LBB2_7-.Ltmp1, $4  }
0x73: {  	_ = 	snop  }
0x74: {  	[sflag:s15] =	ssyncset.done $0x0  }
0x75: {  	[sflag:s15] =	ssyncadd.s32 $0xFFFFD880;
	[dreg:$0xa] =	wrdreg s11;
	s11 =	smov.u32 s10  }
0x76: {  	s10 =	smov.u32 s6;
	s6 =	smov.u32 s9;
	s9 =	rddreg [dreg:$0xb]  }
.LBB2_1:
0x77: {  	[spmem:s8], [sflag:s10] =	dma.local [hbm:s11], $0x2780  }
.Ltmp2:
0x78: {  	_ =	swait.ge [sflag:s15], $0x2780;
	(pc) =	sbr.rel @!p0 .LBB2_2-.Ltmp2, $4  }
0x79: {  	[sflag:s15] =	ssyncset.done $0x0  }
0x7a: {  	[sflag:s15] =	ssyncadd.s32 $0xFFFFD880  }
0x7b: {  	[bflag:$0x0] =	sbarrier.arrive $0xFFFF  }
0x7c: {  	p1 =	por $0x1, $0x1;
	s8 =	simm.s32 $0x0  }
.LBB2_5:
0x7d: {  	s5 =	sor.u32 s9, s8  }
0x7e: {  	s8 =	sadd.s32 s14, s5  }
0x7f: {  	[tilespmem:s4], [sflag:$0x2] =	stream.linear.gather [hbm4b:s8+s4], $0x400, $0x38;
	[tilespmem:$0x1C400] =	vst v63  }
0x80: {  	_ =	swait.ge [sflag:s15], $0x400  }
0x81: {  	[sflag:s15] =	ssyncset.done $0x0  }
0x82: {  	s5 =	sadd.s32 s6, s5;
	[sflag:s15] =	ssyncadd.s32 $0xFFFFFC00  }
0x83: {  	[tilespmem:s16], [sflag:$0x2] =	stream.linear.gather [hbm4b:s5+s4], $0x400, $0x38;
	[tilespmem:$0x1C400] =	vst v63  }
0x84: {  	_ =	swait.ge [sflag:s15], $0x400  }
0x85: {  	[sflag:s15] =	ssyncset.done $0x0  }
0x86: {  	s8 =	simm.s32 $0x80;
	[sflag:s15] =	ssyncadd.s32 $0xFFFFFC00  }
0x87: {  	[tilespmem:s17], [sflag:$0x1] =	stream.indirect.gather [hbm4b:s1+s8], $0x80, s4, s8, $0xb8;
	[tilespmem:$0x1C400] =	vst v63  }
0x88: {  	_ =	swait.ge [sflag:s18], $0x4000  }
0x89: {  	[sflag:s18] =	ssyncset.done $0x0  }
0x8a: {  	[sflag:s18] =	ssyncadd.s32 $0xFFFFC000  }
0x8b: {  	[tilespmem:s19], [sflag:$0x1] =	stream.indirect.gather [hbm4b:s1+s8], $0x80, s8, s8, $0xb8;
	[tilespmem:$0x1C400] =	vst v63  }
0x8c: {  	_ = 	snop  }
0x8d: {  	[spmem:s3] =	stream.indirect.scatter.add.f32 [tilespmem:s17], [sflag:$0x2], $0x80, s16, s8, $0xb8;
	[tilespmem:$0x1C400] =	vst v63  }
0x8e: {  	_ =	swait.ge [sflag:s15], $0x4000  }
0x8f: {  	[sflag:s15] =	ssyncset.done $0x0  }
0x90: {  	[sflag:s15] =	ssyncadd.s32 $0xFFFFC000  }
0x91: {  	_ =	swait.ge [sflag:s18], $0x4000  }
0x92: {  	[sflag:s18] =	ssyncset.done $0x0  }
0x93: {  	[sflag:s18] =	ssyncadd.s32 $0xFFFFC000  }
0x94: {  	[tilespmem:s17], [sflag:$0x1] =	stream.indirect.gather [hbm4b:s1+s8], $0x80, s20, s8, $0xb8;
	[tilespmem:$0x1C400] =	vst v63  }
0x95: {  	_ = 	snop  }
0x96: {  	[spmem:s3] =	stream.indirect.scatter.add.f32 [tilespmem:s19], [sflag:$0x2], $0x80, s21, s8, $0xb8;
	[tilespmem:$0x1C400] =	vst v63  }
0x97: {  	_ =	swait.ge [sflag:s15], $0x4000  }
0x98: {  	[sflag:s15] =	ssyncset.done $0x0  }
0x99: {  	[sflag:s15] =	ssyncadd.s32 $0xFFFFC000  }
0x9a: {  	_ =	swait.ge [sflag:s18], $0x4000  }
0x9b: {  	[sflag:s18] =	ssyncset.done $0x0  }
0x9c: {  	[sflag:s18] =	ssyncadd.s32 $0xFFFFC000  }
0x9d: {  	[tilespmem:s19], [sflag:$0x1] =	stream.indirect.gather [hbm4b:s1+s8], $0x80, s22, s8, $0xb8;
	[tilespmem:$0x1C400] =	vst v63  }
0x9e: {  	_ = 	snop  }
0x9f: {  	[spmem:s3] =	stream.indirect.scatter.add.f32 [tilespmem:s17], [sflag:$0x2], $0x80, s23, s8, $0xb8;
	[tilespmem:$0x1C400] =	vst v63  }
0xa0: {  	_ =	swait.ge [sflag:s15], $0x4000  }
0xa1: {  	[sflag:s15] =	ssyncset.done $0x0  }
0xa2: {  	[sflag:s15] =	ssyncadd.s32 $0xFFFFC000  }
0xa3: {  	_ =	swait.ge [sflag:s18], $0x4000  }
0xa4: {  	[sflag:s18] =	ssyncset.done $0x0  }
0xa5: {  	[sflag:s18] =	ssyncadd.s32 $0xFFFFC000  }
0xa6: {  	[tilespmem:s17], [sflag:$0x1] =	stream.indirect.gather [hbm4b:s1+s8], $0x80, s24, s8, $0xb8;
	[tilespmem:$0x1C400] =	vst v63  }
0xa7: {  	_ = 	snop  }
0xa8: {  	[spmem:s3] =	stream.indirect.scatter.add.f32 [tilespmem:s19], [sflag:$0x2], $0x80, s25, s8, $0xb8;
	[tilespmem:$0x1C400] =	vst v63  }
0xa9: {  	_ =	swait.ge [sflag:s15], $0x4000  }
0xaa: {  	[sflag:s15] =	ssyncset.done $0x0  }
0xab: {  	[sflag:s15] =	ssyncadd.s32 $0xFFFFC000  }
0xac: {  	_ =	swait.ge [sflag:s18], $0x4000  }
0xad: {  	[sflag:s18] =	ssyncset.done $0x0  }
0xae: {  	[sflag:s18] =	ssyncadd.s32 $0xFFFFC000  }
0xaf: {  	[tilespmem:s19], [sflag:$0x1] =	stream.indirect.gather [hbm4b:s1+s8], $0x80, s26, s8, $0xb8;
	[tilespmem:$0x1C400] =	vst v63  }
0xb0: {  	_ = 	snop  }
0xb1: {  	[spmem:s3] =	stream.indirect.scatter.add.f32 [tilespmem:s17], [sflag:$0x2], $0x80, s28, s8, $0xb8;
	[tilespmem:$0x1C400] =	vst v63  }
0xb2: {  	_ =	swait.ge [sflag:s15], $0x4000  }
0xb3: {  	[sflag:s15] =	ssyncset.done $0x0  }
0xb4: {  	[sflag:s15] =	ssyncadd.s32 $0xFFFFC000  }
0xb5: {  	_ =	swait.ge [sflag:s18], $0x4000  }
0xb6: {  	[sflag:s18] =	ssyncset.done $0x0  }
0xb7: {  	[sflag:s18] =	ssyncadd.s32 $0xFFFFC000  }
0xb8: {  	[tilespmem:s17], [sflag:$0x1] =	stream.indirect.gather [hbm4b:s1+s8], $0x80, s29, s8, $0xb8;
	[tilespmem:$0x1C400] =	vst v63  }
0xb9: {  	_ = 	snop  }
0xba: {  	[spmem:s3] =	stream.indirect.scatter.add.f32 [tilespmem:s19], [sflag:$0x2], $0x80, s30, s8, $0xb8;
	[tilespmem:$0x1C400] =	vst v63  }
0xbb: {  	_ =	swait.ge [sflag:s15], $0x4000  }
0xbc: {  	[sflag:s15] =	ssyncset.done $0x0  }
0xbd: {  	[sflag:s15] =	ssyncadd.s32 $0xFFFFC000  }
0xbe: {  	_ =	swait.ge [sflag:s18], $0x4000  }
0xbf: {  	[sflag:s18] =	ssyncset.done $0x0  }
0xc0: {  	[sflag:s18] =	ssyncadd.s32 $0xFFFFC000  }
0xc1: {  	[tilespmem:s19], [sflag:$0x1] =	stream.indirect.gather [hbm4b:s1+s8], $0x80, s31, s8, $0xb8;
	[tilespmem:$0x1C400] =	vst v63  }
0xc2: {  	_ = 	snop  }
0xc3: {  	[spmem:s3] =	stream.indirect.scatter.add.f32 [tilespmem:s17], [sflag:$0x2], $0x80, s0, s8, $0xb8;
	[tilespmem:$0x1C400] =	vst v63  }
0xc4: {  	_ =	swait.ge [sflag:s15], $0x4000  }
0xc5: {  	[sflag:s15] =	ssyncset.done $0x0  }
0xc6: {  	[sflag:s15] =	ssyncadd.s32 $0xFFFFC000  }
0xc7: {  	_ =	swait.ge [sflag:s18], $0x4000  }
0xc8: {  	p2 =	por p1, p1;
	[sflag:s18] =	ssyncset.done $0x0  }
.Ltmp3:
0xc9: {  	[sflag:s18] =	ssyncadd.s32 $0xFFFFC000;
	(pc) =	sbr.rel @p2 .LBB2_5-.Ltmp3, $4  }
0xca: {  	[spmem:s3] =	stream.indirect.scatter.add.f32 [tilespmem:s19], [sflag:$0x2], $0x80, s2, s8, $0xb8;
	[tilespmem:$0x1C400] =	vst v63  }
0xcb: {  	_ =	swait.ge [sflag:s15], $0x4000  }
0xcc: {  	[sflag:s15] =	ssyncset.done $0x0  }
0xcd: {  	p1 =	por $0x0, $0x0;
	[sflag:s15] =	ssyncadd.s32 $0xFFFFC000  }
.Ltmp4:
0xce: {  	_ = 	snop;
	(pc) =	sbr.rel .LBB2_6-.Ltmp4, $1  }
0xcf: {  	_ =	sdelay $0x3  }
.LBB2_2:
0xd0: {  	s8 =	sadd.s32 $0x0, s13  }
0xd1: {  	[tilespmem:s4], [sflag:$0x2] =	stream.linear.gather [hbm4b:s8+s4], $0x400, $0x38;
	[tilespmem:$0x1C400] =	vst v63  }
0xd2: {  	_ =	swait.ge [sflag:s15], $0x400  }
0xd3: {  	[sflag:s15] =	ssyncset.done $0x0  }
0xd4: {  	s14 =	sadd.s32 $0x0, s12;
	[sflag:s15] =	ssyncadd.s32 $0xFFFFFC00  }
0xd5: {  	[tilespmem:s16], [sflag:$0x2] =	stream.linear.gather [hbm4b:s14+s4], $0x400, $0x38;
	[tilespmem:$0x1C400] =	vst v63  }
0xd6: {  	_ =	swait.ge [sflag:s15], $0x400  }
0xd7: {  	[sflag:s15] =	ssyncset.done $0x0  }
0xd8: {  	[sflag:s15] =	ssyncadd.s32 $0xFFFFFC00  }
0xd9: {  	[tilespmem:s17], [sflag:$0x1] =	stream.indirect.gather [hbm4b:s1+s7], $0x80, s4, s7, $0xb8;
	[tilespmem:$0x1C400] =	vst v63  }
0xda: {  	_ =	swait.ge [sflag:s18], $0x4000  }
0xdb: {  	[sflag:s18] =	ssyncset.done $0x0  }
0xdc: {  	[sflag:s18] =	ssyncadd.s32 $0xFFFFC000  }
0xdd: {  	[tilespmem:s19], [sflag:$0x1] =	stream.indirect.gather [hbm4b:s1+s7], $0x80, s7, s7, $0xb8;
	[tilespmem:$0x1C400] =	vst v63  }
0xde: {  	_ = 	snop  }
0xdf: {  	[spmem:s3] =	stream.indirect.scatter.add.f32 [tilespmem:s17], [sflag:$0x2], $0x80, s16, s7, $0xb8;
	[tilespmem:$0x1C400] =	vst v63  }
0xe0: {  	_ =	swait.ge [sflag:s15], $0x4000  }
0xe1: {  	[sflag:s15] =	ssyncset.done $0x0  }
0xe2: {  	[sflag:s15] =	ssyncadd.s32 $0xFFFFC000  }
0xe3: {  	_ =	swait.ge [sflag:s18], $0x4000  }
0xe4: {  	[sflag:s18] =	ssyncset.done $0x0  }
0xe5: {  	[sflag:s18] =	ssyncadd.s32 $0xFFFFC000  }
0xe6: {  	[tilespmem:s17], [sflag:$0x1] =	stream.indirect.gather [hbm4b:s1+s7], $0x80, s20, s7, $0xb8;
	[tilespmem:$0x1C400] =	vst v63  }
0xe7: {  	_ = 	snop  }
0xe8: {  	[spmem:s3] =	stream.indirect.scatter.add.f32 [tilespmem:s19], [sflag:$0x2], $0x80, s21, s7, $0xb8;
	[tilespmem:$0x1C400] =	vst v63  }
0xe9: {  	_ =	swait.ge [sflag:s15], $0x4000  }
0xea: {  	[sflag:s15] =	ssyncset.done $0x0  }
0xeb: {  	[sflag:s15] =	ssyncadd.s32 $0xFFFFC000  }
0xec: {  	_ =	swait.ge [sflag:s18], $0x4000  }
0xed: {  	[sflag:s18] =	ssyncset.done $0x0  }
0xee: {  	[sflag:s18] =	ssyncadd.s32 $0xFFFFC000  }
0xef: {  	[tilespmem:s19], [sflag:$0x1] =	stream.indirect.gather [hbm4b:s1+s7], $0x80, s22, s7, $0xb8;
	[tilespmem:$0x1C400] =	vst v63  }
0xf0: {  	_ = 	snop  }
0xf1: {  	[spmem:s3] =	stream.indirect.scatter.add.f32 [tilespmem:s17], [sflag:$0x2], $0x80, s23, s7, $0xb8;
	[tilespmem:$0x1C400] =	vst v63  }
0xf2: {  	_ =	swait.ge [sflag:s15], $0x4000  }
0xf3: {  	[sflag:s15] =	ssyncset.done $0x0  }
0xf4: {  	[sflag:s15] =	ssyncadd.s32 $0xFFFFC000  }
0xf5: {  	_ =	swait.ge [sflag:s18], $0x4000  }
0xf6: {  	[sflag:s18] =	ssyncset.done $0x0  }
0xf7: {  	[sflag:s18] =	ssyncadd.s32 $0xFFFFC000  }
0xf8: {  	[tilespmem:s17], [sflag:$0x1] =	stream.indirect.gather [hbm4b:s1+s7], $0x80, s24, s7, $0xb8;
	[tilespmem:$0x1C400] =	vst v63  }
0xf9: {  	_ = 	snop  }
0xfa: {  	[spmem:s3] =	stream.indirect.scatter.add.f32 [tilespmem:s19], [sflag:$0x2], $0x80, s25, s7, $0xb8;
	[tilespmem:$0x1C400] =	vst v63  }
0xfb: {  	_ =	swait.ge [sflag:s15], $0x4000  }
0xfc: {  	[sflag:s15] =	ssyncset.done $0x0  }
0xfd: {  	[sflag:s15] =	ssyncadd.s32 $0xFFFFC000  }
0xfe: {  	_ =	swait.ge [sflag:s18], $0x4000  }
0xff: {  	[sflag:s18] =	ssyncset.done $0x0  }
0x100: {  	[sflag:s18] =	ssyncadd.s32 $0xFFFFC000  }
0x101: {  	[tilespmem:s19], [sflag:$0x1] =	stream.indirect.gather [hbm4b:s1+s7], $0x80, s26, s7, $0xb8;
	[tilespmem:$0x1C400] =	vst v63  }
0x102: {  	_ = 	snop  }
0x103: {  	[spmem:s3] =	stream.indirect.scatter.add.f32 [tilespmem:s17], [sflag:$0x2], $0x80, s28, s7, $0xb8;
	[tilespmem:$0x1C400] =	vst v63  }
0x104: {  	_ =	swait.ge [sflag:s15], $0x4000  }
0x105: {  	[sflag:s15] =	ssyncset.done $0x0  }
0x106: {  	[sflag:s15] =	ssyncadd.s32 $0xFFFFC000  }
0x107: {  	_ =	swait.ge [sflag:s18], $0x4000  }
0x108: {  	[sflag:s18] =	ssyncset.done $0x0  }
0x109: {  	[sflag:s18] =	ssyncadd.s32 $0xFFFFC000  }
0x10a: {  	[tilespmem:s17], [sflag:$0x1] =	stream.indirect.gather [hbm4b:s1+s7], $0x80, s29, s7, $0xb8;
	[tilespmem:$0x1C400] =	vst v63  }
0x10b: {  	_ = 	snop  }
0x10c: {  	[spmem:s3] =	stream.indirect.scatter.add.f32 [tilespmem:s19], [sflag:$0x2], $0x80, s30, s7, $0xb8;
	[tilespmem:$0x1C400] =	vst v63  }
0x10d: {  	_ =	swait.ge [sflag:s15], $0x4000  }
0x10e: {  	[sflag:s15] =	ssyncset.done $0x0  }
0x10f: {  	[sflag:s15] =	ssyncadd.s32 $0xFFFFC000  }
0x110: {  	_ =	swait.ge [sflag:s18], $0x4000  }
0x111: {  	[sflag:s18] =	ssyncset.done $0x0  }
0x112: {  	[sflag:s18] =	ssyncadd.s32 $0xFFFFC000  }
0x113: {  	[tilespmem:s19], [sflag:$0x1] =	stream.indirect.gather [hbm4b:s1+s7], $0x80, s31, s7, $0xb8;
	[tilespmem:$0x1C400] =	vst v63  }
0x114: {  	_ = 	snop  }
0x115: {  	[spmem:s3] =	stream.indirect.scatter.add.f32 [tilespmem:s17], [sflag:$0x2], $0x80, s0, s7, $0xb8;
	[tilespmem:$0x1C400] =	vst v63  }
0x116: {  	_ =	swait.ge [sflag:s15], $0x4000  }
0x117: {  	[sflag:s15] =	ssyncset.done $0x0  }
0x118: {  	[sflag:s15] =	ssyncadd.s32 $0xFFFFC000  }
0x119: {  	_ =	swait.ge [sflag:s18], $0x4000  }
0x11a: {  	[sflag:s18] =	ssyncset.done $0x0  }
0x11b: {  	[sflag:s18] =	ssyncadd.s32 $0xFFFFC000  }
0x11c: {  	[spmem:s3] =	stream.indirect.scatter.add.f32 [tilespmem:s19], [sflag:$0x2], $0x80, s2, s7, $0xb8;
	[tilespmem:$0x1C400] =	vst v63  }
0x11d: {  	_ =	swait.ge [sflag:s15], $0x4000  }
0x11e: {  	s11 =	simm.s32 $0x80;
	s8 =	simm.s32 $0x100;
	[sflag:s15] =	ssyncset.done $0x0  }
.LBB2_3:
0x11f: {  	s10 =	sadd.s32 s11, s13  }
0x120: {  	[sflag:s15] =	ssyncadd.s32 $0xFFFFC000;
	s5 =	smov.u32 s8;
	s14 =	sadd.s32 $0x80, s8  }
0x121: {  	[tilespmem:s4], [sflag:$0x2] =	stream.linear.gather [hbm4b:s10+s4], $0x400, $0x38;
	[tilespmem:$0x1C400] =	vst v63  }
0x122: {  	p1 =	seq.s32 s8, $0x880;
	_ =	swait.ge [sflag:s15], $0x400  }
0x123: {  	[sflag:s15] =	ssyncset.done $0x0  }
0x124: {  	s8 =	sadd.s32 s11, s12;
	s11 =	smov.u32 s5;
	[sflag:s15] =	ssyncadd.s32 $0xFFFFFC00  }
0x125: {  	[tilespmem:s16], [sflag:$0x2] =	stream.linear.gather [hbm4b:s8+s4], $0x400, $0x38;
	[tilespmem:$0x1C400] =	vst v63  }
0x126: {  	_ =	swait.ge [sflag:s15], $0x400  }
0x127: {  	[sflag:s15] =	ssyncset.done $0x0  }
0x128: {  	[sflag:s15] =	ssyncadd.s32 $0xFFFFFC00  }
0x129: {  	[tilespmem:s17], [sflag:$0x1] =	stream.indirect.gather [hbm4b:s1+s7], $0x80, s4, s7, $0xb8;
	[tilespmem:$0x1C400] =	vst v63  }
0x12a: {  	_ =	swait.ge [sflag:s18], $0x4000  }
0x12b: {  	[sflag:s18] =	ssyncset.done $0x0  }
0x12c: {  	[sflag:s18] =	ssyncadd.s32 $0xFFFFC000  }
0x12d: {  	[tilespmem:s19], [sflag:$0x1] =	stream.indirect.gather [hbm4b:s1+s7], $0x80, s7, s7, $0xb8;
	[tilespmem:$0x1C400] =	vst v63  }
0x12e: {  	_ = 	snop  }
0x12f: {  	[spmem:s3] =	stream.indirect.scatter.add.f32 [tilespmem:s17], [sflag:$0x2], $0x80, s16, s7, $0xb8;
	[tilespmem:$0x1C400] =	vst v63  }
0x130: {  	_ =	swait.ge [sflag:s15], $0x4000  }
0x131: {  	[sflag:s15] =	ssyncset.done $0x0  }
0x132: {  	[sflag:s15] =	ssyncadd.s32 $0xFFFFC000  }
0x133: {  	_ =	swait.ge [sflag:s18], $0x4000  }
0x134: {  	[sflag:s18] =	ssyncset.done $0x0  }
0x135: {  	[sflag:s18] =	ssyncadd.s32 $0xFFFFC000  }
0x136: {  	[tilespmem:s17], [sflag:$0x1] =	stream.indirect.gather [hbm4b:s1+s7], $0x80, s20, s7, $0xb8;
	[tilespmem:$0x1C400] =	vst v63  }
0x137: {  	_ = 	snop  }
0x138: {  	[spmem:s3] =	stream.indirect.scatter.add.f32 [tilespmem:s19], [sflag:$0x2], $0x80, s21, s7, $0xb8;
	[tilespmem:$0x1C400] =	vst v63  }
0x139: {  	_ =	swait.ge [sflag:s15], $0x4000  }
0x13a: {  	[sflag:s15] =	ssyncset.done $0x0  }
0x13b: {  	[sflag:s15] =	ssyncadd.s32 $0xFFFFC000  }
0x13c: {  	_ =	swait.ge [sflag:s18], $0x4000  }
0x13d: {  	[sflag:s18] =	ssyncset.done $0x0  }
0x13e: {  	[sflag:s18] =	ssyncadd.s32 $0xFFFFC000  }
0x13f: {  	[tilespmem:s19], [sflag:$0x1] =	stream.indirect.gather [hbm4b:s1+s7], $0x80, s22, s7, $0xb8;
	[tilespmem:$0x1C400] =	vst v63  }
0x140: {  	_ = 	snop  }
0x141: {  	[spmem:s3] =	stream.indirect.scatter.add.f32 [tilespmem:s17], [sflag:$0x2], $0x80, s23, s7, $0xb8;
	[tilespmem:$0x1C400] =	vst v63  }
0x142: {  	_ =	swait.ge [sflag:s15], $0x4000  }
0x143: {  	[sflag:s15] =	ssyncset.done $0x0  }
0x144: {  	[sflag:s15] =	ssyncadd.s32 $0xFFFFC000  }
0x145: {  	_ =	swait.ge [sflag:s18], $0x4000  }
0x146: {  	[sflag:s18] =	ssyncset.done $0x0  }
0x147: {  	[sflag:s18] =	ssyncadd.s32 $0xFFFFC000  }
0x148: {  	[tilespmem:s17], [sflag:$0x1] =	stream.indirect.gather [hbm4b:s1+s7], $0x80, s24, s7, $0xb8;
	[tilespmem:$0x1C400] =	vst v63  }
0x149: {  	_ = 	snop  }
0x14a: {  	[spmem:s3] =	stream.indirect.scatter.add.f32 [tilespmem:s19], [sflag:$0x2], $0x80, s25, s7, $0xb8;
	[tilespmem:$0x1C400] =	vst v63  }
0x14b: {  	_ =	swait.ge [sflag:s15], $0x4000  }
0x14c: {  	[sflag:s15] =	ssyncset.done $0x0  }
0x14d: {  	[sflag:s15] =	ssyncadd.s32 $0xFFFFC000  }
0x14e: {  	_ =	swait.ge [sflag:s18], $0x4000  }
0x14f: {  	[sflag:s18] =	ssyncset.done $0x0  }
0x150: {  	[sflag:s18] =	ssyncadd.s32 $0xFFFFC000  }
0x151: {  	[tilespmem:s19], [sflag:$0x1] =	stream.indirect.gather [hbm4b:s1+s7], $0x80, s26, s7, $0xb8;
	[tilespmem:$0x1C400] =	vst v63  }
0x152: {  	_ = 	snop  }
0x153: {  	[spmem:s3] =	stream.indirect.scatter.add.f32 [tilespmem:s17], [sflag:$0x2], $0x80, s28, s7, $0xb8;
	[tilespmem:$0x1C400] =	vst v63  }
0x154: {  	_ =	swait.ge [sflag:s15], $0x4000  }
0x155: {  	[sflag:s15] =	ssyncset.done $0x0  }
0x156: {  	[sflag:s15] =	ssyncadd.s32 $0xFFFFC000  }
0x157: {  	_ =	swait.ge [sflag:s18], $0x4000  }
0x158: {  	[sflag:s18] =	ssyncset.done $0x0  }
0x159: {  	[sflag:s18] =	ssyncadd.s32 $0xFFFFC000  }
0x15a: {  	[tilespmem:s17], [sflag:$0x1] =	stream.indirect.gather [hbm4b:s1+s7], $0x80, s29, s7, $0xb8;
	[tilespmem:$0x1C400] =	vst v63  }
0x15b: {  	_ = 	snop  }
0x15c: {  	[spmem:s3] =	stream.indirect.scatter.add.f32 [tilespmem:s19], [sflag:$0x2], $0x80, s30, s7, $0xb8;
	[tilespmem:$0x1C400] =	vst v63  }
0x15d: {  	_ =	swait.ge [sflag:s15], $0x4000  }
0x15e: {  	[sflag:s15] =	ssyncset.done $0x0  }
0x15f: {  	[sflag:s15] =	ssyncadd.s32 $0xFFFFC000  }
0x160: {  	_ =	swait.ge [sflag:s18], $0x4000  }
0x161: {  	[sflag:s18] =	ssyncset.done $0x0  }
0x162: {  	[sflag:s18] =	ssyncadd.s32 $0xFFFFC000  }
0x163: {  	[tilespmem:s19], [sflag:$0x1] =	stream.indirect.gather [hbm4b:s1+s7], $0x80, s31, s7, $0xb8;
	[tilespmem:$0x1C400] =	vst v63  }
0x164: {  	_ = 	snop  }
0x165: {  	[spmem:s3] =	stream.indirect.scatter.add.f32 [tilespmem:s17], [sflag:$0x2], $0x80, s0, s7, $0xb8;
	[tilespmem:$0x1C400] =	vst v63  }
0x166: {  	_ =	swait.ge [sflag:s15], $0x4000  }
0x167: {  	[sflag:s15] =	ssyncset.done $0x0  }
0x168: {  	[sflag:s15] =	ssyncadd.s32 $0xFFFFC000  }
0x169: {  	_ =	swait.ge [sflag:s18], $0x4000  }
.Ltmp5:
0x16a: {  	[sflag:s18] =	ssyncset.done $0x0;
	(pc) =	sbr.rel @!p1 .LBB2_3-.Ltmp5, $4  }
0x16b: {  	[sflag:s18] =	ssyncadd.s32 $0xFFFFC000  }
0x16c: {  	[spmem:s3] =	stream.indirect.scatter.add.f32 [tilespmem:s19], [sflag:$0x2], $0x80, s2, s7, $0xb8;
	[tilespmem:$0x1C400] =	vst v63  }
0x16d: {  	_ =	swait.ge [sflag:s15], $0x4000  }
0x16e: {  	s8 =	smov.u32 s14;
	[sflag:s15] =	ssyncset.done $0x0  }
.Ltmp6:
0x16f: {  	_ = 	snop;
	(pc) =	sbr.rel .LBB2_4-.Ltmp6, $1  }
0x170: {  	_ =	sdelay $0x3  }
.LBB2_7:
0x171: {  	_ =	sfence.sel $0x180000  }
0x172: {  	[bflag:$0x0] =	sbarrier.arrive $0xFFFF  }
0x173: {  	_ =	strace $0x90000047  }
0x174: {  	s0 =	stileid.u32;
	[bflag:$0x2] =	sbarrier.arrive $0xFFFF  }
0x175: {  	p0 =	sne.s32 s0, $0x0;
	s0 =	rddreg [dreg:$0x3]  }
0x176: {  	s0 =	sadd.s32 @!p0 $0x100000, s0  }
0x177: {  	[sflag:s0] =	ssyncadd.tile.s32 @!p0 $0x1;
	_ =	shalt  }
.Lfunc_end2:
_tile_overlayer_lowered:
.L_overlay_start_2:
0x178: {  	(tag) =	ssettag $0x2  }
0x179: {  	s0 =	rddreg [dreg:$0x0];
	s2 =	stileid.u32  }
0x17a: {  	s1 =	rddreg [dreg:$0x1];
	p0 =	sne.s32 s2, $0x0  }
0x17b: {  	s3 =	rddreg [dreg:$0x2];
	[bflag:$0x3] =	sbarrier.arrive $0xFFFF;
	s2 =	simm.s32 @!p0 $0x1C02  }
0x17c: {  	[timem:s3], [sflag:s2] =	dma.local @!p0 [hbm:s0], s1  }
0x17d: {  	s0 =	simm.s32 @!p0 $0x2  }
0x17e: {  	_ =	swait.ge @!p0 [sflag:s0], s1  }
0x17f: {  	s1 =	ssub.s32 @!p0 $0x0, s1;
	[sflag:s0] =	ssyncset.done @!p0 $0x0  }
0x180: {  	[sflag:s0] =	ssyncadd.s32 @!p0 s1  }
0x181: {  	[bflag:$0x3] =	sbarrier.arrive $0xFFFF  }
0x182: {  	_ =	shalt  }

// kernel: kernel.15.cloned.1.call-start
scs
__scs_entry_jumppad:
0x0: {  	(pc) =	sbr.rel $0x88, $3  }
0x1: {  	(tag) =	ssettag $0x0;
	lr =	simm.s32 $0x1  }
0x2: {  	[smem:$0x3F8C] =	sst lr;
	_ =	strace $0xD0000000  }
0x3: {  	_ = 	snop  }
0x4: {  	_ = 	snop  }
0x5: {  	_ = 	snop  }
0x6: {  	_ = 	snop  }
0x7: {  	_ = 	snop  }
__scs_overlays_trampoline_lowered:
0x8: {  	[smem:$0x3F9B] =	sst s0  }
0x9: {  	[smem:$0x3F9C] =	sst s1  }
0xa: {  	[smem:$0x3F9D] =	sst s2  }
0xb: {  	[smem:$0x3F9E] =	sst s3  }
0xc: {  	[smem:$0x3F9F] =	sst s4  }
0xd: {  	[smem:$0x3FA0] =	sst s5  }
0xe: {  	[smem:$0x3FA1] =	sst s6  }
0xf: {  	[smem:$0x3FA2] =	sst s7  }
0x10: {  	[smem:$0x3FA3] =	sst s8  }
0x11: {  	[smem:$0x3FA4] =	sst s9;
	s0 =	simm.s32 @!p0 $0x0  }
0x12: {  	s1 =	sld [smem:$0x3F8A];
	s0 =	simm.s32 @p0 $0x1  }
0x13: {  	[smem:$0x3FA5] =	sst s0;
	s0 =	simm.s32 @!p1 $0x0  }
0x14: {  	s2 =	sld [smem:$0x3F89];
	s0 =	simm.s32 @p1 $0x1  }
0x15: {  	[smem:$0x3FA6] =	sst s0;
	s0 =	simm.s32 @!p2 $0x0  }
0x16: {  	s3 =	sld [smem:$0x3FDB];
	s0 =	simm.s32 @p2 $0x1  }
0x17: {  	s4 =	simm.s32 $0x1BF5;
	[smem:$0x3FA8] =	sst s0  }
0x18: {  	s0 =	sld [smem:$0x3F8B];
	_ =	swait.ge [sflag:s4], $0x0  }
0x19: {  	s7 =	sld [smem:$0x3F8C]  }
0x1a: {  	s8 =	sadd.s32 $0xFFFFE003, lr  }
0x1b: {  	s9 =	sadd.s32 $0xFFFFFEF7, lr;
	s5 =	simm.s32 $0xFFFFFFFF;
	p2 =	slt.u32 s8, $0xFFFFF086  }
0x1c: {  	p1 =	slt.u32 s9, $0xF7A;
	s5 =	simm.s32 @!p2 $0x0  }
0x1d: {  	s5 =	simm.s32 @p1 $0x1;
	p0 =	seq.s32 s7, s2  }
0x1e: {  	s7 =	smul.u32 @!p0 $0xF7A, s2;
	p2 =	seq.s32 @!p0 s5, $0x0  }
0x1f: {  	s9 =	smul.u32 $0xF7A, s1;
	s8 =	simm.s32 @!p0 $0x1BF5;
	p2 =	por !p2, p0  }
0x20: {  	[sflag:s8] =	ssyncset.s32 @!p0 $0xFFFFF086;
	s6 =	sadd.s32 @!p0 s3, s7;
	s7 =	simm.s32 @!p0 $0x108  }
0x21: {  	s3 =	sadd.s32 s3, s9;
	s6 =	sadd.s32 @!p0 $0x88, s6;
	s7 =	simm.s32 @p2 $0x1082  }
0x22: {  	[simem:s7], [sflag:s8] =	dma.local @!p0 [hbm:s6], $0xF7A  }
0x23: {  	s9 =	sor.u32 $0xD0000000, s2;
	s6 =	simm.s32 $0x108;
	_ =	swait.ge @!p0 [sflag:s8], $0x0  }
0x24: {  	s3 =	sadd.s32 $0x88, s3;
	s6 =	simm.s32 @!p1 $0x1082;
	[sflag:s4] =	ssyncset.s32 $0xFFFFF086  }
0x25: {  	[simem:s6], [sflag:s4] =	dma.local [hbm:s3], $0xF7A  }
0x26: {  	[smem:$0x3F8C] =	sst s1;
	(tag) =	ssettag s2;
	_ =	strace s9  }
0x27: {  	s1 =	sld [smem:$0x3F9C]  }
0x28: {  	s2 =	sld [smem:$0x3F9D]  }
0x29: {  	s4 =	sld [smem:$0x3F9F]  }
0x2a: {  	p0 =	seq.s32 s5, $0x0;
	s5 =	sld [smem:$0x3FA0]  }
0x2b: {  	s6 =	sld [smem:$0x3FA1]  }
0x2c: {  	s7 =	sld [smem:$0x3FA2]  }
0x2d: {  	s3 =	simm.s32 $0x108;
	s8 =	sld [smem:$0x3FA3]  }
0x2e: {  	s3 =	simm.s32 @!p0 $0x1082;
	s9 =	sld [smem:$0x3FA4]  }
0x2f: {  	lr =	sadd.s32 s0, s3;
	s0 =	sld [smem:$0x3F9B]  }
0x30: {  	s3 =	sld [smem:$0x3F9E]  }
0x31: {  	[smem:$0x3FA7] =	sst s10  }
0x32: {  	s10 =	sld [smem:$0x3FA5];
	_ =	sdelay $0x3  }
0x33: {  	p0 =	seq.s32 s10, $0x1;
	s10 =	sld [smem:$0x3FA7];
	_ =	sdelay $0x3  }
0x34: {  	[smem:$0x3FA7] =	sst s10  }
0x35: {  	s10 =	sld [smem:$0x3FA6];
	_ =	sdelay $0x3  }
0x36: {  	p1 =	seq.s32 s10, $0x1;
	s10 =	sld [smem:$0x3FA7];
	_ =	sdelay $0x3  }
0x37: {  	[smem:$0x3FA7] =	sst s10  }
0x38: {  	s10 =	sld [smem:$0x3FA8]  }
0x39: {  	_ = 	snop;
	(pc) =	sbr.ind lr, $3  }
0x3a: {  	_ = 	snop  }
0x3b: {  	_ = 	snop  }
0x3c: {  	p2 =	seq.s32 s10, $0x1;
	s10 =	sld [smem:$0x3FA7]  }
0x3d: {  	_ =	shalt  }
0x3e: {  	_ =	shalt  }
0x3f: {  	_ =	shalt  }
0x40: {  	_ =	shalt  }
0x41: {  	_ =	shalt  }
0x42: {  	_ =	shalt  }
0x43: {  	_ =	shalt  }
0x44: {  	_ =	shalt  }
0x45: {  	_ =	shalt  }
0x46: {  	_ =	shalt  }
0x47: {  	_ =	shalt  }
0x48: {  	_ =	shalt  }
0x49: {  	_ =	shalt  }
0x4a: {  	_ =	shalt  }
0x4b: {  	_ =	shalt  }
0x4c: {  	_ =	shalt  }
0x4d: {  	_ =	shalt  }
0x4e: {  	_ =	shalt  }
0x4f: {  	_ =	shalt  }
0x50: {  	_ =	shalt  }
0x51: {  	_ =	shalt  }
0x52: {  	_ =	shalt  }
0x53: {  	_ =	shalt  }
0x54: {  	_ =	shalt  }
0x55: {  	_ =	shalt  }
0x56: {  	_ =	shalt  }
0x57: {  	_ =	shalt  }
0x58: {  	_ =	shalt  }
0x59: {  	_ =	shalt  }
0x5a: {  	_ =	shalt  }
0x5b: {  	_ =	shalt  }
0x5c: {  	_ =	shalt  }
0x5d: {  	_ =	shalt  }
0x5e: {  	_ =	shalt  }
0x5f: {  	_ =	shalt  }
0x60: {  	_ =	shalt  }
0x61: {  	_ =	shalt  }
0x62: {  	_ =	shalt  }
0x63: {  	_ =	shalt  }
0x64: {  	_ =	shalt  }
0x65: {  	_ =	shalt  }
0x66: {  	_ =	shalt  }
0x67: {  	_ =	shalt  }
0x68: {  	_ =	shalt  }
0x69: {  	_ =	shalt  }
0x6a: {  	_ =	shalt  }
0x6b: {  	_ =	shalt  }
0x6c: {  	_ =	shalt  }
0x6d: {  	_ =	shalt  }
0x6e: {  	_ =	shalt  }
0x6f: {  	_ =	shalt  }
0x70: {  	_ =	shalt  }
0x71: {  	_ =	shalt  }
0x72: {  	_ =	shalt  }
0x73: {  	_ =	shalt  }
0x74: {  	_ =	shalt  }
0x75: {  	_ =	shalt  }
0x76: {  	_ =	shalt  }
0x77: {  	_ =	shalt  }
0x78: {  	_ =	shalt  }
0x79: {  	_ =	shalt  }
0x7a: {  	_ =	shalt  }
0x7b: {  	_ =	shalt  }
0x7c: {  	_ =	shalt  }
0x7d: {  	_ =	shalt  }
0x7e: {  	_ =	shalt  }
0x7f: {  	_ =	shalt  }
0x80: {  	_ =	shalt  }
0x81: {  	_ =	shalt  }
0x82: {  	_ =	shalt  }
0x83: {  	_ =	shalt  }
0x84: {  	_ =	shalt  }
0x85: {  	_ =	shalt  }
0x86: {  	_ =	shalt  }
0x87: {  	_ =	shalt  }
.Lfunc_end0:
.L_simem_size_0:
called_computation.2_lowered:
.L_overlay_start_0:
0x88: {  	s2 =	sld [smem:$0x3FD9]  }
0x89: {  	s3 =	sld [smem:$0x3FFE];
	_ =	sdelay $0x1  }
0x8a: {  	s1 =	srdreg.scid  }
0x8b: {  	s0 =	sand.u32 $0x1, s1  }
0x8c: {  	s16 =	sshll.u32 s0, $0xA;
	s2 =	sadd.s32 s3, s2  }
0x8d: {  	s2 =	sadd.s32 s2, s16  }
0x8e: {  	[smem:$0x3FB3] =	sst s2  }
0x8f: {  	_ = 	snop  }
0x90: {  	(tm) =	ssettm $0x1  }
0x91: {  	s17 =	sld [smem:$0x3FFB];
	_ =	sdelay $0x3  }
0x92: {  	_ =	strace s17  }
0x93: {  	s2 =	sld [smem:$0x3FFC];
	_ =	sdelay $0x3  }
0x94: {  	_ =	strace s2  }
0x95: {  	s2 =	sld [smem:$0x3FFD];
	_ =	sdelay $0x3  }
0x96: {  	_ =	strace s2  }
0x97: {  	_ =	strace $0x8FFFFFFF  }
0x98: {  	s18 =	sld [smem:$0x3FDB];
	_ =	sdelay $0x1  }
0x99: {  	s19 =	simm.s32 $_scs_section_size  }
0x9a: {  	s4 =	simm.s32 $_size__tile_overlayer_lowered;
	s5 =	simm.s32 $_tile_overlayer_lowered  }
0x9b: {  	s22 =	simm.s32 $0x1BFF;
	s21 =	sshll.u32 s5, $0x1;
	s2 =	sadd.s32 s19, s18  }
0x9c: {  	s6 =	simm.s32 $0x0;
	s20 =	sshll.u32 s4, $0x1;
	s4 =	sadd.s32 s21, s2  }
0x9d: {  	[timem:s6], [sflag:s22] =	dma.local [hbm:s4], s20  }
0x9e: {  	_ =	swait.ge [sflag:s22], s20  }
0x9f: {  	s3 =	ssub.s32 $0x0, s20;
	[sflag:s22] =	ssyncset.done $0x0  }
0xa0: {  	[sflag:s22] =	ssyncadd.s32 s3;
	_ =	sdelay $0x1  }
0xa1: {  	s23 =	simm.s32 $0x1B8B  }
0xa2: {  	_ =	swait.ge [sflag:s23], $0x1  }
0xa3: {  	[sflag:s23] =	ssyncset.done $0x0  }
0xa4: {  	s25 =	simm.s32 $0x1B8E;
	s24 =	sld [smem:$0x3FFE];
	[sflag:s23] =	ssyncadd.s32 $0xFFFFFFFF  }
0xa5: {  	s26 =	simm.s32 $execute0_lowered;
	[smem:$0x3FD2] =	sst s25  }
0xa6: {  	s4 =	sshll.u32 s26, $0x1;
	_ =	strace $0x8000004C;
	[dreg:$0x1] =	wrdreg $0xFFFFFFFF  }
0xa7: {  	s28 =	simm.s32 $_size_execute0_lowered;
	s2 =	sadd.s32 s2, s4;
	[dreg:$0x0] =	wrdreg $0x0  }
0xa8: {  	s4 =	sshll.u32 s28, $0x1;
	[dreg:$0x2] =	wrdreg s2  }
0xa9: {  	[dreg:$0x3] =	wrdreg s4  }
0xaa: {  	[dreg:$0x4] =	wrdreg $0xC0  }
0xab: {  	_ =	task [dreg:s6], $0x5FFFF  }
0xac: {  	[dreg:$0x1] =	wrdreg $0xFFFFFFFF  }
0xad: {  	[dreg:$0x0] =	wrdreg $0x60  }
0xae: {  	[dreg:$0x2] =	wrdreg s24  }
0xaf: {  	[dreg:$0x3] =	wrdreg $0x88000  }
0xb0: {  	[dreg:$0x4] =	wrdreg $0x9  }
0xb1: {  	_ =	task.clear_ibuf [dreg:s6], $0x5FFFF;
	_ =	strace $0x9000004C  }
0xb2: {  	s29 =	simm.s32 $0x9;
	_ =	strace $0x8000004E  }
0xb3: {  	_ =	swait.ge [sflag:s29], $0x1  }
0xb4: {  	[sflag:s29] =	ssyncadd.s32 $0xFFFFFFFF  }
0xb5: {  	_ =	strace $0x9000004E  }
0xb6: {  	_ =	sfence  }
0xb7: {  	s30 =	sld [smem:$0x0];
	_ =	sdelay $0x2  }
0xb8: {  	s31 =	sshll.u32 s1, $0xD;
	s1 =	sshrl.u32 s1, $0x2  }
0xb9: {  	s3 =	sand.u32 $0x4000, s31;
	s1 =	sadd.s32 s1, s30  }
0xba: {  	s0 =	sor.u32 s3, s0;
	s1 =	sshll.u32 s1, $0x11  }
0xbb: {  	s0 =	sor.u32 s1, s0  }
0xbc: {  	s0 =	sadd.s32 $0x8F2B, s0  }
0xbd: {  	[sflag:s0] =	ssyncadd.remote.s32 $0x1  }
0xbe: {  	_ =	sfence.sel $0xFFFF  }
0xbf: {  	[dreg:$0x0] =	wrdreg $0xFFFFFFFF;
	(pc) =	sbr.abs _section_cstart, $3  }
0xc0: {  	[dreg:$0x1] =	wrdreg $0xFFFFFFFF  }
0xc1: {  	_ =	task.clear_ibuf [dreg:s6], $0x2FFFF;
	_ =	strace $0x9FFFFFFF  }
0xc2: {  	(tm) =	ssettm $0x7FFFFFFF  }
0xc3: {  	_ =	shalt  }
tec
execute0_lowered:
.L_overlay_start_1:
0x0: {  	(tag) =	ssettag $0x1  }
0x1: {  	s0 =	rddreg [dreg:$0x0]  }
0x2: {  	s2 =	rddreg [dreg:$0x1];
	s3 =	simm.s32 $0x0  }
0x3: {  	s5 =	stileid.u32;
	s1 =	srdreg.scid;
	s16 =	simm.s32 $0x400  }
0x4: {  	s17 =	simm.s32 $0x800;
	s18 =	simm.s32 $0x1;
	s19 =	simm.s32 $0x4800  }
0x5: {  	s28 =	simm.s32 $0x600;
	s29 =	simm.s32 $0x300;
	s30 =	simm.s32 $0x680  }
0x6: {  	s31 =	simm.s32 $0x380;
	[smem:$0x7FF] =	sst s3;
	s7 =	smul.u32 $0x13C00, s5  }
0x7: {  	s1 =	sand.u32 $0x1, s1;
	s4 =	sadd.s32 $0x3FE00, s0;
	s14 =	sadd.s32 $0xE600, s0  }
0x8: {  	s6 =	sadd.s32 $0x4600, s0;
	s10 =	smul.u32 $0x4F000, s5;
	s23 =	sshll.u32 s5, $0x6  }
0x9: {  	s24 =	sshll.u32 s5, $0x8;
	s25 =	smul.u32 $0x900, s5;
	s5 =	simm.s32 $0x0  }
0xa: {  	_ =	strace $0x8000004D;
	s8 =	smul.u32 $0x13C000, s1;
	s20 =	ssub.s32 $0x2, s1  }
0xb: {  	s15 =	sor.u32 $0x1C02, s23;
	p0 =	seq.s32 s1, $0x1;
	[dreg:$0x9] =	wrdreg s5  }
0xc: {  	s23 =	simm.s32 $0x500;
	s1 =	simm.s32 $0x780;
	[dreg:$0x3] =	wrdreg s14  }
0xd: {  	s9 =	sshrl.u32 s7, $0x3;
	s11 =	sshrl.u32 s20, $0x1;
	s22 =	sshrl.u32 s10, $0x2  }
0xe: {  	s12 =	sadd.s32 s25, s6;
	s13 =	sadd.s32 s25, s14;
	s10 =	smov.u32 s15  }
0xf: {  	s15 =	simm.s32 $0x2;
	s25 =	simm.s32 $0x580;
	s7 =	sadd.s32 s7, s8  }
0x10: {  	s9 =	sadd.s32 s9, s0;
	s21 =	ssub.s32 s20, s11;
	s8 =	sadd.s32 s22, s2  }
0x11: {  	s20 =	simm.s32 $0x100;
	s22 =	simm.s32 $0x180;
	[dreg:$0x5] =	wrdreg s10  }
0x12: {  	s7 =	sshrl.u32 s7, $0x3;
	s11 =	sadd.s32 $0x18600, s9;
	s26 =	smax.u32 s21, $0x1  }
.Ltmp0:
0x13: {  	s9 =	sor.u32 $0x9000, s24;
	[dreg:$0x7] =	wrdreg s26;
	(pc) =	sbr.rel .LBB2_1-.Ltmp0, $4  }
0x14: {  	s8 =	sshrl.u32 s8, $0x3;
	s21 =	simm.s32 $0x480;
	[dreg:$0x4] =	wrdreg s11  }
0x15: {  	s24 =	simm.s32 $0x200;
	s0 =	sadd.s32 s7, s0;
	[dreg:$0x8] =	wrdreg s8  }
0x16: {  	s26 =	simm.s32 $0x280;
	[dreg:$0xa] =	wrdreg s9;
	s0 =	sadd.s32 $0xDDE00, s0  }
0x17: {  	s7 =	simm.s32 $0x80;
	[dreg:$0x6] =	wrdreg s0;
	s0 =	simm.s32 $0x700  }
.LBB2_4:
0x18: {  	s5 =	sadd.s32 s11, s13;
	[sflag:s15] =	ssyncadd.s32 $0xFFFFC000  }
0x19: {  	[tilespmem:s3], [sflag:$0x2] =	stream.linear.gather [hbm4b:s5+s3], $0x400, $0x38;
	[tilespmem:$0x1C400] =	vst v63  }
0x1a: {  	_ =	swait.ge [sflag:s15], $0x400  }
0x1b: {  	[sflag:s15] =	ssyncset.done $0x0  }
0x1c: {  	s14 =	sadd.s32 s11, s12;
	[sflag:s15] =	ssyncadd.s32 $0xFFFFFC00  }
0x1d: {  	[tilespmem:s16], [sflag:$0x2] =	stream.linear.gather [hbm4b:s14+s3], $0x400, $0x38;
	[tilespmem:$0x1C400] =	vst v63  }
0x1e: {  	_ =	swait.ge [sflag:s15], $0x400  }
0x1f: {  	[sflag:s15] =	ssyncset.done $0x0  }
0x20: {  	[sflag:s15] =	ssyncadd.s32 $0xFFFFFC00  }
0x21: {  	[tilespmem:s17], [sflag:$0x1] =	stream.indirect.gather [hbm4b:s4+s7], $0x80, s3, s7, $0xb8;
	[tilespmem:$0x1C400] =	vst v63  }
0x22: {  	_ =	swait.ge [sflag:s18], $0x4000  }
0x23: {  	[sflag:s18] =	ssyncset.done $0x0  }
0x24: {  	[sflag:s18] =	ssyncadd.s32 $0xFFFFC000  }
0x25: {  	[tilespmem:s19], [sflag:$0x1] =	stream.indirect.gather [hbm4b:s4+s7], $0x80, s7, s7, $0xb8;
	[tilespmem:$0x1C400] =	vst v63  }
0x26: {  	_ = 	snop  }
0x27: {  	[spmem:s2] =	stream.indirect.scatter.add.f32 [tilespmem:s17], [sflag:$0x2], $0x80, s16, s7, $0xb8;
	[tilespmem:$0x1C400] =	vst v63  }
0x28: {  	_ =	swait.ge [sflag:s15], $0x4000  }
0x29: {  	[sflag:s15] =	ssyncset.done $0x0  }
0x2a: {  	[sflag:s15] =	ssyncadd.s32 $0xFFFFC000  }
0x2b: {  	_ =	swait.ge [sflag:s18], $0x4000  }
0x2c: {  	[sflag:s18] =	ssyncset.done $0x0  }
0x2d: {  	[sflag:s18] =	ssyncadd.s32 $0xFFFFC000  }
0x2e: {  	[tilespmem:s17], [sflag:$0x1] =	stream.indirect.gather [hbm4b:s4+s7], $0x80, s20, s7, $0xb8;
	[tilespmem:$0x1C400] =	vst v63  }
0x2f: {  	_ = 	snop  }
0x30: {  	[spmem:s2] =	stream.indirect.scatter.add.f32 [tilespmem:s19], [sflag:$0x2], $0x80, s21, s7, $0xb8;
	[tilespmem:$0x1C400] =	vst v63  }
0x31: {  	_ =	swait.ge [sflag:s15], $0x4000  }
0x32: {  	[sflag:s15] =	ssyncset.done $0x0  }
0x33: {  	[sflag:s15] =	ssyncadd.s32 $0xFFFFC000  }
0x34: {  	_ =	swait.ge [sflag:s18], $0x4000  }
0x35: {  	[sflag:s18] =	ssyncset.done $0x0  }
0x36: {  	[sflag:s18] =	ssyncadd.s32 $0xFFFFC000  }
0x37: {  	[tilespmem:s19], [sflag:$0x1] =	stream.indirect.gather [hbm4b:s4+s7], $0x80, s22, s7, $0xb8;
	[tilespmem:$0x1C400] =	vst v63  }
0x38: {  	_ = 	snop  }
0x39: {  	[spmem:s2] =	stream.indirect.scatter.add.f32 [tilespmem:s17], [sflag:$0x2], $0x80, s23, s7, $0xb8;
	[tilespmem:$0x1C400] =	vst v63  }
0x3a: {  	_ =	swait.ge [sflag:s15], $0x4000  }
0x3b: {  	[sflag:s15] =	ssyncset.done $0x0  }
0x3c: {  	[sflag:s15] =	ssyncadd.s32 $0xFFFFC000  }
0x3d: {  	_ =	swait.ge [sflag:s18], $0x4000  }
0x3e: {  	[sflag:s18] =	ssyncset.done $0x0  }
0x3f: {  	[sflag:s18] =	ssyncadd.s32 $0xFFFFC000  }
0x40: {  	[tilespmem:s17], [sflag:$0x1] =	stream.indirect.gather [hbm4b:s4+s7], $0x80, s24, s7, $0xb8;
	[tilespmem:$0x1C400] =	vst v63  }
0x41: {  	_ = 	snop  }
0x42: {  	[spmem:s2] =	stream.indirect.scatter.add.f32 [tilespmem:s19], [sflag:$0x2], $0x80, s25, s7, $0xb8;
	[tilespmem:$0x1C400] =	vst v63  }
0x43: {  	_ =	swait.ge [sflag:s15], $0x4000  }
0x44: {  	[sflag:s15] =	ssyncset.done $0x0  }
0x45: {  	[sflag:s15] =	ssyncadd.s32 $0xFFFFC000  }
0x46: {  	_ =	swait.ge [sflag:s18], $0x4000  }
0x47: {  	[sflag:s18] =	ssyncset.done $0x0  }
0x48: {  	[sflag:s18] =	ssyncadd.s32 $0xFFFFC000  }
0x49: {  	[tilespmem:s19], [sflag:$0x1] =	stream.indirect.gather [hbm4b:s4+s7], $0x80, s26, s7, $0xb8;
	[tilespmem:$0x1C400] =	vst v63  }
0x4a: {  	_ = 	snop  }
0x4b: {  	[spmem:s2] =	stream.indirect.scatter.add.f32 [tilespmem:s17], [sflag:$0x2], $0x80, s28, s7, $0xb8;
	[tilespmem:$0x1C400] =	vst v63  }
0x4c: {  	_ =	swait.ge [sflag:s15], $0x4000  }
0x4d: {  	[sflag:s15] =	ssyncset.done $0x0  }
0x4e: {  	[sflag:s15] =	ssyncadd.s32 $0xFFFFC000  }
0x4f: {  	_ =	swait.ge [sflag:s18], $0x4000  }
0x50: {  	[sflag:s18] =	ssyncset.done $0x0  }
0x51: {  	[sflag:s18] =	ssyncadd.s32 $0xFFFFC000  }
0x52: {  	[tilespmem:s17], [sflag:$0x1] =	stream.indirect.gather [hbm4b:s4+s7], $0x80, s29, s7, $0xb8;
	[tilespmem:$0x1C400] =	vst v63  }
0x53: {  	_ = 	snop  }
0x54: {  	[spmem:s2] =	stream.indirect.scatter.add.f32 [tilespmem:s19], [sflag:$0x2], $0x80, s30, s7, $0xb8;
	[tilespmem:$0x1C400] =	vst v63  }
0x55: {  	_ =	swait.ge [sflag:s15], $0x4000  }
0x56: {  	[sflag:s15] =	ssyncset.done $0x0  }
0x57: {  	[sflag:s15] =	ssyncadd.s32 $0xFFFFC000  }
0x58: {  	_ =	swait.ge [sflag:s18], $0x4000  }
0x59: {  	[sflag:s18] =	ssyncset.done $0x0  }
0x5a: {  	[sflag:s18] =	ssyncadd.s32 $0xFFFFC000  }
0x5b: {  	[tilespmem:s19], [sflag:$0x1] =	stream.indirect.gather [hbm4b:s4+s7], $0x80, s31, s7, $0xb8;
	[tilespmem:$0x1C400] =	vst v63  }
0x5c: {  	_ = 	snop  }
0x5d: {  	[spmem:s2] =	stream.indirect.scatter.add.f32 [tilespmem:s17], [sflag:$0x2], $0x80, s0, s7, $0xb8;
	[tilespmem:$0x1C400] =	vst v63  }
0x5e: {  	_ =	swait.ge [sflag:s15], $0x4000  }
0x5f: {  	[sflag:s15] =	ssyncset.done $0x0  }
0x60: {  	[sflag:s15] =	ssyncadd.s32 $0xFFFFC000  }
0x61: {  	_ =	swait.ge [sflag:s18], $0x4000  }
0x62: {  	[sflag:s18] =	ssyncset.done $0x0  }
0x63: {  	[sflag:s18] =	ssyncadd.s32 $0xFFFFC000  }
0x64: {  	[spmem:s2] =	stream.indirect.scatter.add.f32 [tilespmem:s19], [sflag:$0x2], $0x80, s1, s7, $0xb8;
	[tilespmem:$0x1C400] =	vst v63  }
0x65: {  	_ =	swait.ge [sflag:s15], $0x4000  }
0x66: {  	s14 =	rddreg [dreg:$0x3]  }
0x67: {  	[sflag:s15] =	ssyncset.done $0x0;
	s11 =	rddreg [dreg:$0x4]  }
0x68: {  	s10 =	rddreg [dreg:$0x5];
	[sflag:s15] =	ssyncadd.s32 $0xFFFFC000  }
.LBB2_6:
0x69: {  	[bflag:$0x0] =	sbarrier.arrive $0xFFFF  }
0x6a: {  	s5 =	rddreg [dreg:$0x6]  }
0x6b: {  	s8 =	rddreg [dreg:$0x8]  }
0x6c: {  	[hbm:s5], [sflag:s10] =	dma.local [spmem:s8], $0x2780  }
0x6d: {  	_ =	swait.ge [sflag:s15], $0x2780  }
0x6e: {  	s9 =	smov.u32 s6;
	s6 =	smov.u32 s10;
	s5 =	rddreg [dreg:$0x9]  }
0x6f: {  	s10 =	smov.u32 s11;
	s11 =	sadd.s32 $0x1, s5;
	s5 =	rddreg [dreg:$0x7]  }
0x70: {  	p1 =	sne.s32 s11, s5  }
.Ltmp1:
0x71: {  	_ = 	snop;
	(pc) =	sbr.rel @!p1 .LBB2_7-.Ltmp1, $4  }
0x72: {  	_ = 	snop  }
0x73: {  	[sflag:s15] =	ssyncset.done $0x0  }
0x74: {  	[sflag:s15] =	ssyncadd.s32 $0xFFFFD880;
	[dreg:$0x9] =	wrdreg s11;
	s11 =	smov.u32 s10  }
0x75: {  	s10 =	smov.u32 s6;
	s6 =	smov.u32 s9;
	s9 =	rddreg [dreg:$0xa]  }
.LBB2_1:
0x76: {  	[spmem:s8], [sflag:s10] =	dma.local [hbm:s11], $0x2780  }
.Ltmp2:
0x77: {  	_ =	swait.ge [sflag:s15], $0x2780;
	(pc) =	sbr.rel @!p0 .LBB2_2-.Ltmp2, $4  }
0x78: {  	[sflag:s15] =	ssyncset.done $0x0  }
0x79: {  	[sflag:s15] =	ssyncadd.s32 $0xFFFFD880  }
0x7a: {  	[bflag:$0x0] =	sbarrier.arrive $0xFFFF  }
0x7b: {  	p1 =	por $0x1, $0x1;
	s8 =	simm.s32 $0x0  }
.LBB2_5:
0x7c: {  	s5 =	sor.u32 s9, s8  }
0x7d: {  	s8 =	sadd.s32 s14, s5  }
0x7e: {  	[tilespmem:s3], [sflag:$0x2] =	stream.linear.gather [hbm4b:s8+s3], $0x400, $0x38;
	[tilespmem:$0x1C400] =	vst v63  }
0x7f: {  	_ =	swait.ge [sflag:s15], $0x400  }
0x80: {  	[sflag:s15] =	ssyncset.done $0x0  }
0x81: {  	s5 =	sadd.s32 s6, s5;
	[sflag:s15] =	ssyncadd.s32 $0xFFFFFC00  }
0x82: {  	[tilespmem:s16], [sflag:$0x2] =	stream.linear.gather [hbm4b:s5+s3], $0x400, $0x38;
	[tilespmem:$0x1C400] =	vst v63  }
0x83: {  	_ =	swait.ge [sflag:s15], $0x400  }
0x84: {  	[sflag:s15] =	ssyncset.done $0x0  }
0x85: {  	s8 =	simm.s32 $0x80;
	[sflag:s15] =	ssyncadd.s32 $0xFFFFFC00  }
0x86: {  	[tilespmem:s17], [sflag:$0x1] =	stream.indirect.gather [hbm4b:s4+s8], $0x80, s3, s8, $0xb8;
	[tilespmem:$0x1C400] =	vst v63  }
0x87: {  	_ =	swait.ge [sflag:s18], $0x4000  }
0x88: {  	[sflag:s18] =	ssyncset.done $0x0  }
0x89: {  	[sflag:s18] =	ssyncadd.s32 $0xFFFFC000  }
0x8a: {  	[tilespmem:s19], [sflag:$0x1] =	stream.indirect.gather [hbm4b:s4+s8], $0x80, s8, s8, $0xb8;
	[tilespmem:$0x1C400] =	vst v63  }
0x8b: {  	_ = 	snop  }
0x8c: {  	[spmem:s2] =	stream.indirect.scatter.add.f32 [tilespmem:s17], [sflag:$0x2], $0x80, s16, s8, $0xb8;
	[tilespmem:$0x1C400] =	vst v63  }
0x8d: {  	_ =	swait.ge [sflag:s15], $0x4000  }
0x8e: {  	[sflag:s15] =	ssyncset.done $0x0  }
0x8f: {  	[sflag:s15] =	ssyncadd.s32 $0xFFFFC000  }
0x90: {  	_ =	swait.ge [sflag:s18], $0x4000  }
0x91: {  	[sflag:s18] =	ssyncset.done $0x0  }
0x92: {  	[sflag:s18] =	ssyncadd.s32 $0xFFFFC000  }
0x93: {  	[tilespmem:s17], [sflag:$0x1] =	stream.indirect.gather [hbm4b:s4+s8], $0x80, s20, s8, $0xb8;
	[tilespmem:$0x1C400] =	vst v63  }
0x94: {  	_ = 	snop  }
0x95: {  	[spmem:s2] =	stream.indirect.scatter.add.f32 [tilespmem:s19], [sflag:$0x2], $0x80, s21, s8, $0xb8;
	[tilespmem:$0x1C400] =	vst v63  }
0x96: {  	_ =	swait.ge [sflag:s15], $0x4000  }
0x97: {  	[sflag:s15] =	ssyncset.done $0x0  }
0x98: {  	[sflag:s15] =	ssyncadd.s32 $0xFFFFC000  }
0x99: {  	_ =	swait.ge [sflag:s18], $0x4000  }
0x9a: {  	[sflag:s18] =	ssyncset.done $0x0  }
0x9b: {  	[sflag:s18] =	ssyncadd.s32 $0xFFFFC000  }
0x9c: {  	[tilespmem:s19], [sflag:$0x1] =	stream.indirect.gather [hbm4b:s4+s8], $0x80, s22, s8, $0xb8;
	[tilespmem:$0x1C400] =	vst v63  }
0x9d: {  	_ = 	snop  }
0x9e: {  	[spmem:s2] =	stream.indirect.scatter.add.f32 [tilespmem:s17], [sflag:$0x2], $0x80, s23, s8, $0xb8;
	[tilespmem:$0x1C400] =	vst v63  }
0x9f: {  	_ =	swait.ge [sflag:s15], $0x4000  }
0xa0: {  	[sflag:s15] =	ssyncset.done $0x0  }
0xa1: {  	[sflag:s15] =	ssyncadd.s32 $0xFFFFC000  }
0xa2: {  	_ =	swait.ge [sflag:s18], $0x4000  }
0xa3: {  	[sflag:s18] =	ssyncset.done $0x0  }
0xa4: {  	[sflag:s18] =	ssyncadd.s32 $0xFFFFC000  }
0xa5: {  	[tilespmem:s17], [sflag:$0x1] =	stream.indirect.gather [hbm4b:s4+s8], $0x80, s24, s8, $0xb8;
	[tilespmem:$0x1C400] =	vst v63  }
0xa6: {  	_ = 	snop  }
0xa7: {  	[spmem:s2] =	stream.indirect.scatter.add.f32 [tilespmem:s19], [sflag:$0x2], $0x80, s25, s8, $0xb8;
	[tilespmem:$0x1C400] =	vst v63  }
0xa8: {  	_ =	swait.ge [sflag:s15], $0x4000  }
0xa9: {  	[sflag:s15] =	ssyncset.done $0x0  }
0xaa: {  	[sflag:s15] =	ssyncadd.s32 $0xFFFFC000  }
0xab: {  	_ =	swait.ge [sflag:s18], $0x4000  }
0xac: {  	[sflag:s18] =	ssyncset.done $0x0  }
0xad: {  	[sflag:s18] =	ssyncadd.s32 $0xFFFFC000  }
0xae: {  	[tilespmem:s19], [sflag:$0x1] =	stream.indirect.gather [hbm4b:s4+s8], $0x80, s26, s8, $0xb8;
	[tilespmem:$0x1C400] =	vst v63  }
0xaf: {  	_ = 	snop  }
0xb0: {  	[spmem:s2] =	stream.indirect.scatter.add.f32 [tilespmem:s17], [sflag:$0x2], $0x80, s28, s8, $0xb8;
	[tilespmem:$0x1C400] =	vst v63  }
0xb1: {  	_ =	swait.ge [sflag:s15], $0x4000  }
0xb2: {  	[sflag:s15] =	ssyncset.done $0x0  }
0xb3: {  	[sflag:s15] =	ssyncadd.s32 $0xFFFFC000  }
0xb4: {  	_ =	swait.ge [sflag:s18], $0x4000  }
0xb5: {  	[sflag:s18] =	ssyncset.done $0x0  }
0xb6: {  	[sflag:s18] =	ssyncadd.s32 $0xFFFFC000  }
0xb7: {  	[tilespmem:s17], [sflag:$0x1] =	stream.indirect.gather [hbm4b:s4+s8], $0x80, s29, s8, $0xb8;
	[tilespmem:$0x1C400] =	vst v63  }
0xb8: {  	_ = 	snop  }
0xb9: {  	[spmem:s2] =	stream.indirect.scatter.add.f32 [tilespmem:s19], [sflag:$0x2], $0x80, s30, s8, $0xb8;
	[tilespmem:$0x1C400] =	vst v63  }
0xba: {  	_ =	swait.ge [sflag:s15], $0x4000  }
0xbb: {  	[sflag:s15] =	ssyncset.done $0x0  }
0xbc: {  	[sflag:s15] =	ssyncadd.s32 $0xFFFFC000  }
0xbd: {  	_ =	swait.ge [sflag:s18], $0x4000  }
0xbe: {  	[sflag:s18] =	ssyncset.done $0x0  }
0xbf: {  	[sflag:s18] =	ssyncadd.s32 $0xFFFFC000  }
0xc0: {  	[tilespmem:s19], [sflag:$0x1] =	stream.indirect.gather [hbm4b:s4+s8], $0x80, s31, s8, $0xb8;
	[tilespmem:$0x1C400] =	vst v63  }
0xc1: {  	_ = 	snop  }
0xc2: {  	[spmem:s2] =	stream.indirect.scatter.add.f32 [tilespmem:s17], [sflag:$0x2], $0x80, s0, s8, $0xb8;
	[tilespmem:$0x1C400] =	vst v63  }
0xc3: {  	_ =	swait.ge [sflag:s15], $0x4000  }
0xc4: {  	[sflag:s15] =	ssyncset.done $0x0  }
0xc5: {  	[sflag:s15] =	ssyncadd.s32 $0xFFFFC000  }
0xc6: {  	_ =	swait.ge [sflag:s18], $0x4000  }
0xc7: {  	p2 =	por p1, p1;
	[sflag:s18] =	ssyncset.done $0x0  }
.Ltmp3:
0xc8: {  	[sflag:s18] =	ssyncadd.s32 $0xFFFFC000;
	(pc) =	sbr.rel @p2 .LBB2_5-.Ltmp3, $4  }
0xc9: {  	[spmem:s2] =	stream.indirect.scatter.add.f32 [tilespmem:s19], [sflag:$0x2], $0x80, s1, s8, $0xb8;
	[tilespmem:$0x1C400] =	vst v63  }
0xca: {  	_ =	swait.ge [sflag:s15], $0x4000  }
0xcb: {  	[sflag:s15] =	ssyncset.done $0x0  }
0xcc: {  	p1 =	por $0x0, $0x0;
	[sflag:s15] =	ssyncadd.s32 $0xFFFFC000  }
.Ltmp4:
0xcd: {  	_ = 	snop;
	(pc) =	sbr.rel .LBB2_6-.Ltmp4, $1  }
0xce: {  	_ =	sdelay $0x3  }
.LBB2_2:
0xcf: {  	s8 =	sadd.s32 $0x0, s13  }
0xd0: {  	[tilespmem:s3], [sflag:$0x2] =	stream.linear.gather [hbm4b:s8+s3], $0x400, $0x38;
	[tilespmem:$0x1C400] =	vst v63  }
0xd1: {  	_ =	swait.ge [sflag:s15], $0x400  }
0xd2: {  	[sflag:s15] =	ssyncset.done $0x0  }
0xd3: {  	s14 =	sadd.s32 $0x0, s12;
	[sflag:s15] =	ssyncadd.s32 $0xFFFFFC00  }
0xd4: {  	[tilespmem:s16], [sflag:$0x2] =	stream.linear.gather [hbm4b:s14+s3], $0x400, $0x38;
	[tilespmem:$0x1C400] =	vst v63  }
0xd5: {  	_ =	swait.ge [sflag:s15], $0x400  }
0xd6: {  	[sflag:s15] =	ssyncset.done $0x0  }
0xd7: {  	[sflag:s15] =	ssyncadd.s32 $0xFFFFFC00  }
0xd8: {  	[tilespmem:s17], [sflag:$0x1] =	stream.indirect.gather [hbm4b:s4+s7], $0x80, s3, s7, $0xb8;
	[tilespmem:$0x1C400] =	vst v63  }
0xd9: {  	_ =	swait.ge [sflag:s18], $0x4000  }
0xda: {  	[sflag:s18] =	ssyncset.done $0x0  }
0xdb: {  	[sflag:s18] =	ssyncadd.s32 $0xFFFFC000  }
0xdc: {  	[tilespmem:s19], [sflag:$0x1] =	stream.indirect.gather [hbm4b:s4+s7], $0x80, s7, s7, $0xb8;
	[tilespmem:$0x1C400] =	vst v63  }
0xdd: {  	_ = 	snop  }
0xde: {  	[spmem:s2] =	stream.indirect.scatter.add.f32 [tilespmem:s17], [sflag:$0x2], $0x80, s16, s7, $0xb8;
	[tilespmem:$0x1C400] =	vst v63  }
0xdf: {  	_ =	swait.ge [sflag:s15], $0x4000  }
0xe0: {  	[sflag:s15] =	ssyncset.done $0x0  }
0xe1: {  	[sflag:s15] =	ssyncadd.s32 $0xFFFFC000  }
0xe2: {  	_ =	swait.ge [sflag:s18], $0x4000  }
0xe3: {  	[sflag:s18] =	ssyncset.done $0x0  }
0xe4: {  	[sflag:s18] =	ssyncadd.s32 $0xFFFFC000  }
0xe5: {  	[tilespmem:s17], [sflag:$0x1] =	stream.indirect.gather [hbm4b:s4+s7], $0x80, s20, s7, $0xb8;
	[tilespmem:$0x1C400] =	vst v63  }
0xe6: {  	_ = 	snop  }
0xe7: {  	[spmem:s2] =	stream.indirect.scatter.add.f32 [tilespmem:s19], [sflag:$0x2], $0x80, s21, s7, $0xb8;
	[tilespmem:$0x1C400] =	vst v63  }
0xe8: {  	_ =	swait.ge [sflag:s15], $0x4000  }
0xe9: {  	[sflag:s15] =	ssyncset.done $0x0  }
0xea: {  	[sflag:s15] =	ssyncadd.s32 $0xFFFFC000  }
0xeb: {  	_ =	swait.ge [sflag:s18], $0x4000  }
0xec: {  	[sflag:s18] =	ssyncset.done $0x0  }
0xed: {  	[sflag:s18] =	ssyncadd.s32 $0xFFFFC000  }
0xee: {  	[tilespmem:s19], [sflag:$0x1] =	stream.indirect.gather [hbm4b:s4+s7], $0x80, s22, s7, $0xb8;
	[tilespmem:$0x1C400] =	vst v63  }
0xef: {  	_ = 	snop  }
0xf0: {  	[spmem:s2] =	stream.indirect.scatter.add.f32 [tilespmem:s17], [sflag:$0x2], $0x80, s23, s7, $0xb8;
	[tilespmem:$0x1C400] =	vst v63  }
0xf1: {  	_ =	swait.ge [sflag:s15], $0x4000  }
0xf2: {  	[sflag:s15] =	ssyncset.done $0x0  }
0xf3: {  	[sflag:s15] =	ssyncadd.s32 $0xFFFFC000  }
0xf4: {  	_ =	swait.ge [sflag:s18], $0x4000  }
0xf5: {  	[sflag:s18] =	ssyncset.done $0x0  }
0xf6: {  	[sflag:s18] =	ssyncadd.s32 $0xFFFFC000  }
0xf7: {  	[tilespmem:s17], [sflag:$0x1] =	stream.indirect.gather [hbm4b:s4+s7], $0x80, s24, s7, $0xb8;
	[tilespmem:$0x1C400] =	vst v63  }
0xf8: {  	_ = 	snop  }
0xf9: {  	[spmem:s2] =	stream.indirect.scatter.add.f32 [tilespmem:s19], [sflag:$0x2], $0x80, s25, s7, $0xb8;
	[tilespmem:$0x1C400] =	vst v63  }
0xfa: {  	_ =	swait.ge [sflag:s15], $0x4000  }
0xfb: {  	[sflag:s15] =	ssyncset.done $0x0  }
0xfc: {  	[sflag:s15] =	ssyncadd.s32 $0xFFFFC000  }
0xfd: {  	_ =	swait.ge [sflag:s18], $0x4000  }
0xfe: {  	[sflag:s18] =	ssyncset.done $0x0  }
0xff: {  	[sflag:s18] =	ssyncadd.s32 $0xFFFFC000  }
0x100: {  	[tilespmem:s19], [sflag:$0x1] =	stream.indirect.gather [hbm4b:s4+s7], $0x80, s26, s7, $0xb8;
	[tilespmem:$0x1C400] =	vst v63  }
0x101: {  	_ = 	snop  }
0x102: {  	[spmem:s2] =	stream.indirect.scatter.add.f32 [tilespmem:s17], [sflag:$0x2], $0x80, s28, s7, $0xb8;
	[tilespmem:$0x1C400] =	vst v63  }
0x103: {  	_ =	swait.ge [sflag:s15], $0x4000  }
0x104: {  	[sflag:s15] =	ssyncset.done $0x0  }
0x105: {  	[sflag:s15] =	ssyncadd.s32 $0xFFFFC000  }
0x106: {  	_ =	swait.ge [sflag:s18], $0x4000  }
0x107: {  	[sflag:s18] =	ssyncset.done $0x0  }
0x108: {  	[sflag:s18] =	ssyncadd.s32 $0xFFFFC000  }
0x109: {  	[tilespmem:s17], [sflag:$0x1] =	stream.indirect.gather [hbm4b:s4+s7], $0x80, s29, s7, $0xb8;
	[tilespmem:$0x1C400] =	vst v63  }
0x10a: {  	_ = 	snop  }
0x10b: {  	[spmem:s2] =	stream.indirect.scatter.add.f32 [tilespmem:s19], [sflag:$0x2], $0x80, s30, s7, $0xb8;
	[tilespmem:$0x1C400] =	vst v63  }
0x10c: {  	_ =	swait.ge [sflag:s15], $0x4000  }
0x10d: {  	[sflag:s15] =	ssyncset.done $0x0  }
0x10e: {  	[sflag:s15] =	ssyncadd.s32 $0xFFFFC000  }
0x10f: {  	_ =	swait.ge [sflag:s18], $0x4000  }
0x110: {  	[sflag:s18] =	ssyncset.done $0x0  }
0x111: {  	[sflag:s18] =	ssyncadd.s32 $0xFFFFC000  }
0x112: {  	[tilespmem:s19], [sflag:$0x1] =	stream.indirect.gather [hbm4b:s4+s7], $0x80, s31, s7, $0xb8;
	[tilespmem:$0x1C400] =	vst v63  }
0x113: {  	_ = 	snop  }
0x114: {  	[spmem:s2] =	stream.indirect.scatter.add.f32 [tilespmem:s17], [sflag:$0x2], $0x80, s0, s7, $0xb8;
	[tilespmem:$0x1C400] =	vst v63  }
0x115: {  	_ =	swait.ge [sflag:s15], $0x4000  }
0x116: {  	[sflag:s15] =	ssyncset.done $0x0  }
0x117: {  	[sflag:s15] =	ssyncadd.s32 $0xFFFFC000  }
0x118: {  	_ =	swait.ge [sflag:s18], $0x4000  }
0x119: {  	[sflag:s18] =	ssyncset.done $0x0  }
0x11a: {  	[sflag:s18] =	ssyncadd.s32 $0xFFFFC000  }
0x11b: {  	[spmem:s2] =	stream.indirect.scatter.add.f32 [tilespmem:s19], [sflag:$0x2], $0x80, s1, s7, $0xb8;
	[tilespmem:$0x1C400] =	vst v63  }
0x11c: {  	_ =	swait.ge [sflag:s15], $0x4000  }
0x11d: {  	s11 =	simm.s32 $0x80;
	s8 =	simm.s32 $0x100;
	[sflag:s15] =	ssyncset.done $0x0  }
.LBB2_3:
0x11e: {  	s10 =	sadd.s32 s11, s13  }
0x11f: {  	[sflag:s15] =	ssyncadd.s32 $0xFFFFC000;
	s5 =	smov.u32 s8;
	s14 =	sadd.s32 $0x80, s8  }
0x120: {  	[tilespmem:s3], [sflag:$0x2] =	stream.linear.gather [hbm4b:s10+s3], $0x400, $0x38;
	[tilespmem:$0x1C400] =	vst v63  }
0x121: {  	p1 =	seq.s32 s8, $0x880;
	_ =	swait.ge [sflag:s15], $0x400  }
0x122: {  	[sflag:s15] =	ssyncset.done $0x0  }
0x123: {  	s8 =	sadd.s32 s11, s12;
	s11 =	smov.u32 s5;
	[sflag:s15] =	ssyncadd.s32 $0xFFFFFC00  }
0x124: {  	[tilespmem:s16], [sflag:$0x2] =	stream.linear.gather [hbm4b:s8+s3], $0x400, $0x38;
	[tilespmem:$0x1C400] =	vst v63  }
0x125: {  	_ =	swait.ge [sflag:s15], $0x400  }
0x126: {  	[sflag:s15] =	ssyncset.done $0x0  }
0x127: {  	[sflag:s15] =	ssyncadd.s32 $0xFFFFFC00  }
0x128: {  	[tilespmem:s17], [sflag:$0x1] =	stream.indirect.gather [hbm4b:s4+s7], $0x80, s3, s7, $0xb8;
	[tilespmem:$0x1C400] =	vst v63  }
0x129: {  	_ =	swait.ge [sflag:s18], $0x4000  }
0x12a: {  	[sflag:s18] =	ssyncset.done $0x0  }
0x12b: {  	[sflag:s18] =	ssyncadd.s32 $0xFFFFC000  }
0x12c: {  	[tilespmem:s19], [sflag:$0x1] =	stream.indirect.gather [hbm4b:s4+s7], $0x80, s7, s7, $0xb8;
	[tilespmem:$0x1C400] =	vst v63  }
0x12d: {  	_ = 	snop  }
0x12e: {  	[spmem:s2] =	stream.indirect.scatter.add.f32 [tilespmem:s17], [sflag:$0x2], $0x80, s16, s7, $0xb8;
	[tilespmem:$0x1C400] =	vst v63  }
0x12f: {  	_ =	swait.ge [sflag:s15], $0x4000  }
0x130: {  	[sflag:s15] =	ssyncset.done $0x0  }
0x131: {  	[sflag:s15] =	ssyncadd.s32 $0xFFFFC000  }
0x132: {  	_ =	swait.ge [sflag:s18], $0x4000  }
0x133: {  	[sflag:s18] =	ssyncset.done $0x0  }
0x134: {  	[sflag:s18] =	ssyncadd.s32 $0xFFFFC000  }
0x135: {  	[tilespmem:s17], [sflag:$0x1] =	stream.indirect.gather [hbm4b:s4+s7], $0x80, s20, s7, $0xb8;
	[tilespmem:$0x1C400] =	vst v63  }
0x136: {  	_ = 	snop  }
0x137: {  	[spmem:s2] =	stream.indirect.scatter.add.f32 [tilespmem:s19], [sflag:$0x2], $0x80, s21, s7, $0xb8;
	[tilespmem:$0x1C400] =	vst v63  }
0x138: {  	_ =	swait.ge [sflag:s15], $0x4000  }
0x139: {  	[sflag:s15] =	ssyncset.done $0x0  }
0x13a: {  	[sflag:s15] =	ssyncadd.s32 $0xFFFFC000  }
0x13b: {  	_ =	swait.ge [sflag:s18], $0x4000  }
0x13c: {  	[sflag:s18] =	ssyncset.done $0x0  }
0x13d: {  	[sflag:s18] =	ssyncadd.s32 $0xFFFFC000  }
0x13e: {  	[tilespmem:s19], [sflag:$0x1] =	stream.indirect.gather [hbm4b:s4+s7], $0x80, s22, s7, $0xb8;
	[tilespmem:$0x1C400] =	vst v63  }
0x13f: {  	_ = 	snop  }
0x140: {  	[spmem:s2] =	stream.indirect.scatter.add.f32 [tilespmem:s17], [sflag:$0x2], $0x80, s23, s7, $0xb8;
	[tilespmem:$0x1C400] =	vst v63  }
0x141: {  	_ =	swait.ge [sflag:s15], $0x4000  }
0x142: {  	[sflag:s15] =	ssyncset.done $0x0  }
0x143: {  	[sflag:s15] =	ssyncadd.s32 $0xFFFFC000  }
0x144: {  	_ =	swait.ge [sflag:s18], $0x4000  }
0x145: {  	[sflag:s18] =	ssyncset.done $0x0  }
0x146: {  	[sflag:s18] =	ssyncadd.s32 $0xFFFFC000  }
0x147: {  	[tilespmem:s17], [sflag:$0x1] =	stream.indirect.gather [hbm4b:s4+s7], $0x80, s24, s7, $0xb8;
	[tilespmem:$0x1C400] =	vst v63  }
0x148: {  	_ = 	snop  }
0x149: {  	[spmem:s2] =	stream.indirect.scatter.add.f32 [tilespmem:s19], [sflag:$0x2], $0x80, s25, s7, $0xb8;
	[tilespmem:$0x1C400] =	vst v63  }
0x14a: {  	_ =	swait.ge [sflag:s15], $0x4000  }
0x14b: {  	[sflag:s15] =	ssyncset.done $0x0  }
0x14c: {  	[sflag:s15] =	ssyncadd.s32 $0xFFFFC000  }
0x14d: {  	_ =	swait.ge [sflag:s18], $0x4000  }
0x14e: {  	[sflag:s18] =	ssyncset.done $0x0  }
0x14f: {  	[sflag:s18] =	ssyncadd.s32 $0xFFFFC000  }
0x150: {  	[tilespmem:s19], [sflag:$0x1] =	stream.indirect.gather [hbm4b:s4+s7], $0x80, s26, s7, $0xb8;
	[tilespmem:$0x1C400] =	vst v63  }
0x151: {  	_ = 	snop  }
0x152: {  	[spmem:s2] =	stream.indirect.scatter.add.f32 [tilespmem:s17], [sflag:$0x2], $0x80, s28, s7, $0xb8;
	[tilespmem:$0x1C400] =	vst v63  }
0x153: {  	_ =	swait.ge [sflag:s15], $0x4000  }
0x154: {  	[sflag:s15] =	ssyncset.done $0x0  }
0x155: {  	[sflag:s15] =	ssyncadd.s32 $0xFFFFC000  }
0x156: {  	_ =	swait.ge [sflag:s18], $0x4000  }
0x157: {  	[sflag:s18] =	ssyncset.done $0x0  }
0x158: {  	[sflag:s18] =	ssyncadd.s32 $0xFFFFC000  }
0x159: {  	[tilespmem:s17], [sflag:$0x1] =	stream.indirect.gather [hbm4b:s4+s7], $0x80, s29, s7, $0xb8;
	[tilespmem:$0x1C400] =	vst v63  }
0x15a: {  	_ = 	snop  }
0x15b: {  	[spmem:s2] =	stream.indirect.scatter.add.f32 [tilespmem:s19], [sflag:$0x2], $0x80, s30, s7, $0xb8;
	[tilespmem:$0x1C400] =	vst v63  }
0x15c: {  	_ =	swait.ge [sflag:s15], $0x4000  }
0x15d: {  	[sflag:s15] =	ssyncset.done $0x0  }
0x15e: {  	[sflag:s15] =	ssyncadd.s32 $0xFFFFC000  }
0x15f: {  	_ =	swait.ge [sflag:s18], $0x4000  }
0x160: {  	[sflag:s18] =	ssyncset.done $0x0  }
0x161: {  	[sflag:s18] =	ssyncadd.s32 $0xFFFFC000  }
0x162: {  	[tilespmem:s19], [sflag:$0x1] =	stream.indirect.gather [hbm4b:s4+s7], $0x80, s31, s7, $0xb8;
	[tilespmem:$0x1C400] =	vst v63  }
0x163: {  	_ = 	snop  }
0x164: {  	[spmem:s2] =	stream.indirect.scatter.add.f32 [tilespmem:s17], [sflag:$0x2], $0x80, s0, s7, $0xb8;
	[tilespmem:$0x1C400] =	vst v63  }
0x165: {  	_ =	swait.ge [sflag:s15], $0x4000  }
0x166: {  	[sflag:s15] =	ssyncset.done $0x0  }
0x167: {  	[sflag:s15] =	ssyncadd.s32 $0xFFFFC000  }
0x168: {  	_ =	swait.ge [sflag:s18], $0x4000  }
.Ltmp5:
0x169: {  	[sflag:s18] =	ssyncset.done $0x0;
	(pc) =	sbr.rel @!p1 .LBB2_3-.Ltmp5, $4  }
0x16a: {  	[sflag:s18] =	ssyncadd.s32 $0xFFFFC000  }
0x16b: {  	[spmem:s2] =	stream.indirect.scatter.add.f32 [tilespmem:s19], [sflag:$0x2], $0x80, s1, s7, $0xb8;
	[tilespmem:$0x1C400] =	vst v63  }
0x16c: {  	_ =	swait.ge [sflag:s15], $0x4000  }
0x16d: {  	s8 =	smov.u32 s14;
	[sflag:s15] =	ssyncset.done $0x0  }
.Ltmp6:
0x16e: {  	_ = 	snop;
	(pc) =	sbr.rel .LBB2_4-.Ltmp6, $1  }
0x16f: {  	_ =	sdelay $0x3  }
.LBB2_7:
0x170: {  	_ =	sfence.sel $0x180000  }
0x171: {  	[bflag:$0x0] =	sbarrier.arrive $0xFFFF  }
0x172: {  	_ =	strace $0x9000004D  }
0x173: {  	s0 =	stileid.u32;
	[bflag:$0x2] =	sbarrier.arrive $0xFFFF  }
0x174: {  	p0 =	sne.s32 s0, $0x0;
	s0 =	rddreg [dreg:$0x2]  }
0x175: {  	s0 =	sadd.s32 @!p0 $0x100000, s0  }
0x176: {  	[sflag:s0] =	ssyncadd.tile.s32 @!p0 $0x1;
	_ =	shalt  }
.Lfunc_end2:
_tile_overlayer_lowered:
.L_overlay_start_2:
0x177: {  	(tag) =	ssettag $0x2  }
0x178: {  	s0 =	rddreg [dreg:$0x0];
	s2 =	stileid.u32  }
0x179: {  	s1 =	rddreg [dreg:$0x1];
	p0 =	sne.s32 s2, $0x0  }
0x17a: {  	s3 =	rddreg [dreg:$0x2];
	[bflag:$0x3] =	sbarrier.arrive $0xFFFF;
	s2 =	simm.s32 @!p0 $0x1C02  }
0x17b: {  	[timem:s3], [sflag:s2] =	dma.local @!p0 [hbm:s0], s1  }
0x17c: {  	s0 =	simm.s32 @!p0 $0x2  }
0x17d: {  	_ =	swait.ge @!p0 [sflag:s0], s1  }
0x17e: {  	s1 =	ssub.s32 @!p0 $0x0, s1;
	[sflag:s0] =	ssyncset.done @!p0 $0x0  }
0x17f: {  	[sflag:s0] =	ssyncadd.s32 @!p0 s1  }
0x180: {  	[bflag:$0x3] =	sbarrier.arrive $0xFFFF  }
0x181: {  	_ =	shalt  }

// kernel: kernel.18.cloned.1.call-start
scs
__scs_entry_jumppad:
0x0: {  	(pc) =	sbr.rel $0x88, $3  }
0x1: {  	(tag) =	ssettag $0x0;
	lr =	simm.s32 $0x1  }
0x2: {  	[smem:$0x3F8C] =	sst lr;
	_ =	strace $0xD0000000  }
0x3: {  	_ = 	snop  }
0x4: {  	_ = 	snop  }
0x5: {  	_ = 	snop  }
0x6: {  	_ = 	snop  }
0x7: {  	_ = 	snop  }
__scs_overlays_trampoline_lowered:
0x8: {  	[smem:$0x3F9B] =	sst s0  }
0x9: {  	[smem:$0x3F9C] =	sst s1  }
0xa: {  	[smem:$0x3F9D] =	sst s2  }
0xb: {  	[smem:$0x3F9E] =	sst s3  }
0xc: {  	[smem:$0x3F9F] =	sst s4  }
0xd: {  	[smem:$0x3FA0] =	sst s5  }
0xe: {  	[smem:$0x3FA1] =	sst s6  }
0xf: {  	[smem:$0x3FA2] =	sst s7  }
0x10: {  	[smem:$0x3FA3] =	sst s8  }
0x11: {  	[smem:$0x3FA4] =	sst s9;
	s0 =	simm.s32 @!p0 $0x0  }
0x12: {  	s1 =	sld [smem:$0x3F8A];
	s0 =	simm.s32 @p0 $0x1  }
0x13: {  	[smem:$0x3FA5] =	sst s0;
	s0 =	simm.s32 @!p1 $0x0  }
0x14: {  	s2 =	sld [smem:$0x3F89];
	s0 =	simm.s32 @p1 $0x1  }
0x15: {  	[smem:$0x3FA6] =	sst s0;
	s0 =	simm.s32 @!p2 $0x0  }
0x16: {  	s3 =	sld [smem:$0x3FDB];
	s0 =	simm.s32 @p2 $0x1  }
0x17: {  	s4 =	simm.s32 $0x1BF5;
	[smem:$0x3FA8] =	sst s0  }
0x18: {  	s0 =	sld [smem:$0x3F8B];
	_ =	swait.ge [sflag:s4], $0x0  }
0x19: {  	s7 =	sld [smem:$0x3F8C]  }
0x1a: {  	s8 =	sadd.s32 $0xFFFFE003, lr  }
0x1b: {  	s9 =	sadd.s32 $0xFFFFFEF7, lr;
	s5 =	simm.s32 $0xFFFFFFFF;
	p2 =	slt.u32 s8, $0xFFFFF086  }
0x1c: {  	p1 =	slt.u32 s9, $0xF7A;
	s5 =	simm.s32 @!p2 $0x0  }
0x1d: {  	s5 =	simm.s32 @p1 $0x1;
	p0 =	seq.s32 s7, s2  }
0x1e: {  	s7 =	smul.u32 @!p0 $0xF7A, s2;
	p2 =	seq.s32 @!p0 s5, $0x0  }
0x1f: {  	s9 =	smul.u32 $0xF7A, s1;
	s8 =	simm.s32 @!p0 $0x1BF5;
	p2 =	por !p2, p0  }
0x20: {  	[sflag:s8] =	ssyncset.s32 @!p0 $0xFFFFF086;
	s6 =	sadd.s32 @!p0 s3, s7;
	s7 =	simm.s32 @!p0 $0x108  }
0x21: {  	s3 =	sadd.s32 s3, s9;
	s6 =	sadd.s32 @!p0 $0x88, s6;
	s7 =	simm.s32 @p2 $0x1082  }
0x22: {  	[simem:s7], [sflag:s8] =	dma.local @!p0 [hbm:s6], $0xF7A  }
0x23: {  	s9 =	sor.u32 $0xD0000000, s2;
	s6 =	simm.s32 $0x108;
	_ =	swait.ge @!p0 [sflag:s8], $0x0  }
0x24: {  	s3 =	sadd.s32 $0x88, s3;
	s6 =	simm.s32 @!p1 $0x1082;
	[sflag:s4] =	ssyncset.s32 $0xFFFFF086  }
0x25: {  	[simem:s6], [sflag:s4] =	dma.local [hbm:s3], $0xF7A  }
0x26: {  	[smem:$0x3F8C] =	sst s1;
	(tag) =	ssettag s2;
	_ =	strace s9  }
0x27: {  	s1 =	sld [smem:$0x3F9C]  }
0x28: {  	s2 =	sld [smem:$0x3F9D]  }
0x29: {  	s4 =	sld [smem:$0x3F9F]  }
0x2a: {  	p0 =	seq.s32 s5, $0x0;
	s5 =	sld [smem:$0x3FA0]  }
0x2b: {  	s6 =	sld [smem:$0x3FA1]  }
0x2c: {  	s7 =	sld [smem:$0x3FA2]  }
0x2d: {  	s3 =	simm.s32 $0x108;
	s8 =	sld [smem:$0x3FA3]  }
0x2e: {  	s3 =	simm.s32 @!p0 $0x1082;
	s9 =	sld [smem:$0x3FA4]  }
0x2f: {  	lr =	sadd.s32 s0, s3;
	s0 =	sld [smem:$0x3F9B]  }
0x30: {  	s3 =	sld [smem:$0x3F9E]  }
0x31: {  	[smem:$0x3FA7] =	sst s10  }
0x32: {  	s10 =	sld [smem:$0x3FA5];
	_ =	sdelay $0x3  }
0x33: {  	p0 =	seq.s32 s10, $0x1;
	s10 =	sld [smem:$0x3FA7];
	_ =	sdelay $0x3  }
0x34: {  	[smem:$0x3FA7] =	sst s10  }
0x35: {  	s10 =	sld [smem:$0x3FA6];
	_ =	sdelay $0x3  }
0x36: {  	p1 =	seq.s32 s10, $0x1;
	s10 =	sld [smem:$0x3FA7];
	_ =	sdelay $0x3  }
0x37: {  	[smem:$0x3FA7] =	sst s10  }
0x38: {  	s10 =	sld [smem:$0x3FA8]  }
0x39: {  	_ = 	snop;
	(pc) =	sbr.ind lr, $3  }
0x3a: {  	_ = 	snop  }
0x3b: {  	_ = 	snop  }
0x3c: {  	p2 =	seq.s32 s10, $0x1;
	s10 =	sld [smem:$0x3FA7]  }
0x3d: {  	_ =	shalt  }
0x3e: {  	_ =	shalt  }
0x3f: {  	_ =	shalt  }
0x40: {  	_ =	shalt  }
0x41: {  	_ =	shalt  }
0x42: {  	_ =	shalt  }
0x43: {  	_ =	shalt  }
0x44: {  	_ =	shalt  }
0x45: {  	_ =	shalt  }
0x46: {  	_ =	shalt  }
0x47: {  	_ =	shalt  }
0x48: {  	_ =	shalt  }
0x49: {  	_ =	shalt  }
0x4a: {  	_ =	shalt  }
0x4b: {  	_ =	shalt  }
0x4c: {  	_ =	shalt  }
0x4d: {  	_ =	shalt  }
0x4e: {  	_ =	shalt  }
0x4f: {  	_ =	shalt  }
0x50: {  	_ =	shalt  }
0x51: {  	_ =	shalt  }
0x52: {  	_ =	shalt  }
0x53: {  	_ =	shalt  }
0x54: {  	_ =	shalt  }
0x55: {  	_ =	shalt  }
0x56: {  	_ =	shalt  }
0x57: {  	_ =	shalt  }
0x58: {  	_ =	shalt  }
0x59: {  	_ =	shalt  }
0x5a: {  	_ =	shalt  }
0x5b: {  	_ =	shalt  }
0x5c: {  	_ =	shalt  }
0x5d: {  	_ =	shalt  }
0x5e: {  	_ =	shalt  }
0x5f: {  	_ =	shalt  }
0x60: {  	_ =	shalt  }
0x61: {  	_ =	shalt  }
0x62: {  	_ =	shalt  }
0x63: {  	_ =	shalt  }
0x64: {  	_ =	shalt  }
0x65: {  	_ =	shalt  }
0x66: {  	_ =	shalt  }
0x67: {  	_ =	shalt  }
0x68: {  	_ =	shalt  }
0x69: {  	_ =	shalt  }
0x6a: {  	_ =	shalt  }
0x6b: {  	_ =	shalt  }
0x6c: {  	_ =	shalt  }
0x6d: {  	_ =	shalt  }
0x6e: {  	_ =	shalt  }
0x6f: {  	_ =	shalt  }
0x70: {  	_ =	shalt  }
0x71: {  	_ =	shalt  }
0x72: {  	_ =	shalt  }
0x73: {  	_ =	shalt  }
0x74: {  	_ =	shalt  }
0x75: {  	_ =	shalt  }
0x76: {  	_ =	shalt  }
0x77: {  	_ =	shalt  }
0x78: {  	_ =	shalt  }
0x79: {  	_ =	shalt  }
0x7a: {  	_ =	shalt  }
0x7b: {  	_ =	shalt  }
0x7c: {  	_ =	shalt  }
0x7d: {  	_ =	shalt  }
0x7e: {  	_ =	shalt  }
0x7f: {  	_ =	shalt  }
0x80: {  	_ =	shalt  }
0x81: {  	_ =	shalt  }
0x82: {  	_ =	shalt  }
0x83: {  	_ =	shalt  }
0x84: {  	_ =	shalt  }
0x85: {  	_ =	shalt  }
0x86: {  	_ =	shalt  }
0x87: {  	_ =	shalt  }
.Lfunc_end0:
.L_simem_size_0:
called_computation.3_lowered:
.L_overlay_start_0:
0x88: {  	s2 =	sld [smem:$0x3FD9]  }
0x89: {  	s3 =	sld [smem:$0x3FFE];
	_ =	sdelay $0x1  }
0x8a: {  	s1 =	srdreg.scid  }
0x8b: {  	s0 =	sand.u32 $0x1, s1  }
0x8c: {  	s16 =	sshll.u32 s0, $0xA;
	s2 =	sadd.s32 s3, s2  }
0x8d: {  	s2 =	sadd.s32 s2, s16  }
0x8e: {  	[smem:$0x3FB3] =	sst s2  }
0x8f: {  	_ = 	snop  }
0x90: {  	(tm) =	ssettm $0x1  }
0x91: {  	s17 =	sld [smem:$0x3FFB];
	_ =	sdelay $0x3  }
0x92: {  	_ =	strace s17  }
0x93: {  	s2 =	sld [smem:$0x3FFC];
	_ =	sdelay $0x3  }
0x94: {  	_ =	strace s2  }
0x95: {  	s2 =	sld [smem:$0x3FFD];
	_ =	sdelay $0x3  }
0x96: {  	_ =	strace s2  }
0x97: {  	_ =	strace $0x8FFFFFFF  }
0x98: {  	s18 =	sld [smem:$0x3FDB];
	_ =	sdelay $0x1  }
0x99: {  	s19 =	simm.s32 $_scs_section_size  }
0x9a: {  	s4 =	simm.s32 $_size__tile_overlayer_lowered;
	s5 =	simm.s32 $_tile_overlayer_lowered  }
0x9b: {  	s22 =	simm.s32 $0x1BFF;
	s21 =	sshll.u32 s5, $0x1;
	s2 =	sadd.s32 s19, s18  }
0x9c: {  	s6 =	simm.s32 $0x0;
	s20 =	sshll.u32 s4, $0x1;
	s4 =	sadd.s32 s21, s2  }
0x9d: {  	[timem:s6], [sflag:s22] =	dma.local [hbm:s4], s20  }
0x9e: {  	_ =	swait.ge [sflag:s22], s20  }
0x9f: {  	s3 =	ssub.s32 $0x0, s20;
	[sflag:s22] =	ssyncset.done $0x0  }
0xa0: {  	[sflag:s22] =	ssyncadd.s32 s3;
	_ =	sdelay $0x1  }
0xa1: {  	s23 =	simm.s32 $0x1B8B  }
0xa2: {  	_ =	swait.ge [sflag:s23], $0x1  }
0xa3: {  	[sflag:s23] =	ssyncset.done $0x0  }
0xa4: {  	s25 =	simm.s32 $0x1B8E;
	s24 =	sld [smem:$0x3FFE];
	[sflag:s23] =	ssyncadd.s32 $0xFFFFFFFF  }
0xa5: {  	s26 =	simm.s32 $execute0_lowered;
	[smem:$0x3FD2] =	sst s25  }
0xa6: {  	s4 =	sshll.u32 s26, $0x1;
	_ =	strace $0x8000004F;
	[dreg:$0x1] =	wrdreg $0xFFFFFFFF  }
0xa7: {  	s28 =	simm.s32 $_size_execute0_lowered;
	s2 =	sadd.s32 s2, s4;
	[dreg:$0x0] =	wrdreg $0x0  }
0xa8: {  	s4 =	sshll.u32 s28, $0x1;
	[dreg:$0x2] =	wrdreg s2  }
0xa9: {  	[dreg:$0x3] =	wrdreg s4  }
0xaa: {  	[dreg:$0x4] =	wrdreg $0xC0  }
0xab: {  	_ =	task [dreg:s6], $0x5FFFF  }
0xac: {  	[dreg:$0x1] =	wrdreg $0xFFFFFFFF  }
0xad: {  	[dreg:$0x0] =	wrdreg $0x60  }
0xae: {  	[dreg:$0x2] =	wrdreg s24  }
0xaf: {  	[dreg:$0x3] =	wrdreg $0x88000  }
0xb0: {  	[dreg:$0x4] =	wrdreg $0x9  }
0xb1: {  	_ =	task.clear_ibuf [dreg:s6], $0x5FFFF;
	_ =	strace $0x9000004F  }
0xb2: {  	s29 =	simm.s32 $0x9;
	_ =	strace $0x80000051  }
0xb3: {  	_ =	swait.ge [sflag:s29], $0x1  }
0xb4: {  	[sflag:s29] =	ssyncadd.s32 $0xFFFFFFFF  }
0xb5: {  	_ =	strace $0x90000051  }
0xb6: {  	_ =	sfence  }
0xb7: {  	s30 =	sld [smem:$0x0];
	_ =	sdelay $0x2  }
0xb8: {  	s31 =	sshll.u32 s1, $0xD;
	s1 =	sshrl.u32 s1, $0x2  }
0xb9: {  	s3 =	sand.u32 $0x4000, s31;
	s1 =	sadd.s32 s1, s30  }
0xba: {  	s0 =	sor.u32 s3, s0;
	s1 =	sshll.u32 s1, $0x11  }
0xbb: {  	s0 =	sor.u32 s1, s0  }
0xbc: {  	s0 =	sadd.s32 $0x8F2B, s0  }
0xbd: {  	[sflag:s0] =	ssyncadd.remote.s32 $0x1  }
0xbe: {  	_ =	sfence.sel $0xFFFF  }
0xbf: {  	[dreg:$0x0] =	wrdreg $0xFFFFFFFF;
	(pc) =	sbr.abs _section_cstart, $3  }
0xc0: {  	[dreg:$0x1] =	wrdreg $0xFFFFFFFF  }
0xc1: {  	_ =	task.clear_ibuf [dreg:s6], $0x2FFFF;
	_ =	strace $0x9FFFFFFF  }
0xc2: {  	(tm) =	ssettm $0x7FFFFFFF  }
0xc3: {  	_ =	shalt  }
tec
execute0_lowered:
.L_overlay_start_1:
0x0: {  	(tag) =	ssettag $0x1  }
0x1: {  	s0 =	rddreg [dreg:$0x0]  }
0x2: {  	s2 =	rddreg [dreg:$0x1];
	s3 =	simm.s32 $0x0  }
0x3: {  	s5 =	stileid.u32;
	s1 =	srdreg.scid;
	s16 =	simm.s32 $0x400  }
0x4: {  	s17 =	simm.s32 $0x800;
	s18 =	simm.s32 $0x1;
	s19 =	simm.s32 $0x4800  }
0x5: {  	s28 =	simm.s32 $0x600;
	s29 =	simm.s32 $0x300;
	s30 =	simm.s32 $0x680  }
0x6: {  	s31 =	simm.s32 $0x380;
	[smem:$0x7FF] =	sst s3;
	s7 =	smul.u32 $0x13C00, s5  }
0x7: {  	s1 =	sand.u32 $0x1, s1;
	s4 =	sadd.s32 $0x3FE00, s0;
	s14 =	sadd.s32 $0xE600, s0  }
0x8: {  	s6 =	sadd.s32 $0x4600, s0;
	s10 =	smul.u32 $0x4F000, s5;
	s23 =	sshll.u32 s5, $0x6  }
0x9: {  	s24 =	sshll.u32 s5, $0x8;
	s25 =	smul.u32 $0x900, s5;
	s5 =	simm.s32 $0x0  }
0xa: {  	_ =	strace $0x80000050;
	s8 =	smul.u32 $0x13C000, s1;
	s20 =	ssub.s32 $0x2, s1  }
0xb: {  	s15 =	sor.u32 $0x1C02, s23;
	p0 =	seq.s32 s1, $0x1;
	[dreg:$0x9] =	wrdreg s5  }
0xc: {  	s23 =	simm.s32 $0x500;
	s1 =	simm.s32 $0x780;
	[dreg:$0x3] =	wrdreg s14  }
0xd: {  	s9 =	sshrl.u32 s7, $0x3;
	s11 =	sshrl.u32 s20, $0x1;
	s22 =	sshrl.u32 s10, $0x2  }
0xe: {  	s12 =	sadd.s32 s25, s6;
	s13 =	sadd.s32 s25, s14;
	s10 =	smov.u32 s15  }
0xf: {  	s15 =	simm.s32 $0x2;
	s25 =	simm.s32 $0x580;
	s7 =	sadd.s32 s7, s8  }
0x10: {  	s9 =	sadd.s32 s9, s0;
	s21 =	ssub.s32 s20, s11;
	s8 =	sadd.s32 s22, s2  }
0x11: {  	s20 =	simm.s32 $0x100;
	s22 =	simm.s32 $0x180;
	[dreg:$0x5] =	wrdreg s10  }
0x12: {  	s7 =	sshrl.u32 s7, $0x3;
	s11 =	sadd.s32 $0x18600, s9;
	s26 =	smax.u32 s21, $0x1  }
.Ltmp0:
0x13: {  	s9 =	sor.u32 $0x9000, s24;
	[dreg:$0x7] =	wrdreg s26;
	(pc) =	sbr.rel .LBB2_1-.Ltmp0, $4  }
0x14: {  	s8 =	sshrl.u32 s8, $0x3;
	s21 =	simm.s32 $0x480;
	[dreg:$0x4] =	wrdreg s11  }
0x15: {  	s24 =	simm.s32 $0x200;
	s0 =	sadd.s32 s7, s0;
	[dreg:$0x8] =	wrdreg s8  }
0x16: {  	s26 =	simm.s32 $0x280;
	[dreg:$0xa] =	wrdreg s9;
	s0 =	sadd.s32 $0xDDE00, s0  }
0x17: {  	s7 =	simm.s32 $0x80;
	[dreg:$0x6] =	wrdreg s0;
	s0 =	simm.s32 $0x700  }
.LBB2_4:
0x18: {  	s5 =	sadd.s32 s11, s13;
	[sflag:s15] =	ssyncadd.s32 $0xFFFFC000  }
0x19: {  	[tilespmem:s3], [sflag:$0x2] =	stream.linear.gather [hbm4b:s5+s3], $0x400, $0x38;
	[tilespmem:$0x1C400] =	vst v63  }
0x1a: {  	_ =	swait.ge [sflag:s15], $0x400  }
0x1b: {  	[sflag:s15] =	ssyncset.done $0x0  }
0x1c: {  	s14 =	sadd.s32 s11, s12;
	[sflag:s15] =	ssyncadd.s32 $0xFFFFFC00  }
0x1d: {  	[tilespmem:s16], [sflag:$0x2] =	stream.linear.gather [hbm4b:s14+s3], $0x400, $0x38;
	[tilespmem:$0x1C400] =	vst v63  }
0x1e: {  	_ =	swait.ge [sflag:s15], $0x400  }
0x1f: {  	[sflag:s15] =	ssyncset.done $0x0  }
0x20: {  	[sflag:s15] =	ssyncadd.s32 $0xFFFFFC00  }
0x21: {  	[tilespmem:s17], [sflag:$0x1] =	stream.indirect.gather [hbm4b:s4+s7], $0x80, s3, s7, $0xb8;
	[tilespmem:$0x1C400] =	vst v63  }
0x22: {  	_ =	swait.ge [sflag:s18], $0x4000  }
0x23: {  	[sflag:s18] =	ssyncset.done $0x0  }
0x24: {  	[sflag:s18] =	ssyncadd.s32 $0xFFFFC000  }
0x25: {  	[tilespmem:s19], [sflag:$0x1] =	stream.indirect.gather [hbm4b:s4+s7], $0x80, s7, s7, $0xb8;
	[tilespmem:$0x1C400] =	vst v63  }
0x26: {  	_ = 	snop  }
0x27: {  	[spmem:s2] =	stream.indirect.scatter.add.f32 [tilespmem:s17], [sflag:$0x2], $0x80, s16, s7, $0xb8;
	[tilespmem:$0x1C400] =	vst v63  }
0x28: {  	_ =	swait.ge [sflag:s15], $0x4000  }
0x29: {  	[sflag:s15] =	ssyncset.done $0x0  }
0x2a: {  	[sflag:s15] =	ssyncadd.s32 $0xFFFFC000  }
0x2b: {  	_ =	swait.ge [sflag:s18], $0x4000  }
0x2c: {  	[sflag:s18] =	ssyncset.done $0x0  }
0x2d: {  	[sflag:s18] =	ssyncadd.s32 $0xFFFFC000  }
0x2e: {  	[tilespmem:s17], [sflag:$0x1] =	stream.indirect.gather [hbm4b:s4+s7], $0x80, s20, s7, $0xb8;
	[tilespmem:$0x1C400] =	vst v63  }
0x2f: {  	_ = 	snop  }
0x30: {  	[spmem:s2] =	stream.indirect.scatter.add.f32 [tilespmem:s19], [sflag:$0x2], $0x80, s21, s7, $0xb8;
	[tilespmem:$0x1C400] =	vst v63  }
0x31: {  	_ =	swait.ge [sflag:s15], $0x4000  }
0x32: {  	[sflag:s15] =	ssyncset.done $0x0  }
0x33: {  	[sflag:s15] =	ssyncadd.s32 $0xFFFFC000  }
0x34: {  	_ =	swait.ge [sflag:s18], $0x4000  }
0x35: {  	[sflag:s18] =	ssyncset.done $0x0  }
0x36: {  	[sflag:s18] =	ssyncadd.s32 $0xFFFFC000  }
0x37: {  	[tilespmem:s19], [sflag:$0x1] =	stream.indirect.gather [hbm4b:s4+s7], $0x80, s22, s7, $0xb8;
	[tilespmem:$0x1C400] =	vst v63  }
0x38: {  	_ = 	snop  }
0x39: {  	[spmem:s2] =	stream.indirect.scatter.add.f32 [tilespmem:s17], [sflag:$0x2], $0x80, s23, s7, $0xb8;
	[tilespmem:$0x1C400] =	vst v63  }
0x3a: {  	_ =	swait.ge [sflag:s15], $0x4000  }
0x3b: {  	[sflag:s15] =	ssyncset.done $0x0  }
0x3c: {  	[sflag:s15] =	ssyncadd.s32 $0xFFFFC000  }
0x3d: {  	_ =	swait.ge [sflag:s18], $0x4000  }
0x3e: {  	[sflag:s18] =	ssyncset.done $0x0  }
0x3f: {  	[sflag:s18] =	ssyncadd.s32 $0xFFFFC000  }
0x40: {  	[tilespmem:s17], [sflag:$0x1] =	stream.indirect.gather [hbm4b:s4+s7], $0x80, s24, s7, $0xb8;
	[tilespmem:$0x1C400] =	vst v63  }
0x41: {  	_ = 	snop  }
0x42: {  	[spmem:s2] =	stream.indirect.scatter.add.f32 [tilespmem:s19], [sflag:$0x2], $0x80, s25, s7, $0xb8;
	[tilespmem:$0x1C400] =	vst v63  }
0x43: {  	_ =	swait.ge [sflag:s15], $0x4000  }
0x44: {  	[sflag:s15] =	ssyncset.done $0x0  }
0x45: {  	[sflag:s15] =	ssyncadd.s32 $0xFFFFC000  }
0x46: {  	_ =	swait.ge [sflag:s18], $0x4000  }
0x47: {  	[sflag:s18] =	ssyncset.done $0x0  }
0x48: {  	[sflag:s18] =	ssyncadd.s32 $0xFFFFC000  }
0x49: {  	[tilespmem:s19], [sflag:$0x1] =	stream.indirect.gather [hbm4b:s4+s7], $0x80, s26, s7, $0xb8;
	[tilespmem:$0x1C400] =	vst v63  }
0x4a: {  	_ = 	snop  }
0x4b: {  	[spmem:s2] =	stream.indirect.scatter.add.f32 [tilespmem:s17], [sflag:$0x2], $0x80, s28, s7, $0xb8;
	[tilespmem:$0x1C400] =	vst v63  }
0x4c: {  	_ =	swait.ge [sflag:s15], $0x4000  }
0x4d: {  	[sflag:s15] =	ssyncset.done $0x0  }
0x4e: {  	[sflag:s15] =	ssyncadd.s32 $0xFFFFC000  }
0x4f: {  	_ =	swait.ge [sflag:s18], $0x4000  }
0x50: {  	[sflag:s18] =	ssyncset.done $0x0  }
0x51: {  	[sflag:s18] =	ssyncadd.s32 $0xFFFFC000  }
0x52: {  	[tilespmem:s17], [sflag:$0x1] =	stream.indirect.gather [hbm4b:s4+s7], $0x80, s29, s7, $0xb8;
	[tilespmem:$0x1C400] =	vst v63  }
0x53: {  	_ = 	snop  }
0x54: {  	[spmem:s2] =	stream.indirect.scatter.add.f32 [tilespmem:s19], [sflag:$0x2], $0x80, s30, s7, $0xb8;
	[tilespmem:$0x1C400] =	vst v63  }
0x55: {  	_ =	swait.ge [sflag:s15], $0x4000  }
0x56: {  	[sflag:s15] =	ssyncset.done $0x0  }
0x57: {  	[sflag:s15] =	ssyncadd.s32 $0xFFFFC000  }
0x58: {  	_ =	swait.ge [sflag:s18], $0x4000  }
0x59: {  	[sflag:s18] =	ssyncset.done $0x0  }
0x5a: {  	[sflag:s18] =	ssyncadd.s32 $0xFFFFC000  }
0x5b: {  	[tilespmem:s19], [sflag:$0x1] =	stream.indirect.gather [hbm4b:s4+s7], $0x80, s31, s7, $0xb8;
	[tilespmem:$0x1C400] =	vst v63  }
0x5c: {  	_ = 	snop  }
0x5d: {  	[spmem:s2] =	stream.indirect.scatter.add.f32 [tilespmem:s17], [sflag:$0x2], $0x80, s0, s7, $0xb8;
	[tilespmem:$0x1C400] =	vst v63  }
0x5e: {  	_ =	swait.ge [sflag:s15], $0x4000  }
0x5f: {  	[sflag:s15] =	ssyncset.done $0x0  }
0x60: {  	[sflag:s15] =	ssyncadd.s32 $0xFFFFC000  }
0x61: {  	_ =	swait.ge [sflag:s18], $0x4000  }
0x62: {  	[sflag:s18] =	ssyncset.done $0x0  }
0x63: {  	[sflag:s18] =	ssyncadd.s32 $0xFFFFC000  }
0x64: {  	[spmem:s2] =	stream.indirect.scatter.add.f32 [tilespmem:s19], [sflag:$0x2], $0x80, s1, s7, $0xb8;
	[tilespmem:$0x1C400] =	vst v63  }
0x65: {  	_ =	swait.ge [sflag:s15], $0x4000  }
0x66: {  	s14 =	rddreg [dreg:$0x3]  }
0x67: {  	[sflag:s15] =	ssyncset.done $0x0;
	s11 =	rddreg [dreg:$0x4]  }
0x68: {  	s10 =	rddreg [dreg:$0x5];
	[sflag:s15] =	ssyncadd.s32 $0xFFFFC000  }
.LBB2_6:
0x69: {  	[bflag:$0x0] =	sbarrier.arrive $0xFFFF  }
0x6a: {  	s5 =	rddreg [dreg:$0x6]  }
0x6b: {  	s8 =	rddreg [dreg:$0x8]  }
0x6c: {  	[hbm:s5], [sflag:s10] =	dma.local [spmem:s8], $0x2780  }
0x6d: {  	_ =	swait.ge [sflag:s15], $0x2780  }
0x6e: {  	s9 =	smov.u32 s6;
	s6 =	smov.u32 s10;
	s5 =	rddreg [dreg:$0x9]  }
0x6f: {  	s10 =	smov.u32 s11;
	s11 =	sadd.s32 $0x1, s5;
	s5 =	rddreg [dreg:$0x7]  }
0x70: {  	p1 =	sne.s32 s11, s5  }
.Ltmp1:
0x71: {  	_ = 	snop;
	(pc) =	sbr.rel @!p1 .LBB2_7-.Ltmp1, $4  }
0x72: {  	_ = 	snop  }
0x73: {  	[sflag:s15] =	ssyncset.done $0x0  }
0x74: {  	[sflag:s15] =	ssyncadd.s32 $0xFFFFD880;
	[dreg:$0x9] =	wrdreg s11;
	s11 =	smov.u32 s10  }
0x75: {  	s10 =	smov.u32 s6;
	s6 =	smov.u32 s9;
	s9 =	rddreg [dreg:$0xa]  }
.LBB2_1:
0x76: {  	[spmem:s8], [sflag:s10] =	dma.local [hbm:s11], $0x2780  }
.Ltmp2:
0x77: {  	_ =	swait.ge [sflag:s15], $0x2780;
	(pc) =	sbr.rel @!p0 .LBB2_2-.Ltmp2, $4  }
0x78: {  	[sflag:s15] =	ssyncset.done $0x0  }
0x79: {  	[sflag:s15] =	ssyncadd.s32 $0xFFFFD880  }
0x7a: {  	[bflag:$0x0] =	sbarrier.arrive $0xFFFF  }
0x7b: {  	p1 =	por $0x1, $0x1;
	s8 =	simm.s32 $0x0  }
.LBB2_5:
0x7c: {  	s5 =	sor.u32 s9, s8  }
0x7d: {  	s8 =	sadd.s32 s14, s5  }
0x7e: {  	[tilespmem:s3], [sflag:$0x2] =	stream.linear.gather [hbm4b:s8+s3], $0x400, $0x38;
	[tilespmem:$0x1C400] =	vst v63  }
0x7f: {  	_ =	swait.ge [sflag:s15], $0x400  }
0x80: {  	[sflag:s15] =	ssyncset.done $0x0  }
0x81: {  	s5 =	sadd.s32 s6, s5;
	[sflag:s15] =	ssyncadd.s32 $0xFFFFFC00  }
0x82: {  	[tilespmem:s16], [sflag:$0x2] =	stream.linear.gather [hbm4b:s5+s3], $0x400, $0x38;
	[tilespmem:$0x1C400] =	vst v63  }
0x83: {  	_ =	swait.ge [sflag:s15], $0x400  }
0x84: {  	[sflag:s15] =	ssyncset.done $0x0  }
0x85: {  	s8 =	simm.s32 $0x80;
	[sflag:s15] =	ssyncadd.s32 $0xFFFFFC00  }
0x86: {  	[tilespmem:s17], [sflag:$0x1] =	stream.indirect.gather [hbm4b:s4+s8], $0x80, s3, s8, $0xb8;
	[tilespmem:$0x1C400] =	vst v63  }
0x87: {  	_ =	swait.ge [sflag:s18], $0x4000  }
0x88: {  	[sflag:s18] =	ssyncset.done $0x0  }
0x89: {  	[sflag:s18] =	ssyncadd.s32 $0xFFFFC000  }
0x8a: {  	[tilespmem:s19], [sflag:$0x1] =	stream.indirect.gather [hbm4b:s4+s8], $0x80, s8, s8, $0xb8;
	[tilespmem:$0x1C400] =	vst v63  }
0x8b: {  	_ = 	snop  }
0x8c: {  	[spmem:s2] =	stream.indirect.scatter.add.f32 [tilespmem:s17], [sflag:$0x2], $0x80, s16, s8, $0xb8;
	[tilespmem:$0x1C400] =	vst v63  }
0x8d: {  	_ =	swait.ge [sflag:s15], $0x4000  }
0x8e: {  	[sflag:s15] =	ssyncset.done $0x0  }
0x8f: {  	[sflag:s15] =	ssyncadd.s32 $0xFFFFC000  }
0x90: {  	_ =	swait.ge [sflag:s18], $0x4000  }
0x91: {  	[sflag:s18] =	ssyncset.done $0x0  }
0x92: {  	[sflag:s18] =	ssyncadd.s32 $0xFFFFC000  }
0x93: {  	[tilespmem:s17], [sflag:$0x1] =	stream.indirect.gather [hbm4b:s4+s8], $0x80, s20, s8, $0xb8;
	[tilespmem:$0x1C400] =	vst v63  }
0x94: {  	_ = 	snop  }
0x95: {  	[spmem:s2] =	stream.indirect.scatter.add.f32 [tilespmem:s19], [sflag:$0x2], $0x80, s21, s8, $0xb8;
	[tilespmem:$0x1C400] =	vst v63  }
0x96: {  	_ =	swait.ge [sflag:s15], $0x4000  }
0x97: {  	[sflag:s15] =	ssyncset.done $0x0  }
0x98: {  	[sflag:s15] =	ssyncadd.s32 $0xFFFFC000  }
0x99: {  	_ =	swait.ge [sflag:s18], $0x4000  }
0x9a: {  	[sflag:s18] =	ssyncset.done $0x0  }
0x9b: {  	[sflag:s18] =	ssyncadd.s32 $0xFFFFC000  }
0x9c: {  	[tilespmem:s19], [sflag:$0x1] =	stream.indirect.gather [hbm4b:s4+s8], $0x80, s22, s8, $0xb8;
	[tilespmem:$0x1C400] =	vst v63  }
0x9d: {  	_ = 	snop  }
0x9e: {  	[spmem:s2] =	stream.indirect.scatter.add.f32 [tilespmem:s17], [sflag:$0x2], $0x80, s23, s8, $0xb8;
	[tilespmem:$0x1C400] =	vst v63  }
0x9f: {  	_ =	swait.ge [sflag:s15], $0x4000  }
0xa0: {  	[sflag:s15] =	ssyncset.done $0x0  }
0xa1: {  	[sflag:s15] =	ssyncadd.s32 $0xFFFFC000  }
0xa2: {  	_ =	swait.ge [sflag:s18], $0x4000  }
0xa3: {  	[sflag:s18] =	ssyncset.done $0x0  }
0xa4: {  	[sflag:s18] =	ssyncadd.s32 $0xFFFFC000  }
0xa5: {  	[tilespmem:s17], [sflag:$0x1] =	stream.indirect.gather [hbm4b:s4+s8], $0x80, s24, s8, $0xb8;
	[tilespmem:$0x1C400] =	vst v63  }
0xa6: {  	_ = 	snop  }
0xa7: {  	[spmem:s2] =	stream.indirect.scatter.add.f32 [tilespmem:s19], [sflag:$0x2], $0x80, s25, s8, $0xb8;
	[tilespmem:$0x1C400] =	vst v63  }
0xa8: {  	_ =	swait.ge [sflag:s15], $0x4000  }
0xa9: {  	[sflag:s15] =	ssyncset.done $0x0  }
0xaa: {  	[sflag:s15] =	ssyncadd.s32 $0xFFFFC000  }
0xab: {  	_ =	swait.ge [sflag:s18], $0x4000  }
0xac: {  	[sflag:s18] =	ssyncset.done $0x0  }
0xad: {  	[sflag:s18] =	ssyncadd.s32 $0xFFFFC000  }
0xae: {  	[tilespmem:s19], [sflag:$0x1] =	stream.indirect.gather [hbm4b:s4+s8], $0x80, s26, s8, $0xb8;
	[tilespmem:$0x1C400] =	vst v63  }
0xaf: {  	_ = 	snop  }
0xb0: {  	[spmem:s2] =	stream.indirect.scatter.add.f32 [tilespmem:s17], [sflag:$0x2], $0x80, s28, s8, $0xb8;
	[tilespmem:$0x1C400] =	vst v63  }
0xb1: {  	_ =	swait.ge [sflag:s15], $0x4000  }
0xb2: {  	[sflag:s15] =	ssyncset.done $0x0  }
0xb3: {  	[sflag:s15] =	ssyncadd.s32 $0xFFFFC000  }
0xb4: {  	_ =	swait.ge [sflag:s18], $0x4000  }
0xb5: {  	[sflag:s18] =	ssyncset.done $0x0  }
0xb6: {  	[sflag:s18] =	ssyncadd.s32 $0xFFFFC000  }
0xb7: {  	[tilespmem:s17], [sflag:$0x1] =	stream.indirect.gather [hbm4b:s4+s8], $0x80, s29, s8, $0xb8;
	[tilespmem:$0x1C400] =	vst v63  }
0xb8: {  	_ = 	snop  }
0xb9: {  	[spmem:s2] =	stream.indirect.scatter.add.f32 [tilespmem:s19], [sflag:$0x2], $0x80, s30, s8, $0xb8;
	[tilespmem:$0x1C400] =	vst v63  }
0xba: {  	_ =	swait.ge [sflag:s15], $0x4000  }
0xbb: {  	[sflag:s15] =	ssyncset.done $0x0  }
0xbc: {  	[sflag:s15] =	ssyncadd.s32 $0xFFFFC000  }
0xbd: {  	_ =	swait.ge [sflag:s18], $0x4000  }
0xbe: {  	[sflag:s18] =	ssyncset.done $0x0  }
0xbf: {  	[sflag:s18] =	ssyncadd.s32 $0xFFFFC000  }
0xc0: {  	[tilespmem:s19], [sflag:$0x1] =	stream.indirect.gather [hbm4b:s4+s8], $0x80, s31, s8, $0xb8;
	[tilespmem:$0x1C400] =	vst v63  }
0xc1: {  	_ = 	snop  }
0xc2: {  	[spmem:s2] =	stream.indirect.scatter.add.f32 [tilespmem:s17], [sflag:$0x2], $0x80, s0, s8, $0xb8;
	[tilespmem:$0x1C400] =	vst v63  }
0xc3: {  	_ =	swait.ge [sflag:s15], $0x4000  }
0xc4: {  	[sflag:s15] =	ssyncset.done $0x0  }
0xc5: {  	[sflag:s15] =	ssyncadd.s32 $0xFFFFC000  }
0xc6: {  	_ =	swait.ge [sflag:s18], $0x4000  }
0xc7: {  	p2 =	por p1, p1;
	[sflag:s18] =	ssyncset.done $0x0  }
.Ltmp3:
0xc8: {  	[sflag:s18] =	ssyncadd.s32 $0xFFFFC000;
	(pc) =	sbr.rel @p2 .LBB2_5-.Ltmp3, $4  }
0xc9: {  	[spmem:s2] =	stream.indirect.scatter.add.f32 [tilespmem:s19], [sflag:$0x2], $0x80, s1, s8, $0xb8;
	[tilespmem:$0x1C400] =	vst v63  }
0xca: {  	_ =	swait.ge [sflag:s15], $0x4000  }
0xcb: {  	[sflag:s15] =	ssyncset.done $0x0  }
0xcc: {  	p1 =	por $0x0, $0x0;
	[sflag:s15] =	ssyncadd.s32 $0xFFFFC000  }
.Ltmp4:
0xcd: {  	_ = 	snop;
	(pc) =	sbr.rel .LBB2_6-.Ltmp4, $1  }
0xce: {  	_ =	sdelay $0x3  }
.LBB2_2:
0xcf: {  	s8 =	sadd.s32 $0x0, s13  }
0xd0: {  	[tilespmem:s3], [sflag:$0x2] =	stream.linear.gather [hbm4b:s8+s3], $0x400, $0x38;
	[tilespmem:$0x1C400] =	vst v63  }
0xd1: {  	_ =	swait.ge [sflag:s15], $0x400  }
0xd2: {  	[sflag:s15] =	ssyncset.done $0x0  }
0xd3: {  	s14 =	sadd.s32 $0x0, s12;
	[sflag:s15] =	ssyncadd.s32 $0xFFFFFC00  }
0xd4: {  	[tilespmem:s16], [sflag:$0x2] =	stream.linear.gather [hbm4b:s14+s3], $0x400, $0x38;
	[tilespmem:$0x1C400] =	vst v63  }
0xd5: {  	_ =	swait.ge [sflag:s15], $0x400  }
0xd6: {  	[sflag:s15] =	ssyncset.done $0x0  }
0xd7: {  	[sflag:s15] =	ssyncadd.s32 $0xFFFFFC00  }
0xd8: {  	[tilespmem:s17], [sflag:$0x1] =	stream.indirect.gather [hbm4b:s4+s7], $0x80, s3, s7, $0xb8;
	[tilespmem:$0x1C400] =	vst v63  }
0xd9: {  	_ =	swait.ge [sflag:s18], $0x4000  }
0xda: {  	[sflag:s18] =	ssyncset.done $0x0  }
0xdb: {  	[sflag:s18] =	ssyncadd.s32 $0xFFFFC000  }
0xdc: {  	[tilespmem:s19], [sflag:$0x1] =	stream.indirect.gather [hbm4b:s4+s7], $0x80, s7, s7, $0xb8;
	[tilespmem:$0x1C400] =	vst v63  }
0xdd: {  	_ = 	snop  }
0xde: {  	[spmem:s2] =	stream.indirect.scatter.add.f32 [tilespmem:s17], [sflag:$0x2], $0x80, s16, s7, $0xb8;
	[tilespmem:$0x1C400] =	vst v63  }
0xdf: {  	_ =	swait.ge [sflag:s15], $0x4000  }
0xe0: {  	[sflag:s15] =	ssyncset.done $0x0  }
0xe1: {  	[sflag:s15] =	ssyncadd.s32 $0xFFFFC000  }
0xe2: {  	_ =	swait.ge [sflag:s18], $0x4000  }
0xe3: {  	[sflag:s18] =	ssyncset.done $0x0  }
0xe4: {  	[sflag:s18] =	ssyncadd.s32 $0xFFFFC000  }
0xe5: {  	[tilespmem:s17], [sflag:$0x1] =	stream.indirect.gather [hbm4b:s4+s7], $0x80, s20, s7, $0xb8;
	[tilespmem:$0x1C400] =	vst v63  }
0xe6: {  	_ = 	snop  }
0xe7: {  	[spmem:s2] =	stream.indirect.scatter.add.f32 [tilespmem:s19], [sflag:$0x2], $0x80, s21, s7, $0xb8;
	[tilespmem:$0x1C400] =	vst v63  }
0xe8: {  	_ =	swait.ge [sflag:s15], $0x4000  }
0xe9: {  	[sflag:s15] =	ssyncset.done $0x0  }
0xea: {  	[sflag:s15] =	ssyncadd.s32 $0xFFFFC000  }
0xeb: {  	_ =	swait.ge [sflag:s18], $0x4000  }
0xec: {  	[sflag:s18] =	ssyncset.done $0x0  }
0xed: {  	[sflag:s18] =	ssyncadd.s32 $0xFFFFC000  }
0xee: {  	[tilespmem:s19], [sflag:$0x1] =	stream.indirect.gather [hbm4b:s4+s7], $0x80, s22, s7, $0xb8;
	[tilespmem:$0x1C400] =	vst v63  }
0xef: {  	_ = 	snop  }
0xf0: {  	[spmem:s2] =	stream.indirect.scatter.add.f32 [tilespmem:s17], [sflag:$0x2], $0x80, s23, s7, $0xb8;
	[tilespmem:$0x1C400] =	vst v63  }
0xf1: {  	_ =	swait.ge [sflag:s15], $0x4000  }
0xf2: {  	[sflag:s15] =	ssyncset.done $0x0  }
0xf3: {  	[sflag:s15] =	ssyncadd.s32 $0xFFFFC000  }
0xf4: {  	_ =	swait.ge [sflag:s18], $0x4000  }
0xf5: {  	[sflag:s18] =	ssyncset.done $0x0  }
0xf6: {  	[sflag:s18] =	ssyncadd.s32 $0xFFFFC000  }
0xf7: {  	[tilespmem:s17], [sflag:$0x1] =	stream.indirect.gather [hbm4b:s4+s7], $0x80, s24, s7, $0xb8;
	[tilespmem:$0x1C400] =	vst v63  }
0xf8: {  	_ = 	snop  }
0xf9: {  	[spmem:s2] =	stream.indirect.scatter.add.f32 [tilespmem:s19], [sflag:$0x2], $0x80, s25, s7, $0xb8;
	[tilespmem:$0x1C400] =	vst v63  }
0xfa: {  	_ =	swait.ge [sflag:s15], $0x4000  }
0xfb: {  	[sflag:s15] =	ssyncset.done $0x0  }
0xfc: {  	[sflag:s15] =	ssyncadd.s32 $0xFFFFC000  }
0xfd: {  	_ =	swait.ge [sflag:s18], $0x4000  }
0xfe: {  	[sflag:s18] =	ssyncset.done $0x0  }
0xff: {  	[sflag:s18] =	ssyncadd.s32 $0xFFFFC000  }
0x100: {  	[tilespmem:s19], [sflag:$0x1] =	stream.indirect.gather [hbm4b:s4+s7], $0x80, s26, s7, $0xb8;
	[tilespmem:$0x1C400] =	vst v63  }
0x101: {  	_ = 	snop  }
0x102: {  	[spmem:s2] =	stream.indirect.scatter.add.f32 [tilespmem:s17], [sflag:$0x2], $0x80, s28, s7, $0xb8;
	[tilespmem:$0x1C400] =	vst v63  }
0x103: {  	_ =	swait.ge [sflag:s15], $0x4000  }
0x104: {  	[sflag:s15] =	ssyncset.done $0x0  }
0x105: {  	[sflag:s15] =	ssyncadd.s32 $0xFFFFC000  }
0x106: {  	_ =	swait.ge [sflag:s18], $0x4000  }
0x107: {  	[sflag:s18] =	ssyncset.done $0x0  }
0x108: {  	[sflag:s18] =	ssyncadd.s32 $0xFFFFC000  }
0x109: {  	[tilespmem:s17], [sflag:$0x1] =	stream.indirect.gather [hbm4b:s4+s7], $0x80, s29, s7, $0xb8;
	[tilespmem:$0x1C400] =	vst v63  }
0x10a: {  	_ = 	snop  }
0x10b: {  	[spmem:s2] =	stream.indirect.scatter.add.f32 [tilespmem:s19], [sflag:$0x2], $0x80, s30, s7, $0xb8;
	[tilespmem:$0x1C400] =	vst v63  }
0x10c: {  	_ =	swait.ge [sflag:s15], $0x4000  }
0x10d: {  	[sflag:s15] =	ssyncset.done $0x0  }
0x10e: {  	[sflag:s15] =	ssyncadd.s32 $0xFFFFC000  }
0x10f: {  	_ =	swait.ge [sflag:s18], $0x4000  }
0x110: {  	[sflag:s18] =	ssyncset.done $0x0  }
0x111: {  	[sflag:s18] =	ssyncadd.s32 $0xFFFFC000  }
0x112: {  	[tilespmem:s19], [sflag:$0x1] =	stream.indirect.gather [hbm4b:s4+s7], $0x80, s31, s7, $0xb8;
	[tilespmem:$0x1C400] =	vst v63  }
0x113: {  	_ = 	snop  }
0x114: {  	[spmem:s2] =	stream.indirect.scatter.add.f32 [tilespmem:s17], [sflag:$0x2], $0x80, s0, s7, $0xb8;
	[tilespmem:$0x1C400] =	vst v63  }
0x115: {  	_ =	swait.ge [sflag:s15], $0x4000  }
0x116: {  	[sflag:s15] =	ssyncset.done $0x0  }
0x117: {  	[sflag:s15] =	ssyncadd.s32 $0xFFFFC000  }
0x118: {  	_ =	swait.ge [sflag:s18], $0x4000  }
0x119: {  	[sflag:s18] =	ssyncset.done $0x0  }
0x11a: {  	[sflag:s18] =	ssyncadd.s32 $0xFFFFC000  }
0x11b: {  	[spmem:s2] =	stream.indirect.scatter.add.f32 [tilespmem:s19], [sflag:$0x2], $0x80, s1, s7, $0xb8;
	[tilespmem:$0x1C400] =	vst v63  }
0x11c: {  	_ =	swait.ge [sflag:s15], $0x4000  }
0x11d: {  	s11 =	simm.s32 $0x80;
	s8 =	simm.s32 $0x100;
	[sflag:s15] =	ssyncset.done $0x0  }
.LBB2_3:
0x11e: {  	s10 =	sadd.s32 s11, s13  }
0x11f: {  	[sflag:s15] =	ssyncadd.s32 $0xFFFFC000;
	s5 =	smov.u32 s8;
	s14 =	sadd.s32 $0x80, s8  }
0x120: {  	[tilespmem:s3], [sflag:$0x2] =	stream.linear.gather [hbm4b:s10+s3], $0x400, $0x38;
	[tilespmem:$0x1C400] =	vst v63  }
0x121: {  	p1 =	seq.s32 s8, $0x880;
	_ =	swait.ge [sflag:s15], $0x400  }
0x122: {  	[sflag:s15] =	ssyncset.done $0x0  }
0x123: {  	s8 =	sadd.s32 s11, s12;
	s11 =	smov.u32 s5;
	[sflag:s15] =	ssyncadd.s32 $0xFFFFFC00  }
0x124: {  	[tilespmem:s16], [sflag:$0x2] =	stream.linear.gather [hbm4b:s8+s3], $0x400, $0x38;
	[tilespmem:$0x1C400] =	vst v63  }
0x125: {  	_ =	swait.ge [sflag:s15], $0x400  }
0x126: {  	[sflag:s15] =	ssyncset.done $0x0  }
0x127: {  	[sflag:s15] =	ssyncadd.s32 $0xFFFFFC00  }
0x128: {  	[tilespmem:s17], [sflag:$0x1] =	stream.indirect.gather [hbm4b:s4+s7], $0x80, s3, s7, $0xb8;
	[tilespmem:$0x1C400] =	vst v63  }
0x129: {  	_ =	swait.ge [sflag:s18], $0x4000  }
0x12a: {  	[sflag:s18] =	ssyncset.done $0x0  }
0x12b: {  	[sflag:s18] =	ssyncadd.s32 $0xFFFFC000  }
0x12c: {  	[tilespmem:s19], [sflag:$0x1] =	stream.indirect.gather [hbm4b:s4+s7], $0x80, s7, s7, $0xb8;
	[tilespmem:$0x1C400] =	vst v63  }
0x12d: {  	_ = 	snop  }
0x12e: {  	[spmem:s2] =	stream.indirect.scatter.add.f32 [tilespmem:s17], [sflag:$0x2], $0x80, s16, s7, $0xb8;
	[tilespmem:$0x1C400] =	vst v63  }
0x12f: {  	_ =	swait.ge [sflag:s15], $0x4000  }
0x130: {  	[sflag:s15] =	ssyncset.done $0x0  }
0x131: {  	[sflag:s15] =	ssyncadd.s32 $0xFFFFC000  }
0x132: {  	_ =	swait.ge [sflag:s18], $0x4000  }
0x133: {  	[sflag:s18] =	ssyncset.done $0x0  }
0x134: {  	[sflag:s18] =	ssyncadd.s32 $0xFFFFC000  }
0x135: {  	[tilespmem:s17], [sflag:$0x1] =	stream.indirect.gather [hbm4b:s4+s7], $0x80, s20, s7, $0xb8;
	[tilespmem:$0x1C400] =	vst v63  }
0x136: {  	_ = 	snop  }
0x137: {  	[spmem:s2] =	stream.indirect.scatter.add.f32 [tilespmem:s19], [sflag:$0x2], $0x80, s21, s7, $0xb8;
	[tilespmem:$0x1C400] =	vst v63  }
0x138: {  	_ =	swait.ge [sflag:s15], $0x4000  }
0x139: {  	[sflag:s15] =	ssyncset.done $0x0  }
0x13a: {  	[sflag:s15] =	ssyncadd.s32 $0xFFFFC000  }
0x13b: {  	_ =	swait.ge [sflag:s18], $0x4000  }
0x13c: {  	[sflag:s18] =	ssyncset.done $0x0  }
0x13d: {  	[sflag:s18] =	ssyncadd.s32 $0xFFFFC000  }
0x13e: {  	[tilespmem:s19], [sflag:$0x1] =	stream.indirect.gather [hbm4b:s4+s7], $0x80, s22, s7, $0xb8;
	[tilespmem:$0x1C400] =	vst v63  }
0x13f: {  	_ = 	snop  }
0x140: {  	[spmem:s2] =	stream.indirect.scatter.add.f32 [tilespmem:s17], [sflag:$0x2], $0x80, s23, s7, $0xb8;
	[tilespmem:$0x1C400] =	vst v63  }
0x141: {  	_ =	swait.ge [sflag:s15], $0x4000  }
0x142: {  	[sflag:s15] =	ssyncset.done $0x0  }
0x143: {  	[sflag:s15] =	ssyncadd.s32 $0xFFFFC000  }
0x144: {  	_ =	swait.ge [sflag:s18], $0x4000  }
0x145: {  	[sflag:s18] =	ssyncset.done $0x0  }
0x146: {  	[sflag:s18] =	ssyncadd.s32 $0xFFFFC000  }
0x147: {  	[tilespmem:s17], [sflag:$0x1] =	stream.indirect.gather [hbm4b:s4+s7], $0x80, s24, s7, $0xb8;
	[tilespmem:$0x1C400] =	vst v63  }
0x148: {  	_ = 	snop  }
0x149: {  	[spmem:s2] =	stream.indirect.scatter.add.f32 [tilespmem:s19], [sflag:$0x2], $0x80, s25, s7, $0xb8;
	[tilespmem:$0x1C400] =	vst v63  }
0x14a: {  	_ =	swait.ge [sflag:s15], $0x4000  }
0x14b: {  	[sflag:s15] =	ssyncset.done $0x0  }
0x14c: {  	[sflag:s15] =	ssyncadd.s32 $0xFFFFC000  }
0x14d: {  	_ =	swait.ge [sflag:s18], $0x4000  }
0x14e: {  	[sflag:s18] =	ssyncset.done $0x0  }
0x14f: {  	[sflag:s18] =	ssyncadd.s32 $0xFFFFC000  }
0x150: {  	[tilespmem:s19], [sflag:$0x1] =	stream.indirect.gather [hbm4b:s4+s7], $0x80, s26, s7, $0xb8;
	[tilespmem:$0x1C400] =	vst v63  }
0x151: {  	_ = 	snop  }
0x152: {  	[spmem:s2] =	stream.indirect.scatter.add.f32 [tilespmem:s17], [sflag:$0x2], $0x80, s28, s7, $0xb8;
	[tilespmem:$0x1C400] =	vst v63  }
0x153: {  	_ =	swait.ge [sflag:s15], $0x4000  }
0x154: {  	[sflag:s15] =	ssyncset.done $0x0  }
0x155: {  	[sflag:s15] =	ssyncadd.s32 $0xFFFFC000  }
0x156: {  	_ =	swait.ge [sflag:s18], $0x4000  }
0x157: {  	[sflag:s18] =	ssyncset.done $0x0  }
0x158: {  	[sflag:s18] =	ssyncadd.s32 $0xFFFFC000  }
0x159: {  	[tilespmem:s17], [sflag:$0x1] =	stream.indirect.gather [hbm4b:s4+s7], $0x80, s29, s7, $0xb8;
	[tilespmem:$0x1C400] =	vst v63  }
0x15a: {  	_ = 	snop  }
0x15b: {  	[spmem:s2] =	stream.indirect.scatter.add.f32 [tilespmem:s19], [sflag:$0x2], $0x80, s30, s7, $0xb8;
	[tilespmem:$0x1C400] =	vst v63  }
0x15c: {  	_ =	swait.ge [sflag:s15], $0x4000  }
0x15d: {  	[sflag:s15] =	ssyncset.done $0x0  }
0x15e: {  	[sflag:s15] =	ssyncadd.s32 $0xFFFFC000  }
0x15f: {  	_ =	swait.ge [sflag:s18], $0x4000  }
0x160: {  	[sflag:s18] =	ssyncset.done $0x0  }
0x161: {  	[sflag:s18] =	ssyncadd.s32 $0xFFFFC000  }
0x162: {  	[tilespmem:s19], [sflag:$0x1] =	stream.indirect.gather [hbm4b:s4+s7], $0x80, s31, s7, $0xb8;
	[tilespmem:$0x1C400] =	vst v63  }
0x163: {  	_ = 	snop  }
0x164: {  	[spmem:s2] =	stream.indirect.scatter.add.f32 [tilespmem:s17], [sflag:$0x2], $0x80, s0, s7, $0xb8;
	[tilespmem:$0x1C400] =	vst v63  }
0x165: {  	_ =	swait.ge [sflag:s15], $0x4000  }
0x166: {  	[sflag:s15] =	ssyncset.done $0x0  }
0x167: {  	[sflag:s15] =	ssyncadd.s32 $0xFFFFC000  }
0x168: {  	_ =	swait.ge [sflag:s18], $0x4000  }
.Ltmp5:
0x169: {  	[sflag:s18] =	ssyncset.done $0x0;
	(pc) =	sbr.rel @!p1 .LBB2_3-.Ltmp5, $4  }
0x16a: {  	[sflag:s18] =	ssyncadd.s32 $0xFFFFC000  }
0x16b: {  	[spmem:s2] =	stream.indirect.scatter.add.f32 [tilespmem:s19], [sflag:$0x2], $0x80, s1, s7, $0xb8;
	[tilespmem:$0x1C400] =	vst v63  }
0x16c: {  	_ =	swait.ge [sflag:s15], $0x4000  }
0x16d: {  	s8 =	smov.u32 s14;
	[sflag:s15] =	ssyncset.done $0x0  }
.Ltmp6:
0x16e: {  	_ = 	snop;
	(pc) =	sbr.rel .LBB2_4-.Ltmp6, $1  }
0x16f: {  	_ =	sdelay $0x3  }
.LBB2_7:
0x170: {  	_ =	sfence.sel $0x180000  }
0x171: {  	[bflag:$0x0] =	sbarrier.arrive $0xFFFF  }
0x172: {  	_ =	strace $0x90000050  }
0x173: {  	s0 =	stileid.u32;
	[bflag:$0x2] =	sbarrier.arrive $0xFFFF  }
0x174: {  	p0 =	sne.s32 s0, $0x0;
	s0 =	rddreg [dreg:$0x2]  }
0x175: {  	s0 =	sadd.s32 @!p0 $0x100000, s0  }
0x176: {  	[sflag:s0] =	ssyncadd.tile.s32 @!p0 $0x1;
	_ =	shalt  }
.Lfunc_end2:
_tile_overlayer_lowered:
.L_overlay_start_2:
0x177: {  	(tag) =	ssettag $0x2  }
0x178: {  	s0 =	rddreg [dreg:$0x0];
	s2 =	stileid.u32  }
0x179: {  	s1 =	rddreg [dreg:$0x1];
	p0 =	sne.s32 s2, $0x0  }
0x17a: {  	s3 =	rddreg [dreg:$0x2];
	[bflag:$0x3] =	sbarrier.arrive $0xFFFF;
	s2 =	simm.s32 @!p0 $0x1C02  }
0x17b: {  	[timem:s3], [sflag:s2] =	dma.local @!p0 [hbm:s0], s1  }
0x17c: {  	s0 =	simm.s32 @!p0 $0x2  }
0x17d: {  	_ =	swait.ge @!p0 [sflag:s0], s1  }
0x17e: {  	s1 =	ssub.s32 @!p0 $0x0, s1;
	[sflag:s0] =	ssyncset.done @!p0 $0x0  }
0x17f: {  	[sflag:s0] =	ssyncadd.s32 @!p0 s1  }
0x180: {  	[bflag:$0x3] =	sbarrier.arrive $0xFFFF  }
0x181: {  	_ =	shalt  }

// kernel: kernel.9.cloned.1.call-start
scs
__scs_entry_jumppad:
0x0: {  	(pc) =	sbr.rel $0x88, $3  }
0x1: {  	(tag) =	ssettag $0x0;
	lr =	simm.s32 $0x1  }
0x2: {  	[smem:$0x3F8C] =	sst lr;
	_ =	strace $0xD0000000  }
0x3: {  	_ = 	snop  }
0x4: {  	_ = 	snop  }
0x5: {  	_ = 	snop  }
0x6: {  	_ = 	snop  }
0x7: {  	_ = 	snop  }
__scs_overlays_trampoline_lowered:
0x8: {  	[smem:$0x3F9B] =	sst s0  }
0x9: {  	[smem:$0x3F9C] =	sst s1  }
0xa: {  	[smem:$0x3F9D] =	sst s2  }
0xb: {  	[smem:$0x3F9E] =	sst s3  }
0xc: {  	[smem:$0x3F9F] =	sst s4  }
0xd: {  	[smem:$0x3FA0] =	sst s5  }
0xe: {  	[smem:$0x3FA1] =	sst s6  }
0xf: {  	[smem:$0x3FA2] =	sst s7  }
0x10: {  	[smem:$0x3FA3] =	sst s8  }
0x11: {  	[smem:$0x3FA4] =	sst s9;
	s0 =	simm.s32 @!p0 $0x0  }
0x12: {  	s1 =	sld [smem:$0x3F8A];
	s0 =	simm.s32 @p0 $0x1  }
0x13: {  	[smem:$0x3FA5] =	sst s0;
	s0 =	simm.s32 @!p1 $0x0  }
0x14: {  	s2 =	sld [smem:$0x3F89];
	s0 =	simm.s32 @p1 $0x1  }
0x15: {  	[smem:$0x3FA6] =	sst s0;
	s0 =	simm.s32 @!p2 $0x0  }
0x16: {  	s3 =	sld [smem:$0x3FDB];
	s0 =	simm.s32 @p2 $0x1  }
0x17: {  	s4 =	simm.s32 $0x1BF5;
	[smem:$0x3FA8] =	sst s0  }
0x18: {  	s0 =	sld [smem:$0x3F8B];
	_ =	swait.ge [sflag:s4], $0x0  }
0x19: {  	s7 =	sld [smem:$0x3F8C]  }
0x1a: {  	s8 =	sadd.s32 $0xFFFFE003, lr  }
0x1b: {  	s9 =	sadd.s32 $0xFFFFFEF7, lr;
	s5 =	simm.s32 $0xFFFFFFFF;
	p2 =	slt.u32 s8, $0xFFFFF086  }
0x1c: {  	p1 =	slt.u32 s9, $0xF7A;
	s5 =	simm.s32 @!p2 $0x0  }
0x1d: {  	s5 =	simm.s32 @p1 $0x1;
	p0 =	seq.s32 s7, s2  }
0x1e: {  	s7 =	smul.u32 @!p0 $0xF7A, s2;
	p2 =	seq.s32 @!p0 s5, $0x0  }
0x1f: {  	s9 =	smul.u32 $0xF7A, s1;
	s8 =	simm.s32 @!p0 $0x1BF5;
	p2 =	por !p2, p0  }
0x20: {  	[sflag:s8] =	ssyncset.s32 @!p0 $0xFFFFF086;
	s6 =	sadd.s32 @!p0 s3, s7;
	s7 =	simm.s32 @!p0 $0x108  }
0x21: {  	s3 =	sadd.s32 s3, s9;
	s6 =	sadd.s32 @!p0 $0x88, s6;
	s7 =	simm.s32 @p2 $0x1082  }
0x22: {  	[simem:s7], [sflag:s8] =	dma.local @!p0 [hbm:s6], $0xF7A  }
0x23: {  	s9 =	sor.u32 $0xD0000000, s2;
	s6 =	simm.s32 $0x108;
	_ =	swait.ge @!p0 [sflag:s8], $0x0  }
0x24: {  	s3 =	sadd.s32 $0x88, s3;
	s6 =	simm.s32 @!p1 $0x1082;
	[sflag:s4] =	ssyncset.s32 $0xFFFFF086  }
0x25: {  	[simem:s6], [sflag:s4] =	dma.local [hbm:s3], $0xF7A  }
0x26: {  	[smem:$0x3F8C] =	sst s1;
	(tag) =	ssettag s2;
	_ =	strace s9  }
0x27: {  	s1 =	sld [smem:$0x3F9C]  }
0x28: {  	s2 =	sld [smem:$0x3F9D]  }
0x29: {  	s4 =	sld [smem:$0x3F9F]  }
0x2a: {  	p0 =	seq.s32 s5, $0x0;
	s5 =	sld [smem:$0x3FA0]  }
0x2b: {  	s6 =	sld [smem:$0x3FA1]  }
0x2c: {  	s7 =	sld [smem:$0x3FA2]  }
0x2d: {  	s3 =	simm.s32 $0x108;
	s8 =	sld [smem:$0x3FA3]  }
0x2e: {  	s3 =	simm.s32 @!p0 $0x1082;
	s9 =	sld [smem:$0x3FA4]  }
0x2f: {  	lr =	sadd.s32 s0, s3;
	s0 =	sld [smem:$0x3F9B]  }
0x30: {  	s3 =	sld [smem:$0x3F9E]  }
0x31: {  	[smem:$0x3FA7] =	sst s10  }
0x32: {  	s10 =	sld [smem:$0x3FA5];
	_ =	sdelay $0x3  }
0x33: {  	p0 =	seq.s32 s10, $0x1;
	s10 =	sld [smem:$0x3FA7];
	_ =	sdelay $0x3  }
0x34: {  	[smem:$0x3FA7] =	sst s10  }
0x35: {  	s10 =	sld [smem:$0x3FA6];
	_ =	sdelay $0x3  }
0x36: {  	p1 =	seq.s32 s10, $0x1;
	s10 =	sld [smem:$0x3FA7];
	_ =	sdelay $0x3  }
0x37: {  	[smem:$0x3FA7] =	sst s10  }
0x38: {  	s10 =	sld [smem:$0x3FA8]  }
0x39: {  	_ = 	snop;
	(pc) =	sbr.ind lr, $3  }
0x3a: {  	_ = 	snop  }
0x3b: {  	_ = 	snop  }
0x3c: {  	p2 =	seq.s32 s10, $0x1;
	s10 =	sld [smem:$0x3FA7]  }
0x3d: {  	_ =	shalt  }
0x3e: {  	_ =	shalt  }
0x3f: {  	_ =	shalt  }
0x40: {  	_ =	shalt  }
0x41: {  	_ =	shalt  }
0x42: {  	_ =	shalt  }
0x43: {  	_ =	shalt  }
0x44: {  	_ =	shalt  }
0x45: {  	_ =	shalt  }
0x46: {  	_ =	shalt  }
0x47: {  	_ =	shalt  }
0x48: {  	_ =	shalt  }
0x49: {  	_ =	shalt  }
0x4a: {  	_ =	shalt  }
0x4b: {  	_ =	shalt  }
0x4c: {  	_ =	shalt  }
0x4d: {  	_ =	shalt  }
0x4e: {  	_ =	shalt  }
0x4f: {  	_ =	shalt  }
0x50: {  	_ =	shalt  }
0x51: {  	_ =	shalt  }
0x52: {  	_ =	shalt  }
0x53: {  	_ =	shalt  }
0x54: {  	_ =	shalt  }
0x55: {  	_ =	shalt  }
0x56: {  	_ =	shalt  }
0x57: {  	_ =	shalt  }
0x58: {  	_ =	shalt  }
0x59: {  	_ =	shalt  }
0x5a: {  	_ =	shalt  }
0x5b: {  	_ =	shalt  }
0x5c: {  	_ =	shalt  }
0x5d: {  	_ =	shalt  }
0x5e: {  	_ =	shalt  }
0x5f: {  	_ =	shalt  }
0x60: {  	_ =	shalt  }
0x61: {  	_ =	shalt  }
0x62: {  	_ =	shalt  }
0x63: {  	_ =	shalt  }
0x64: {  	_ =	shalt  }
0x65: {  	_ =	shalt  }
0x66: {  	_ =	shalt  }
0x67: {  	_ =	shalt  }
0x68: {  	_ =	shalt  }
0x69: {  	_ =	shalt  }
0x6a: {  	_ =	shalt  }
0x6b: {  	_ =	shalt  }
0x6c: {  	_ =	shalt  }
0x6d: {  	_ =	shalt  }
0x6e: {  	_ =	shalt  }
0x6f: {  	_ =	shalt  }
0x70: {  	_ =	shalt  }
0x71: {  	_ =	shalt  }
0x72: {  	_ =	shalt  }
0x73: {  	_ =	shalt  }
0x74: {  	_ =	shalt  }
0x75: {  	_ =	shalt  }
0x76: {  	_ =	shalt  }
0x77: {  	_ =	shalt  }
0x78: {  	_ =	shalt  }
0x79: {  	_ =	shalt  }
0x7a: {  	_ =	shalt  }
0x7b: {  	_ =	shalt  }
0x7c: {  	_ =	shalt  }
0x7d: {  	_ =	shalt  }
0x7e: {  	_ =	shalt  }
0x7f: {  	_ =	shalt  }
0x80: {  	_ =	shalt  }
0x81: {  	_ =	shalt  }
0x82: {  	_ =	shalt  }
0x83: {  	_ =	shalt  }
0x84: {  	_ =	shalt  }
0x85: {  	_ =	shalt  }
0x86: {  	_ =	shalt  }
0x87: {  	_ =	shalt  }
.Lfunc_end0:
.L_simem_size_0:
called_computation_lowered:
.L_overlay_start_0:
0x88: {  	s2 =	sld [smem:$0x3FD9]  }
0x89: {  	s3 =	sld [smem:$0x3FFE];
	_ =	sdelay $0x1  }
0x8a: {  	s1 =	srdreg.scid  }
0x8b: {  	s0 =	sand.u32 $0x1, s1  }
0x8c: {  	s17 =	sshll.u32 s0, $0xA;
	s2 =	sadd.s32 s3, s2  }
0x8d: {  	s2 =	sadd.s32 s2, s17  }
0x8e: {  	[smem:$0x3FB3] =	sst s2  }
0x8f: {  	_ = 	snop  }
0x90: {  	s18 =	sld [smem:$0x3FD0];
	(tm) =	ssettm $0x1  }
0x91: {  	s19 =	sld [smem:$0x3FFB];
	_ =	sdelay $0x3  }
0x92: {  	_ =	strace s19  }
0x93: {  	s2 =	sld [smem:$0x3FFC];
	_ =	sdelay $0x3  }
0x94: {  	_ =	strace s2  }
0x95: {  	s2 =	sld [smem:$0x3FFD];
	_ =	sdelay $0x3  }
0x96: {  	_ =	strace s2  }
0x97: {  	_ =	strace $0x8FFFFFFF  }
0x98: {  	s20 =	sld [smem:$0x3FDB];
	_ =	sdelay $0x1  }
0x99: {  	s4 =	simm.s32 $_scs_section_size  }
0x9a: {  	s5 =	simm.s32 $_size__tile_overlayer_lowered;
	s6 =	simm.s32 $_tile_overlayer_lowered  }
0x9b: {  	s7 =	simm.s32 $0x1BFF;
	s21 =	sshll.u32 s6, $0x1;
	s4 =	sadd.s32 s4, s20  }
0x9c: {  	s22 =	simm.s32 $0x0;
	s5 =	sshll.u32 s5, $0x1;
	s6 =	sadd.s32 s21, s4  }
0x9d: {  	[timem:s22], [sflag:s7] =	dma.local [hbm:s6], s5  }
0x9e: {  	_ =	swait.ge [sflag:s7], s5  }
0x9f: {  	s5 =	ssub.s32 $0x0, s5;
	[sflag:s7] =	ssyncset.done $0x0  }
0xa0: {  	[sflag:s7] =	ssyncadd.s32 s5;
	_ =	sdelay $0x1  }
0xa1: {  	s23 =	simm.s32 $0x1B8B  }
0xa2: {  	_ =	swait.ge [sflag:s23], $0x1  }
0xa3: {  	[sflag:s23] =	ssyncset.done $0x0  }
0xa4: {  	[sflag:s23] =	ssyncadd.s32 $0xFFFFFFFF  }
0xa5: {  	s5 =	sld [smem:$0x0]  }
0xa6: {  	s6 =	sand.u32 $0xFFFFFFFE, s1  }
0xa7: {  	p0 =	sne.s32 s1, s6  }
0xa8: {  	s6 =	sshll.u32 @p0 s6, $0xE  }
0xa9: {  	s6 =	sadd.s32 @p0 $0x11B8D, s6;
	s7 =	sshll.u32 @p0 s5, $0x11  }
0xaa: {  	s6 =	sor.u32 @p0 s7, s6  }
0xab: {  	[sflag:s6] =	ssyncadd.remote.s32 @p0 $0x1;
	_ =	sdelay $0x1  }
0xac: {  	s6 =	simm.s32 @p0 $0x1B8D  }
0xad: {  	_ =	swait.eq @p0 [sflag:s6], $0x1  }
0xae: {  	[sflag:s6] =	ssyncadd.s32 @p0 $0xFFFFFFFF  }
0xaf: {  	s7 =	sshll.u32 @!p0 s1, $0xE  }
0xb0: {  	s7 =	sor.u32 @!p0 $0x4000, s7;
	s6 =	simm.s32 @!p0 $0x1B8D  }
0xb1: {  	s5 =	sshll.u32 @!p0 s5, $0x11;
	s7 =	sadd.s32 @!p0 $0x11B8D, s7;
	_ =	swait.eq @!p0 [sflag:s6], $0x1  }
0xb2: {  	s5 =	sor.u32 @!p0 s5, s7;
	[sflag:s6] =	ssyncadd.s32 @!p0 $0xFFFFFFFF  }
0xb3: {  	s25 =	simm.s32 $0x1B8E;
	s24 =	sld [smem:$0x3FFE];
	[sflag:s5] =	ssyncadd.remote.s32 @!p0 $0x1  }
0xb4: {  	s26 =	simm.s32 $execute0_lowered;
	[smem:$0x3FD2] =	sst s25  }
0xb5: {  	s6 =	sshll.u32 s26, $0x1;
	_ =	strace $0x80000049;
	[dreg:$0x1] =	wrdreg $0xFFFFFFFF  }
0xb6: {  	s28 =	simm.s32 $_size_execute0_lowered;
	s4 =	sadd.s32 s4, s6;
	[dreg:$0x0] =	wrdreg $0x0  }
0xb7: {  	s6 =	sshll.u32 s28, $0x1;
	[dreg:$0x2] =	wrdreg s4  }
0xb8: {  	[dreg:$0x3] =	wrdreg s6  }
0xb9: {  	[dreg:$0x4] =	wrdreg $0xC0  }
0xba: {  	_ =	task [dreg:s22], $0x5FFFF  }
0xbb: {  	[dreg:$0x1] =	wrdreg $0xFFFFFFFF  }
0xbc: {  	[dreg:$0x0] =	wrdreg $0x60  }
0xbd: {  	[dreg:$0x2] =	wrdreg s24  }
0xbe: {  	[dreg:$0x3] =	wrdreg s18  }
0xbf: {  	[dreg:$0x4] =	wrdreg $0x68000  }
0xc0: {  	[dreg:$0x5] =	wrdreg $0x9  }
0xc1: {  	_ =	task.clear_ibuf [dreg:s22], $0x6FFFF;
	_ =	strace $0x90000049  }
0xc2: {  	s29 =	simm.s32 $0x9;
	_ =	strace $0x8000004B  }
0xc3: {  	_ =	swait.ge [sflag:s29], $0x1  }
0xc4: {  	[sflag:s29] =	ssyncadd.s32 $0xFFFFFFFF  }
0xc5: {  	_ =	strace $0x9000004B  }
0xc6: {  	_ =	sfence  }
0xc7: {  	s30 =	sld [smem:$0x0];
	_ =	sdelay $0x2  }
0xc8: {  	s31 =	sshll.u32 s1, $0xD;
	s1 =	sshrl.u32 s1, $0x2  }
0xc9: {  	s4 =	sand.u32 $0x4000, s31;
	s1 =	sadd.s32 s1, s30  }
0xca: {  	s0 =	sor.u32 s4, s0;
	s1 =	sshll.u32 s1, $0x11  }
0xcb: {  	s0 =	sor.u32 s1, s0  }
0xcc: {  	s0 =	sadd.s32 $0x8F2B, s0  }
0xcd: {  	[sflag:s0] =	ssyncadd.remote.s32 $0x1  }
0xce: {  	_ =	sfence.sel $0xFFFF  }
0xcf: {  	[dreg:$0x0] =	wrdreg $0xFFFFFFFF;
	(pc) =	sbr.abs _section_cstart, $3  }
0xd0: {  	[dreg:$0x1] =	wrdreg $0xFFFFFFFF  }
0xd1: {  	_ =	task.clear_ibuf [dreg:s22], $0x2FFFF;
	_ =	strace $0x9FFFFFFF  }
0xd2: {  	(tm) =	ssettm $0x7FFFFFFF  }
0xd3: {  	_ =	shalt  }
tec
execute0_lowered:
.L_overlay_start_1:
0x0: {  	(tag) =	ssettag $0x1  }
0x1: {  	s6 =	rddreg [dreg:$0x0]  }
0x2: {  	s2 =	rddreg [dreg:$0x1]  }
0x3: {  	s0 =	srdreg.scid;
	s3 =	rddreg [dreg:$0x2];
	s4 =	simm.s32 $0x0  }
0x4: {  	s13 =	simm.s32 $0x80;
	s5 =	sand.u32 $0x1, s0;
	s0 =	stileid.u32  }
0x5: {  	s14 =	simm.s32 $0x0;
	[smem:$0x7FF] =	sst s4;
	s8 =	smul.u32 $0x13C00, s0  }
0x6: {  	s1 =	sshll.u32 s5, $0x4;
	s9 =	smul.u32 $0x13C000, s5;
	s5 =	ssub.s32 $0x2, s5  }
0x7: {  	s29 =	smul.u32 $0x4F000, s0;
	s31 =	sshll.u32 s0, $0x6;
	s1 =	sor.u32 s0, s1  }
0x8: {  	s11 =	sshrl.u32 s5, $0x1;
	s7 =	smul.u32 $0x500, s1;
	s1 =	rddreg [dreg:$0x3]  }
0x9: {  	_ =	strace $0x8000004A;
	s10 =	sshrl.u32 s8, $0x3;
	s8 =	sadd.s32 s8, s9  }
0xa: {  	s11 =	ssub.s32 s5, s11;
	s30 =	sshrl.u32 s29, $0x2;
	s9 =	simm.s32 $0x1  }
0xb: {  	s10 =	sadd.s32 s10, s6;
	s8 =	sshrl.u32 s8, $0x3;
	s12 =	sadd.s32 s30, s3  }
0xc: {  	s7 =	sadd.s32 s7, s6;
	s8 =	sadd.s32 s8, s6;
	s6 =	sadd.s32 $0x18600, s10  }
0xd: {  	s10 =	sor.u32 $0x1C01, s31;
	s5 =	sadd.s32 $0x4600, s7;
	s7 =	sadd.s32 $0x8EE00, s8  }
0xe: {  	s8 =	smax.u32 s11, $0x1;
	s11 =	sshrl.u32 s12, $0x3;
	s12 =	simm.s32 $0x2800  }
.LBB2_1:
0xf: {  	[tilespmem:s4], [sflag:$0x1] =	stream.linear.gather [hbm4b:s5+s4], $0x2800, $0x38;
	[tilespmem:$0x1A400] =	vst v63  }
0x10: {  	_ =	swait.ge [sflag:s9], $0x2800  }
0x11: {  	[sflag:s9] =	ssyncset.done $0x0  }
0x12: {  	[sflag:s9] =	ssyncadd.s32 $0xFFFFD800  }
0x13: {  	[spmem:s11], [sflag:s10] =	dma.local [hbm:s6], $0x2780  }
0x14: {  	_ =	swait.ge [sflag:s9], $0x2780  }
0x15: {  	[sflag:s9] =	ssyncset.done $0x0  }
0x16: {  	[sflag:s9] =	ssyncadd.s32 $0xFFFFD880  }
0x17: {  	[tilespmem:s12], [sflag:$0x1] =	stream.linear.gather [hbm4b:s2+s4], $0x4000, $0x38;
	[tilespmem:$0x1A400] =	vst v63  }
0x18: {  	_ =	swait.ge [sflag:s9], $0x4000  }
0x19: {  	[sflag:s9] =	ssyncset.done $0x0  }
0x1a: {  	[sflag:s9] =	ssyncadd.s32 $0xFFFFC000  }
0x1b: {  	s15 =	simm.s32 $0x0;
	[bflag:$0x0] =	sbarrier.arrive $0xFFFF  }
0x1c: {  	[spmem:s3] =	stream.indirect.scatter.add.f32 [tilespmem:s12], [sflag:$0x1], $0x80, s15, s13, $0xb8;
	[tilespmem:$0x1A400] =	vst v63  }
0x1d: {  	_ =	swait.ge [sflag:s9], $0x4000  }
0x1e: {  	s15 =	simm.s32 $0x200;
	[sflag:s9] =	ssyncset.done $0x0  }
.LBB2_2:
0x1f: {  	s16 =	sshra.s32 s15, $0x2;
	[sflag:s9] =	ssyncadd.s32 $0xFFFFC000;
	p0 =	sne.s32 s15, $0x9E00  }
0x20: {  	[spmem:s3] =	stream.indirect.scatter.add.f32 [tilespmem:s12], [sflag:$0x1], $0x80, s16, s13, $0xb8;
	[tilespmem:$0x1A400] =	vst v63  }
.Ltmp0:
0x21: {  	_ = 	snop;
	(pc) =	sbr.rel @p0 .LBB2_2-.Ltmp0, $4  }
0x22: {  	_ = 	snop  }
0x23: {  	s15 =	sadd.s32 $0x200, s15  }
0x24: {  	_ =	swait.ge [sflag:s9], $0x4000  }
0x25: {  	[sflag:s9] =	ssyncset.done $0x0  }
0x26: {  	s14 =	sadd.s32 $0x1, s14  }
0x27: {  	[sflag:s9] =	ssyncadd.s32 $0xFFFFC000;
	p0 =	sne.s32 s14, s8  }
.Ltmp1:
0x28: {  	[bflag:$0x0] =	sbarrier.arrive $0xFFFF;
	(pc) =	sbr.rel @p0 .LBB2_1-.Ltmp1, $4  }
0x29: {  	[hbm:s7], [sflag:s10] =	dma.local [spmem:s11], $0x2780  }
0x2a: {  	_ =	swait.ge [sflag:s9], $0x2780  }
0x2b: {  	[sflag:s9] =	ssyncset.done $0x0  }
0x2c: {  	[sflag:s9] =	ssyncadd.s32 $0xFFFFD880  }
0x2d: {  	_ =	sfence.sel $0x180000  }
0x2e: {  	[bflag:$0x0] =	sbarrier.arrive $0xFFFF  }
0x2f: {  	p0 =	sne.s32 s0, $0x0;
	_ =	strace $0x9000004A  }
0x30: {  	s0 =	sadd.s32 @!p0 $0x100000, s1;
	[bflag:$0x2] =	sbarrier.arrive $0xFFFF  }
0x31: {  	[sflag:s0] =	ssyncadd.tile.s32 @!p0 $0x1;
	_ =	shalt  }
.Lfunc_end2:
_tile_overlayer_lowered:
.L_overlay_start_2:
0x32: {  	(tag) =	ssettag $0x2  }
0x33: {  	s0 =	rddreg [dreg:$0x0];
	s2 =	stileid.u32  }
0x34: {  	s1 =	rddreg [dreg:$0x1];
	p0 =	sne.s32 s2, $0x0  }
0x35: {  	s3 =	rddreg [dreg:$0x2];
	[bflag:$0x3] =	sbarrier.arrive $0xFFFF;
	s2 =	simm.s32 @!p0 $0x1C01  }
0x36: {  	[timem:s3], [sflag:s2] =	dma.local @!p0 [hbm:s0], s1  }
0x37: {  	s0 =	simm.s32 @!p0 $0x1  }
0x38: {  	_ =	swait.ge @!p0 [sflag:s0], s1  }
0x39: {  	s1 =	ssub.s32 @!p0 $0x0, s1;
	[sflag:s0] =	ssyncset.done @!p0 $0x0  }
0x3a: {  	[sflag:s0] =	ssyncadd.s32 @!p0 s1  }
0x3b: {  	[bflag:$0x3] =	sbarrier.arrive $0xFFFF  }
0x3c: {  	_ =	shalt  }

</sc_bundles>
